<compile_context>
chip_gen: v7x
topology: tpu7x:2x2x1
jax: 0.10.2.dev20260603
libtpu: 0.0.44.dev20260713+nightly
codegen_flags: <defaults>
</compile_context>

<pallas_src>
import functools

import jax
import jax.numpy as jnp
from jax import lax
from jax.experimental import pallas as pl
from jax.experimental.pallas import tpu as pltpu
from jax.experimental.pallas import tpu_sc as plsc

N = 10000
E = 160000
D_IN = 256
D_HID = 128
DH = 64

NC = 2
NS = 16
NW = NC * NS
N_PAD = 10240
CE = 128
E_PAD = 163840
CHUNKS_W = E_PAD // (NW * CE)
CHUNKS_T = E_PAD // (NS * CE)
ROWS_T = N_PAD // NS
NG = 2
ROWS_G = NG * N_PAD // NS
ZR = 64

NB = 2
NB128 = 4
NBATCH_W = CHUNKS_W // NB
NBATCH_T = CHUNKS_T // NB128
NPAIR_T = NBATCH_T // 2

BR = 512
GRID = N_PAD // BR


def _mesh():
    return plsc.VectorSubcoreMesh(core_axis_name="c", subcore_axis_name="s")



@functools.partial(
    pl.kernel,
    out_type=jax.ShapeDtypeStruct((NC, N_PAD, 16), jnp.float32),
    mesh=_mesh(),
    scratch_types=[
        pltpu.VMEM((CHUNKS_W, CE), jnp.int32),
        pltpu.VMEM((CHUNKS_W, CE), jnp.int32),
        pltpu.VMEM((CE, 16), jnp.float32),
        pltpu.VMEM((CE, 16), jnp.float32),
        pltpu.VMEM((ZR, 16), jnp.float32),
        pltpu.VMEM_SHARED((N_PAD, 16), jnp.float32),
    ],
    name="sc_degrees",
    compiler_params=pltpu.CompilerParams(use_tc_tiling_on_sc=False),
)
def _deg_kernel(src_hbm, dst_hbm, ones_src_hbm, ones_dst_hbm, zeros_hbm, deg_hbm,
                srcv, dstv, ones_s, ones_d, zeros_v, acc):
    cid = lax.axis_index("c")
    sid = lax.axis_index("s")
    wid = cid * NS + sid
    pltpu.sync_copy(ones_src_hbm, ones_s)
    pltpu.sync_copy(ones_dst_hbm, ones_d)
    pltpu.sync_copy(zeros_hbm, zeros_v)

    def zbody(i, _):
        pltpu.sync_copy(zeros_v, acc.at[pl.ds(sid * ROWS_T + i * ZR, ZR)])
        return 0
    lax.fori_loop(0, ROWS_T // ZR, zbody, 0)

    pltpu.sync_copy(src_hbm.at[pl.ds(wid * CHUNKS_W, CHUNKS_W)], srcv)
    pltpu.sync_copy(dst_hbm.at[pl.ds(wid * CHUNKS_W, CHUNKS_W)], dstv)
    plsc.subcore_barrier()

    def body(k, _):
        pltpu.sync_copy(ones_s, acc.at[srcv.at[k]], add=True)
        pltpu.sync_copy(ones_d, acc.at[dstv.at[k]], add=True)
        return 0
    lax.fori_loop(0, CHUNKS_W, body, 0)
    plsc.subcore_barrier()

    r0 = sid * ROWS_T
    pltpu.sync_copy(acc.at[pl.ds(r0, ROWS_T)], deg_hbm.at[cid, pl.ds(r0, ROWS_T)])


@functools.partial(
    pl.kernel,
    out_type=jax.ShapeDtypeStruct((NC, NG * N_PAD, DH), jnp.bfloat16),
    mesh=_mesh(),
    scratch_types=[
        pltpu.VMEM((CHUNKS_T, CE), jnp.int32),
        pltpu.VMEM((CHUNKS_T, CE), jnp.int32),
        pltpu.VMEM((NB128, CE, DH), jnp.bfloat16),
        pltpu.VMEM((NB128, CE, DH), jnp.bfloat16),
        pltpu.VMEM((ZR, DH), jnp.bfloat16),
        pltpu.SemaphoreType.DMA,
        pltpu.SemaphoreType.DMA,
        pltpu.SemaphoreType.DMA,
        pltpu.SemaphoreType.DMA,
        pltpu.VMEM_SHARED((NG * N_PAD, DH), jnp.bfloat16),
    ],
    name="sc_prop_128",
    compiler_params=pltpu.CompilerParams(use_tc_tiling_on_sc=False),
)
def _prop128(tbl_hbm, src_hbm, dst_hbm, zeros_hbm, out_hbm,
             srcv, dstv, rows_a, rows_b, zeros_v,
             gsem_a, gsem_b, ssem_a, ssem_b, acc):
    cid = lax.axis_index("c")
    sid = lax.axis_index("s")
    tbl = tbl_hbm.at[cid]
    pltpu.sync_copy(zeros_hbm, zeros_v)

    def zbody(i, _):
        pltpu.sync_copy(zeros_v, acc.at[pl.ds(sid * ROWS_G + i * ZR, ZR)])
        return 0
    lax.fori_loop(0, ROWS_G // ZR, zbody, 0)

    pltpu.sync_copy(src_hbm.at[pl.ds(sid * CHUNKS_T, CHUNKS_T)], srcv)
    pltpu.sync_copy(dst_hbm.at[pl.ds(sid * CHUNKS_T, CHUNKS_T)], dstv)
    plsc.subcore_barrier()

    def fire_g(rows, sem, t):
        for b in range(NB128):
            pltpu.async_copy(tbl.at[srcv.at[t * NB128 + b]], rows.at[b], sem)

    def drain_g(rows, sem, t):
        for b in range(NB128):
            pltpu.make_async_copy(
                tbl.at[srcv.at[t * NB128 + b]], rows.at[b], sem).wait()

    def fire_s(rows, sem, t):
        for b in range(NB128):
            pltpu.async_copy(rows.at[b], acc.at[dstv.at[t * NB128 + b]], sem,
                             add=True)

    def drain_s(rows, sem, t):
        for b in range(NB128):
            pltpu.make_async_copy(
                rows.at[b], acc.at[dstv.at[t * NB128 + b]], sem).wait()

    fire_g(rows_a, gsem_a, 0)

    def body(h, _):
        ta = 2 * h
        tb = 2 * h + 1
        drain_g(rows_a, gsem_a, ta)
        fire_s(rows_a, ssem_a, ta)

        @pl.when(h > 0)
        def _():
            drain_s(rows_b, ssem_b, tb - 2)
        fire_g(rows_b, gsem_b, tb)
        drain_g(rows_b, gsem_b, tb)
        fire_s(rows_b, ssem_b, tb)

        drain_s(rows_a, ssem_a, ta)

        @pl.when(h < NPAIR_T - 1)
        def _():
            fire_g(rows_a, gsem_a, ta + 2)
        return 0
    lax.fori_loop(0, NPAIR_T, body, 0)
    drain_s(rows_b, ssem_b, 2 * NPAIR_T - 1)
    plsc.subcore_barrier()

    r0 = sid * ROWS_G
    pltpu.sync_copy(acc.at[pl.ds(r0, ROWS_G)],
                    out_hbm.at[cid, pl.ds(r0, ROWS_G)])


@functools.partial(
    pl.kernel,
    out_type=jax.ShapeDtypeStruct((NC, N_PAD, 16), jnp.float32),
    mesh=_mesh(),
    scratch_types=[
        pltpu.VMEM((CHUNKS_W, CE), jnp.int32),
        pltpu.VMEM((CHUNKS_W, CE), jnp.int32),
        pltpu.VMEM((NB, CE, 16), jnp.float32),
        pltpu.VMEM((ZR, 16), jnp.float32),
        pltpu.SemaphoreType.DMA,
        pltpu.VMEM_SHARED((N_PAD, 16), jnp.float32),
    ],
    name="sc_prop_16",
    compiler_params=pltpu.CompilerParams(use_tc_tiling_on_sc=False),
)
def _prop16(tbl_hbm, src_hbm, dst_hbm, zeros_hbm, out_hbm,
            srcv, dstv, rows_v, zeros_v, gsem, acc):
    cid = lax.axis_index("c")
    sid = lax.axis_index("s")
    wid = cid * NS + sid
    pltpu.sync_copy(zeros_hbm, zeros_v)

    def zbody(i, _):
        pltpu.sync_copy(zeros_v, acc.at[pl.ds(sid * ROWS_T + i * ZR, ZR)])
        return 0
    lax.fori_loop(0, ROWS_T // ZR, zbody, 0)

    pltpu.sync_copy(src_hbm.at[pl.ds(wid * CHUNKS_W, CHUNKS_W)], srcv)
    pltpu.sync_copy(dst_hbm.at[pl.ds(wid * CHUNKS_W, CHUNKS_W)], dstv)
    plsc.subcore_barrier()

    def body(g, _):
        for b in range(NB):
            pltpu.async_copy(tbl_hbm.at[srcv.at[g * NB + b]],
                             rows_v.at[b], gsem)
        for b in range(NB):
            pltpu.make_async_copy(tbl_hbm.at[srcv.at[g * NB + b]],
                                  rows_v.at[b], gsem).wait()
            pltpu.sync_copy(rows_v.at[b], acc.at[dstv.at[g * NB + b]],
                            add=True)
        return 0
    lax.fori_loop(0, NBATCH_W, body, 0)
    plsc.subcore_barrier()

    r0 = sid * ROWS_T
    pltpu.sync_copy(acc.at[pl.ds(r0, ROWS_T)], out_hbm.at[cid, pl.ds(r0, ROWS_T)])



def _split_halves(o_ref, res):
    o_ref[0, :, :] = res[:, :DH]
    o_ref[1, :, :] = res[:, DH:]


def _mm1_body(x_ref, w_ref, o_ref):
    o_ref[...] = jnp.dot(x_ref[...], w_ref[...],
                         preferred_element_type=jnp.float32)


def _mm1(x, w):
    return pl.pallas_call(
        _mm1_body,
        grid=(GRID,),
        in_specs=[
            pl.BlockSpec((BR, D_IN), lambda i: (i, 0)),
            pl.BlockSpec((D_IN, D_HID), lambda i: (0, 0)),
        ],
        out_specs=pl.BlockSpec((BR, D_HID), lambda i: (i, 0)),
        out_shape=jax.ShapeDtypeStruct((N_PAD, D_HID), jnp.float32),
    )(x, w)


def _scale1_body(xw_ref, d0, d1, ns_ref, nd_ref, o_ref):
    deg = d0[...] + d1[...]
    ns = lax.rsqrt(jnp.maximum(deg[:, 0:1], 1.0))
    nd = lax.rsqrt(jnp.maximum(deg[:, 8:9], 1.0))
    ns_ref[...] = ns * jnp.ones((1, 16), jnp.float32)
    nd_ref[...] = nd * jnp.ones((1, 16), jnp.float32)
    _split_halves(o_ref, (xw_ref[...] * ns).astype(jnp.bfloat16))


def _scale1(xw, deg_p):
    return pl.pallas_call(
        _scale1_body,
        grid=(GRID,),
        in_specs=[
            pl.BlockSpec((BR, D_HID), lambda i: (i, 0)),
            pl.BlockSpec((BR, 16), lambda i: (i, 0)),
            pl.BlockSpec((BR, 16), lambda i: (i, 0)),
        ],
        out_specs=(pl.BlockSpec((BR, 16), lambda i: (i, 0)),
                   pl.BlockSpec((BR, 16), lambda i: (i, 0)),
                   pl.BlockSpec((NC, BR, DH), lambda i: (0, i, 0))),
        out_shape=(jax.ShapeDtypeStruct((N_PAD, 16), jnp.float32),
                   jax.ShapeDtypeStruct((N_PAD, 16), jnp.float32),
                   jax.ShapeDtypeStruct((NC, N_PAD, DH), jnp.bfloat16)),
    )(xw, deg_p[0], deg_p[1])


def _merge_groups(p_ref):
    return jnp.concatenate(
        [p_ref[0, 0].astype(jnp.float32) + p_ref[0, 1].astype(jnp.float32),
         p_ref[1, 0].astype(jnp.float32) + p_ref[1, 1].astype(jnp.float32)],
        axis=1)


def _stage2_body(p_ref, nd_ref, ns_ref, b_ref, w_ref, o_ref):
    h = _merge_groups(p_ref) * nd_ref[:, 0:1] + b_ref[...]
    res = jnp.dot(h, w_ref[...],
                  preferred_element_type=jnp.float32) * ns_ref[:, 0:1]
    _split_halves(o_ref, res.astype(jnp.bfloat16))


def _stage2(p, nd, ns, b, w):
    return pl.pallas_call(
        _stage2_body,
        grid=(GRID,),
        in_specs=[
            pl.BlockSpec((NC, NG, BR, DH), lambda i: (0, 0, i, 0)),
            pl.BlockSpec((BR, 16), lambda i: (i, 0)),
            pl.BlockSpec((BR, 16), lambda i: (i, 0)),
            pl.BlockSpec((1, D_HID), lambda i: (0, 0)),
            pl.BlockSpec((D_HID, D_HID), lambda i: (0, 0)),
        ],
        out_specs=pl.BlockSpec((NC, BR, DH), lambda i: (0, i, 0)),
        out_shape=jax.ShapeDtypeStruct((NC, N_PAD, DH), jnp.bfloat16),
    )(p.reshape(NC, NG, N_PAD, DH), nd, ns, b, w)


def _stage3_body(p_ref, nd_ref, ns_ref, b_ref, w_ref, o_ref):
    h = _merge_groups(p_ref) * nd_ref[:, 0:1] + b_ref[...]
    o_ref[...] = jnp.dot(h, w_ref[...],
                         preferred_element_type=jnp.float32) * ns_ref[:, 0:1]


def _stage3(p, nd, ns, b, w):
    return pl.pallas_call(
        _stage3_body,
        grid=(GRID,),
        in_specs=[
            pl.BlockSpec((NC, NG, BR, DH), lambda i: (0, 0, i, 0)),
            pl.BlockSpec((BR, 16), lambda i: (i, 0)),
            pl.BlockSpec((BR, 16), lambda i: (i, 0)),
            pl.BlockSpec((1, D_HID), lambda i: (0, 0)),
            pl.BlockSpec((D_HID, 16), lambda i: (0, 0)),
        ],
        out_specs=pl.BlockSpec((BR, 16), lambda i: (i, 0)),
        out_shape=jax.ShapeDtypeStruct((N_PAD, 16), jnp.float32),
    )(p.reshape(NC, NG, N_PAD, DH), nd, ns, b, w)


def _stage4_body(p0_ref, p1_ref, nd_ref, b_ref, o_ref):
    o_ref[...] = (p0_ref[...] + p1_ref[...]) * nd_ref[:, 0:1] + b_ref[...]


def _stage4(p0, p1, nd, b):
    return pl.pallas_call(
        _stage4_body,
        grid=(GRID,),
        in_specs=[
            pl.BlockSpec((BR, 16), lambda i: (i, 0)),
            pl.BlockSpec((BR, 16), lambda i: (i, 0)),
            pl.BlockSpec((BR, 16), lambda i: (i, 0)),
            pl.BlockSpec((1, 16), lambda i: (0, 0)),
        ],
        out_specs=pl.BlockSpec((BR, 16), lambda i: (i, 0)),
        out_shape=jax.ShapeDtypeStruct((N_PAD, 16), jnp.float32),
    )(p0, p1, nd, b)



def kernel(feature, edge_index, W1, b1, W2, b2, W3, b3):
    src = edge_index[0]
    dst = edge_index[1]
    fill = jnp.full((E_PAD - E,), N, jnp.int32)
    srcp = jnp.concatenate([src, fill]).reshape(E_PAD // CE, CE)
    dstp = jnp.concatenate([dst, fill]).reshape(E_PAD // CE, CE)
    goff = jnp.where(jnp.arange(E_PAD // CE) >= (E_PAD // CE) // NG,
                     N_PAD, 0).astype(jnp.int32)
    dstg = dstp + goff[:, None]
    xpad = jnp.zeros((N_PAD, D_IN), jnp.float32).at[:N].set(feature)
    col = jnp.arange(16)
    ones_src = jnp.broadcast_to((col < 8).astype(jnp.float32), (CE, 16))
    ones_dst = jnp.broadcast_to((col >= 8).astype(jnp.float32), (CE, 16))
    z16 = jnp.zeros((ZR, 16), jnp.float32)
    z64 = jnp.zeros((ZR, DH), jnp.bfloat16)
    W3p = jnp.zeros((D_HID, 16), jnp.float32).at[:, :2].set(W3)
    b3p = jnp.zeros((1, 16), jnp.float32).at[0, :2].set(b3)

    deg_p = _deg_kernel(srcp, dstp, ones_src, ones_dst, z16)
    xw = _mm1(xpad, W1)
    ns, nd, g1 = _scale1(xw, deg_p)
    p1 = _prop128(g1, srcp, dstg, z64)
    g2 = _stage2(p1, nd, ns, b1.reshape(1, -1), W2)
    p2 = _prop128(g2, srcp, dstg, z64)
    g3 = _stage3(p2, nd, ns, b2.reshape(1, -1), W3p)
    p3 = _prop16(g3, srcp, dstp, z16)
    outp = _stage4(p3[0], p3[1], nd, b3p)
    return outp[:N, :2]

# --- scband reference (transcript-rebuilt; emitter-appended) ---
"""Pipeline reference for scband-svdd-72043781423172 (READ-ONLY COPY).

The authoritative reference and input builder live on the scoring server;
editing this copy changes nothing except your own understanding.
"""

import jax, jax.numpy as jnp
import numpy as np

N = 10000
E = 160000
D_IN = 256
D_HID = 128
N_CLASS = 2


def _glorot(key, shape):
    fan_in, fan_out = shape[0], shape[1]
    limit = np.sqrt(6.0 / (fan_in + fan_out))
    return jax.random.uniform(key, shape, minval=-limit, maxval=limit, dtype=jnp.float32)


def setup_inputs(seed: int = 0) -> dict:
    key = jax.random.key(seed)
    ks = jax.random.split(key, 8)
    feature = jax.random.normal(ks[0], (N, D_IN), dtype=jnp.float32)
    edge_index = jax.random.randint(ks[1], (2, E), 0, N, dtype=jnp.int32)
    W1 = _glorot(ks[2], (D_IN, D_HID))
    b1 = jnp.zeros((D_HID,), dtype=jnp.float32)
    W2 = _glorot(ks[3], (D_HID, D_HID))
    b2 = jnp.zeros((D_HID,), dtype=jnp.float32)
    W3 = _glorot(ks[4], (D_HID, N_CLASS))
    b3 = jnp.zeros((N_CLASS,), dtype=jnp.float32)
    return {"feature": feature, "edge_index": edge_index,
            "W1": W1, "b1": b1, "W2": W2, "b2": b2, "W3": W3, "b3": b3}


def _graph_conv(x, src, dst, norm_src, norm_dst, W, b):
    # DGL GraphConv with norm='both': D_in^{-1/2} A D_out^{-1/2} X W + b
    h = x * norm_src[:, None]
    agg = jax.ops.segment_sum(h[src], dst, num_segments=N)
    agg = agg * norm_dst[:, None]
    return agg @ W + b


def reference(feature, edge_index, W1, b1, W2, b2, W3, b3):
    src = edge_index[0]
    dst = edge_index[1]
    ones = jnp.ones((E,), dtype=jnp.float32)
    deg_out = jax.ops.segment_sum(ones, src, num_segments=N)
    deg_in = jax.ops.segment_sum(ones, dst, num_segments=N)
    norm_src = jnp.clip(deg_out, 1.0, None) ** -0.5
    norm_dst = jnp.clip(deg_in, 1.0, None) ** -0.5
    # layer 0 (dropout is identity in eval mode)
    h = _graph_conv(feature, src, dst, norm_src, norm_dst, W1, b1)
    # layer 1
    h = _graph_conv(h, src, dst, norm_src, norm_dst, W2, b2)
    # final layer
    h = _graph_conv(h, src, dst, norm_src, norm_dst, W3, b3)
    return h

if __name__ == "__main__":
    import jax
    _d = setup_inputs()
    print(jax.jit(kernel)(*tuple(_d.values())))

</pallas_src>

<mosaic_0001>
#map = affine_map<(d0, d1) -> (0, 0, 0)>
#map1 = affine_map<(d0, d1) -> (0, 0)>
module attributes {stable_mosaic.version = 14 : i64} {
  func.func @sc_prop_128(%arg0: i32, %arg1: i32, %arg2: memref<2x10240x64xbf16, #tpu.memory_space<hbm>>, %arg3: memref<1280x128xi32, #tpu.memory_space<hbm>>, %arg4: memref<1280x128xi32, #tpu.memory_space<hbm>>, %arg5: memref<64x64xbf16, #tpu.memory_space<hbm>>, %arg6: memref<2x20480x64xbf16, #tpu.memory_space<hbm>>, %arg7: memref<80x128xi32, #tpu.memory_space<vmem>>, %arg8: memref<80x128xi32, #tpu.memory_space<vmem>>, %arg9: memref<4x128x64xbf16, #tpu.memory_space<vmem>>, %arg10: memref<4x128x64xbf16, #tpu.memory_space<vmem>>, %arg11: memref<64x64xbf16, #tpu.memory_space<vmem>>, %arg12: memref<!tpu.dma_semaphore, #tpu.memory_space<semaphore_mem>>, %arg13: memref<!tpu.dma_semaphore, #tpu.memory_space<semaphore_mem>>, %arg14: memref<!tpu.dma_semaphore, #tpu.memory_space<semaphore_mem>>, %arg15: memref<!tpu.dma_semaphore, #tpu.memory_space<semaphore_mem>>, %arg16: memref<20480x64xbf16, #tpu.memory_space<vmem_shared>>) attributes {dimension_semantics = [#tpu.dimension_semantics<core_parallel>, #tpu.dimension_semantics<subcore_parallel>], iteration_bounds = array<i64: 2, 16>, scalar_prefetch = 0 : i64, scratch_operands = 10 : i64, tpu.core_type = #tpu.core_type<sc_vector_subcore>, window_params = [{transform_indices = #map}, {transform_indices = #map1}, {transform_indices = #map1}, {transform_indices = #map1}, {transform_indices = #map}]} {
    "tpu.region"() ({
      %run_scoped3A = tpu.sem_alloc : memref<!tpu.dma_semaphore, #tpu.memory_space<semaphore_mem>>
      tpu.enqueue_dma source(%arg5 : memref<64x64xbf16, #tpu.memory_space<hbm>>) target(%arg11 : memref<64x64xbf16, #tpu.memory_space<vmem>>) target_semaphore(%run_scoped3A : memref<!tpu.dma_semaphore, #tpu.memory_space<semaphore_mem>>)
      tpu.wait_dma2 semaphore(%run_scoped3A : memref<!tpu.dma_semaphore, #tpu.memory_space<semaphore_mem>>) src(%arg5 : memref<64x64xbf16, #tpu.memory_space<hbm>>) dst(%arg11 : memref<64x64xbf16, #tpu.memory_space<vmem>>)
      tpu.yield
    }) : () -> ()
    %scan3A = arith.constant 0 : i32
    %scan3A_0 = arith.constant 0 : i32
    %scan3A_1 = arith.constant 20 : i32
    %scan3A_2 = arith.addi %scan3A_0, %scan3A_1 : i32
    %scan3A_3 = arith.constant 1 : i32
    %scan3A_4 = scf.for %scan3A_129 = %scan3A_0 to %scan3A_2 step %scan3A_3 iter_args(%scan3A_130 = %scan3A) -> (i32)  : i32 {
      %mul3A_131 = arith.constant 1280 : i32
      %mul3A_132 = arith.muli %arg1, %mul3A_131 : i32
      %mul3A_133 = arith.constant 64 : i32
      %mul3A_134 = arith.muli %scan3A_129, %mul3A_133 : i32
      %add3A = arith.addi %mul3A_132, %mul3A_134 : i32
      "tpu.region"() ({
        %run_scoped3A = tpu.sem_alloc : memref<!tpu.dma_semaphore, #tpu.memory_space<semaphore_mem>>
        %dma_start3A_136 = arith.constant 0 : i32
        %dma_start3A_137 = tpu.memref_slice %arg16[%add3A, %dma_start3A_136] : memref<20480x64xbf16, #tpu.memory_space<vmem_shared>> -> memref<64x64xbf16, #tpu.memory_space<vmem_shared>>
        %dma_start3A_138 = arith.constant 0 : i32
        %dma_start3A_139 = tpu.memref_slice %arg16[%add3A, %dma_start3A_138] : memref<20480x64xbf16, #tpu.memory_space<vmem_shared>> -> memref<64x64xbf16, #tpu.memory_space<vmem_shared>>
        tpu.enqueue_dma source(%arg11 : memref<64x64xbf16, #tpu.memory_space<vmem>>) target(%dma_start3A_139 : memref<64x64xbf16, #tpu.memory_space<vmem_shared>>) target_semaphore(%run_scoped3A : memref<!tpu.dma_semaphore, #tpu.memory_space<semaphore_mem>>)
        %dma_wait3A_140 = arith.constant 0 : i32
        %dma_wait3A_141 = tpu.memref_slice %arg16[%add3A, %dma_wait3A_140] : memref<20480x64xbf16, #tpu.memory_space<vmem_shared>> -> memref<64x64xbf16, #tpu.memory_space<vmem_shared>>
        %dma_wait3A_142 = arith.constant 0 : i32
        %dma_wait3A_143 = tpu.memref_slice %arg16[%add3A, %dma_wait3A_142] : memref<20480x64xbf16, #tpu.memory_space<vmem_shared>> -> memref<64x64xbf16, #tpu.memory_space<vmem_shared>>
        tpu.wait_dma2 semaphore(%run_scoped3A : memref<!tpu.dma_semaphore, #tpu.memory_space<semaphore_mem>>) src(%arg11 : memref<64x64xbf16, #tpu.memory_space<vmem>>) dst(%dma_wait3A_143 : memref<64x64xbf16, #tpu.memory_space<vmem_shared>>)
        tpu.yield
      }) : () -> ()
      %scan3A_135 = arith.constant 0 : i32
      scf.yield %scan3A_135 : i32
    }
    %scan3A_5 = arith.constant 20 : i32
    %mul3A = arith.constant 80 : i32
    %mul3A_6 = arith.muli %arg1, %mul3A : i32
    "tpu.region"() ({
      %run_scoped3A = tpu.sem_alloc : memref<!tpu.dma_semaphore, #tpu.memory_space<semaphore_mem>>
      %dma_start3A_129 = arith.constant 0 : i32
      %dma_start3A_130 = tpu.memref_slice %arg3[%mul3A_6, %dma_start3A_129] : memref<1280x128xi32, #tpu.memory_space<hbm>> -> memref<80x128xi32, #tpu.memory_space<hbm>>
      %dma_start3A_131 = arith.constant 0 : i32
      %dma_start3A_132 = tpu.memref_slice %arg3[%mul3A_6, %dma_start3A_131] : memref<1280x128xi32, #tpu.memory_space<hbm>> -> memref<80x128xi32, #tpu.memory_space<hbm>>
      tpu.enqueue_dma source(%dma_start3A_132 : memref<80x128xi32, #tpu.memory_space<hbm>>) target(%arg7 : memref<80x128xi32, #tpu.memory_space<vmem>>) target_semaphore(%run_scoped3A : memref<!tpu.dma_semaphore, #tpu.memory_space<semaphore_mem>>)
      %dma_wait3A_133 = arith.constant 0 : i32
      %dma_wait3A_134 = tpu.memref_slice %arg3[%mul3A_6, %dma_wait3A_133] : memref<1280x128xi32, #tpu.memory_space<hbm>> -> memref<80x128xi32, #tpu.memory_space<hbm>>
      %dma_wait3A_135 = arith.constant 0 : i32
      %dma_wait3A_136 = tpu.memref_slice %arg3[%mul3A_6, %dma_wait3A_135] : memref<1280x128xi32, #tpu.memory_space<hbm>> -> memref<80x128xi32, #tpu.memory_space<hbm>>
      tpu.wait_dma2 semaphore(%run_scoped3A : memref<!tpu.dma_semaphore, #tpu.memory_space<semaphore_mem>>) src(%dma_wait3A_136 : memref<80x128xi32, #tpu.memory_space<hbm>>) dst(%arg7 : memref<80x128xi32, #tpu.memory_space<vmem>>)
      tpu.yield
    }) : () -> ()
    %mul3A_7 = arith.constant 80 : i32
    %mul3A_8 = arith.muli %arg1, %mul3A_7 : i32
    "tpu.region"() ({
      %run_scoped3A = tpu.sem_alloc : memref<!tpu.dma_semaphore, #tpu.memory_space<semaphore_mem>>
      %dma_start3A_129 = arith.constant 0 : i32
      %dma_start3A_130 = tpu.memref_slice %arg4[%mul3A_8, %dma_start3A_129] : memref<1280x128xi32, #tpu.memory_space<hbm>> -> memref<80x128xi32, #tpu.memory_space<hbm>>
      %dma_start3A_131 = arith.constant 0 : i32
      %dma_start3A_132 = tpu.memref_slice %arg4[%mul3A_8, %dma_start3A_131] : memref<1280x128xi32, #tpu.memory_space<hbm>> -> memref<80x128xi32, #tpu.memory_space<hbm>>
      tpu.enqueue_dma source(%dma_start3A_132 : memref<80x128xi32, #tpu.memory_space<hbm>>) target(%arg8 : memref<80x128xi32, #tpu.memory_space<vmem>>) target_semaphore(%run_scoped3A : memref<!tpu.dma_semaphore, #tpu.memory_space<semaphore_mem>>)
      %dma_wait3A_133 = arith.constant 0 : i32
      %dma_wait3A_134 = tpu.memref_slice %arg4[%mul3A_8, %dma_wait3A_133] : memref<1280x128xi32, #tpu.memory_space<hbm>> -> memref<80x128xi32, #tpu.memory_space<hbm>>
      %dma_wait3A_135 = arith.constant 0 : i32
      %dma_wait3A_136 = tpu.memref_slice %arg4[%mul3A_8, %dma_wait3A_135] : memref<1280x128xi32, #tpu.memory_space<hbm>> -> memref<80x128xi32, #tpu.memory_space<hbm>>
      tpu.wait_dma2 semaphore(%run_scoped3A : memref<!tpu.dma_semaphore, #tpu.memory_space<semaphore_mem>>) src(%dma_wait3A_136 : memref<80x128xi32, #tpu.memory_space<hbm>>) dst(%arg8 : memref<80x128xi32, #tpu.memory_space<vmem>>)
      tpu.yield
    }) : () -> ()
    %barrier3A = arith.constant 0 : index
    tpu.barrier barrier_id(%barrier3A)
    %dma_start3A = arith.constant 0 : i32
    %dma_start3A_9 = arith.constant 0 : i32
    %dma_start3A_10 = arith.constant 0 : i32
    %dma_start3A_11 = arith.constant 0 : i32
    %dma_start3A_12 = tpu.memref_slice %arg9[%dma_start3A_9, %dma_start3A_10, %dma_start3A_11] : memref<4x128x64xbf16, #tpu.memory_space<vmem>> -> memref<1x128x64xbf16, #tpu.memory_space<vmem>>
    %dma_start3A_13 = tpu.memref_squeeze %dma_start3A_12 : memref<1x128x64xbf16, #tpu.memory_space<vmem>> -> memref<128x64xbf16, #tpu.memory_space<vmem>>
    %dma_start3A_14 = arith.constant 0 : i32
    %dma_start3A_15 = tpu.memref_slice %arg7[%dma_start3A, %dma_start3A_14] : memref<80x128xi32, #tpu.memory_space<vmem>> -> memref<1x128xi32, #tpu.memory_space<vmem>>
    %dma_start3A_16 = tpu.memref_squeeze %dma_start3A_15 : memref<1x128xi32, #tpu.memory_space<vmem>> -> memref<128xi32, #tpu.memory_space<vmem>>
    %dma_start3A_17 = arith.constant 0 : i32
    %dma_start3A_18 = arith.constant 0 : i32
    %dma_start3A_19 = tpu.memref_slice %arg2[%arg0, %dma_start3A_17, %dma_start3A_18] : memref<2x10240x64xbf16, #tpu.memory_space<hbm>> -> memref<1x10240x64xbf16, #tpu.memory_space<hbm>>
    %dma_start3A_20 = tpu.memref_squeeze %dma_start3A_19 : memref<1x10240x64xbf16, #tpu.memory_space<hbm>> -> memref<10240x64xbf16, #tpu.memory_space<hbm>>
    %dma_start3A_21 = arith.constant 0 : i32
    %dma_start3A_22 = arith.constant 0 : i32
    %dma_start3A_23 = tpu.memref_slice %dma_start3A_20[%dma_start3A_21, %dma_start3A_22] : memref<10240x64xbf16, #tpu.memory_space<hbm>> -> memref<10240x64xbf16, #tpu.memory_space<hbm>>
    tpu.enqueue_indirect_dma source(%dma_start3A_23 : memref<10240x64xbf16, #tpu.memory_space<hbm>>) target(%dma_start3A_13 : memref<128x64xbf16, #tpu.memory_space<vmem>>) offsets(%dma_start3A_16 : memref<128xi32, #tpu.memory_space<vmem>>) semaphore(%arg12 : memref<!tpu.dma_semaphore, #tpu.memory_space<semaphore_mem>>)
    %dma_start3A_24 = arith.constant 1 : i32
    %dma_start3A_25 = arith.constant 1 : i32
    %dma_start3A_26 = arith.constant 0 : i32
    %dma_start3A_27 = arith.constant 0 : i32
    %dma_start3A_28 = tpu.memref_slice %arg9[%dma_start3A_25, %dma_start3A_26, %dma_start3A_27] : memref<4x128x64xbf16, #tpu.memory_space<vmem>> -> memref<1x128x64xbf16, #tpu.memory_space<vmem>>
    %dma_start3A_29 = tpu.memref_squeeze %dma_start3A_28 : memref<1x128x64xbf16, #tpu.memory_space<vmem>> -> memref<128x64xbf16, #tpu.memory_space<vmem>>
    %dma_start3A_30 = arith.constant 0 : i32
    %dma_start3A_31 = tpu.memref_slice %arg7[%dma_start3A_24, %dma_start3A_30] : memref<80x128xi32, #tpu.memory_space<vmem>> -> memref<1x128xi32, #tpu.memory_space<vmem>>
    %dma_start3A_32 = tpu.memref_squeeze %dma_start3A_31 : memref<1x128xi32, #tpu.memory_space<vmem>> -> memref<128xi32, #tpu.memory_space<vmem>>
    %dma_start3A_33 = arith.constant 0 : i32
    %dma_start3A_34 = arith.constant 0 : i32
    %dma_start3A_35 = tpu.memref_slice %arg2[%arg0, %dma_start3A_33, %dma_start3A_34] : memref<2x10240x64xbf16, #tpu.memory_space<hbm>> -> memref<1x10240x64xbf16, #tpu.memory_space<hbm>>
    %dma_start3A_36 = tpu.memref_squeeze %dma_start3A_35 : memref<1x10240x64xbf16, #tpu.memory_space<hbm>> -> memref<10240x64xbf16, #tpu.memory_space<hbm>>
    %dma_start3A_37 = arith.constant 0 : i32
    %dma_start3A_38 = arith.constant 0 : i32
    %dma_start3A_39 = tpu.memref_slice %dma_start3A_36[%dma_start3A_37, %dma_start3A_38] : memref<10240x64xbf16, #tpu.memory_space<hbm>> -> memref<10240x64xbf16, #tpu.memory_space<hbm>>
    tpu.enqueue_indirect_dma source(%dma_start3A_39 : memref<10240x64xbf16, #tpu.memory_space<hbm>>) target(%dma_start3A_29 : memref<128x64xbf16, #tpu.memory_space<vmem>>) offsets(%dma_start3A_32 : memref<128xi32, #tpu.memory_space<vmem>>) semaphore(%arg12 : memref<!tpu.dma_semaphore, #tpu.memory_space<semaphore_mem>>)
    %dma_start3A_40 = arith.constant 2 : i32
    %dma_start3A_41 = arith.constant 2 : i32
    %dma_start3A_42 = arith.constant 0 : i32
    %dma_start3A_43 = arith.constant 0 : i32
    %dma_start3A_44 = tpu.memref_slice %arg9[%dma_start3A_41, %dma_start3A_42, %dma_start3A_43] : memref<4x128x64xbf16, #tpu.memory_space<vmem>> -> memref<1x128x64xbf16, #tpu.memory_space<vmem>>
    %dma_start3A_45 = tpu.memref_squeeze %dma_start3A_44 : memref<1x128x64xbf16, #tpu.memory_space<vmem>> -> memref<128x64xbf16, #tpu.memory_space<vmem>>
    %dma_start3A_46 = arith.constant 0 : i32
    %dma_start3A_47 = tpu.memref_slice %arg7[%dma_start3A_40, %dma_start3A_46] : memref<80x128xi32, #tpu.memory_space<vmem>> -> memref<1x128xi32, #tpu.memory_space<vmem>>
    %dma_start3A_48 = tpu.memref_squeeze %dma_start3A_47 : memref<1x128xi32, #tpu.memory_space<vmem>> -> memref<128xi32, #tpu.memory_space<vmem>>
    %dma_start3A_49 = arith.constant 0 : i32
    %dma_start3A_50 = arith.constant 0 : i32
    %dma_start3A_51 = tpu.memref_slice %arg2[%arg0, %dma_start3A_49, %dma_start3A_50] : memref<2x10240x64xbf16, #tpu.memory_space<hbm>> -> memref<1x10240x64xbf16, #tpu.memory_space<hbm>>
    %dma_start3A_52 = tpu.memref_squeeze %dma_start3A_51 : memref<1x10240x64xbf16, #tpu.memory_space<hbm>> -> memref<10240x64xbf16, #tpu.memory_space<hbm>>
    %dma_start3A_53 = arith.constant 0 : i32
    %dma_start3A_54 = arith.constant 0 : i32
    %dma_start3A_55 = tpu.memref_slice %dma_start3A_52[%dma_start3A_53, %dma_start3A_54] : memref<10240x64xbf16, #tpu.memory_space<hbm>> -> memref<10240x64xbf16, #tpu.memory_space<hbm>>
    tpu.enqueue_indirect_dma source(%dma_start3A_55 : memref<10240x64xbf16, #tpu.memory_space<hbm>>) target(%dma_start3A_45 : memref<128x64xbf16, #tpu.memory_space<vmem>>) offsets(%dma_start3A_48 : memref<128xi32, #tpu.memory_space<vmem>>) semaphore(%arg12 : memref<!tpu.dma_semaphore, #tpu.memory_space<semaphore_mem>>)
    %dma_start3A_56 = arith.constant 3 : i32
    %dma_start3A_57 = arith.constant 3 : i32
    %dma_start3A_58 = arith.constant 0 : i32
    %dma_start3A_59 = arith.constant 0 : i32
    %dma_start3A_60 = tpu.memref_slice %arg9[%dma_start3A_57, %dma_start3A_58, %dma_start3A_59] : memref<4x128x64xbf16, #tpu.memory_space<vmem>> -> memref<1x128x64xbf16, #tpu.memory_space<vmem>>
    %dma_start3A_61 = tpu.memref_squeeze %dma_start3A_60 : memref<1x128x64xbf16, #tpu.memory_space<vmem>> -> memref<128x64xbf16, #tpu.memory_space<vmem>>
    %dma_start3A_62 = arith.constant 0 : i32
    %dma_start3A_63 = tpu.memref_slice %arg7[%dma_start3A_56, %dma_start3A_62] : memref<80x128xi32, #tpu.memory_space<vmem>> -> memref<1x128xi32, #tpu.memory_space<vmem>>
    %dma_start3A_64 = tpu.memref_squeeze %dma_start3A_63 : memref<1x128xi32, #tpu.memory_space<vmem>> -> memref<128xi32, #tpu.memory_space<vmem>>
    %dma_start3A_65 = arith.constant 0 : i32
    %dma_start3A_66 = arith.constant 0 : i32
    %dma_start3A_67 = tpu.memref_slice %arg2[%arg0, %dma_start3A_65, %dma_start3A_66] : memref<2x10240x64xbf16, #tpu.memory_space<hbm>> -> memref<1x10240x64xbf16, #tpu.memory_space<hbm>>
    %dma_start3A_68 = tpu.memref_squeeze %dma_start3A_67 : memref<1x10240x64xbf16, #tpu.memory_space<hbm>> -> memref<10240x64xbf16, #tpu.memory_space<hbm>>
    %dma_start3A_69 = arith.constant 0 : i32
    %dma_start3A_70 = arith.constant 0 : i32
    %dma_start3A_71 = tpu.memref_slice %dma_start3A_68[%dma_start3A_69, %dma_start3A_70] : memref<10240x64xbf16, #tpu.memory_space<hbm>> -> memref<10240x64xbf16, #tpu.memory_space<hbm>>
    tpu.enqueue_indirect_dma source(%dma_start3A_71 : memref<10240x64xbf16, #tpu.memory_space<hbm>>) target(%dma_start3A_61 : memref<128x64xbf16, #tpu.memory_space<vmem>>) offsets(%dma_start3A_64 : memref<128xi32, #tpu.memory_space<vmem>>) semaphore(%arg12 : memref<!tpu.dma_semaphore, #tpu.memory_space<semaphore_mem>>)
    %scan3A_72 = arith.constant 0 : i32
    %scan3A_73 = arith.constant 0 : i32
    %scan3A_74 = arith.constant 10 : i32
    %scan3A_75 = arith.addi %scan3A_73, %scan3A_74 : i32
    %scan3A_76 = arith.constant 1 : i32
    %scan3A_77 = scf.for %scan3A_129 = %scan3A_73 to %scan3A_75 step %scan3A_76 iter_args(%scan3A_130 = %scan3A_72) -> (i32)  : i32 {
      %mul3A_131 = arith.constant 2 : i32
      %mul3A_132 = arith.muli %mul3A_131, %scan3A_129 : i32
      %mul3A_133 = arith.constant 2 : i32
      %mul3A_134 = arith.muli %mul3A_133, %scan3A_129 : i32
      %add3A = arith.constant 1 : i32
      %add3A_135 = arith.addi %mul3A_134, %add3A : i32
      %mul3A_136 = arith.constant 4 : i32
      %mul3A_137 = arith.muli %mul3A_132, %mul3A_136 : i32
      %add3A_138 = arith.constant 0 : i32
      %add3A_139 = arith.addi %mul3A_137, %add3A_138 : i32
      %dma_wait3A_140 = arith.constant 0 : i32
      %dma_wait3A_141 = arith.constant 0 : i32
      %dma_wait3A_142 = arith.constant 0 : i32
      %dma_wait3A_143 = tpu.memref_slice %arg9[%dma_wait3A_140, %dma_wait3A_141, %dma_wait3A_142] : memref<4x128x64xbf16, #tpu.memory_space<vmem>> -> memref<1x128x64xbf16, #tpu.memory_space<vmem>>
      %dma_wait3A_144 = tpu.memref_squeeze %dma_wait3A_143 : memref<1x128x64xbf16, #tpu.memory_space<vmem>> -> memref<128x64xbf16, #tpu.memory_space<vmem>>
      %dma_wait3A_145 = arith.constant 0 : i32
      %dma_wait3A_146 = tpu.memref_slice %arg7[%add3A_139, %dma_wait3A_145] : memref<80x128xi32, #tpu.memory_space<vmem>> -> memref<1x128xi32, #tpu.memory_space<vmem>>
      %dma_wait3A_147 = tpu.memref_squeeze %dma_wait3A_146 : memref<1x128xi32, #tpu.memory_space<vmem>> -> memref<128xi32, #tpu.memory_space<vmem>>
      %dma_wait3A_148 = arith.constant 0 : i32
      %dma_wait3A_149 = arith.constant 0 : i32
      %dma_wait3A_150 = tpu.memref_slice %arg2[%arg0, %dma_wait3A_148, %dma_wait3A_149] : memref<2x10240x64xbf16, #tpu.memory_space<hbm>> -> memref<1x10240x64xbf16, #tpu.memory_space<hbm>>
      %dma_wait3A_151 = tpu.memref_squeeze %dma_wait3A_150 : memref<1x10240x64xbf16, #tpu.memory_space<hbm>> -> memref<10240x64xbf16, #tpu.memory_space<hbm>>
      %dma_wait3A_152 = arith.constant 0 : i32
      %dma_wait3A_153 = arith.constant 0 : i32
      %dma_wait3A_154 = tpu.memref_slice %dma_wait3A_151[%dma_wait3A_152, %dma_wait3A_153] : memref<10240x64xbf16, #tpu.memory_space<hbm>> -> memref<10240x64xbf16, #tpu.memory_space<hbm>>
      tpu.wait_indirect_dma semaphore(%arg12 : memref<!tpu.dma_semaphore, #tpu.memory_space<semaphore_mem>>) src(%dma_wait3A_154 : memref<10240x64xbf16, #tpu.memory_space<hbm>>) dst(%dma_wait3A_144 : memref<128x64xbf16, #tpu.memory_space<vmem>>)
      %mul3A_155 = arith.constant 4 : i32
      %mul3A_156 = arith.muli %mul3A_132, %mul3A_155 : i32
      %add3A_157 = arith.constant 1 : i32
      %add3A_158 = arith.addi %mul3A_156, %add3A_157 : i32
      %dma_wait3A_159 = arith.constant 1 : i32
      %dma_wait3A_160 = arith.constant 0 : i32
      %dma_wait3A_161 = arith.constant 0 : i32
      %dma_wait3A_162 = tpu.memref_slice %arg9[%dma_wait3A_159, %dma_wait3A_160, %dma_wait3A_161] : memref<4x128x64xbf16, #tpu.memory_space<vmem>> -> memref<1x128x64xbf16, #tpu.memory_space<vmem>>
      %dma_wait3A_163 = tpu.memref_squeeze %dma_wait3A_162 : memref<1x128x64xbf16, #tpu.memory_space<vmem>> -> memref<128x64xbf16, #tpu.memory_space<vmem>>
      %dma_wait3A_164 = arith.constant 0 : i32
      %dma_wait3A_165 = tpu.memref_slice %arg7[%add3A_158, %dma_wait3A_164] : memref<80x128xi32, #tpu.memory_space<vmem>> -> memref<1x128xi32, #tpu.memory_space<vmem>>
      %dma_wait3A_166 = tpu.memref_squeeze %dma_wait3A_165 : memref<1x128xi32, #tpu.memory_space<vmem>> -> memref<128xi32, #tpu.memory_space<vmem>>
      %dma_wait3A_167 = arith.constant 0 : i32
      %dma_wait3A_168 = arith.constant 0 : i32
      %dma_wait3A_169 = tpu.memref_slice %arg2[%arg0, %dma_wait3A_167, %dma_wait3A_168] : memref<2x10240x64xbf16, #tpu.memory_space<hbm>> -> memref<1x10240x64xbf16, #tpu.memory_space<hbm>>
      %dma_wait3A_170 = tpu.memref_squeeze %dma_wait3A_169 : memref<1x10240x64xbf16, #tpu.memory_space<hbm>> -> memref<10240x64xbf16, #tpu.memory_space<hbm>>
      %dma_wait3A_171 = arith.constant 0 : i32
      %dma_wait3A_172 = arith.constant 0 : i32
      %dma_wait3A_173 = tpu.memref_slice %dma_wait3A_170[%dma_wait3A_171, %dma_wait3A_172] : memref<10240x64xbf16, #tpu.memory_space<hbm>> -> memref<10240x64xbf16, #tpu.memory_space<hbm>>
      tpu.wait_indirect_dma semaphore(%arg12 : memref<!tpu.dma_semaphore, #tpu.memory_space<semaphore_mem>>) src(%dma_wait3A_173 : memref<10240x64xbf16, #tpu.memory_space<hbm>>) dst(%dma_wait3A_163 : memref<128x64xbf16, #tpu.memory_space<vmem>>)
      %mul3A_174 = arith.constant 4 : i32
      %mul3A_175 = arith.muli %mul3A_132, %mul3A_174 : i32
      %add3A_176 = arith.constant 2 : i32
      %add3A_177 = arith.addi %mul3A_175, %add3A_176 : i32
      %dma_wait3A_178 = arith.constant 2 : i32
      %dma_wait3A_179 = arith.constant 0 : i32
      %dma_wait3A_180 = arith.constant 0 : i32
      %dma_wait3A_181 = tpu.memref_slice %arg9[%dma_wait3A_178, %dma_wait3A_179, %dma_wait3A_180] : memref<4x128x64xbf16, #tpu.memory_space<vmem>> -> memref<1x128x64xbf16, #tpu.memory_space<vmem>>
      %dma_wait3A_182 = tpu.memref_squeeze %dma_wait3A_181 : memref<1x128x64xbf16, #tpu.memory_space<vmem>> -> memref<128x64xbf16, #tpu.memory_space<vmem>>
      %dma_wait3A_183 = arith.constant 0 : i32
      %dma_wait3A_184 = tpu.memref_slice %arg7[%add3A_177, %dma_wait3A_183] : memref<80x128xi32, #tpu.memory_space<vmem>> -> memref<1x128xi32, #tpu.memory_space<vmem>>
      %dma_wait3A_185 = tpu.memref_squeeze %dma_wait3A_184 : memref<1x128xi32, #tpu.memory_space<vmem>> -> memref<128xi32, #tpu.memory_space<vmem>>
      %dma_wait3A_186 = arith.constant 0 : i32
      %dma_wait3A_187 = arith.constant 0 : i32
      %dma_wait3A_188 = tpu.memref_slice %arg2[%arg0, %dma_wait3A_186, %dma_wait3A_187] : memref<2x10240x64xbf16, #tpu.memory_space<hbm>> -> memref<1x10240x64xbf16, #tpu.memory_space<hbm>>
      %dma_wait3A_189 = tpu.memref_squeeze %dma_wait3A_188 : memref<1x10240x64xbf16, #tpu.memory_space<hbm>> -> memref<10240x64xbf16, #tpu.memory_space<hbm>>
      %dma_wait3A_190 = arith.constant 0 : i32
      %dma_wait3A_191 = arith.constant 0 : i32
      %dma_wait3A_192 = tpu.memref_slice %dma_wait3A_189[%dma_wait3A_190, %dma_wait3A_191] : memref<10240x64xbf16, #tpu.memory_space<hbm>> -> memref<10240x64xbf16, #tpu.memory_space<hbm>>
      tpu.wait_indirect_dma semaphore(%arg12 : memref<!tpu.dma_semaphore, #tpu.memory_space<semaphore_mem>>) src(%dma_wait3A_192 : memref<10240x64xbf16, #tpu.memory_space<hbm>>) dst(%dma_wait3A_182 : memref<128x64xbf16, #tpu.memory_space<vmem>>)
      %mul3A_193 = arith.constant 4 : i32
      %mul3A_194 = arith.muli %mul3A_132, %mul3A_193 : i32
      %add3A_195 = arith.constant 3 : i32
      %add3A_196 = arith.addi %mul3A_194, %add3A_195 : i32
      %dma_wait3A_197 = arith.constant 3 : i32
      %dma_wait3A_198 = arith.constant 0 : i32
      %dma_wait3A_199 = arith.constant 0 : i32
      %dma_wait3A_200 = tpu.memref_slice %arg9[%dma_wait3A_197, %dma_wait3A_198, %dma_wait3A_199] : memref<4x128x64xbf16, #tpu.memory_space<vmem>> -> memref<1x128x64xbf16, #tpu.memory_space<vmem>>
      %dma_wait3A_201 = tpu.memref_squeeze %dma_wait3A_200 : memref<1x128x64xbf16, #tpu.memory_space<vmem>> -> memref<128x64xbf16, #tpu.memory_space<vmem>>
      %dma_wait3A_202 = arith.constant 0 : i32
      %dma_wait3A_203 = tpu.memref_slice %arg7[%add3A_196, %dma_wait3A_202] : memref<80x128xi32, #tpu.memory_space<vmem>> -> memref<1x128xi32, #tpu.memory_space<vmem>>
      %dma_wait3A_204 = tpu.memref_squeeze %dma_wait3A_203 : memref<1x128xi32, #tpu.memory_space<vmem>> -> memref<128xi32, #tpu.memory_space<vmem>>
      %dma_wait3A_205 = arith.constant 0 : i32
      %dma_wait3A_206 = arith.constant 0 : i32
      %dma_wait3A_207 = tpu.memref_slice %arg2[%arg0, %dma_wait3A_205, %dma_wait3A_206] : memref<2x10240x64xbf16, #tpu.memory_space<hbm>> -> memref<1x10240x64xbf16, #tpu.memory_space<hbm>>
      %dma_wait3A_208 = tpu.memref_squeeze %dma_wait3A_207 : memref<1x10240x64xbf16, #tpu.memory_space<hbm>> -> memref<10240x64xbf16, #tpu.memory_space<hbm>>
      %dma_wait3A_209 = arith.constant 0 : i32
      %dma_wait3A_210 = arith.constant 0 : i32
      %dma_wait3A_211 = tpu.memref_slice %dma_wait3A_208[%dma_wait3A_209, %dma_wait3A_210] : memref<10240x64xbf16, #tpu.memory_space<hbm>> -> memref<10240x64xbf16, #tpu.memory_space<hbm>>
      tpu.wait_indirect_dma semaphore(%arg12 : memref<!tpu.dma_semaphore, #tpu.memory_space<semaphore_mem>>) src(%dma_wait3A_211 : memref<10240x64xbf16, #tpu.memory_space<hbm>>) dst(%dma_wait3A_201 : memref<128x64xbf16, #tpu.memory_space<vmem>>)
      %mul3A_212 = arith.constant 4 : i32
      %mul3A_213 = arith.muli %mul3A_132, %mul3A_212 : i32
      %add3A_214 = arith.constant 0 : i32
      %add3A_215 = arith.addi %mul3A_213, %add3A_214 : i32
      %dma_start3A_216 = arith.constant 0 : i32
      %dma_start3A_217 = arith.constant 0 : i32
      %dma_start3A_218 = arith.constant 0 : i32
      %dma_start3A_219 = tpu.memref_slice %arg9[%dma_start3A_216, %dma_start3A_217, %dma_start3A_218] : memref<4x128x64xbf16, #tpu.memory_space<vmem>> -> memref<1x128x64xbf16, #tpu.memory_space<vmem>>
      %dma_start3A_220 = tpu.memref_squeeze %dma_start3A_219 : memref<1x128x64xbf16, #tpu.memory_space<vmem>> -> memref<128x64xbf16, #tpu.memory_space<vmem>>
      %dma_start3A_221 = arith.constant 0 : i32
      %dma_start3A_222 = tpu.memref_slice %arg8[%add3A_215, %dma_start3A_221] : memref<80x128xi32, #tpu.memory_space<vmem>> -> memref<1x128xi32, #tpu.memory_space<vmem>>
      %dma_start3A_223 = tpu.memref_squeeze %dma_start3A_222 : memref<1x128xi32, #tpu.memory_space<vmem>> -> memref<128xi32, #tpu.memory_space<vmem>>
      %dma_start3A_224 = arith.constant 0 : i32
      %dma_start3A_225 = arith.constant 0 : i32
      %dma_start3A_226 = tpu.memref_slice %arg16[%dma_start3A_224, %dma_start3A_225] : memref<20480x64xbf16, #tpu.memory_space<vmem_shared>> -> memref<20480x64xbf16, #tpu.memory_space<vmem_shared>>
      tpu.enqueue_indirect_dma source(%dma_start3A_220 : memref<128x64xbf16, #tpu.memory_space<vmem>>) target(%dma_start3A_226 : memref<20480x64xbf16, #tpu.memory_space<vmem_shared>>) offsets(%dma_start3A_223 : memref<128xi32, #tpu.memory_space<vmem>>) semaphore(%arg14 : memref<!tpu.dma_semaphore, #tpu.memory_space<semaphore_mem>>) {add = true}
      %mul3A_227 = arith.constant 4 : i32
      %mul3A_228 = arith.muli %mul3A_132, %mul3A_227 : i32
      %add3A_229 = arith.constant 1 : i32
      %add3A_230 = arith.addi %mul3A_228, %add3A_229 : i32
      %dma_start3A_231 = arith.constant 1 : i32
      %dma_start3A_232 = arith.constant 0 : i32
      %dma_start3A_233 = arith.constant 0 : i32
      %dma_start3A_234 = tpu.memref_slice %arg9[%dma_start3A_231, %dma_start3A_232, %dma_start3A_233] : memref<4x128x64xbf16, #tpu.memory_space<vmem>> -> memref<1x128x64xbf16, #tpu.memory_space<vmem>>
      %dma_start3A_235 = tpu.memref_squeeze %dma_start3A_234 : memref<1x128x64xbf16, #tpu.memory_space<vmem>> -> memref<128x64xbf16, #tpu.memory_space<vmem>>
      %dma_start3A_236 = arith.constant 0 : i32
      %dma_start3A_237 = tpu.memref_slice %arg8[%add3A_230, %dma_start3A_236] : memref<80x128xi32, #tpu.memory_space<vmem>> -> memref<1x128xi32, #tpu.memory_space<vmem>>
      %dma_start3A_238 = tpu.memref_squeeze %dma_start3A_237 : memref<1x128xi32, #tpu.memory_space<vmem>> -> memref<128xi32, #tpu.memory_space<vmem>>
      %dma_start3A_239 = arith.constant 0 : i32
      %dma_start3A_240 = arith.constant 0 : i32
      %dma_start3A_241 = tpu.memref_slice %arg16[%dma_start3A_239, %dma_start3A_240] : memref<20480x64xbf16, #tpu.memory_space<vmem_shared>> -> memref<20480x64xbf16, #tpu.memory_space<vmem_shared>>
      tpu.enqueue_indirect_dma source(%dma_start3A_235 : memref<128x64xbf16, #tpu.memory_space<vmem>>) target(%dma_start3A_241 : memref<20480x64xbf16, #tpu.memory_space<vmem_shared>>) offsets(%dma_start3A_238 : memref<128xi32, #tpu.memory_space<vmem>>) semaphore(%arg14 : memref<!tpu.dma_semaphore, #tpu.memory_space<semaphore_mem>>) {add = true}
      %mul3A_242 = arith.constant 4 : i32
      %mul3A_243 = arith.muli %mul3A_132, %mul3A_242 : i32
      %add3A_244 = arith.constant 2 : i32
      %add3A_245 = arith.addi %mul3A_243, %add3A_244 : i32
      %dma_start3A_246 = arith.constant 2 : i32
      %dma_start3A_247 = arith.constant 0 : i32
      %dma_start3A_248 = arith.constant 0 : i32
      %dma_start3A_249 = tpu.memref_slice %arg9[%dma_start3A_246, %dma_start3A_247, %dma_start3A_248] : memref<4x128x64xbf16, #tpu.memory_space<vmem>> -> memref<1x128x64xbf16, #tpu.memory_space<vmem>>
      %dma_start3A_250 = tpu.memref_squeeze %dma_start3A_249 : memref<1x128x64xbf16, #tpu.memory_space<vmem>> -> memref<128x64xbf16, #tpu.memory_space<vmem>>
      %dma_start3A_251 = arith.constant 0 : i32
      %dma_start3A_252 = tpu.memref_slice %arg8[%add3A_245, %dma_start3A_251] : memref<80x128xi32, #tpu.memory_space<vmem>> -> memref<1x128xi32, #tpu.memory_space<vmem>>
      %dma_start3A_253 = tpu.memref_squeeze %dma_start3A_252 : memref<1x128xi32, #tpu.memory_space<vmem>> -> memref<128xi32, #tpu.memory_space<vmem>>
      %dma_start3A_254 = arith.constant 0 : i32
      %dma_start3A_255 = arith.constant 0 : i32
      %dma_start3A_256 = tpu.memref_slice %arg16[%dma_start3A_254, %dma_start3A_255] : memref<20480x64xbf16, #tpu.memory_space<vmem_shared>> -> memref<20480x64xbf16, #tpu.memory_space<vmem_shared>>
      tpu.enqueue_indirect_dma source(%dma_start3A_250 : memref<128x64xbf16, #tpu.memory_space<vmem>>) target(%dma_start3A_256 : memref<20480x64xbf16, #tpu.memory_space<vmem_shared>>) offsets(%dma_start3A_253 : memref<128xi32, #tpu.memory_space<vmem>>) semaphore(%arg14 : memref<!tpu.dma_semaphore, #tpu.memory_space<semaphore_mem>>) {add = true}
      %mul3A_257 = arith.constant 4 : i32
      %mul3A_258 = arith.muli %mul3A_132, %mul3A_257 : i32
      %add3A_259 = arith.constant 3 : i32
      %add3A_260 = arith.addi %mul3A_258, %add3A_259 : i32
      %dma_start3A_261 = arith.constant 3 : i32
      %dma_start3A_262 = arith.constant 0 : i32
      %dma_start3A_263 = arith.constant 0 : i32
      %dma_start3A_264 = tpu.memref_slice %arg9[%dma_start3A_261, %dma_start3A_262, %dma_start3A_263] : memref<4x128x64xbf16, #tpu.memory_space<vmem>> -> memref<1x128x64xbf16, #tpu.memory_space<vmem>>
      %dma_start3A_265 = tpu.memref_squeeze %dma_start3A_264 : memref<1x128x64xbf16, #tpu.memory_space<vmem>> -> memref<128x64xbf16, #tpu.memory_space<vmem>>
      %dma_start3A_266 = arith.constant 0 : i32
      %dma_start3A_267 = tpu.memref_slice %arg8[%add3A_260, %dma_start3A_266] : memref<80x128xi32, #tpu.memory_space<vmem>> -> memref<1x128xi32, #tpu.memory_space<vmem>>
      %dma_start3A_268 = tpu.memref_squeeze %dma_start3A_267 : memref<1x128xi32, #tpu.memory_space<vmem>> -> memref<128xi32, #tpu.memory_space<vmem>>
      %dma_start3A_269 = arith.constant 0 : i32
      %dma_start3A_270 = arith.constant 0 : i32
      %dma_start3A_271 = tpu.memref_slice %arg16[%dma_start3A_269, %dma_start3A_270] : memref<20480x64xbf16, #tpu.memory_space<vmem_shared>> -> memref<20480x64xbf16, #tpu.memory_space<vmem_shared>>
      tpu.enqueue_indirect_dma source(%dma_start3A_265 : memref<128x64xbf16, #tpu.memory_space<vmem>>) target(%dma_start3A_271 : memref<20480x64xbf16, #tpu.memory_space<vmem_shared>>) offsets(%dma_start3A_268 : memref<128xi32, #tpu.memory_space<vmem>>) semaphore(%arg14 : memref<!tpu.dma_semaphore, #tpu.memory_space<semaphore_mem>>) {add = true}
      %gt3A = arith.constant 0 : i32
      %gt3A_272 = arith.cmpi sgt, %scan3A_129, %gt3A : i32
      %convert_element_type3A = arith.extui %gt3A_272 : i1 to i32
      %cond3A = arith.constant 0 : i32
      %cond3A_273 = arith.cmpi ne, %convert_element_type3A, %cond3A : i32
      scf.if %cond3A_273 {
        %sub3A = arith.constant 2 : i32
        %sub3A_551 = arith.subi %add3A_135, %sub3A : i32
        %mul3A_552 = arith.constant 4 : i32
        %mul3A_553 = arith.muli %sub3A_551, %mul3A_552 : i32
        %add3A_554 = arith.constant 0 : i32
        %add3A_555 = arith.addi %mul3A_553, %add3A_554 : i32
        %dma_wait3A_556 = arith.constant 0 : i32
        %dma_wait3A_557 = arith.constant 0 : i32
        %dma_wait3A_558 = arith.constant 0 : i32
        %dma_wait3A_559 = tpu.memref_slice %arg10[%dma_wait3A_556, %dma_wait3A_557, %dma_wait3A_558] : memref<4x128x64xbf16, #tpu.memory_space<vmem>> -> memref<1x128x64xbf16, #tpu.memory_space<vmem>>
        %dma_wait3A_560 = tpu.memref_squeeze %dma_wait3A_559 : memref<1x128x64xbf16, #tpu.memory_space<vmem>> -> memref<128x64xbf16, #tpu.memory_space<vmem>>
        %dma_wait3A_561 = arith.constant 0 : i32
        %dma_wait3A_562 = tpu.memref_slice %arg8[%add3A_555, %dma_wait3A_561] : memref<80x128xi32, #tpu.memory_space<vmem>> -> memref<1x128xi32, #tpu.memory_space<vmem>>
        %dma_wait3A_563 = tpu.memref_squeeze %dma_wait3A_562 : memref<1x128xi32, #tpu.memory_space<vmem>> -> memref<128xi32, #tpu.memory_space<vmem>>
        %dma_wait3A_564 = arith.constant 0 : i32
        %dma_wait3A_565 = arith.constant 0 : i32
        %dma_wait3A_566 = tpu.memref_slice %arg16[%dma_wait3A_564, %dma_wait3A_565] : memref<20480x64xbf16, #tpu.memory_space<vmem_shared>> -> memref<20480x64xbf16, #tpu.memory_space<vmem_shared>>
        tpu.wait_indirect_dma semaphore(%arg15 : memref<!tpu.dma_semaphore, #tpu.memory_space<semaphore_mem>>) src(%dma_wait3A_560 : memref<128x64xbf16, #tpu.memory_space<vmem>>) dst(%dma_wait3A_566 : memref<20480x64xbf16, #tpu.memory_space<vmem_shared>>)
        %mul3A_567 = arith.constant 4 : i32
        %mul3A_568 = arith.muli %sub3A_551, %mul3A_567 : i32
        %add3A_569 = arith.constant 1 : i32
        %add3A_570 = arith.addi %mul3A_568, %add3A_569 : i32
        %dma_wait3A_571 = arith.constant 1 : i32
        %dma_wait3A_572 = arith.constant 0 : i32
        %dma_wait3A_573 = arith.constant 0 : i32
        %dma_wait3A_574 = tpu.memref_slice %arg10[%dma_wait3A_571, %dma_wait3A_572, %dma_wait3A_573] : memref<4x128x64xbf16, #tpu.memory_space<vmem>> -> memref<1x128x64xbf16, #tpu.memory_space<vmem>>
        %dma_wait3A_575 = tpu.memref_squeeze %dma_wait3A_574 : memref<1x128x64xbf16, #tpu.memory_space<vmem>> -> memref<128x64xbf16, #tpu.memory_space<vmem>>
        %dma_wait3A_576 = arith.constant 0 : i32
        %dma_wait3A_577 = tpu.memref_slice %arg8[%add3A_570, %dma_wait3A_576] : memref<80x128xi32, #tpu.memory_space<vmem>> -> memref<1x128xi32, #tpu.memory_space<vmem>>
        %dma_wait3A_578 = tpu.memref_squeeze %dma_wait3A_577 : memref<1x128xi32, #tpu.memory_space<vmem>> -> memref<128xi32, #tpu.memory_space<vmem>>
        %dma_wait3A_579 = arith.constant 0 : i32
        %dma_wait3A_580 = arith.constant 0 : i32
        %dma_wait3A_581 = tpu.memref_slice %arg16[%dma_wait3A_579, %dma_wait3A_580] : memref<20480x64xbf16, #tpu.memory_space<vmem_shared>> -> memref<20480x64xbf16, #tpu.memory_space<vmem_shared>>
        tpu.wait_indirect_dma semaphore(%arg15 : memref<!tpu.dma_semaphore, #tpu.memory_space<semaphore_mem>>) src(%dma_wait3A_575 : memref<128x64xbf16, #tpu.memory_space<vmem>>) dst(%dma_wait3A_581 : memref<20480x64xbf16, #tpu.memory_space<vmem_shared>>)
        %mul3A_582 = arith.constant 4 : i32
        %mul3A_583 = arith.muli %sub3A_551, %mul3A_582 : i32
        %add3A_584 = arith.constant 2 : i32
        %add3A_585 = arith.addi %mul3A_583, %add3A_584 : i32
        %dma_wait3A_586 = arith.constant 2 : i32
        %dma_wait3A_587 = arith.constant 0 : i32
        %dma_wait3A_588 = arith.constant 0 : i32
        %dma_wait3A_589 = tpu.memref_slice %arg10[%dma_wait3A_586, %dma_wait3A_587, %dma_wait3A_588] : memref<4x128x64xbf16, #tpu.memory_space<vmem>> -> memref<1x128x64xbf16, #tpu.memory_space<vmem>>
        %dma_wait3A_590 = tpu.memref_squeeze %dma_wait3A_589 : memref<1x128x64xbf16, #tpu.memory_space<vmem>> -> memref<128x64xbf16, #tpu.memory_space<vmem>>
        %dma_wait3A_591 = arith.constant 0 : i32
        %dma_wait3A_592 = tpu.memref_slice %arg8[%add3A_585, %dma_wait3A_591] : memref<80x128xi32, #tpu.memory_space<vmem>> -> memref<1x128xi32, #tpu.memory_space<vmem>>
        %dma_wait3A_593 = tpu.memref_squeeze %dma_wait3A_592 : memref<1x128xi32, #tpu.memory_space<vmem>> -> memref<128xi32, #tpu.memory_space<vmem>>
        %dma_wait3A_594 = arith.constant 0 : i32
        %dma_wait3A_595 = arith.constant 0 : i32
        %dma_wait3A_596 = tpu.memref_slice %arg16[%dma_wait3A_594, %dma_wait3A_595] : memref<20480x64xbf16, #tpu.memory_space<vmem_shared>> -> memref<20480x64xbf16, #tpu.memory_space<vmem_shared>>
        tpu.wait_indirect_dma semaphore(%arg15 : memref<!tpu.dma_semaphore, #tpu.memory_space<semaphore_mem>>) src(%dma_wait3A_590 : memref<128x64xbf16, #tpu.memory_space<vmem>>) dst(%dma_wait3A_596 : memref<20480x64xbf16, #tpu.memory_space<vmem_shared>>)
        %mul3A_597 = arith.constant 4 : i32
        %mul3A_598 = arith.muli %sub3A_551, %mul3A_597 : i32
        %add3A_599 = arith.constant 3 : i32
        %add3A_600 = arith.addi %mul3A_598, %add3A_599 : i32
        %dma_wait3A_601 = arith.constant 3 : i32
        %dma_wait3A_602 = arith.constant 0 : i32
        %dma_wait3A_603 = arith.constant 0 : i32
        %dma_wait3A_604 = tpu.memref_slice %arg10[%dma_wait3A_601, %dma_wait3A_602, %dma_wait3A_603] : memref<4x128x64xbf16, #tpu.memory_space<vmem>> -> memref<1x128x64xbf16, #tpu.memory_space<vmem>>
        %dma_wait3A_605 = tpu.memref_squeeze %dma_wait3A_604 : memref<1x128x64xbf16, #tpu.memory_space<vmem>> -> memref<128x64xbf16, #tpu.memory_space<vmem>>
        %dma_wait3A_606 = arith.constant 0 : i32
        %dma_wait3A_607 = tpu.memref_slice %arg8[%add3A_600, %dma_wait3A_606] : memref<80x128xi32, #tpu.memory_space<vmem>> -> memref<1x128xi32, #tpu.memory_space<vmem>>
        %dma_wait3A_608 = tpu.memref_squeeze %dma_wait3A_607 : memref<1x128xi32, #tpu.memory_space<vmem>> -> memref<128xi32, #tpu.memory_space<vmem>>
        %dma_wait3A_609 = arith.constant 0 : i32
        %dma_wait3A_610 = arith.constant 0 : i32
        %dma_wait3A_611 = tpu.memref_slice %arg16[%dma_wait3A_609, %dma_wait3A_610] : memref<20480x64xbf16, #tpu.memory_space<vmem_shared>> -> memref<20480x64xbf16, #tpu.memory_space<vmem_shared>>
        tpu.wait_indirect_dma semaphore(%arg15 : memref<!tpu.dma_semaphore, #tpu.memory_space<semaphore_mem>>) src(%dma_wait3A_605 : memref<128x64xbf16, #tpu.memory_space<vmem>>) dst(%dma_wait3A_611 : memref<20480x64xbf16, #tpu.memory_space<vmem_shared>>)
      } else {
      }
      %mul3A_274 = arith.constant 4 : i32
      %mul3A_275 = arith.muli %add3A_135, %mul3A_274 : i32
      %add3A_276 = arith.constant 0 : i32
      %add3A_277 = arith.addi %mul3A_275, %add3A_276 : i32
      %dma_start3A_278 = arith.constant 0 : i32
      %dma_start3A_279 = arith.constant 0 : i32
      %dma_start3A_280 = arith.constant 0 : i32
      %dma_start3A_281 = tpu.memref_slice %arg10[%dma_start3A_278, %dma_start3A_279, %dma_start3A_280] : memref<4x128x64xbf16, #tpu.memory_space<vmem>> -> memref<1x128x64xbf16, #tpu.memory_space<vmem>>
      %dma_start3A_282 = tpu.memref_squeeze %dma_start3A_281 : memref<1x128x64xbf16, #tpu.memory_space<vmem>> -> memref<128x64xbf16, #tpu.memory_space<vmem>>
      %dma_start3A_283 = arith.constant 0 : i32
      %dma_start3A_284 = tpu.memref_slice %arg7[%add3A_277, %dma_start3A_283] : memref<80x128xi32, #tpu.memory_space<vmem>> -> memref<1x128xi32, #tpu.memory_space<vmem>>
      %dma_start3A_285 = tpu.memref_squeeze %dma_start3A_284 : memref<1x128xi32, #tpu.memory_space<vmem>> -> memref<128xi32, #tpu.memory_space<vmem>>
      %dma_start3A_286 = arith.constant 0 : i32
      %dma_start3A_287 = arith.constant 0 : i32
      %dma_start3A_288 = tpu.memref_slice %arg2[%arg0, %dma_start3A_286, %dma_start3A_287] : memref<2x10240x64xbf16, #tpu.memory_space<hbm>> -> memref<1x10240x64xbf16, #tpu.memory_space<hbm>>
      %dma_start3A_289 = tpu.memref_squeeze %dma_start3A_288 : memref<1x10240x64xbf16, #tpu.memory_space<hbm>> -> memref<10240x64xbf16, #tpu.memory_space<hbm>>
      %dma_start3A_290 = arith.constant 0 : i32
      %dma_start3A_291 = arith.constant 0 : i32
      %dma_start3A_292 = tpu.memref_slice %dma_start3A_289[%dma_start3A_290, %dma_start3A_291] : memref<10240x64xbf16, #tpu.memory_space<hbm>> -> memref<10240x64xbf16, #tpu.memory_space<hbm>>
      tpu.enqueue_indirect_dma source(%dma_start3A_292 : memref<10240x64xbf16, #tpu.memory_space<hbm>>) target(%dma_start3A_282 : memref<128x64xbf16, #tpu.memory_space<vmem>>) offsets(%dma_start3A_285 : memref<128xi32, #tpu.memory_space<vmem>>) semaphore(%arg13 : memref<!tpu.dma_semaphore, #tpu.memory_space<semaphore_mem>>)
      %mul3A_293 = arith.constant 4 : i32
      %mul3A_294 = arith.muli %add3A_135, %mul3A_293 : i32
      %add3A_295 = arith.constant 1 : i32
      %add3A_296 = arith.addi %mul3A_294, %add3A_295 : i32
      %dma_start3A_297 = arith.constant 1 : i32
      %dma_start3A_298 = arith.constant 0 : i32
      %dma_start3A_299 = arith.constant 0 : i32
      %dma_start3A_300 = tpu.memref_slice %arg10[%dma_start3A_297, %dma_start3A_298, %dma_start3A_299] : memref<4x128x64xbf16, #tpu.memory_space<vmem>> -> memref<1x128x64xbf16, #tpu.memory_space<vmem>>
      %dma_start3A_301 = tpu.memref_squeeze %dma_start3A_300 : memref<1x128x64xbf16, #tpu.memory_space<vmem>> -> memref<128x64xbf16, #tpu.memory_space<vmem>>
      %dma_start3A_302 = arith.constant 0 : i32
      %dma_start3A_303 = tpu.memref_slice %arg7[%add3A_296, %dma_start3A_302] : memref<80x128xi32, #tpu.memory_space<vmem>> -> memref<1x128xi32, #tpu.memory_space<vmem>>
      %dma_start3A_304 = tpu.memref_squeeze %dma_start3A_303 : memref<1x128xi32, #tpu.memory_space<vmem>> -> memref<128xi32, #tpu.memory_space<vmem>>
      %dma_start3A_305 = arith.constant 0 : i32
      %dma_start3A_306 = arith.constant 0 : i32
      %dma_start3A_307 = tpu.memref_slice %arg2[%arg0, %dma_start3A_305, %dma_start3A_306] : memref<2x10240x64xbf16, #tpu.memory_space<hbm>> -> memref<1x10240x64xbf16, #tpu.memory_space<hbm>>
      %dma_start3A_308 = tpu.memref_squeeze %dma_start3A_307 : memref<1x10240x64xbf16, #tpu.memory_space<hbm>> -> memref<10240x64xbf16, #tpu.memory_space<hbm>>
      %dma_start3A_309 = arith.constant 0 : i32
      %dma_start3A_310 = arith.constant 0 : i32
      %dma_start3A_311 = tpu.memref_slice %dma_start3A_308[%dma_start3A_309, %dma_start3A_310] : memref<10240x64xbf16, #tpu.memory_space<hbm>> -> memref<10240x64xbf16, #tpu.memory_space<hbm>>
      tpu.enqueue_indirect_dma source(%dma_start3A_311 : memref<10240x64xbf16, #tpu.memory_space<hbm>>) target(%dma_start3A_301 : memref<128x64xbf16, #tpu.memory_space<vmem>>) offsets(%dma_start3A_304 : memref<128xi32, #tpu.memory_space<vmem>>) semaphore(%arg13 : memref<!tpu.dma_semaphore, #tpu.memory_space<semaphore_mem>>)
      %mul3A_312 = arith.constant 4 : i32
      %mul3A_313 = arith.muli %add3A_135, %mul3A_312 : i32
      %add3A_314 = arith.constant 2 : i32
      %add3A_315 = arith.addi %mul3A_313, %add3A_314 : i32
      %dma_start3A_316 = arith.constant 2 : i32
      %dma_start3A_317 = arith.constant 0 : i32
      %dma_start3A_318 = arith.constant 0 : i32
      %dma_start3A_319 = tpu.memref_slice %arg10[%dma_start3A_316, %dma_start3A_317, %dma_start3A_318] : memref<4x128x64xbf16, #tpu.memory_space<vmem>> -> memref<1x128x64xbf16, #tpu.memory_space<vmem>>
      %dma_start3A_320 = tpu.memref_squeeze %dma_start3A_319 : memref<1x128x64xbf16, #tpu.memory_space<vmem>> -> memref<128x64xbf16, #tpu.memory_space<vmem>>
      %dma_start3A_321 = arith.constant 0 : i32
      %dma_start3A_322 = tpu.memref_slice %arg7[%add3A_315, %dma_start3A_321] : memref<80x128xi32, #tpu.memory_space<vmem>> -> memref<1x128xi32, #tpu.memory_space<vmem>>
      %dma_start3A_323 = tpu.memref_squeeze %dma_start3A_322 : memref<1x128xi32, #tpu.memory_space<vmem>> -> memref<128xi32, #tpu.memory_space<vmem>>
      %dma_start3A_324 = arith.constant 0 : i32
      %dma_start3A_325 = arith.constant 0 : i32
      %dma_start3A_326 = tpu.memref_slice %arg2[%arg0, %dma_start3A_324, %dma_start3A_325] : memref<2x10240x64xbf16, #tpu.memory_space<hbm>> -> memref<1x10240x64xbf16, #tpu.memory_space<hbm>>
      %dma_start3A_327 = tpu.memref_squeeze %dma_start3A_326 : memref<1x10240x64xbf16, #tpu.memory_space<hbm>> -> memref<10240x64xbf16, #tpu.memory_space<hbm>>
      %dma_start3A_328 = arith.constant 0 : i32
      %dma_start3A_329 = arith.constant 0 : i32
      %dma_start3A_330 = tpu.memref_slice %dma_start3A_327[%dma_start3A_328, %dma_start3A_329] : memref<10240x64xbf16, #tpu.memory_space<hbm>> -> memref<10240x64xbf16, #tpu.memory_space<hbm>>
      tpu.enqueue_indirect_dma source(%dma_start3A_330 : memref<10240x64xbf16, #tpu.memory_space<hbm>>) target(%dma_start3A_320 : memref<128x64xbf16, #tpu.memory_space<vmem>>) offsets(%dma_start3A_323 : memref<128xi32, #tpu.memory_space<vmem>>) semaphore(%arg13 : memref<!tpu.dma_semaphore, #tpu.memory_space<semaphore_mem>>)
      %mul3A_331 = arith.constant 4 : i32
      %mul3A_332 = arith.muli %add3A_135, %mul3A_331 : i32
      %add3A_333 = arith.constant 3 : i32
      %add3A_334 = arith.addi %mul3A_332, %add3A_333 : i32
      %dma_start3A_335 = arith.constant 3 : i32
      %dma_start3A_336 = arith.constant 0 : i32
      %dma_start3A_337 = arith.constant 0 : i32
      %dma_start3A_338 = tpu.memref_slice %arg10[%dma_start3A_335, %dma_start3A_336, %dma_start3A_337] : memref<4x128x64xbf16, #tpu.memory_space<vmem>> -> memref<1x128x64xbf16, #tpu.memory_space<vmem>>
      %dma_start3A_339 = tpu.memref_squeeze %dma_start3A_338 : memref<1x128x64xbf16, #tpu.memory_space<vmem>> -> memref<128x64xbf16, #tpu.memory_space<vmem>>
      %dma_start3A_340 = arith.constant 0 : i32
      %dma_start3A_341 = tpu.memref_slice %arg7[%add3A_334, %dma_start3A_340] : memref<80x128xi32, #tpu.memory_space<vmem>> -> memref<1x128xi32, #tpu.memory_space<vmem>>
      %dma_start3A_342 = tpu.memref_squeeze %dma_start3A_341 : memref<1x128xi32, #tpu.memory_space<vmem>> -> memref<128xi32, #tpu.memory_space<vmem>>
      %dma_start3A_343 = arith.constant 0 : i32
      %dma_start3A_344 = arith.constant 0 : i32
      %dma_start3A_345 = tpu.memref_slice %arg2[%arg0, %dma_start3A_343, %dma_start3A_344] : memref<2x10240x64xbf16, #tpu.memory_space<hbm>> -> memref<1x10240x64xbf16, #tpu.memory_space<hbm>>
      %dma_start3A_346 = tpu.memref_squeeze %dma_start3A_345 : memref<1x10240x64xbf16, #tpu.memory_space<hbm>> -> memref<10240x64xbf16, #tpu.memory_space<hbm>>
      %dma_start3A_347 = arith.constant 0 : i32
      %dma_start3A_348 = arith.constant 0 : i32
      %dma_start3A_349 = tpu.memref_slice %dma_start3A_346[%dma_start3A_347, %dma_start3A_348] : memref<10240x64xbf16, #tpu.memory_space<hbm>> -> memref<10240x64xbf16, #tpu.memory_space<hbm>>
      tpu.enqueue_indirect_dma source(%dma_start3A_349 : memref<10240x64xbf16, #tpu.memory_space<hbm>>) target(%dma_start3A_339 : memref<128x64xbf16, #tpu.memory_space<vmem>>) offsets(%dma_start3A_342 : memref<128xi32, #tpu.memory_space<vmem>>) semaphore(%arg13 : memref<!tpu.dma_semaphore, #tpu.memory_space<semaphore_mem>>)
      %mul3A_350 = arith.constant 4 : i32
      %mul3A_351 = arith.muli %add3A_135, %mul3A_350 : i32
      %add3A_352 = arith.constant 0 : i32
      %add3A_353 = arith.addi %mul3A_351, %add3A_352 : i32
      %dma_wait3A_354 = arith.constant 0 : i32
      %dma_wait3A_355 = arith.constant 0 : i32
      %dma_wait3A_356 = arith.constant 0 : i32
      %dma_wait3A_357 = tpu.memref_slice %arg10[%dma_wait3A_354, %dma_wait3A_355, %dma_wait3A_356] : memref<4x128x64xbf16, #tpu.memory_space<vmem>> -> memref<1x128x64xbf16, #tpu.memory_space<vmem>>
      %dma_wait3A_358 = tpu.memref_squeeze %dma_wait3A_357 : memref<1x128x64xbf16, #tpu.memory_space<vmem>> -> memref<128x64xbf16, #tpu.memory_space<vmem>>
      %dma_wait3A_359 = arith.constant 0 : i32
      %dma_wait3A_360 = tpu.memref_slice %arg7[%add3A_353, %dma_wait3A_359] : memref<80x128xi32, #tpu.memory_space<vmem>> -> memref<1x128xi32, #tpu.memory_space<vmem>>
      %dma_wait3A_361 = tpu.memref_squeeze %dma_wait3A_360 : memref<1x128xi32, #tpu.memory_space<vmem>> -> memref<128xi32, #tpu.memory_space<vmem>>
      %dma_wait3A_362 = arith.constant 0 : i32
      %dma_wait3A_363 = arith.constant 0 : i32
      %dma_wait3A_364 = tpu.memref_slice %arg2[%arg0, %dma_wait3A_362, %dma_wait3A_363] : memref<2x10240x64xbf16, #tpu.memory_space<hbm>> -> memref<1x10240x64xbf16, #tpu.memory_space<hbm>>
      %dma_wait3A_365 = tpu.memref_squeeze %dma_wait3A_364 : memref<1x10240x64xbf16, #tpu.memory_space<hbm>> -> memref<10240x64xbf16, #tpu.memory_space<hbm>>
      %dma_wait3A_366 = arith.constant 0 : i32
      %dma_wait3A_367 = arith.constant 0 : i32
      %dma_wait3A_368 = tpu.memref_slice %dma_wait3A_365[%dma_wait3A_366, %dma_wait3A_367] : memref<10240x64xbf16, #tpu.memory_space<hbm>> -> memref<10240x64xbf16, #tpu.memory_space<hbm>>
      tpu.wait_indirect_dma semaphore(%arg13 : memref<!tpu.dma_semaphore, #tpu.memory_space<semaphore_mem>>) src(%dma_wait3A_368 : memref<10240x64xbf16, #tpu.memory_space<hbm>>) dst(%dma_wait3A_358 : memref<128x64xbf16, #tpu.memory_space<vmem>>)
      %mul3A_369 = arith.constant 4 : i32
      %mul3A_370 = arith.muli %add3A_135, %mul3A_369 : i32
      %add3A_371 = arith.constant 1 : i32
      %add3A_372 = arith.addi %mul3A_370, %add3A_371 : i32
      %dma_wait3A_373 = arith.constant 1 : i32
      %dma_wait3A_374 = arith.constant 0 : i32
      %dma_wait3A_375 = arith.constant 0 : i32
      %dma_wait3A_376 = tpu.memref_slice %arg10[%dma_wait3A_373, %dma_wait3A_374, %dma_wait3A_375] : memref<4x128x64xbf16, #tpu.memory_space<vmem>> -> memref<1x128x64xbf16, #tpu.memory_space<vmem>>
      %dma_wait3A_377 = tpu.memref_squeeze %dma_wait3A_376 : memref<1x128x64xbf16, #tpu.memory_space<vmem>> -> memref<128x64xbf16, #tpu.memory_space<vmem>>
      %dma_wait3A_378 = arith.constant 0 : i32
      %dma_wait3A_379 = tpu.memref_slice %arg7[%add3A_372, %dma_wait3A_378] : memref<80x128xi32, #tpu.memory_space<vmem>> -> memref<1x128xi32, #tpu.memory_space<vmem>>
      %dma_wait3A_380 = tpu.memref_squeeze %dma_wait3A_379 : memref<1x128xi32, #tpu.memory_space<vmem>> -> memref<128xi32, #tpu.memory_space<vmem>>
      %dma_wait3A_381 = arith.constant 0 : i32
      %dma_wait3A_382 = arith.constant 0 : i32
      %dma_wait3A_383 = tpu.memref_slice %arg2[%arg0, %dma_wait3A_381, %dma_wait3A_382] : memref<2x10240x64xbf16, #tpu.memory_space<hbm>> -> memref<1x10240x64xbf16, #tpu.memory_space<hbm>>
      %dma_wait3A_384 = tpu.memref_squeeze %dma_wait3A_383 : memref<1x10240x64xbf16, #tpu.memory_space<hbm>> -> memref<10240x64xbf16, #tpu.memory_space<hbm>>
      %dma_wait3A_385 = arith.constant 0 : i32
      %dma_wait3A_386 = arith.constant 0 : i32
      %dma_wait3A_387 = tpu.memref_slice %dma_wait3A_384[%dma_wait3A_385, %dma_wait3A_386] : memref<10240x64xbf16, #tpu.memory_space<hbm>> -> memref<10240x64xbf16, #tpu.memory_space<hbm>>
      tpu.wait_indirect_dma semaphore(%arg13 : memref<!tpu.dma_semaphore, #tpu.memory_space<semaphore_mem>>) src(%dma_wait3A_387 : memref<10240x64xbf16, #tpu.memory_space<hbm>>) dst(%dma_wait3A_377 : memref<128x64xbf16, #tpu.memory_space<vmem>>)
      %mul3A_388 = arith.constant 4 : i32
      %mul3A_389 = arith.muli %add3A_135, %mul3A_388 : i32
      %add3A_390 = arith.constant 2 : i32
      %add3A_391 = arith.addi %mul3A_389, %add3A_390 : i32
      %dma_wait3A_392 = arith.constant 2 : i32
      %dma_wait3A_393 = arith.constant 0 : i32
      %dma_wait3A_394 = arith.constant 0 : i32
      %dma_wait3A_395 = tpu.memref_slice %arg10[%dma_wait3A_392, %dma_wait3A_393, %dma_wait3A_394] : memref<4x128x64xbf16, #tpu.memory_space<vmem>> -> memref<1x128x64xbf16, #tpu.memory_space<vmem>>
      %dma_wait3A_396 = tpu.memref_squeeze %dma_wait3A_395 : memref<1x128x64xbf16, #tpu.memory_space<vmem>> -> memref<128x64xbf16, #tpu.memory_space<vmem>>
      %dma_wait3A_397 = arith.constant 0 : i32
      %dma_wait3A_398 = tpu.memref_slice %arg7[%add3A_391, %dma_wait3A_397] : memref<80x128xi32, #tpu.memory_space<vmem>> -> memref<1x128xi32, #tpu.memory_space<vmem>>
      %dma_wait3A_399 = tpu.memref_squeeze %dma_wait3A_398 : memref<1x128xi32, #tpu.memory_space<vmem>> -> memref<128xi32, #tpu.memory_space<vmem>>
      %dma_wait3A_400 = arith.constant 0 : i32
      %dma_wait3A_401 = arith.constant 0 : i32
      %dma_wait3A_402 = tpu.memref_slice %arg2[%arg0, %dma_wait3A_400, %dma_wait3A_401] : memref<2x10240x64xbf16, #tpu.memory_space<hbm>> -> memref<1x10240x64xbf16, #tpu.memory_space<hbm>>
      %dma_wait3A_403 = tpu.memref_squeeze %dma_wait3A_402 : memref<1x10240x64xbf16, #tpu.memory_space<hbm>> -> memref<10240x64xbf16, #tpu.memory_space<hbm>>
      %dma_wait3A_404 = arith.constant 0 : i32
      %dma_wait3A_405 = arith.constant 0 : i32
      %dma_wait3A_406 = tpu.memref_slice %dma_wait3A_403[%dma_wait3A_404, %dma_wait3A_405] : memref<10240x64xbf16, #tpu.memory_space<hbm>> -> memref<10240x64xbf16, #tpu.memory_space<hbm>>
      tpu.wait_indirect_dma semaphore(%arg13 : memref<!tpu.dma_semaphore, #tpu.memory_space<semaphore_mem>>) src(%dma_wait3A_406 : memref<10240x64xbf16, #tpu.memory_space<hbm>>) dst(%dma_wait3A_396 : memref<128x64xbf16, #tpu.memory_space<vmem>>)
      %mul3A_407 = arith.constant 4 : i32
      %mul3A_408 = arith.muli %add3A_135, %mul3A_407 : i32
      %add3A_409 = arith.constant 3 : i32
      %add3A_410 = arith.addi %mul3A_408, %add3A_409 : i32
      %dma_wait3A_411 = arith.constant 3 : i32
      %dma_wait3A_412 = arith.constant 0 : i32
      %dma_wait3A_413 = arith.constant 0 : i32
      %dma_wait3A_414 = tpu.memref_slice %arg10[%dma_wait3A_411, %dma_wait3A_412, %dma_wait3A_413] : memref<4x128x64xbf16, #tpu.memory_space<vmem>> -> memref<1x128x64xbf16, #tpu.memory_space<vmem>>
      %dma_wait3A_415 = tpu.memref_squeeze %dma_wait3A_414 : memref<1x128x64xbf16, #tpu.memory_space<vmem>> -> memref<128x64xbf16, #tpu.memory_space<vmem>>
      %dma_wait3A_416 = arith.constant 0 : i32
      %dma_wait3A_417 = tpu.memref_slice %arg7[%add3A_410, %dma_wait3A_416] : memref<80x128xi32, #tpu.memory_space<vmem>> -> memref<1x128xi32, #tpu.memory_space<vmem>>
      %dma_wait3A_418 = tpu.memref_squeeze %dma_wait3A_417 : memref<1x128xi32, #tpu.memory_space<vmem>> -> memref<128xi32, #tpu.memory_space<vmem>>
      %dma_wait3A_419 = arith.constant 0 : i32
      %dma_wait3A_420 = arith.constant 0 : i32
      %dma_wait3A_421 = tpu.memref_slice %arg2[%arg0, %dma_wait3A_419, %dma_wait3A_420] : memref<2x10240x64xbf16, #tpu.memory_space<hbm>> -> memref<1x10240x64xbf16, #tpu.memory_space<hbm>>
      %dma_wait3A_422 = tpu.memref_squeeze %dma_wait3A_421 : memref<1x10240x64xbf16, #tpu.memory_space<hbm>> -> memref<10240x64xbf16, #tpu.memory_space<hbm>>
      %dma_wait3A_423 = arith.constant 0 : i32
      %dma_wait3A_424 = arith.constant 0 : i32
      %dma_wait3A_425 = tpu.memref_slice %dma_wait3A_422[%dma_wait3A_423, %dma_wait3A_424] : memref<10240x64xbf16, #tpu.memory_space<hbm>> -> memref<10240x64xbf16, #tpu.memory_space<hbm>>
      tpu.wait_indirect_dma semaphore(%arg13 : memref<!tpu.dma_semaphore, #tpu.memory_space<semaphore_mem>>) src(%dma_wait3A_425 : memref<10240x64xbf16, #tpu.memory_space<hbm>>) dst(%dma_wait3A_415 : memref<128x64xbf16, #tpu.memory_space<vmem>>)
      %mul3A_426 = arith.constant 4 : i32
      %mul3A_427 = arith.muli %add3A_135, %mul3A_426 : i32
      %add3A_428 = arith.constant 0 : i32
      %add3A_429 = arith.addi %mul3A_427, %add3A_428 : i32
      %dma_start3A_430 = arith.constant 0 : i32
      %dma_start3A_431 = arith.constant 0 : i32
      %dma_start3A_432 = arith.constant 0 : i32
      %dma_start3A_433 = tpu.memref_slice %arg10[%dma_start3A_430, %dma_start3A_431, %dma_start3A_432] : memref<4x128x64xbf16, #tpu.memory_space<vmem>> -> memref<1x128x64xbf16, #tpu.memory_space<vmem>>
      %dma_start3A_434 = tpu.memref_squeeze %dma_start3A_433 : memref<1x128x64xbf16, #tpu.memory_space<vmem>> -> memref<128x64xbf16, #tpu.memory_space<vmem>>
      %dma_start3A_435 = arith.constant 0 : i32
      %dma_start3A_436 = tpu.memref_slice %arg8[%add3A_429, %dma_start3A_435] : memref<80x128xi32, #tpu.memory_space<vmem>> -> memref<1x128xi32, #tpu.memory_space<vmem>>
      %dma_start3A_437 = tpu.memref_squeeze %dma_start3A_436 : memref<1x128xi32, #tpu.memory_space<vmem>> -> memref<128xi32, #tpu.memory_space<vmem>>
      %dma_start3A_438 = arith.constant 0 : i32
      %dma_start3A_439 = arith.constant 0 : i32
      %dma_start3A_440 = tpu.memref_slice %arg16[%dma_start3A_438, %dma_start3A_439] : memref<20480x64xbf16, #tpu.memory_space<vmem_shared>> -> memref<20480x64xbf16, #tpu.memory_space<vmem_shared>>
      tpu.enqueue_indirect_dma source(%dma_start3A_434 : memref<128x64xbf16, #tpu.memory_space<vmem>>) target(%dma_start3A_440 : memref<20480x64xbf16, #tpu.memory_space<vmem_shared>>) offsets(%dma_start3A_437 : memref<128xi32, #tpu.memory_space<vmem>>) semaphore(%arg15 : memref<!tpu.dma_semaphore, #tpu.memory_space<semaphore_mem>>) {add = true}
      %mul3A_441 = arith.constant 4 : i32
      %mul3A_442 = arith.muli %add3A_135, %mul3A_441 : i32
      %add3A_443 = arith.constant 1 : i32
      %add3A_444 = arith.addi %mul3A_442, %add3A_443 : i32
      %dma_start3A_445 = arith.constant 1 : i32
      %dma_start3A_446 = arith.constant 0 : i32
      %dma_start3A_447 = arith.constant 0 : i32
      %dma_start3A_448 = tpu.memref_slice %arg10[%dma_start3A_445, %dma_start3A_446, %dma_start3A_447] : memref<4x128x64xbf16, #tpu.memory_space<vmem>> -> memref<1x128x64xbf16, #tpu.memory_space<vmem>>
      %dma_start3A_449 = tpu.memref_squeeze %dma_start3A_448 : memref<1x128x64xbf16, #tpu.memory_space<vmem>> -> memref<128x64xbf16, #tpu.memory_space<vmem>>
      %dma_start3A_450 = arith.constant 0 : i32
      %dma_start3A_451 = tpu.memref_slice %arg8[%add3A_444, %dma_start3A_450] : memref<80x128xi32, #tpu.memory_space<vmem>> -> memref<1x128xi32, #tpu.memory_space<vmem>>
      %dma_start3A_452 = tpu.memref_squeeze %dma_start3A_451 : memref<1x128xi32, #tpu.memory_space<vmem>> -> memref<128xi32, #tpu.memory_space<vmem>>
      %dma_start3A_453 = arith.constant 0 : i32
      %dma_start3A_454 = arith.constant 0 : i32
      %dma_start3A_455 = tpu.memref_slice %arg16[%dma_start3A_453, %dma_start3A_454] : memref<20480x64xbf16, #tpu.memory_space<vmem_shared>> -> memref<20480x64xbf16, #tpu.memory_space<vmem_shared>>
      tpu.enqueue_indirect_dma source(%dma_start3A_449 : memref<128x64xbf16, #tpu.memory_space<vmem>>) target(%dma_start3A_455 : memref<20480x64xbf16, #tpu.memory_space<vmem_shared>>) offsets(%dma_start3A_452 : memref<128xi32, #tpu.memory_space<vmem>>) semaphore(%arg15 : memref<!tpu.dma_semaphore, #tpu.memory_space<semaphore_mem>>) {add = true}
      %mul3A_456 = arith.constant 4 : i32
      %mul3A_457 = arith.muli %add3A_135, %mul3A_456 : i32
      %add3A_458 = arith.constant 2 : i32
      %add3A_459 = arith.addi %mul3A_457, %add3A_458 : i32
      %dma_start3A_460 = arith.constant 2 : i32
      %dma_start3A_461 = arith.constant 0 : i32
      %dma_start3A_462 = arith.constant 0 : i32
      %dma_start3A_463 = tpu.memref_slice %arg10[%dma_start3A_460, %dma_start3A_461, %dma_start3A_462] : memref<4x128x64xbf16, #tpu.memory_space<vmem>> -> memref<1x128x64xbf16, #tpu.memory_space<vmem>>
      %dma_start3A_464 = tpu.memref_squeeze %dma_start3A_463 : memref<1x128x64xbf16, #tpu.memory_space<vmem>> -> memref<128x64xbf16, #tpu.memory_space<vmem>>
      %dma_start3A_465 = arith.constant 0 : i32
      %dma_start3A_466 = tpu.memref_slice %arg8[%add3A_459, %dma_start3A_465] : memref<80x128xi32, #tpu.memory_space<vmem>> -> memref<1x128xi32, #tpu.memory_space<vmem>>
      %dma_start3A_467 = tpu.memref_squeeze %dma_start3A_466 : memref<1x128xi32, #tpu.memory_space<vmem>> -> memref<128xi32, #tpu.memory_space<vmem>>
      %dma_start3A_468 = arith.constant 0 : i32
      %dma_start3A_469 = arith.constant 0 : i32
      %dma_start3A_470 = tpu.memref_slice %arg16[%dma_start3A_468, %dma_start3A_469] : memref<20480x64xbf16, #tpu.memory_space<vmem_shared>> -> memref<20480x64xbf16, #tpu.memory_space<vmem_shared>>
      tpu.enqueue_indirect_dma source(%dma_start3A_464 : memref<128x64xbf16, #tpu.memory_space<vmem>>) target(%dma_start3A_470 : memref<20480x64xbf16, #tpu.memory_space<vmem_shared>>) offsets(%dma_start3A_467 : memref<128xi32, #tpu.memory_space<vmem>>) semaphore(%arg15 : memref<!tpu.dma_semaphore, #tpu.memory_space<semaphore_mem>>) {add = true}
      %mul3A_471 = arith.constant 4 : i32
      %mul3A_472 = arith.muli %add3A_135, %mul3A_471 : i32
      %add3A_473 = arith.constant 3 : i32
      %add3A_474 = arith.addi %mul3A_472, %add3A_473 : i32
      %dma_start3A_475 = arith.constant 3 : i32
      %dma_start3A_476 = arith.constant 0 : i32
      %dma_start3A_477 = arith.constant 0 : i32
      %dma_start3A_478 = tpu.memref_slice %arg10[%dma_start3A_475, %dma_start3A_476, %dma_start3A_477] : memref<4x128x64xbf16, #tpu.memory_space<vmem>> -> memref<1x128x64xbf16, #tpu.memory_space<vmem>>
      %dma_start3A_479 = tpu.memref_squeeze %dma_start3A_478 : memref<1x128x64xbf16, #tpu.memory_space<vmem>> -> memref<128x64xbf16, #tpu.memory_space<vmem>>
      %dma_start3A_480 = arith.constant 0 : i32
      %dma_start3A_481 = tpu.memref_slice %arg8[%add3A_474, %dma_start3A_480] : memref<80x128xi32, #tpu.memory_space<vmem>> -> memref<1x128xi32, #tpu.memory_space<vmem>>
      %dma_start3A_482 = tpu.memref_squeeze %dma_start3A_481 : memref<1x128xi32, #tpu.memory_space<vmem>> -> memref<128xi32, #tpu.memory_space<vmem>>
      %dma_start3A_483 = arith.constant 0 : i32
      %dma_start3A_484 = arith.constant 0 : i32
      %dma_start3A_485 = tpu.memref_slice %arg16[%dma_start3A_483, %dma_start3A_484] : memref<20480x64xbf16, #tpu.memory_space<vmem_shared>> -> memref<20480x64xbf16, #tpu.memory_space<vmem_shared>>
      tpu.enqueue_indirect_dma source(%dma_start3A_479 : memref<128x64xbf16, #tpu.memory_space<vmem>>) target(%dma_start3A_485 : memref<20480x64xbf16, #tpu.memory_space<vmem_shared>>) offsets(%dma_start3A_482 : memref<128xi32, #tpu.memory_space<vmem>>) semaphore(%arg15 : memref<!tpu.dma_semaphore, #tpu.memory_space<semaphore_mem>>) {add = true}
      %mul3A_486 = arith.constant 4 : i32
      %mul3A_487 = arith.muli %mul3A_132, %mul3A_486 : i32
      %add3A_488 = arith.constant 0 : i32
      %add3A_489 = arith.addi %mul3A_487, %add3A_488 : i32
      %dma_wait3A_490 = arith.constant 0 : i32
      %dma_wait3A_491 = arith.constant 0 : i32
      %dma_wait3A_492 = arith.constant 0 : i32
      %dma_wait3A_493 = tpu.memref_slice %arg9[%dma_wait3A_490, %dma_wait3A_491, %dma_wait3A_492] : memref<4x128x64xbf16, #tpu.memory_space<vmem>> -> memref<1x128x64xbf16, #tpu.memory_space<vmem>>
      %dma_wait3A_494 = tpu.memref_squeeze %dma_wait3A_493 : memref<1x128x64xbf16, #tpu.memory_space<vmem>> -> memref<128x64xbf16, #tpu.memory_space<vmem>>
      %dma_wait3A_495 = arith.constant 0 : i32
      %dma_wait3A_496 = tpu.memref_slice %arg8[%add3A_489, %dma_wait3A_495] : memref<80x128xi32, #tpu.memory_space<vmem>> -> memref<1x128xi32, #tpu.memory_space<vmem>>
      %dma_wait3A_497 = tpu.memref_squeeze %dma_wait3A_496 : memref<1x128xi32, #tpu.memory_space<vmem>> -> memref<128xi32, #tpu.memory_space<vmem>>
      %dma_wait3A_498 = arith.constant 0 : i32
      %dma_wait3A_499 = arith.constant 0 : i32
      %dma_wait3A_500 = tpu.memref_slice %arg16[%dma_wait3A_498, %dma_wait3A_499] : memref<20480x64xbf16, #tpu.memory_space<vmem_shared>> -> memref<20480x64xbf16, #tpu.memory_space<vmem_shared>>
      tpu.wait_indirect_dma semaphore(%arg14 : memref<!tpu.dma_semaphore, #tpu.memory_space<semaphore_mem>>) src(%dma_wait3A_494 : memref<128x64xbf16, #tpu.memory_space<vmem>>) dst(%dma_wait3A_500 : memref<20480x64xbf16, #tpu.memory_space<vmem_shared>>)
      %mul3A_501 = arith.constant 4 : i32
      %mul3A_502 = arith.muli %mul3A_132, %mul3A_501 : i32
      %add3A_503 = arith.constant 1 : i32
      %add3A_504 = arith.addi %mul3A_502, %add3A_503 : i32
      %dma_wait3A_505 = arith.constant 1 : i32
      %dma_wait3A_506 = arith.constant 0 : i32
      %dma_wait3A_507 = arith.constant 0 : i32
      %dma_wait3A_508 = tpu.memref_slice %arg9[%dma_wait3A_505, %dma_wait3A_506, %dma_wait3A_507] : memref<4x128x64xbf16, #tpu.memory_space<vmem>> -> memref<1x128x64xbf16, #tpu.memory_space<vmem>>
      %dma_wait3A_509 = tpu.memref_squeeze %dma_wait3A_508 : memref<1x128x64xbf16, #tpu.memory_space<vmem>> -> memref<128x64xbf16, #tpu.memory_space<vmem>>
      %dma_wait3A_510 = arith.constant 0 : i32
      %dma_wait3A_511 = tpu.memref_slice %arg8[%add3A_504, %dma_wait3A_510] : memref<80x128xi32, #tpu.memory_space<vmem>> -> memref<1x128xi32, #tpu.memory_space<vmem>>
      %dma_wait3A_512 = tpu.memref_squeeze %dma_wait3A_511 : memref<1x128xi32, #tpu.memory_space<vmem>> -> memref<128xi32, #tpu.memory_space<vmem>>
      %dma_wait3A_513 = arith.constant 0 : i32
      %dma_wait3A_514 = arith.constant 0 : i32
      %dma_wait3A_515 = tpu.memref_slice %arg16[%dma_wait3A_513, %dma_wait3A_514] : memref<20480x64xbf16, #tpu.memory_space<vmem_shared>> -> memref<20480x64xbf16, #tpu.memory_space<vmem_shared>>
      tpu.wait_indirect_dma semaphore(%arg14 : memref<!tpu.dma_semaphore, #tpu.memory_space<semaphore_mem>>) src(%dma_wait3A_509 : memref<128x64xbf16, #tpu.memory_space<vmem>>) dst(%dma_wait3A_515 : memref<20480x64xbf16, #tpu.memory_space<vmem_shared>>)
      %mul3A_516 = arith.constant 4 : i32
      %mul3A_517 = arith.muli %mul3A_132, %mul3A_516 : i32
      %add3A_518 = arith.constant 2 : i32
      %add3A_519 = arith.addi %mul3A_517, %add3A_518 : i32
      %dma_wait3A_520 = arith.constant 2 : i32
      %dma_wait3A_521 = arith.constant 0 : i32
      %dma_wait3A_522 = arith.constant 0 : i32
      %dma_wait3A_523 = tpu.memref_slice %arg9[%dma_wait3A_520, %dma_wait3A_521, %dma_wait3A_522] : memref<4x128x64xbf16, #tpu.memory_space<vmem>> -> memref<1x128x64xbf16, #tpu.memory_space<vmem>>
      %dma_wait3A_524 = tpu.memref_squeeze %dma_wait3A_523 : memref<1x128x64xbf16, #tpu.memory_space<vmem>> -> memref<128x64xbf16, #tpu.memory_space<vmem>>
      %dma_wait3A_525 = arith.constant 0 : i32
      %dma_wait3A_526 = tpu.memref_slice %arg8[%add3A_519, %dma_wait3A_525] : memref<80x128xi32, #tpu.memory_space<vmem>> -> memref<1x128xi32, #tpu.memory_space<vmem>>
      %dma_wait3A_527 = tpu.memref_squeeze %dma_wait3A_526 : memref<1x128xi32, #tpu.memory_space<vmem>> -> memref<128xi32, #tpu.memory_space<vmem>>
      %dma_wait3A_528 = arith.constant 0 : i32
      %dma_wait3A_529 = arith.constant 0 : i32
      %dma_wait3A_530 = tpu.memref_slice %arg16[%dma_wait3A_528, %dma_wait3A_529] : memref<20480x64xbf16, #tpu.memory_space<vmem_shared>> -> memref<20480x64xbf16, #tpu.memory_space<vmem_shared>>
      tpu.wait_indirect_dma semaphore(%arg14 : memref<!tpu.dma_semaphore, #tpu.memory_space<semaphore_mem>>) src(%dma_wait3A_524 : memref<128x64xbf16, #tpu.memory_space<vmem>>) dst(%dma_wait3A_530 : memref<20480x64xbf16, #tpu.memory_space<vmem_shared>>)
      %mul3A_531 = arith.constant 4 : i32
      %mul3A_532 = arith.muli %mul3A_132, %mul3A_531 : i32
      %add3A_533 = arith.constant 3 : i32
      %add3A_534 = arith.addi %mul3A_532, %add3A_533 : i32
      %dma_wait3A_535 = arith.constant 3 : i32
      %dma_wait3A_536 = arith.constant 0 : i32
      %dma_wait3A_537 = arith.constant 0 : i32
      %dma_wait3A_538 = tpu.memref_slice %arg9[%dma_wait3A_535, %dma_wait3A_536, %dma_wait3A_537] : memref<4x128x64xbf16, #tpu.memory_space<vmem>> -> memref<1x128x64xbf16, #tpu.memory_space<vmem>>
      %dma_wait3A_539 = tpu.memref_squeeze %dma_wait3A_538 : memref<1x128x64xbf16, #tpu.memory_space<vmem>> -> memref<128x64xbf16, #tpu.memory_space<vmem>>
      %dma_wait3A_540 = arith.constant 0 : i32
      %dma_wait3A_541 = tpu.memref_slice %arg8[%add3A_534, %dma_wait3A_540] : memref<80x128xi32, #tpu.memory_space<vmem>> -> memref<1x128xi32, #tpu.memory_space<vmem>>
      %dma_wait3A_542 = tpu.memref_squeeze %dma_wait3A_541 : memref<1x128xi32, #tpu.memory_space<vmem>> -> memref<128xi32, #tpu.memory_space<vmem>>
      %dma_wait3A_543 = arith.constant 0 : i32
      %dma_wait3A_544 = arith.constant 0 : i32
      %dma_wait3A_545 = tpu.memref_slice %arg16[%dma_wait3A_543, %dma_wait3A_544] : memref<20480x64xbf16, #tpu.memory_space<vmem_shared>> -> memref<20480x64xbf16, #tpu.memory_space<vmem_shared>>
      tpu.wait_indirect_dma semaphore(%arg14 : memref<!tpu.dma_semaphore, #tpu.memory_space<semaphore_mem>>) src(%dma_wait3A_539 : memref<128x64xbf16, #tpu.memory_space<vmem>>) dst(%dma_wait3A_545 : memref<20480x64xbf16, #tpu.memory_space<vmem_shared>>)
      %lt3A = arith.constant 9 : i32
      %lt3A_546 = arith.cmpi slt, %scan3A_129, %lt3A : i32
      %convert_element_type3A_547 = arith.extui %lt3A_546 : i1 to i32
      %cond3A_548 = arith.constant 0 : i32
      %cond3A_549 = arith.cmpi ne, %convert_element_type3A_547, %cond3A_548 : i32
      scf.if %cond3A_549 {
        %add3A_551 = arith.constant 2 : i32
        %add3A_552 = arith.addi %mul3A_132, %add3A_551 : i32
        %mul3A_553 = arith.constant 4 : i32
        %mul3A_554 = arith.muli %add3A_552, %mul3A_553 : i32
        %add3A_555 = arith.constant 0 : i32
        %add3A_556 = arith.addi %mul3A_554, %add3A_555 : i32
        %dma_start3A_557 = arith.constant 0 : i32
        %dma_start3A_558 = arith.constant 0 : i32
        %dma_start3A_559 = arith.constant 0 : i32
        %dma_start3A_560 = tpu.memref_slice %arg9[%dma_start3A_557, %dma_start3A_558, %dma_start3A_559] : memref<4x128x64xbf16, #tpu.memory_space<vmem>> -> memref<1x128x64xbf16, #tpu.memory_space<vmem>>
        %dma_start3A_561 = tpu.memref_squeeze %dma_start3A_560 : memref<1x128x64xbf16, #tpu.memory_space<vmem>> -> memref<128x64xbf16, #tpu.memory_space<vmem>>
        %dma_start3A_562 = arith.constant 0 : i32
        %dma_start3A_563 = tpu.memref_slice %arg7[%add3A_556, %dma_start3A_562] : memref<80x128xi32, #tpu.memory_space<vmem>> -> memref<1x128xi32, #tpu.memory_space<vmem>>
        %dma_start3A_564 = tpu.memref_squeeze %dma_start3A_563 : memref<1x128xi32, #tpu.memory_space<vmem>> -> memref<128xi32, #tpu.memory_space<vmem>>
        %dma_start3A_565 = arith.constant 0 : i32
        %dma_start3A_566 = arith.constant 0 : i32
        %dma_start3A_567 = tpu.memref_slice %arg2[%arg0, %dma_start3A_565, %dma_start3A_566] : memref<2x10240x64xbf16, #tpu.memory_space<hbm>> -> memref<1x10240x64xbf16, #tpu.memory_space<hbm>>
        %dma_start3A_568 = tpu.memref_squeeze %dma_start3A_567 : memref<1x10240x64xbf16, #tpu.memory_space<hbm>> -> memref<10240x64xbf16, #tpu.memory_space<hbm>>
        %dma_start3A_569 = arith.constant 0 : i32
        %dma_start3A_570 = arith.constant 0 : i32
        %dma_start3A_571 = tpu.memref_slice %dma_start3A_568[%dma_start3A_569, %dma_start3A_570] : memref<10240x64xbf16, #tpu.memory_space<hbm>> -> memref<10240x64xbf16, #tpu.memory_space<hbm>>
        tpu.enqueue_indirect_dma source(%dma_start3A_571 : memref<10240x64xbf16, #tpu.memory_space<hbm>>) target(%dma_start3A_561 : memref<128x64xbf16, #tpu.memory_space<vmem>>) offsets(%dma_start3A_564 : memref<128xi32, #tpu.memory_space<vmem>>) semaphore(%arg12 : memref<!tpu.dma_semaphore, #tpu.memory_space<semaphore_mem>>)
        %mul3A_572 = arith.constant 4 : i32
        %mul3A_573 = arith.muli %add3A_552, %mul3A_572 : i32
        %add3A_574 = arith.constant 1 : i32
        %add3A_575 = arith.addi %mul3A_573, %add3A_574 : i32
        %dma_start3A_576 = arith.constant 1 : i32
        %dma_start3A_577 = arith.constant 0 : i32
        %dma_start3A_578 = arith.constant 0 : i32
        %dma_start3A_579 = tpu.memref_slice %arg9[%dma_start3A_576, %dma_start3A_577, %dma_start3A_578] : memref<4x128x64xbf16, #tpu.memory_space<vmem>> -> memref<1x128x64xbf16, #tpu.memory_space<vmem>>
        %dma_start3A_580 = tpu.memref_squeeze %dma_start3A_579 : memref<1x128x64xbf16, #tpu.memory_space<vmem>> -> memref<128x64xbf16, #tpu.memory_space<vmem>>
        %dma_start3A_581 = arith.constant 0 : i32
        %dma_start3A_582 = tpu.memref_slice %arg7[%add3A_575, %dma_start3A_581] : memref<80x128xi32, #tpu.memory_space<vmem>> -> memref<1x128xi32, #tpu.memory_space<vmem>>
        %dma_start3A_583 = tpu.memref_squeeze %dma_start3A_582 : memref<1x128xi32, #tpu.memory_space<vmem>> -> memref<128xi32, #tpu.memory_space<vmem>>
        %dma_start3A_584 = arith.constant 0 : i32
        %dma_start3A_585 = arith.constant 0 : i32
        %dma_start3A_586 = tpu.memref_slice %arg2[%arg0, %dma_start3A_584, %dma_start3A_585] : memref<2x10240x64xbf16, #tpu.memory_space<hbm>> -> memref<1x10240x64xbf16, #tpu.memory_space<hbm>>
        %dma_start3A_587 = tpu.memref_squeeze %dma_start3A_586 : memref<1x10240x64xbf16, #tpu.memory_space<hbm>> -> memref<10240x64xbf16, #tpu.memory_space<hbm>>
        %dma_start3A_588 = arith.constant 0 : i32
        %dma_start3A_589 = arith.constant 0 : i32
        %dma_start3A_590 = tpu.memref_slice %dma_start3A_587[%dma_start3A_588, %dma_start3A_589] : memref<10240x64xbf16, #tpu.memory_space<hbm>> -> memref<10240x64xbf16, #tpu.memory_space<hbm>>
        tpu.enqueue_indirect_dma source(%dma_start3A_590 : memref<10240x64xbf16, #tpu.memory_space<hbm>>) target(%dma_start3A_580 : memref<128x64xbf16, #tpu.memory_space<vmem>>) offsets(%dma_start3A_583 : memref<128xi32, #tpu.memory_space<vmem>>) semaphore(%arg12 : memref<!tpu.dma_semaphore, #tpu.memory_space<semaphore_mem>>)
        %mul3A_591 = arith.constant 4 : i32
        %mul3A_592 = arith.muli %add3A_552, %mul3A_591 : i32
        %add3A_593 = arith.constant 2 : i32
        %add3A_594 = arith.addi %mul3A_592, %add3A_593 : i32
        %dma_start3A_595 = arith.constant 2 : i32
        %dma_start3A_596 = arith.constant 0 : i32
        %dma_start3A_597 = arith.constant 0 : i32
        %dma_start3A_598 = tpu.memref_slice %arg9[%dma_start3A_595, %dma_start3A_596, %dma_start3A_597] : memref<4x128x64xbf16, #tpu.memory_space<vmem>> -> memref<1x128x64xbf16, #tpu.memory_space<vmem>>
        %dma_start3A_599 = tpu.memref_squeeze %dma_start3A_598 : memref<1x128x64xbf16, #tpu.memory_space<vmem>> -> memref<128x64xbf16, #tpu.memory_space<vmem>>
        %dma_start3A_600 = arith.constant 0 : i32
        %dma_start3A_601 = tpu.memref_slice %arg7[%add3A_594, %dma_start3A_600] : memref<80x128xi32, #tpu.memory_space<vmem>> -> memref<1x128xi32, #tpu.memory_space<vmem>>
        %dma_start3A_602 = tpu.memref_squeeze %dma_start3A_601 : memref<1x128xi32, #tpu.memory_space<vmem>> -> memref<128xi32, #tpu.memory_space<vmem>>
        %dma_start3A_603 = arith.constant 0 : i32
        %dma_start3A_604 = arith.constant 0 : i32
        %dma_start3A_605 = tpu.memref_slice %arg2[%arg0, %dma_start3A_603, %dma_start3A_604] : memref<2x10240x64xbf16, #tpu.memory_space<hbm>> -> memref<1x10240x64xbf16, #tpu.memory_space<hbm>>
        %dma_start3A_606 = tpu.memref_squeeze %dma_start3A_605 : memref<1x10240x64xbf16, #tpu.memory_space<hbm>> -> memref<10240x64xbf16, #tpu.memory_space<hbm>>
        %dma_start3A_607 = arith.constant 0 : i32
        %dma_start3A_608 = arith.constant 0 : i32
        %dma_start3A_609 = tpu.memref_slice %dma_start3A_606[%dma_start3A_607, %dma_start3A_608] : memref<10240x64xbf16, #tpu.memory_space<hbm>> -> memref<10240x64xbf16, #tpu.memory_space<hbm>>
        tpu.enqueue_indirect_dma source(%dma_start3A_609 : memref<10240x64xbf16, #tpu.memory_space<hbm>>) target(%dma_start3A_599 : memref<128x64xbf16, #tpu.memory_space<vmem>>) offsets(%dma_start3A_602 : memref<128xi32, #tpu.memory_space<vmem>>) semaphore(%arg12 : memref<!tpu.dma_semaphore, #tpu.memory_space<semaphore_mem>>)
        %mul3A_610 = arith.constant 4 : i32
        %mul3A_611 = arith.muli %add3A_552, %mul3A_610 : i32
        %add3A_612 = arith.constant 3 : i32
        %add3A_613 = arith.addi %mul3A_611, %add3A_612 : i32
        %dma_start3A_614 = arith.constant 3 : i32
        %dma_start3A_615 = arith.constant 0 : i32
        %dma_start3A_616 = arith.constant 0 : i32
        %dma_start3A_617 = tpu.memref_slice %arg9[%dma_start3A_614, %dma_start3A_615, %dma_start3A_616] : memref<4x128x64xbf16, #tpu.memory_space<vmem>> -> memref<1x128x64xbf16, #tpu.memory_space<vmem>>
        %dma_start3A_618 = tpu.memref_squeeze %dma_start3A_617 : memref<1x128x64xbf16, #tpu.memory_space<vmem>> -> memref<128x64xbf16, #tpu.memory_space<vmem>>
        %dma_start3A_619 = arith.constant 0 : i32
        %dma_start3A_620 = tpu.memref_slice %arg7[%add3A_613, %dma_start3A_619] : memref<80x128xi32, #tpu.memory_space<vmem>> -> memref<1x128xi32, #tpu.memory_space<vmem>>
        %dma_start3A_621 = tpu.memref_squeeze %dma_start3A_620 : memref<1x128xi32, #tpu.memory_space<vmem>> -> memref<128xi32, #tpu.memory_space<vmem>>
        %dma_start3A_622 = arith.constant 0 : i32
        %dma_start3A_623 = arith.constant 0 : i32
        %dma_start3A_624 = tpu.memref_slice %arg2[%arg0, %dma_start3A_622, %dma_start3A_623] : memref<2x10240x64xbf16, #tpu.memory_space<hbm>> -> memref<1x10240x64xbf16, #tpu.memory_space<hbm>>
        %dma_start3A_625 = tpu.memref_squeeze %dma_start3A_624 : memref<1x10240x64xbf16, #tpu.memory_space<hbm>> -> memref<10240x64xbf16, #tpu.memory_space<hbm>>
        %dma_start3A_626 = arith.constant 0 : i32
        %dma_start3A_627 = arith.constant 0 : i32
        %dma_start3A_628 = tpu.memref_slice %dma_start3A_625[%dma_start3A_626, %dma_start3A_627] : memref<10240x64xbf16, #tpu.memory_space<hbm>> -> memref<10240x64xbf16, #tpu.memory_space<hbm>>
        tpu.enqueue_indirect_dma source(%dma_start3A_628 : memref<10240x64xbf16, #tpu.memory_space<hbm>>) target(%dma_start3A_618 : memref<128x64xbf16, #tpu.memory_space<vmem>>) offsets(%dma_start3A_621 : memref<128xi32, #tpu.memory_space<vmem>>) semaphore(%arg12 : memref<!tpu.dma_semaphore, #tpu.memory_space<semaphore_mem>>)
      } else {
      }
      %scan3A_550 = arith.constant 0 : i32
      scf.yield %scan3A_550 : i32
    }
    %scan3A_78 = arith.constant 10 : i32
    %dma_wait3A = arith.constant 0 : i32
    %dma_wait3A_79 = arith.constant 76 : i32
    %dma_wait3A_80 = arith.constant 0 : i32
    %dma_wait3A_81 = arith.constant 0 : i32
    %dma_wait3A_82 = tpu.memref_slice %arg10[%dma_wait3A, %dma_wait3A_80, %dma_wait3A_81] : memref<4x128x64xbf16, #tpu.memory_space<vmem>> -> memref<1x128x64xbf16, #tpu.memory_space<vmem>>
    %dma_wait3A_83 = tpu.memref_squeeze %dma_wait3A_82 : memref<1x128x64xbf16, #tpu.memory_space<vmem>> -> memref<128x64xbf16, #tpu.memory_space<vmem>>
    %dma_wait3A_84 = arith.constant 0 : i32
    %dma_wait3A_85 = tpu.memref_slice %arg8[%dma_wait3A_79, %dma_wait3A_84] : memref<80x128xi32, #tpu.memory_space<vmem>> -> memref<1x128xi32, #tpu.memory_space<vmem>>
    %dma_wait3A_86 = tpu.memref_squeeze %dma_wait3A_85 : memref<1x128xi32, #tpu.memory_space<vmem>> -> memref<128xi32, #tpu.memory_space<vmem>>
    %dma_wait3A_87 = arith.constant 0 : i32
    %dma_wait3A_88 = arith.constant 0 : i32
    %dma_wait3A_89 = tpu.memref_slice %arg16[%dma_wait3A_87, %dma_wait3A_88] : memref<20480x64xbf16, #tpu.memory_space<vmem_shared>> -> memref<20480x64xbf16, #tpu.memory_space<vmem_shared>>
    tpu.wait_indirect_dma semaphore(%arg15 : memref<!tpu.dma_semaphore, #tpu.memory_space<semaphore_mem>>) src(%dma_wait3A_83 : memref<128x64xbf16, #tpu.memory_space<vmem>>) dst(%dma_wait3A_89 : memref<20480x64xbf16, #tpu.memory_space<vmem_shared>>)
    %dma_wait3A_90 = arith.constant 1 : i32
    %dma_wait3A_91 = arith.constant 77 : i32
    %dma_wait3A_92 = arith.constant 0 : i32
    %dma_wait3A_93 = arith.constant 0 : i32
    %dma_wait3A_94 = tpu.memref_slice %arg10[%dma_wait3A_90, %dma_wait3A_92, %dma_wait3A_93] : memref<4x128x64xbf16, #tpu.memory_space<vmem>> -> memref<1x128x64xbf16, #tpu.memory_space<vmem>>
    %dma_wait3A_95 = tpu.memref_squeeze %dma_wait3A_94 : memref<1x128x64xbf16, #tpu.memory_space<vmem>> -> memref<128x64xbf16, #tpu.memory_space<vmem>>
    %dma_wait3A_96 = arith.constant 0 : i32
    %dma_wait3A_97 = tpu.memref_slice %arg8[%dma_wait3A_91, %dma_wait3A_96] : memref<80x128xi32, #tpu.memory_space<vmem>> -> memref<1x128xi32, #tpu.memory_space<vmem>>
    %dma_wait3A_98 = tpu.memref_squeeze %dma_wait3A_97 : memref<1x128xi32, #tpu.memory_space<vmem>> -> memref<128xi32, #tpu.memory_space<vmem>>
    %dma_wait3A_99 = arith.constant 0 : i32
    %dma_wait3A_100 = arith.constant 0 : i32
    %dma_wait3A_101 = tpu.memref_slice %arg16[%dma_wait3A_99, %dma_wait3A_100] : memref<20480x64xbf16, #tpu.memory_space<vmem_shared>> -> memref<20480x64xbf16, #tpu.memory_space<vmem_shared>>
    tpu.wait_indirect_dma semaphore(%arg15 : memref<!tpu.dma_semaphore, #tpu.memory_space<semaphore_mem>>) src(%dma_wait3A_95 : memref<128x64xbf16, #tpu.memory_space<vmem>>) dst(%dma_wait3A_101 : memref<20480x64xbf16, #tpu.memory_space<vmem_shared>>)
    %dma_wait3A_102 = arith.constant 2 : i32
    %dma_wait3A_103 = arith.constant 78 : i32
    %dma_wait3A_104 = arith.constant 0 : i32
    %dma_wait3A_105 = arith.constant 0 : i32
    %dma_wait3A_106 = tpu.memref_slice %arg10[%dma_wait3A_102, %dma_wait3A_104, %dma_wait3A_105] : memref<4x128x64xbf16, #tpu.memory_space<vmem>> -> memref<1x128x64xbf16, #tpu.memory_space<vmem>>
    %dma_wait3A_107 = tpu.memref_squeeze %dma_wait3A_106 : memref<1x128x64xbf16, #tpu.memory_space<vmem>> -> memref<128x64xbf16, #tpu.memory_space<vmem>>
    %dma_wait3A_108 = arith.constant 0 : i32
    %dma_wait3A_109 = tpu.memref_slice %arg8[%dma_wait3A_103, %dma_wait3A_108] : memref<80x128xi32, #tpu.memory_space<vmem>> -> memref<1x128xi32, #tpu.memory_space<vmem>>
    %dma_wait3A_110 = tpu.memref_squeeze %dma_wait3A_109 : memref<1x128xi32, #tpu.memory_space<vmem>> -> memref<128xi32, #tpu.memory_space<vmem>>
    %dma_wait3A_111 = arith.constant 0 : i32
    %dma_wait3A_112 = arith.constant 0 : i32
    %dma_wait3A_113 = tpu.memref_slice %arg16[%dma_wait3A_111, %dma_wait3A_112] : memref<20480x64xbf16, #tpu.memory_space<vmem_shared>> -> memref<20480x64xbf16, #tpu.memory_space<vmem_shared>>
    tpu.wait_indirect_dma semaphore(%arg15 : memref<!tpu.dma_semaphore, #tpu.memory_space<semaphore_mem>>) src(%dma_wait3A_107 : memref<128x64xbf16, #tpu.memory_space<vmem>>) dst(%dma_wait3A_113 : memref<20480x64xbf16, #tpu.memory_space<vmem_shared>>)
    %dma_wait3A_114 = arith.constant 3 : i32
    %dma_wait3A_115 = arith.constant 79 : i32
    %dma_wait3A_116 = arith.constant 0 : i32
    %dma_wait3A_117 = arith.constant 0 : i32
    %dma_wait3A_118 = tpu.memref_slice %arg10[%dma_wait3A_114, %dma_wait3A_116, %dma_wait3A_117] : memref<4x128x64xbf16, #tpu.memory_space<vmem>> -> memref<1x128x64xbf16, #tpu.memory_space<vmem>>
    %dma_wait3A_119 = tpu.memref_squeeze %dma_wait3A_118 : memref<1x128x64xbf16, #tpu.memory_space<vmem>> -> memref<128x64xbf16, #tpu.memory_space<vmem>>
    %dma_wait3A_120 = arith.constant 0 : i32
    %dma_wait3A_121 = tpu.memref_slice %arg8[%dma_wait3A_115, %dma_wait3A_120] : memref<80x128xi32, #tpu.memory_space<vmem>> -> memref<1x128xi32, #tpu.memory_space<vmem>>
    %dma_wait3A_122 = tpu.memref_squeeze %dma_wait3A_121 : memref<1x128xi32, #tpu.memory_space<vmem>> -> memref<128xi32, #tpu.memory_space<vmem>>
    %dma_wait3A_123 = arith.constant 0 : i32
    %dma_wait3A_124 = arith.constant 0 : i32
    %dma_wait3A_125 = tpu.memref_slice %arg16[%dma_wait3A_123, %dma_wait3A_124] : memref<20480x64xbf16, #tpu.memory_space<vmem_shared>> -> memref<20480x64xbf16, #tpu.memory_space<vmem_shared>>
    tpu.wait_indirect_dma semaphore(%arg15 : memref<!tpu.dma_semaphore, #tpu.memory_space<semaphore_mem>>) src(%dma_wait3A_119 : memref<128x64xbf16, #tpu.memory_space<vmem>>) dst(%dma_wait3A_125 : memref<20480x64xbf16, #tpu.memory_space<vmem_shared>>)
    %barrier3A_126 = arith.constant 0 : index
    tpu.barrier barrier_id(%barrier3A_126)
    %mul3A_127 = arith.constant 1280 : i32
    %mul3A_128 = arith.muli %arg1, %mul3A_127 : i32
    "tpu.region"() ({
      %run_scoped3A = tpu.sem_alloc : memref<!tpu.dma_semaphore, #tpu.memory_space<semaphore_mem>>
      %dma_start3A_129 = arith.constant 0 : i32
      %dma_start3A_130 = tpu.memref_slice %arg6[%arg0, %mul3A_128, %dma_start3A_129] : memref<2x20480x64xbf16, #tpu.memory_space<hbm>> -> memref<1x1280x64xbf16, #tpu.memory_space<hbm>>
      %dma_start3A_131 = tpu.memref_squeeze %dma_start3A_130 : memref<1x1280x64xbf16, #tpu.memory_space<hbm>> -> memref<1280x64xbf16, #tpu.memory_space<hbm>>
      %dma_start3A_132 = arith.constant 0 : i32
      %dma_start3A_133 = tpu.memref_slice %arg16[%mul3A_128, %dma_start3A_132] : memref<20480x64xbf16, #tpu.memory_space<vmem_shared>> -> memref<1280x64xbf16, #tpu.memory_space<vmem_shared>>
      tpu.enqueue_dma source(%dma_start3A_133 : memref<1280x64xbf16, #tpu.memory_space<vmem_shared>>) target(%dma_start3A_131 : memref<1280x64xbf16, #tpu.memory_space<hbm>>) target_semaphore(%run_scoped3A : memref<!tpu.dma_semaphore, #tpu.memory_space<semaphore_mem>>)
      %dma_wait3A_134 = arith.constant 0 : i32
      %dma_wait3A_135 = tpu.memref_slice %arg6[%arg0, %mul3A_128, %dma_wait3A_134] : memref<2x20480x64xbf16, #tpu.memory_space<hbm>> -> memref<1x1280x64xbf16, #tpu.memory_space<hbm>>
      %dma_wait3A_136 = tpu.memref_squeeze %dma_wait3A_135 : memref<1x1280x64xbf16, #tpu.memory_space<hbm>> -> memref<1280x64xbf16, #tpu.memory_space<hbm>>
      %dma_wait3A_137 = arith.constant 0 : i32
      %dma_wait3A_138 = tpu.memref_slice %arg16[%mul3A_128, %dma_wait3A_137] : memref<20480x64xbf16, #tpu.memory_space<vmem_shared>> -> memref<1280x64xbf16, #tpu.memory_space<vmem_shared>>
      tpu.wait_dma2 semaphore(%run_scoped3A : memref<!tpu.dma_semaphore, #tpu.memory_space<semaphore_mem>>) src(%dma_wait3A_138 : memref<1280x64xbf16, #tpu.memory_space<vmem_shared>>) dst(%dma_wait3A_136 : memref<1280x64xbf16, #tpu.memory_space<hbm>>)
      tpu.yield
    }) : () -> ()
    return
  }
}

#map = affine_map<(d0, d1) -> (0, 0, 0)>
#map1 = affine_map<(d0, d1) -> (0, 0)>
module attributes {stable_mosaic.version = 14 : i64} {
  func.func @sc_prop_128(%arg0: i32, %arg1: i32, %arg2: memref<2x10240x64xbf16, #tpu.memory_space<hbm>>, %arg3: memref<1280x128xi32, #tpu.memory_space<hbm>>, %arg4: memref<1280x128xi32, #tpu.memory_space<hbm>>, %arg5: memref<64x64xbf16, #tpu.memory_space<hbm>>, %arg6: memref<2x20480x64xbf16, #tpu.memory_space<hbm>>, %arg7: memref<80x128xi32, #tpu.memory_space<vmem>>, %arg8: memref<80x128xi32, #tpu.memory_space<vmem>>, %arg9: memref<4x128x64xbf16, #tpu.memory_space<vmem>>, %arg10: memref<4x128x64xbf16, #tpu.memory_space<vmem>>, %arg11: memref<64x64xbf16, #tpu.memory_space<vmem>>, %arg12: memref<!tpu.dma_semaphore, #tpu.memory_space<semaphore_mem>>, %arg13: memref<!tpu.dma_semaphore, #tpu.memory_space<semaphore_mem>>, %arg14: memref<!tpu.dma_semaphore, #tpu.memory_space<semaphore_mem>>, %arg15: memref<!tpu.dma_semaphore, #tpu.memory_space<semaphore_mem>>, %arg16: memref<20480x64xbf16, #tpu.memory_space<vmem_shared>>) attributes {dimension_semantics = [#tpu.dimension_semantics<core_parallel>, #tpu.dimension_semantics<subcore_parallel>], iteration_bounds = array<i64: 2, 16>, scalar_prefetch = 0 : i64, scratch_operands = 10 : i64, tpu.core_type = #tpu.core_type<sc_vector_subcore>, window_params = [{transform_indices = #map}, {transform_indices = #map1}, {transform_indices = #map1}, {transform_indices = #map1}, {transform_indices = #map}]} {
    "tpu.region"() ({
      %run_scoped3A = tpu.sem_alloc : memref<!tpu.dma_semaphore, #tpu.memory_space<semaphore_mem>>
      tpu.enqueue_dma source(%arg5 : memref<64x64xbf16, #tpu.memory_space<hbm>>) target(%arg11 : memref<64x64xbf16, #tpu.memory_space<vmem>>) target_semaphore(%run_scoped3A : memref<!tpu.dma_semaphore, #tpu.memory_space<semaphore_mem>>)
      tpu.wait_dma2 semaphore(%run_scoped3A : memref<!tpu.dma_semaphore, #tpu.memory_space<semaphore_mem>>) src(%arg5 : memref<64x64xbf16, #tpu.memory_space<hbm>>) dst(%arg11 : memref<64x64xbf16, #tpu.memory_space<vmem>>)
      tpu.yield
    }) : () -> ()
    %scan3A = arith.constant 0 : i32
    %scan3A_0 = arith.constant 0 : i32
    %scan3A_1 = arith.constant 20 : i32
    %scan3A_2 = arith.addi %scan3A_0, %scan3A_1 : i32
    %scan3A_3 = arith.constant 1 : i32
    %scan3A_4 = scf.for %scan3A_129 = %scan3A_0 to %scan3A_2 step %scan3A_3 iter_args(%scan3A_130 = %scan3A) -> (i32)  : i32 {
      %mul3A_131 = arith.constant 1280 : i32
      %mul3A_132 = arith.muli %arg1, %mul3A_131 : i32
      %mul3A_133 = arith.constant 64 : i32
      %mul3A_134 = arith.muli %scan3A_129, %mul3A_133 : i32
      %add3A = arith.addi %mul3A_132, %mul3A_134 : i32
      "tpu.region"() ({
        %run_scoped3A = tpu.sem_alloc : memref<!tpu.dma_semaphore, #tpu.memory_space<semaphore_mem>>
        %dma_start3A_136 = arith.constant 0 : i32
        %dma_start3A_137 = tpu.memref_slice %arg16[%add3A, %dma_start3A_136] : memref<20480x64xbf16, #tpu.memory_space<vmem_shared>> -> memref<64x64xbf16, #tpu.memory_space<vmem_shared>>
        %dma_start3A_138 = arith.constant 0 : i32
        %dma_start3A_139 = tpu.memref_slice %arg16[%add3A, %dma_start3A_138] : memref<20480x64xbf16, #tpu.memory_space<vmem_shared>> -> memref<64x64xbf16, #tpu.memory_space<vmem_shared>>
        tpu.enqueue_dma source(%arg11 : memref<64x64xbf16, #tpu.memory_space<vmem>>) target(%dma_start3A_139 : memref<64x64xbf16, #tpu.memory_space<vmem_shared>>) target_semaphore(%run_scoped3A : memref<!tpu.dma_semaphore, #tpu.memory_space<semaphore_mem>>)
        %dma_wait3A_140 = arith.constant 0 : i32
        %dma_wait3A_141 = tpu.memref_slice %arg16[%add3A, %dma_wait3A_140] : memref<20480x64xbf16, #tpu.memory_space<vmem_shared>> -> memref<64x64xbf16, #tpu.memory_space<vmem_shared>>
        %dma_wait3A_142 = arith.constant 0 : i32
        %dma_wait3A_143 = tpu.memref_slice %arg16[%add3A, %dma_wait3A_142] : memref<20480x64xbf16, #tpu.memory_space<vmem_shared>> -> memref<64x64xbf16, #tpu.memory_space<vmem_shared>>
        tpu.wait_dma2 semaphore(%run_scoped3A : memref<!tpu.dma_semaphore, #tpu.memory_space<semaphore_mem>>) src(%arg11 : memref<64x64xbf16, #tpu.memory_space<vmem>>) dst(%dma_wait3A_143 : memref<64x64xbf16, #tpu.memory_space<vmem_shared>>)
        tpu.yield
      }) : () -> ()
      %scan3A_135 = arith.constant 0 : i32
      scf.yield %scan3A_135 : i32
    }
    %scan3A_5 = arith.constant 20 : i32
    %mul3A = arith.constant 80 : i32
    %mul3A_6 = arith.muli %arg1, %mul3A : i32
    "tpu.region"() ({
      %run_scoped3A = tpu.sem_alloc : memref<!tpu.dma_semaphore, #tpu.memory_space<semaphore_mem>>
      %dma_start3A_129 = arith.constant 0 : i32
      %dma_start3A_130 = tpu.memref_slice %arg3[%mul3A_6, %dma_start3A_129] : memref<1280x128xi32, #tpu.memory_space<hbm>> -> memref<80x128xi32, #tpu.memory_space<hbm>>
      %dma_start3A_131 = arith.constant 0 : i32
      %dma_start3A_132 = tpu.memref_slice %arg3[%mul3A_6, %dma_start3A_131] : memref<1280x128xi32, #tpu.memory_space<hbm>> -> memref<80x128xi32, #tpu.memory_space<hbm>>
      tpu.enqueue_dma source(%dma_start3A_132 : memref<80x128xi32, #tpu.memory_space<hbm>>) target(%arg7 : memref<80x128xi32, #tpu.memory_space<vmem>>) target_semaphore(%run_scoped3A : memref<!tpu.dma_semaphore, #tpu.memory_space<semaphore_mem>>)
      %dma_wait3A_133 = arith.constant 0 : i32
      %dma_wait3A_134 = tpu.memref_slice %arg3[%mul3A_6, %dma_wait3A_133] : memref<1280x128xi32, #tpu.memory_space<hbm>> -> memref<80x128xi32, #tpu.memory_space<hbm>>
      %dma_wait3A_135 = arith.constant 0 : i32
      %dma_wait3A_136 = tpu.memref_slice %arg3[%mul3A_6, %dma_wait3A_135] : memref<1280x128xi32, #tpu.memory_space<hbm>> -> memref<80x128xi32, #tpu.memory_space<hbm>>
      tpu.wait_dma2 semaphore(%run_scoped3A : memref<!tpu.dma_semaphore, #tpu.memory_space<semaphore_mem>>) src(%dma_wait3A_136 : memref<80x128xi32, #tpu.memory_space<hbm>>) dst(%arg7 : memref<80x128xi32, #tpu.memory_space<vmem>>)
      tpu.yield
    }) : () -> ()
    %mul3A_7 = arith.constant 80 : i32
    %mul3A_8 = arith.muli %arg1, %mul3A_7 : i32
    "tpu.region"() ({
      %run_scoped3A = tpu.sem_alloc : memref<!tpu.dma_semaphore, #tpu.memory_space<semaphore_mem>>
      %dma_start3A_129 = arith.constant 0 : i32
      %dma_start3A_130 = tpu.memref_slice %arg4[%mul3A_8, %dma_start3A_129] : memref<1280x128xi32, #tpu.memory_space<hbm>> -> memref<80x128xi32, #tpu.memory_space<hbm>>
      %dma_start3A_131 = arith.constant 0 : i32
      %dma_start3A_132 = tpu.memref_slice %arg4[%mul3A_8, %dma_start3A_131] : memref<1280x128xi32, #tpu.memory_space<hbm>> -> memref<80x128xi32, #tpu.memory_space<hbm>>
      tpu.enqueue_dma source(%dma_start3A_132 : memref<80x128xi32, #tpu.memory_space<hbm>>) target(%arg8 : memref<80x128xi32, #tpu.memory_space<vmem>>) target_semaphore(%run_scoped3A : memref<!tpu.dma_semaphore, #tpu.memory_space<semaphore_mem>>)
      %dma_wait3A_133 = arith.constant 0 : i32
      %dma_wait3A_134 = tpu.memref_slice %arg4[%mul3A_8, %dma_wait3A_133] : memref<1280x128xi32, #tpu.memory_space<hbm>> -> memref<80x128xi32, #tpu.memory_space<hbm>>
      %dma_wait3A_135 = arith.constant 0 : i32
      %dma_wait3A_136 = tpu.memref_slice %arg4[%mul3A_8, %dma_wait3A_135] : memref<1280x128xi32, #tpu.memory_space<hbm>> -> memref<80x128xi32, #tpu.memory_space<hbm>>
      tpu.wait_dma2 semaphore(%run_scoped3A : memref<!tpu.dma_semaphore, #tpu.memory_space<semaphore_mem>>) src(%dma_wait3A_136 : memref<80x128xi32, #tpu.memory_space<hbm>>) dst(%arg8 : memref<80x128xi32, #tpu.memory_space<vmem>>)
      tpu.yield
    }) : () -> ()
    %barrier3A = arith.constant 0 : index
    tpu.barrier barrier_id(%barrier3A)
    %dma_start3A = arith.constant 0 : i32
    %dma_start3A_9 = arith.constant 0 : i32
    %dma_start3A_10 = arith.constant 0 : i32
    %dma_start3A_11 = arith.constant 0 : i32
    %dma_start3A_12 = tpu.memref_slice %arg9[%dma_start3A_9, %dma_start3A_10, %dma_start3A_11] : memref<4x128x64xbf16, #tpu.memory_space<vmem>> -> memref<1x128x64xbf16, #tpu.memory_space<vmem>>
    %dma_start3A_13 = tpu.memref_squeeze %dma_start3A_12 : memref<1x128x64xbf16, #tpu.memory_space<vmem>> -> memref<128x64xbf16, #tpu.memory_space<vmem>>
    %dma_start3A_14 = arith.constant 0 : i32
    %dma_start3A_15 = tpu.memref_slice %arg7[%dma_start3A, %dma_start3A_14] : memref<80x128xi32, #tpu.memory_space<vmem>> -> memref<1x128xi32, #tpu.memory_space<vmem>>
    %dma_start3A_16 = tpu.memref_squeeze %dma_start3A_15 : memref<1x128xi32, #tpu.memory_space<vmem>> -> memref<128xi32, #tpu.memory_space<vmem>>
    %dma_start3A_17 = arith.constant 0 : i32
    %dma_start3A_18 = arith.constant 0 : i32
    %dma_start3A_19 = tpu.memref_slice %arg2[%arg0, %dma_start3A_17, %dma_start3A_18] : memref<2x10240x64xbf16, #tpu.memory_space<hbm>> -> memref<1x10240x64xbf16, #tpu.memory_space<hbm>>
    %dma_start3A_20 = tpu.memref_squeeze %dma_start3A_19 : memref<1x10240x64xbf16, #tpu.memory_space<hbm>> -> memref<10240x64xbf16, #tpu.memory_space<hbm>>
    %dma_start3A_21 = arith.constant 0 : i32
    %dma_start3A_22 = arith.constant 0 : i32
    %dma_start3A_23 = tpu.memref_slice %dma_start3A_20[%dma_start3A_21, %dma_start3A_22] : memref<10240x64xbf16, #tpu.memory_space<hbm>> -> memref<10240x64xbf16, #tpu.memory_space<hbm>>
    tpu.enqueue_indirect_dma source(%dma_start3A_23 : memref<10240x64xbf16, #tpu.memory_space<hbm>>) target(%dma_start3A_13 : memref<128x64xbf16, #tpu.memory_space<vmem>>) offsets(%dma_start3A_16 : memref<128xi32, #tpu.memory_space<vmem>>) semaphore(%arg12 : memref<!tpu.dma_semaphore, #tpu.memory_space<semaphore_mem>>)
    %dma_start3A_24 = arith.constant 1 : i32
    %dma_start3A_25 = arith.constant 1 : i32
    %dma_start3A_26 = arith.constant 0 : i32
    %dma_start3A_27 = arith.constant 0 : i32
    %dma_start3A_28 = tpu.memref_slice %arg9[%dma_start3A_25, %dma_start3A_26, %dma_start3A_27] : memref<4x128x64xbf16, #tpu.memory_space<vmem>> -> memref<1x128x64xbf16, #tpu.memory_space<vmem>>
    %dma_start3A_29 = tpu.memref_squeeze %dma_start3A_28 : memref<1x128x64xbf16, #tpu.memory_space<vmem>> -> memref<128x64xbf16, #tpu.memory_space<vmem>>
    %dma_start3A_30 = arith.constant 0 : i32
    %dma_start3A_31 = tpu.memref_slice %arg7[%dma_start3A_24, %dma_start3A_30] : memref<80x128xi32, #tpu.memory_space<vmem>> -> memref<1x128xi32, #tpu.memory_space<vmem>>
    %dma_start3A_32 = tpu.memref_squeeze %dma_start3A_31 : memref<1x128xi32, #tpu.memory_space<vmem>> -> memref<128xi32, #tpu.memory_space<vmem>>
    %dma_start3A_33 = arith.constant 0 : i32
    %dma_start3A_34 = arith.constant 0 : i32
    %dma_start3A_35 = tpu.memref_slice %arg2[%arg0, %dma_start3A_33, %dma_start3A_34] : memref<2x10240x64xbf16, #tpu.memory_space<hbm>> -> memref<1x10240x64xbf16, #tpu.memory_space<hbm>>
    %dma_start3A_36 = tpu.memref_squeeze %dma_start3A_35 : memref<1x10240x64xbf16, #tpu.memory_space<hbm>> -> memref<10240x64xbf16, #tpu.memory_space<hbm>>
    %dma_start3A_37 = arith.constant 0 : i32
    %dma_start3A_38 = arith.constant 0 : i32
    %dma_start3A_39 = tpu.memref_slice %dma_start3A_36[%dma_start3A_37, %dma_start3A_38] : memref<10240x64xbf16, #tpu.memory_space<hbm>> -> memref<10240x64xbf16, #tpu.memory_space<hbm>>
    tpu.enqueue_indirect_dma source(%dma_start3A_39 : memref<10240x64xbf16, #tpu.memory_space<hbm>>) target(%dma_start3A_29 : memref<128x64xbf16, #tpu.memory_space<vmem>>) offsets(%dma_start3A_32 : memref<128xi32, #tpu.memory_space<vmem>>) semaphore(%arg12 : memref<!tpu.dma_semaphore, #tpu.memory_space<semaphore_mem>>)
    %dma_start3A_40 = arith.constant 2 : i32
    %dma_start3A_41 = arith.constant 2 : i32
    %dma_start3A_42 = arith.constant 0 : i32
    %dma_start3A_43 = arith.constant 0 : i32
    %dma_start3A_44 = tpu.memref_slice %arg9[%dma_start3A_41, %dma_start3A_42, %dma_start3A_43] : memref<4x128x64xbf16, #tpu.memory_space<vmem>> -> memref<1x128x64xbf16, #tpu.memory_space<vmem>>
    %dma_start3A_45 = tpu.memref_squeeze %dma_start3A_44 : memref<1x128x64xbf16, #tpu.memory_space<vmem>> -> memref<128x64xbf16, #tpu.memory_space<vmem>>
    %dma_start3A_46 = arith.constant 0 : i32
    %dma_start3A_47 = tpu.memref_slice %arg7[%dma_start3A_40, %dma_start3A_46] : memref<80x128xi32, #tpu.memory_space<vmem>> -> memref<1x128xi32, #tpu.memory_space<vmem>>
    %dma_start3A_48 = tpu.memref_squeeze %dma_start3A_47 : memref<1x128xi32, #tpu.memory_space<vmem>> -> memref<128xi32, #tpu.memory_space<vmem>>
    %dma_start3A_49 = arith.constant 0 : i32
    %dma_start3A_50 = arith.constant 0 : i32
    %dma_start3A_51 = tpu.memref_slice %arg2[%arg0, %dma_start3A_49, %dma_start3A_50] : memref<2x10240x64xbf16, #tpu.memory_space<hbm>> -> memref<1x10240x64xbf16, #tpu.memory_space<hbm>>
    %dma_start3A_52 = tpu.memref_squeeze %dma_start3A_51 : memref<1x10240x64xbf16, #tpu.memory_space<hbm>> -> memref<10240x64xbf16, #tpu.memory_space<hbm>>
    %dma_start3A_53 = arith.constant 0 : i32
    %dma_start3A_54 = arith.constant 0 : i32
    %dma_start3A_55 = tpu.memref_slice %dma_start3A_52[%dma_start3A_53, %dma_start3A_54] : memref<10240x64xbf16, #tpu.memory_space<hbm>> -> memref<10240x64xbf16, #tpu.memory_space<hbm>>
    tpu.enqueue_indirect_dma source(%dma_start3A_55 : memref<10240x64xbf16, #tpu.memory_space<hbm>>) target(%dma_start3A_45 : memref<128x64xbf16, #tpu.memory_space<vmem>>) offsets(%dma_start3A_48 : memref<128xi32, #tpu.memory_space<vmem>>) semaphore(%arg12 : memref<!tpu.dma_semaphore, #tpu.memory_space<semaphore_mem>>)
    %dma_start3A_56 = arith.constant 3 : i32
    %dma_start3A_57 = arith.constant 3 : i32
    %dma_start3A_58 = arith.constant 0 : i32
    %dma_start3A_59 = arith.constant 0 : i32
    %dma_start3A_60 = tpu.memref_slice %arg9[%dma_start3A_57, %dma_start3A_58, %dma_start3A_59] : memref<4x128x64xbf16, #tpu.memory_space<vmem>> -> memref<1x128x64xbf16, #tpu.memory_space<vmem>>
    %dma_start3A_61 = tpu.memref_squeeze %dma_start3A_60 : memref<1x128x64xbf16, #tpu.memory_space<vmem>> -> memref<128x64xbf16, #tpu.memory_space<vmem>>
    %dma_start3A_62 = arith.constant 0 : i32
    %dma_start3A_63 = tpu.memref_slice %arg7[%dma_start3A_56, %dma_start3A_62] : memref<80x128xi32, #tpu.memory_space<vmem>> -> memref<1x128xi32, #tpu.memory_space<vmem>>
    %dma_start3A_64 = tpu.memref_squeeze %dma_start3A_63 : memref<1x128xi32, #tpu.memory_space<vmem>> -> memref<128xi32, #tpu.memory_space<vmem>>
    %dma_start3A_65 = arith.constant 0 : i32
    %dma_start3A_66 = arith.constant 0 : i32
    %dma_start3A_67 = tpu.memref_slice %arg2[%arg0, %dma_start3A_65, %dma_start3A_66] : memref<2x10240x64xbf16, #tpu.memory_space<hbm>> -> memref<1x10240x64xbf16, #tpu.memory_space<hbm>>
    %dma_start3A_68 = tpu.memref_squeeze %dma_start3A_67 : memref<1x10240x64xbf16, #tpu.memory_space<hbm>> -> memref<10240x64xbf16, #tpu.memory_space<hbm>>
    %dma_start3A_69 = arith.constant 0 : i32
    %dma_start3A_70 = arith.constant 0 : i32
    %dma_start3A_71 = tpu.memref_slice %dma_start3A_68[%dma_start3A_69, %dma_start3A_70] : memref<10240x64xbf16, #tpu.memory_space<hbm>> -> memref<10240x64xbf16, #tpu.memory_space<hbm>>
    tpu.enqueue_indirect_dma source(%dma_start3A_71 : memref<10240x64xbf16, #tpu.memory_space<hbm>>) target(%dma_start3A_61 : memref<128x64xbf16, #tpu.memory_space<vmem>>) offsets(%dma_start3A_64 : memref<128xi32, #tpu.memory_space<vmem>>) semaphore(%arg12 : memref<!tpu.dma_semaphore, #tpu.memory_space<semaphore_mem>>)
    %scan3A_72 = arith.constant 0 : i32
    %scan3A_73 = arith.constant 0 : i32
    %scan3A_74 = arith.constant 10 : i32
    %scan3A_75 = arith.addi %scan3A_73, %scan3A_74 : i32
    %scan3A_76 = arith.constant 1 : i32
    %scan3A_77 = scf.for %scan3A_129 = %scan3A_73 to %scan3A_75 step %scan3A_76 iter_args(%scan3A_130 = %scan3A_72) -> (i32)  : i32 {
      %mul3A_131 = arith.constant 2 : i32
      %mul3A_132 = arith.muli %mul3A_131, %scan3A_129 : i32
      %mul3A_133 = arith.constant 2 : i32
      %mul3A_134 = arith.muli %mul3A_133, %scan3A_129 : i32
      %add3A = arith.constant 1 : i32
      %add3A_135 = arith.addi %mul3A_134, %add3A : i32
      %mul3A_136 = arith.constant 4 : i32
      %mul3A_137 = arith.muli %mul3A_132, %mul3A_136 : i32
      %add3A_138 = arith.constant 0 : i32
      %add3A_139 = arith.addi %mul3A_137, %add3A_138 : i32
      %dma_wait3A_140 = arith.constant 0 : i32
      %dma_wait3A_141 = arith.constant 0 : i32
      %dma_wait3A_142 = arith.constant 0 : i32
      %dma_wait3A_143 = tpu.memref_slice %arg9[%dma_wait3A_140, %dma_wait3A_141, %dma_wait3A_142] : memref<4x128x64xbf16, #tpu.memory_space<vmem>> -> memref<1x128x64xbf16, #tpu.memory_space<vmem>>
      %dma_wait3A_144 = tpu.memref_squeeze %dma_wait3A_143 : memref<1x128x64xbf16, #tpu.memory_space<vmem>> -> memref<128x64xbf16, #tpu.memory_space<vmem>>
      %dma_wait3A_145 = arith.constant 0 : i32
      %dma_wait3A_146 = tpu.memref_slice %arg7[%add3A_139, %dma_wait3A_145] : memref<80x128xi32, #tpu.memory_space<vmem>> -> memref<1x128xi32, #tpu.memory_space<vmem>>
      %dma_wait3A_147 = tpu.memref_squeeze %dma_wait3A_146 : memref<1x128xi32, #tpu.memory_space<vmem>> -> memref<128xi32, #tpu.memory_space<vmem>>
      %dma_wait3A_148 = arith.constant 0 : i32
      %dma_wait3A_149 = arith.constant 0 : i32
      %dma_wait3A_150 = tpu.memref_slice %arg2[%arg0, %dma_wait3A_148, %dma_wait3A_149] : memref<2x10240x64xbf16, #tpu.memory_space<hbm>> -> memref<1x10240x64xbf16, #tpu.memory_space<hbm>>
      %dma_wait3A_151 = tpu.memref_squeeze %dma_wait3A_150 : memref<1x10240x64xbf16, #tpu.memory_space<hbm>> -> memref<10240x64xbf16, #tpu.memory_space<hbm>>
      %dma_wait3A_152 = arith.constant 0 : i32
      %dma_wait3A_153 = arith.constant 0 : i32
      %dma_wait3A_154 = tpu.memref_slice %dma_wait3A_151[%dma_wait3A_152, %dma_wait3A_153] : memref<10240x64xbf16, #tpu.memory_space<hbm>> -> memref<10240x64xbf16, #tpu.memory_space<hbm>>
      tpu.wait_indirect_dma semaphore(%arg12 : memref<!tpu.dma_semaphore, #tpu.memory_space<semaphore_mem>>) src(%dma_wait3A_154 : memref<10240x64xbf16, #tpu.memory_space<hbm>>) dst(%dma_wait3A_144 : memref<128x64xbf16, #tpu.memory_space<vmem>>)
      %mul3A_155 = arith.constant 4 : i32
      %mul3A_156 = arith.muli %mul3A_132, %mul3A_155 : i32
      %add3A_157 = arith.constant 1 : i32
      %add3A_158 = arith.addi %mul3A_156, %add3A_157 : i32
      %dma_wait3A_159 = arith.constant 1 : i32
      %dma_wait3A_160 = arith.constant 0 : i32
      %dma_wait3A_161 = arith.constant 0 : i32
      %dma_wait3A_162 = tpu.memref_slice %arg9[%dma_wait3A_159, %dma_wait3A_160, %dma_wait3A_161] : memref<4x128x64xbf16, #tpu.memory_space<vmem>> -> memref<1x128x64xbf16, #tpu.memory_space<vmem>>
      %dma_wait3A_163 = tpu.memref_squeeze %dma_wait3A_162 : memref<1x128x64xbf16, #tpu.memory_space<vmem>> -> memref<128x64xbf16, #tpu.memory_space<vmem>>
      %dma_wait3A_164 = arith.constant 0 : i32
      %dma_wait3A_165 = tpu.memref_slice %arg7[%add3A_158, %dma_wait3A_164] : memref<80x128xi32, #tpu.memory_space<vmem>> -> memref<1x128xi32, #tpu.memory_space<vmem>>
      %dma_wait3A_166 = tpu.memref_squeeze %dma_wait3A_165 : memref<1x128xi32, #tpu.memory_space<vmem>> -> memref<128xi32, #tpu.memory_space<vmem>>
      %dma_wait3A_167 = arith.constant 0 : i32
      %dma_wait3A_168 = arith.constant 0 : i32
      %dma_wait3A_169 = tpu.memref_slice %arg2[%arg0, %dma_wait3A_167, %dma_wait3A_168] : memref<2x10240x64xbf16, #tpu.memory_space<hbm>> -> memref<1x10240x64xbf16, #tpu.memory_space<hbm>>
      %dma_wait3A_170 = tpu.memref_squeeze %dma_wait3A_169 : memref<1x10240x64xbf16, #tpu.memory_space<hbm>> -> memref<10240x64xbf16, #tpu.memory_space<hbm>>
      %dma_wait3A_171 = arith.constant 0 : i32
      %dma_wait3A_172 = arith.constant 0 : i32
      %dma_wait3A_173 = tpu.memref_slice %dma_wait3A_170[%dma_wait3A_171, %dma_wait3A_172] : memref<10240x64xbf16, #tpu.memory_space<hbm>> -> memref<10240x64xbf16, #tpu.memory_space<hbm>>
      tpu.wait_indirect_dma semaphore(%arg12 : memref<!tpu.dma_semaphore, #tpu.memory_space<semaphore_mem>>) src(%dma_wait3A_173 : memref<10240x64xbf16, #tpu.memory_space<hbm>>) dst(%dma_wait3A_163 : memref<128x64xbf16, #tpu.memory_space<vmem>>)
      %mul3A_174 = arith.constant 4 : i32
      %mul3A_175 = arith.muli %mul3A_132, %mul3A_174 : i32
      %add3A_176 = arith.constant 2 : i32
      %add3A_177 = arith.addi %mul3A_175, %add3A_176 : i32
      %dma_wait3A_178 = arith.constant 2 : i32
      %dma_wait3A_179 = arith.constant 0 : i32
      %dma_wait3A_180 = arith.constant 0 : i32
      %dma_wait3A_181 = tpu.memref_slice %arg9[%dma_wait3A_178, %dma_wait3A_179, %dma_wait3A_180] : memref<4x128x64xbf16, #tpu.memory_space<vmem>> -> memref<1x128x64xbf16, #tpu.memory_space<vmem>>
      %dma_wait3A_182 = tpu.memref_squeeze %dma_wait3A_181 : memref<1x128x64xbf16, #tpu.memory_space<vmem>> -> memref<128x64xbf16, #tpu.memory_space<vmem>>
      %dma_wait3A_183 = arith.constant 0 : i32
      %dma_wait3A_184 = tpu.memref_slice %arg7[%add3A_177, %dma_wait3A_183] : memref<80x128xi32, #tpu.memory_space<vmem>> -> memref<1x128xi32, #tpu.memory_space<vmem>>
      %dma_wait3A_185 = tpu.memref_squeeze %dma_wait3A_184 : memref<1x128xi32, #tpu.memory_space<vmem>> -> memref<128xi32, #tpu.memory_space<vmem>>
      %dma_wait3A_186 = arith.constant 0 : i32
      %dma_wait3A_187 = arith.constant 0 : i32
      %dma_wait3A_188 = tpu.memref_slice %arg2[%arg0, %dma_wait3A_186, %dma_wait3A_187] : memref<2x10240x64xbf16, #tpu.memory_space<hbm>> -> memref<1x10240x64xbf16, #tpu.memory_space<hbm>>
      %dma_wait3A_189 = tpu.memref_squeeze %dma_wait3A_188 : memref<1x10240x64xbf16, #tpu.memory_space<hbm>> -> memref<10240x64xbf16, #tpu.memory_space<hbm>>
      %dma_wait3A_190 = arith.constant 0 : i32
      %dma_wait3A_191 = arith.constant 0 : i32
      %dma_wait3A_192 = tpu.memref_slice %dma_wait3A_189[%dma_wait3A_190, %dma_wait3A_191] : memref<10240x64xbf16, #tpu.memory_space<hbm>> -> memref<10240x64xbf16, #tpu.memory_space<hbm>>
      tpu.wait_indirect_dma semaphore(%arg12 : memref<!tpu.dma_semaphore, #tpu.memory_space<semaphore_mem>>) src(%dma_wait3A_192 : memref<10240x64xbf16, #tpu.memory_space<hbm>>) dst(%dma_wait3A_182 : memref<128x64xbf16, #tpu.memory_space<vmem>>)
      %mul3A_193 = arith.constant 4 : i32
      %mul3A_194 = arith.muli %mul3A_132, %mul3A_193 : i32
      %add3A_195 = arith.constant 3 : i32
      %add3A_196 = arith.addi %mul3A_194, %add3A_195 : i32
      %dma_wait3A_197 = arith.constant 3 : i32
      %dma_wait3A_198 = arith.constant 0 : i32
      %dma_wait3A_199 = arith.constant 0 : i32
      %dma_wait3A_200 = tpu.memref_slice %arg9[%dma_wait3A_197, %dma_wait3A_198, %dma_wait3A_199] : memref<4x128x64xbf16, #tpu.memory_space<vmem>> -> memref<1x128x64xbf16, #tpu.memory_space<vmem>>
      %dma_wait3A_201 = tpu.memref_squeeze %dma_wait3A_200 : memref<1x128x64xbf16, #tpu.memory_space<vmem>> -> memref<128x64xbf16, #tpu.memory_space<vmem>>
      %dma_wait3A_202 = arith.constant 0 : i32
      %dma_wait3A_203 = tpu.memref_slice %arg7[%add3A_196, %dma_wait3A_202] : memref<80x128xi32, #tpu.memory_space<vmem>> -> memref<1x128xi32, #tpu.memory_space<vmem>>
      %dma_wait3A_204 = tpu.memref_squeeze %dma_wait3A_203 : memref<1x128xi32, #tpu.memory_space<vmem>> -> memref<128xi32, #tpu.memory_space<vmem>>
      %dma_wait3A_205 = arith.constant 0 : i32
      %dma_wait3A_206 = arith.constant 0 : i32
      %dma_wait3A_207 = tpu.memref_slice %arg2[%arg0, %dma_wait3A_205, %dma_wait3A_206] : memref<2x10240x64xbf16, #tpu.memory_space<hbm>> -> memref<1x10240x64xbf16, #tpu.memory_space<hbm>>
      %dma_wait3A_208 = tpu.memref_squeeze %dma_wait3A_207 : memref<1x10240x64xbf16, #tpu.memory_space<hbm>> -> memref<10240x64xbf16, #tpu.memory_space<hbm>>
      %dma_wait3A_209 = arith.constant 0 : i32
      %dma_wait3A_210 = arith.constant 0 : i32
      %dma_wait3A_211 = tpu.memref_slice %dma_wait3A_208[%dma_wait3A_209, %dma_wait3A_210] : memref<10240x64xbf16, #tpu.memory_space<hbm>> -> memref<10240x64xbf16, #tpu.memory_space<hbm>>
      tpu.wait_indirect_dma semaphore(%arg12 : memref<!tpu.dma_semaphore, #tpu.memory_space<semaphore_mem>>) src(%dma_wait3A_211 : memref<10240x64xbf16, #tpu.memory_space<hbm>>) dst(%dma_wait3A_201 : memref<128x64xbf16, #tpu.memory_space<vmem>>)
      %mul3A_212 = arith.constant 4 : i32
      %mul3A_213 = arith.muli %mul3A_132, %mul3A_212 : i32
      %add3A_214 = arith.constant 0 : i32
      %add3A_215 = arith.addi %mul3A_213, %add3A_214 : i32
      %dma_start3A_216 = arith.constant 0 : i32
      %dma_start3A_217 = arith.constant 0 : i32
      %dma_start3A_218 = arith.constant 0 : i32
      %dma_start3A_219 = tpu.memref_slice %arg9[%dma_start3A_216, %dma_start3A_217, %dma_start3A_218] : memref<4x128x64xbf16, #tpu.memory_space<vmem>> -> memref<1x128x64xbf16, #tpu.memory_space<vmem>>
      %dma_start3A_220 = tpu.memref_squeeze %dma_start3A_219 : memref<1x128x64xbf16, #tpu.memory_space<vmem>> -> memref<128x64xbf16, #tpu.memory_space<vmem>>
      %dma_start3A_221 = arith.constant 0 : i32
      %dma_start3A_222 = tpu.memref_slice %arg8[%add3A_215, %dma_start3A_221] : memref<80x128xi32, #tpu.memory_space<vmem>> -> memref<1x128xi32, #tpu.memory_space<vmem>>
      %dma_start3A_223 = tpu.memref_squeeze %dma_start3A_222 : memref<1x128xi32, #tpu.memory_space<vmem>> -> memref<128xi32, #tpu.memory_space<vmem>>
      %dma_start3A_224 = arith.constant 0 : i32
      %dma_start3A_225 = arith.constant 0 : i32
      %dma_start3A_226 = tpu.memref_slice %arg16[%dma_start3A_224, %dma_start3A_225] : memref<20480x64xbf16, #tpu.memory_space<vmem_shared>> -> memref<20480x64xbf16, #tpu.memory_space<vmem_shared>>
      tpu.enqueue_indirect_dma source(%dma_start3A_220 : memref<128x64xbf16, #tpu.memory_space<vmem>>) target(%dma_start3A_226 : memref<20480x64xbf16, #tpu.memory_space<vmem_shared>>) offsets(%dma_start3A_223 : memref<128xi32, #tpu.memory_space<vmem>>) semaphore(%arg14 : memref<!tpu.dma_semaphore, #tpu.memory_space<semaphore_mem>>) {add = true}
      %mul3A_227 = arith.constant 4 : i32
      %mul3A_228 = arith.muli %mul3A_132, %mul3A_227 : i32
      %add3A_229 = arith.constant 1 : i32
      %add3A_230 = arith.addi %mul3A_228, %add3A_229 : i32
      %dma_start3A_231 = arith.constant 1 : i32
      %dma_start3A_232 = arith.constant 0 : i32
      %dma_start3A_233 = arith.constant 0 : i32
      %dma_start3A_234 = tpu.memref_slice %arg9[%dma_start3A_231, %dma_start3A_232, %dma_start3A_233] : memref<4x128x64xbf16, #tpu.memory_space<vmem>> -> memref<1x128x64xbf16, #tpu.memory_space<vmem>>
      %dma_start3A_235 = tpu.memref_squeeze %dma_start3A_234 : memref<1x128x64xbf16, #tpu.memory_space<vmem>> -> memref<128x64xbf16, #tpu.memory_space<vmem>>
      %dma_start3A_236 = arith.constant 0 : i32
      %dma_start3A_237 = tpu.memref_slice %arg8[%add3A_230, %dma_start3A_236] : memref<80x128xi32, #tpu.memory_space<vmem>> -> memref<1x128xi32, #tpu.memory_space<vmem>>
      %dma_start3A_238 = tpu.memref_squeeze %dma_start3A_237 : memref<1x128xi32, #tpu.memory_space<vmem>> -> memref<128xi32, #tpu.memory_space<vmem>>
      %dma_start3A_239 = arith.constant 0 : i32
      %dma_start3A_240 = arith.constant 0 : i32
      %dma_start3A_241 = tpu.memref_slice %arg16[%dma_start3A_239, %dma_start3A_240] : memref<20480x64xbf16, #tpu.memory_space<vmem_shared>> -> memref<20480x64xbf16, #tpu.memory_space<vmem_shared>>
      tpu.enqueue_indirect_dma source(%dma_start3A_235 : memref<128x64xbf16, #tpu.memory_space<vmem>>) target(%dma_start3A_241 : memref<20480x64xbf16, #tpu.memory_space<vmem_shared>>) offsets(%dma_start3A_238 : memref<128xi32, #tpu.memory_space<vmem>>) semaphore(%arg14 : memref<!tpu.dma_semaphore, #tpu.memory_space<semaphore_mem>>) {add = true}
      %mul3A_242 = arith.constant 4 : i32
      %mul3A_243 = arith.muli %mul3A_132, %mul3A_242 : i32
      %add3A_244 = arith.constant 2 : i32
      %add3A_245 = arith.addi %mul3A_243, %add3A_244 : i32
      %dma_start3A_246 = arith.constant 2 : i32
      %dma_start3A_247 = arith.constant 0 : i32
      %dma_start3A_248 = arith.constant 0 : i32
      %dma_start3A_249 = tpu.memref_slice %arg9[%dma_start3A_246, %dma_start3A_247, %dma_start3A_248] : memref<4x128x64xbf16, #tpu.memory_space<vmem>> -> memref<1x128x64xbf16, #tpu.memory_space<vmem>>
      %dma_start3A_250 = tpu.memref_squeeze %dma_start3A_249 : memref<1x128x64xbf16, #tpu.memory_space<vmem>> -> memref<128x64xbf16, #tpu.memory_space<vmem>>
      %dma_start3A_251 = arith.constant 0 : i32
      %dma_start3A_252 = tpu.memref_slice %arg8[%add3A_245, %dma_start3A_251] : memref<80x128xi32, #tpu.memory_space<vmem>> -> memref<1x128xi32, #tpu.memory_space<vmem>>
      %dma_start3A_253 = tpu.memref_squeeze %dma_start3A_252 : memref<1x128xi32, #tpu.memory_space<vmem>> -> memref<128xi32, #tpu.memory_space<vmem>>
      %dma_start3A_254 = arith.constant 0 : i32
      %dma_start3A_255 = arith.constant 0 : i32
      %dma_start3A_256 = tpu.memref_slice %arg16[%dma_start3A_254, %dma_start3A_255] : memref<20480x64xbf16, #tpu.memory_space<vmem_shared>> -> memref<20480x64xbf16, #tpu.memory_space<vmem_shared>>
      tpu.enqueue_indirect_dma source(%dma_start3A_250 : memref<128x64xbf16, #tpu.memory_space<vmem>>) target(%dma_start3A_256 : memref<20480x64xbf16, #tpu.memory_space<vmem_shared>>) offsets(%dma_start3A_253 : memref<128xi32, #tpu.memory_space<vmem>>) semaphore(%arg14 : memref<!tpu.dma_semaphore, #tpu.memory_space<semaphore_mem>>) {add = true}
      %mul3A_257 = arith.constant 4 : i32
      %mul3A_258 = arith.muli %mul3A_132, %mul3A_257 : i32
      %add3A_259 = arith.constant 3 : i32
      %add3A_260 = arith.addi %mul3A_258, %add3A_259 : i32
      %dma_start3A_261 = arith.constant 3 : i32
      %dma_start3A_262 = arith.constant 0 : i32
      %dma_start3A_263 = arith.constant 0 : i32
      %dma_start3A_264 = tpu.memref_slice %arg9[%dma_start3A_261, %dma_start3A_262, %dma_start3A_263] : memref<4x128x64xbf16, #tpu.memory_space<vmem>> -> memref<1x128x64xbf16, #tpu.memory_space<vmem>>
      %dma_start3A_265 = tpu.memref_squeeze %dma_start3A_264 : memref<1x128x64xbf16, #tpu.memory_space<vmem>> -> memref<128x64xbf16, #tpu.memory_space<vmem>>
      %dma_start3A_266 = arith.constant 0 : i32
      %dma_start3A_267 = tpu.memref_slice %arg8[%add3A_260, %dma_start3A_266] : memref<80x128xi32, #tpu.memory_space<vmem>> -> memref<1x128xi32, #tpu.memory_space<vmem>>
      %dma_start3A_268 = tpu.memref_squeeze %dma_start3A_267 : memref<1x128xi32, #tpu.memory_space<vmem>> -> memref<128xi32, #tpu.memory_space<vmem>>
      %dma_start3A_269 = arith.constant 0 : i32
      %dma_start3A_270 = arith.constant 0 : i32
      %dma_start3A_271 = tpu.memref_slice %arg16[%dma_start3A_269, %dma_start3A_270] : memref<20480x64xbf16, #tpu.memory_space<vmem_shared>> -> memref<20480x64xbf16, #tpu.memory_space<vmem_shared>>
      tpu.enqueue_indirect_dma source(%dma_start3A_265 : memref<128x64xbf16, #tpu.memory_space<vmem>>) target(%dma_start3A_271 : memref<20480x64xbf16, #tpu.memory_space<vmem_shared>>) offsets(%dma_start3A_268 : memref<128xi32, #tpu.memory_space<vmem>>) semaphore(%arg14 : memref<!tpu.dma_semaphore, #tpu.memory_space<semaphore_mem>>) {add = true}
      %gt3A = arith.constant 0 : i32
      %gt3A_272 = arith.cmpi sgt, %scan3A_129, %gt3A : i32
      %convert_element_type3A = arith.extui %gt3A_272 : i1 to i32
      %cond3A = arith.constant 0 : i32
      %cond3A_273 = arith.cmpi ne, %convert_element_type3A, %cond3A : i32
      scf.if %cond3A_273 {
        %sub3A = arith.constant 2 : i32
        %sub3A_551 = arith.subi %add3A_135, %sub3A : i32
        %mul3A_552 = arith.constant 4 : i32
        %mul3A_553 = arith.muli %sub3A_551, %mul3A_552 : i32
        %add3A_554 = arith.constant 0 : i32
        %add3A_555 = arith.addi %mul3A_553, %add3A_554 : i32
        %dma_wait3A_556 = arith.constant 0 : i32
        %dma_wait3A_557 = arith.constant 0 : i32
        %dma_wait3A_558 = arith.constant 0 : i32
        %dma_wait3A_559 = tpu.memref_slice %arg10[%dma_wait3A_556, %dma_wait3A_557, %dma_wait3A_558] : memref<4x128x64xbf16, #tpu.memory_space<vmem>> -> memref<1x128x64xbf16, #tpu.memory_space<vmem>>
        %dma_wait3A_560 = tpu.memref_squeeze %dma_wait3A_559 : memref<1x128x64xbf16, #tpu.memory_space<vmem>> -> memref<128x64xbf16, #tpu.memory_space<vmem>>
        %dma_wait3A_561 = arith.constant 0 : i32
        %dma_wait3A_562 = tpu.memref_slice %arg8[%add3A_555, %dma_wait3A_561] : memref<80x128xi32, #tpu.memory_space<vmem>> -> memref<1x128xi32, #tpu.memory_space<vmem>>
        %dma_wait3A_563 = tpu.memref_squeeze %dma_wait3A_562 : memref<1x128xi32, #tpu.memory_space<vmem>> -> memref<128xi32, #tpu.memory_space<vmem>>
        %dma_wait3A_564 = arith.constant 0 : i32
        %dma_wait3A_565 = arith.constant 0 : i32
        %dma_wait3A_566 = tpu.memref_slice %arg16[%dma_wait3A_564, %dma_wait3A_565] : memref<20480x64xbf16, #tpu.memory_space<vmem_shared>> -> memref<20480x64xbf16, #tpu.memory_space<vmem_shared>>
        tpu.wait_indirect_dma semaphore(%arg15 : memref<!tpu.dma_semaphore, #tpu.memory_space<semaphore_mem>>) src(%dma_wait3A_560 : memref<128x64xbf16, #tpu.memory_space<vmem>>) dst(%dma_wait3A_566 : memref<20480x64xbf16, #tpu.memory_space<vmem_shared>>)
        %mul3A_567 = arith.constant 4 : i32
        %mul3A_568 = arith.muli %sub3A_551, %mul3A_567 : i32
        %add3A_569 = arith.constant 1 : i32
        %add3A_570 = arith.addi %mul3A_568, %add3A_569 : i32
        %dma_wait3A_571 = arith.constant 1 : i32
        %dma_wait3A_572 = arith.constant 0 : i32
        %dma_wait3A_573 = arith.constant 0 : i32
        %dma_wait3A_574 = tpu.memref_slice %arg10[%dma_wait3A_571, %dma_wait3A_572, %dma_wait3A_573] : memref<4x128x64xbf16, #tpu.memory_space<vmem>> -> memref<1x128x64xbf16, #tpu.memory_space<vmem>>
        %dma_wait3A_575 = tpu.memref_squeeze %dma_wait3A_574 : memref<1x128x64xbf16, #tpu.memory_space<vmem>> -> memref<128x64xbf16, #tpu.memory_space<vmem>>
        %dma_wait3A_576 = arith.constant 0 : i32
        %dma_wait3A_577 = tpu.memref_slice %arg8[%add3A_570, %dma_wait3A_576] : memref<80x128xi32, #tpu.memory_space<vmem>> -> memref<1x128xi32, #tpu.memory_space<vmem>>
        %dma_wait3A_578 = tpu.memref_squeeze %dma_wait3A_577 : memref<1x128xi32, #tpu.memory_space<vmem>> -> memref<128xi32, #tpu.memory_space<vmem>>
        %dma_wait3A_579 = arith.constant 0 : i32
        %dma_wait3A_580 = arith.constant 0 : i32
        %dma_wait3A_581 = tpu.memref_slice %arg16[%dma_wait3A_579, %dma_wait3A_580] : memref<20480x64xbf16, #tpu.memory_space<vmem_shared>> -> memref<20480x64xbf16, #tpu.memory_space<vmem_shared>>
        tpu.wait_indirect_dma semaphore(%arg15 : memref<!tpu.dma_semaphore, #tpu.memory_space<semaphore_mem>>) src(%dma_wait3A_575 : memref<128x64xbf16, #tpu.memory_space<vmem>>) dst(%dma_wait3A_581 : memref<20480x64xbf16, #tpu.memory_space<vmem_shared>>)
        %mul3A_582 = arith.constant 4 : i32
        %mul3A_583 = arith.muli %sub3A_551, %mul3A_582 : i32
        %add3A_584 = arith.constant 2 : i32
        %add3A_585 = arith.addi %mul3A_583, %add3A_584 : i32
        %dma_wait3A_586 = arith.constant 2 : i32
        %dma_wait3A_587 = arith.constant 0 : i32
        %dma_wait3A_588 = arith.constant 0 : i32
        %dma_wait3A_589 = tpu.memref_slice %arg10[%dma_wait3A_586, %dma_wait3A_587, %dma_wait3A_588] : memref<4x128x64xbf16, #tpu.memory_space<vmem>> -> memref<1x128x64xbf16, #tpu.memory_space<vmem>>
        %dma_wait3A_590 = tpu.memref_squeeze %dma_wait3A_589 : memref<1x128x64xbf16, #tpu.memory_space<vmem>> -> memref<128x64xbf16, #tpu.memory_space<vmem>>
        %dma_wait3A_591 = arith.constant 0 : i32
        %dma_wait3A_592 = tpu.memref_slice %arg8[%add3A_585, %dma_wait3A_591] : memref<80x128xi32, #tpu.memory_space<vmem>> -> memref<1x128xi32, #tpu.memory_space<vmem>>
        %dma_wait3A_593 = tpu.memref_squeeze %dma_wait3A_592 : memref<1x128xi32, #tpu.memory_space<vmem>> -> memref<128xi32, #tpu.memory_space<vmem>>
        %dma_wait3A_594 = arith.constant 0 : i32
        %dma_wait3A_595 = arith.constant 0 : i32
        %dma_wait3A_596 = tpu.memref_slice %arg16[%dma_wait3A_594, %dma_wait3A_595] : memref<20480x64xbf16, #tpu.memory_space<vmem_shared>> -> memref<20480x64xbf16, #tpu.memory_space<vmem_shared>>
        tpu.wait_indirect_dma semaphore(%arg15 : memref<!tpu.dma_semaphore, #tpu.memory_space<semaphore_mem>>) src(%dma_wait3A_590 : memref<128x64xbf16, #tpu.memory_space<vmem>>) dst(%dma_wait3A_596 : memref<20480x64xbf16, #tpu.memory_space<vmem_shared>>)
        %mul3A_597 = arith.constant 4 : i32
        %mul3A_598 = arith.muli %sub3A_551, %mul3A_597 : i32
        %add3A_599 = arith.constant 3 : i32
        %add3A_600 = arith.addi %mul3A_598, %add3A_599 : i32
        %dma_wait3A_601 = arith.constant 3 : i32
        %dma_wait3A_602 = arith.constant 0 : i32
        %dma_wait3A_603 = arith.constant 0 : i32
        %dma_wait3A_604 = tpu.memref_slice %arg10[%dma_wait3A_601, %dma_wait3A_602, %dma_wait3A_603] : memref<4x128x64xbf16, #tpu.memory_space<vmem>> -> memref<1x128x64xbf16, #tpu.memory_space<vmem>>
        %dma_wait3A_605 = tpu.memref_squeeze %dma_wait3A_604 : memref<1x128x64xbf16, #tpu.memory_space<vmem>> -> memref<128x64xbf16, #tpu.memory_space<vmem>>
        %dma_wait3A_606 = arith.constant 0 : i32
        %dma_wait3A_607 = tpu.memref_slice %arg8[%add3A_600, %dma_wait3A_606] : memref<80x128xi32, #tpu.memory_space<vmem>> -> memref<1x128xi32, #tpu.memory_space<vmem>>
        %dma_wait3A_608 = tpu.memref_squeeze %dma_wait3A_607 : memref<1x128xi32, #tpu.memory_space<vmem>> -> memref<128xi32, #tpu.memory_space<vmem>>
        %dma_wait3A_609 = arith.constant 0 : i32
        %dma_wait3A_610 = arith.constant 0 : i32
        %dma_wait3A_611 = tpu.memref_slice %arg16[%dma_wait3A_609, %dma_wait3A_610] : memref<20480x64xbf16, #tpu.memory_space<vmem_shared>> -> memref<20480x64xbf16, #tpu.memory_space<vmem_shared>>
        tpu.wait_indirect_dma semaphore(%arg15 : memref<!tpu.dma_semaphore, #tpu.memory_space<semaphore_mem>>) src(%dma_wait3A_605 : memref<128x64xbf16, #tpu.memory_space<vmem>>) dst(%dma_wait3A_611 : memref<20480x64xbf16, #tpu.memory_space<vmem_shared>>)
      } else {
      }
      %mul3A_274 = arith.constant 4 : i32
      %mul3A_275 = arith.muli %add3A_135, %mul3A_274 : i32
      %add3A_276 = arith.constant 0 : i32
      %add3A_277 = arith.addi %mul3A_275, %add3A_276 : i32
      %dma_start3A_278 = arith.constant 0 : i32
      %dma_start3A_279 = arith.constant 0 : i32
      %dma_start3A_280 = arith.constant 0 : i32
      %dma_start3A_281 = tpu.memref_slice %arg10[%dma_start3A_278, %dma_start3A_279, %dma_start3A_280] : memref<4x128x64xbf16, #tpu.memory_space<vmem>> -> memref<1x128x64xbf16, #tpu.memory_space<vmem>>
      %dma_start3A_282 = tpu.memref_squeeze %dma_start3A_281 : memref<1x128x64xbf16, #tpu.memory_space<vmem>> -> memref<128x64xbf16, #tpu.memory_space<vmem>>
      %dma_start3A_283 = arith.constant 0 : i32
      %dma_start3A_284 = tpu.memref_slice %arg7[%add3A_277, %dma_start3A_283] : memref<80x128xi32, #tpu.memory_space<vmem>> -> memref<1x128xi32, #tpu.memory_space<vmem>>
      %dma_start3A_285 = tpu.memref_squeeze %dma_start3A_284 : memref<1x128xi32, #tpu.memory_space<vmem>> -> memref<128xi32, #tpu.memory_space<vmem>>
      %dma_start3A_286 = arith.constant 0 : i32
      %dma_start3A_287 = arith.constant 0 : i32
      %dma_start3A_288 = tpu.memref_slice %arg2[%arg0, %dma_start3A_286, %dma_start3A_287] : memref<2x10240x64xbf16, #tpu.memory_space<hbm>> -> memref<1x10240x64xbf16, #tpu.memory_space<hbm>>
      %dma_start3A_289 = tpu.memref_squeeze %dma_start3A_288 : memref<1x10240x64xbf16, #tpu.memory_space<hbm>> -> memref<10240x64xbf16, #tpu.memory_space<hbm>>
      %dma_start3A_290 = arith.constant 0 : i32
      %dma_start3A_291 = arith.constant 0 : i32
      %dma_start3A_292 = tpu.memref_slice %dma_start3A_289[%dma_start3A_290, %dma_start3A_291] : memref<10240x64xbf16, #tpu.memory_space<hbm>> -> memref<10240x64xbf16, #tpu.memory_space<hbm>>
      tpu.enqueue_indirect_dma source(%dma_start3A_292 : memref<10240x64xbf16, #tpu.memory_space<hbm>>) target(%dma_start3A_282 : memref<128x64xbf16, #tpu.memory_space<vmem>>) offsets(%dma_start3A_285 : memref<128xi32, #tpu.memory_space<vmem>>) semaphore(%arg13 : memref<!tpu.dma_semaphore, #tpu.memory_space<semaphore_mem>>)
      %mul3A_293 = arith.constant 4 : i32
      %mul3A_294 = arith.muli %add3A_135, %mul3A_293 : i32
      %add3A_295 = arith.constant 1 : i32
      %add3A_296 = arith.addi %mul3A_294, %add3A_295 : i32
      %dma_start3A_297 = arith.constant 1 : i32
      %dma_start3A_298 = arith.constant 0 : i32
      %dma_start3A_299 = arith.constant 0 : i32
      %dma_start3A_300 = tpu.memref_slice %arg10[%dma_start3A_297, %dma_start3A_298, %dma_start3A_299] : memref<4x128x64xbf16, #tpu.memory_space<vmem>> -> memref<1x128x64xbf16, #tpu.memory_space<vmem>>
      %dma_start3A_301 = tpu.memref_squeeze %dma_start3A_300 : memref<1x128x64xbf16, #tpu.memory_space<vmem>> -> memref<128x64xbf16, #tpu.memory_space<vmem>>
      %dma_start3A_302 = arith.constant 0 : i32
      %dma_start3A_303 = tpu.memref_slice %arg7[%add3A_296, %dma_start3A_302] : memref<80x128xi32, #tpu.memory_space<vmem>> -> memref<1x128xi32, #tpu.memory_space<vmem>>
      %dma_start3A_304 = tpu.memref_squeeze %dma_start3A_303 : memref<1x128xi32, #tpu.memory_space<vmem>> -> memref<128xi32, #tpu.memory_space<vmem>>
      %dma_start3A_305 = arith.constant 0 : i32
      %dma_start3A_306 = arith.constant 0 : i32
      %dma_start3A_307 = tpu.memref_slice %arg2[%arg0, %dma_start3A_305, %dma_start3A_306] : memref<2x10240x64xbf16, #tpu.memory_space<hbm>> -> memref<1x10240x64xbf16, #tpu.memory_space<hbm>>
      %dma_start3A_308 = tpu.memref_squeeze %dma_start3A_307 : memref<1x10240x64xbf16, #tpu.memory_space<hbm>> -> memref<10240x64xbf16, #tpu.memory_space<hbm>>
      %dma_start3A_309 = arith.constant 0 : i32
      %dma_start3A_310 = arith.constant 0 : i32
      %dma_start3A_311 = tpu.memref_slice %dma_start3A_308[%dma_start3A_309, %dma_start3A_310] : memref<10240x64xbf16, #tpu.memory_space<hbm>> -> memref<10240x64xbf16, #tpu.memory_space<hbm>>
      tpu.enqueue_indirect_dma source(%dma_start3A_311 : memref<10240x64xbf16, #tpu.memory_space<hbm>>) target(%dma_start3A_301 : memref<128x64xbf16, #tpu.memory_space<vmem>>) offsets(%dma_start3A_304 : memref<128xi32, #tpu.memory_space<vmem>>) semaphore(%arg13 : memref<!tpu.dma_semaphore, #tpu.memory_space<semaphore_mem>>)
      %mul3A_312 = arith.constant 4 : i32
      %mul3A_313 = arith.muli %add3A_135, %mul3A_312 : i32
      %add3A_314 = arith.constant 2 : i32
      %add3A_315 = arith.addi %mul3A_313, %add3A_314 : i32
      %dma_start3A_316 = arith.constant 2 : i32
      %dma_start3A_317 = arith.constant 0 : i32
      %dma_start3A_318 = arith.constant 0 : i32
      %dma_start3A_319 = tpu.memref_slice %arg10[%dma_start3A_316, %dma_start3A_317, %dma_start3A_318] : memref<4x128x64xbf16, #tpu.memory_space<vmem>> -> memref<1x128x64xbf16, #tpu.memory_space<vmem>>
      %dma_start3A_320 = tpu.memref_squeeze %dma_start3A_319 : memref<1x128x64xbf16, #tpu.memory_space<vmem>> -> memref<128x64xbf16, #tpu.memory_space<vmem>>
      %dma_start3A_321 = arith.constant 0 : i32
      %dma_start3A_322 = tpu.memref_slice %arg7[%add3A_315, %dma_start3A_321] : memref<80x128xi32, #tpu.memory_space<vmem>> -> memref<1x128xi32, #tpu.memory_space<vmem>>
      %dma_start3A_323 = tpu.memref_squeeze %dma_start3A_322 : memref<1x128xi32, #tpu.memory_space<vmem>> -> memref<128xi32, #tpu.memory_space<vmem>>
      %dma_start3A_324 = arith.constant 0 : i32
      %dma_start3A_325 = arith.constant 0 : i32
      %dma_start3A_326 = tpu.memref_slice %arg2[%arg0, %dma_start3A_324, %dma_start3A_325] : memref<2x10240x64xbf16, #tpu.memory_space<hbm>> -> memref<1x10240x64xbf16, #tpu.memory_space<hbm>>
      %dma_start3A_327 = tpu.memref_squeeze %dma_start3A_326 : memref<1x10240x64xbf16, #tpu.memory_space<hbm>> -> memref<10240x64xbf16, #tpu.memory_space<hbm>>
      %dma_start3A_328 = arith.constant 0 : i32
      %dma_start3A_329 = arith.constant 0 : i32
      %dma_start3A_330 = tpu.memref_slice %dma_start3A_327[%dma_start3A_328, %dma_start3A_329] : memref<10240x64xbf16, #tpu.memory_space<hbm>> -> memref<10240x64xbf16, #tpu.memory_space<hbm>>
      tpu.enqueue_indirect_dma source(%dma_start3A_330 : memref<10240x64xbf16, #tpu.memory_space<hbm>>) target(%dma_start3A_320 : memref<128x64xbf16, #tpu.memory_space<vmem>>) offsets(%dma_start3A_323 : memref<128xi32, #tpu.memory_space<vmem>>) semaphore(%arg13 : memref<!tpu.dma_semaphore, #tpu.memory_space<semaphore_mem>>)
      %mul3A_331 = arith.constant 4 : i32
      %mul3A_332 = arith.muli %add3A_135, %mul3A_331 : i32
      %add3A_333 = arith.constant 3 : i32
      %add3A_334 = arith.addi %mul3A_332, %add3A_333 : i32
      %dma_start3A_335 = arith.constant 3 : i32
      %dma_start3A_336 = arith.constant 0 : i32
      %dma_start3A_337 = arith.constant 0 : i32
      %dma_start3A_338 = tpu.memref_slice %arg10[%dma_start3A_335, %dma_start3A_336, %dma_start3A_337] : memref<4x128x64xbf16, #tpu.memory_space<vmem>> -> memref<1x128x64xbf16, #tpu.memory_space<vmem>>
      %dma_start3A_339 = tpu.memref_squeeze %dma_start3A_338 : memref<1x128x64xbf16, #tpu.memory_space<vmem>> -> memref<128x64xbf16, #tpu.memory_space<vmem>>
      %dma_start3A_340 = arith.constant 0 : i32
      %dma_start3A_341 = tpu.memref_slice %arg7[%add3A_334, %dma_start3A_340] : memref<80x128xi32, #tpu.memory_space<vmem>> -> memref<1x128xi32, #tpu.memory_space<vmem>>
      %dma_start3A_342 = tpu.memref_squeeze %dma_start3A_341 : memref<1x128xi32, #tpu.memory_space<vmem>> -> memref<128xi32, #tpu.memory_space<vmem>>
      %dma_start3A_343 = arith.constant 0 : i32
      %dma_start3A_344 = arith.constant 0 : i32
      %dma_start3A_345 = tpu.memref_slice %arg2[%arg0, %dma_start3A_343, %dma_start3A_344] : memref<2x10240x64xbf16, #tpu.memory_space<hbm>> -> memref<1x10240x64xbf16, #tpu.memory_space<hbm>>
      %dma_start3A_346 = tpu.memref_squeeze %dma_start3A_345 : memref<1x10240x64xbf16, #tpu.memory_space<hbm>> -> memref<10240x64xbf16, #tpu.memory_space<hbm>>
      %dma_start3A_347 = arith.constant 0 : i32
      %dma_start3A_348 = arith.constant 0 : i32
      %dma_start3A_349 = tpu.memref_slice %dma_start3A_346[%dma_start3A_347, %dma_start3A_348] : memref<10240x64xbf16, #tpu.memory_space<hbm>> -> memref<10240x64xbf16, #tpu.memory_space<hbm>>
      tpu.enqueue_indirect_dma source(%dma_start3A_349 : memref<10240x64xbf16, #tpu.memory_space<hbm>>) target(%dma_start3A_339 : memref<128x64xbf16, #tpu.memory_space<vmem>>) offsets(%dma_start3A_342 : memref<128xi32, #tpu.memory_space<vmem>>) semaphore(%arg13 : memref<!tpu.dma_semaphore, #tpu.memory_space<semaphore_mem>>)
      %mul3A_350 = arith.constant 4 : i32
      %mul3A_351 = arith.muli %add3A_135, %mul3A_350 : i32
      %add3A_352 = arith.constant 0 : i32
      %add3A_353 = arith.addi %mul3A_351, %add3A_352 : i32
      %dma_wait3A_354 = arith.constant 0 : i32
      %dma_wait3A_355 = arith.constant 0 : i32
      %dma_wait3A_356 = arith.constant 0 : i32
      %dma_wait3A_357 = tpu.memref_slice %arg10[%dma_wait3A_354, %dma_wait3A_355, %dma_wait3A_356] : memref<4x128x64xbf16, #tpu.memory_space<vmem>> -> memref<1x128x64xbf16, #tpu.memory_space<vmem>>
      %dma_wait3A_358 = tpu.memref_squeeze %dma_wait3A_357 : memref<1x128x64xbf16, #tpu.memory_space<vmem>> -> memref<128x64xbf16, #tpu.memory_space<vmem>>
      %dma_wait3A_359 = arith.constant 0 : i32
      %dma_wait3A_360 = tpu.memref_slice %arg7[%add3A_353, %dma_wait3A_359] : memref<80x128xi32, #tpu.memory_space<vmem>> -> memref<1x128xi32, #tpu.memory_space<vmem>>
      %dma_wait3A_361 = tpu.memref_squeeze %dma_wait3A_360 : memref<1x128xi32, #tpu.memory_space<vmem>> -> memref<128xi32, #tpu.memory_space<vmem>>
      %dma_wait3A_362 = arith.constant 0 : i32
      %dma_wait3A_363 = arith.constant 0 : i32
      %dma_wait3A_364 = tpu.memref_slice %arg2[%arg0, %dma_wait3A_362, %dma_wait3A_363] : memref<2x10240x64xbf16, #tpu.memory_space<hbm>> -> memref<1x10240x64xbf16, #tpu.memory_space<hbm>>
      %dma_wait3A_365 = tpu.memref_squeeze %dma_wait3A_364 : memref<1x10240x64xbf16, #tpu.memory_space<hbm>> -> memref<10240x64xbf16, #tpu.memory_space<hbm>>
      %dma_wait3A_366 = arith.constant 0 : i32
      %dma_wait3A_367 = arith.constant 0 : i32
      %dma_wait3A_368 = tpu.memref_slice %dma_wait3A_365[%dma_wait3A_366, %dma_wait3A_367] : memref<10240x64xbf16, #tpu.memory_space<hbm>> -> memref<10240x64xbf16, #tpu.memory_space<hbm>>
      tpu.wait_indirect_dma semaphore(%arg13 : memref<!tpu.dma_semaphore, #tpu.memory_space<semaphore_mem>>) src(%dma_wait3A_368 : memref<10240x64xbf16, #tpu.memory_space<hbm>>) dst(%dma_wait3A_358 : memref<128x64xbf16, #tpu.memory_space<vmem>>)
      %mul3A_369 = arith.constant 4 : i32
      %mul3A_370 = arith.muli %add3A_135, %mul3A_369 : i32
      %add3A_371 = arith.constant 1 : i32
      %add3A_372 = arith.addi %mul3A_370, %add3A_371 : i32
      %dma_wait3A_373 = arith.constant 1 : i32
      %dma_wait3A_374 = arith.constant 0 : i32
      %dma_wait3A_375 = arith.constant 0 : i32
      %dma_wait3A_376 = tpu.memref_slice %arg10[%dma_wait3A_373, %dma_wait3A_374, %dma_wait3A_375] : memref<4x128x64xbf16, #tpu.memory_space<vmem>> -> memref<1x128x64xbf16, #tpu.memory_space<vmem>>
      %dma_wait3A_377 = tpu.memref_squeeze %dma_wait3A_376 : memref<1x128x64xbf16, #tpu.memory_space<vmem>> -> memref<128x64xbf16, #tpu.memory_space<vmem>>
      %dma_wait3A_378 = arith.constant 0 : i32
      %dma_wait3A_379 = tpu.memref_slice %arg7[%add3A_372, %dma_wait3A_378] : memref<80x128xi32, #tpu.memory_space<vmem>> -> memref<1x128xi32, #tpu.memory_space<vmem>>
      %dma_wait3A_380 = tpu.memref_squeeze %dma_wait3A_379 : memref<1x128xi32, #tpu.memory_space<vmem>> -> memref<128xi32, #tpu.memory_space<vmem>>
      %dma_wait3A_381 = arith.constant 0 : i32
      %dma_wait3A_382 = arith.constant 0 : i32
      %dma_wait3A_383 = tpu.memref_slice %arg2[%arg0, %dma_wait3A_381, %dma_wait3A_382] : memref<2x10240x64xbf16, #tpu.memory_space<hbm>> -> memref<1x10240x64xbf16, #tpu.memory_space<hbm>>
      %dma_wait3A_384 = tpu.memref_squeeze %dma_wait3A_383 : memref<1x10240x64xbf16, #tpu.memory_space<hbm>> -> memref<10240x64xbf16, #tpu.memory_space<hbm>>
      %dma_wait3A_385 = arith.constant 0 : i32
      %dma_wait3A_386 = arith.constant 0 : i32
      %dma_wait3A_387 = tpu.memref_slice %dma_wait3A_384[%dma_wait3A_385, %dma_wait3A_386] : memref<10240x64xbf16, #tpu.memory_space<hbm>> -> memref<10240x64xbf16, #tpu.memory_space<hbm>>
      tpu.wait_indirect_dma semaphore(%arg13 : memref<!tpu.dma_semaphore, #tpu.memory_space<semaphore_mem>>) src(%dma_wait3A_387 : memref<10240x64xbf16, #tpu.memory_space<hbm>>) dst(%dma_wait3A_377 : memref<128x64xbf16, #tpu.memory_space<vmem>>)
      %mul3A_388 = arith.constant 4 : i32
      %mul3A_389 = arith.muli %add3A_135, %mul3A_388 : i32
      %add3A_390 = arith.constant 2 : i32
      %add3A_391 = arith.addi %mul3A_389, %add3A_390 : i32
      %dma_wait3A_392 = arith.constant 2 : i32
      %dma_wait3A_393 = arith.constant 0 : i32
      %dma_wait3A_394 = arith.constant 0 : i32
      %dma_wait3A_395 = tpu.memref_slice %arg10[%dma_wait3A_392, %dma_wait3A_393, %dma_wait3A_394] : memref<4x128x64xbf16, #tpu.memory_space<vmem>> -> memref<1x128x64xbf16, #tpu.memory_space<vmem>>
      %dma_wait3A_396 = tpu.memref_squeeze %dma_wait3A_395 : memref<1x128x64xbf16, #tpu.memory_space<vmem>> -> memref<128x64xbf16, #tpu.memory_space<vmem>>
      %dma_wait3A_397 = arith.constant 0 : i32
      %dma_wait3A_398 = tpu.memref_slice %arg7[%add3A_391, %dma_wait3A_397] : memref<80x128xi32, #tpu.memory_space<vmem>> -> memref<1x128xi32, #tpu.memory_space<vmem>>
      %dma_wait3A_399 = tpu.memref_squeeze %dma_wait3A_398 : memref<1x128xi32, #tpu.memory_space<vmem>> -> memref<128xi32, #tpu.memory_space<vmem>>
      %dma_wait3A_400 = arith.constant 0 : i32
      %dma_wait3A_401 = arith.constant 0 : i32
      %dma_wait3A_402 = tpu.memref_slice %arg2[%arg0, %dma_wait3A_400, %dma_wait3A_401] : memref<2x10240x64xbf16, #tpu.memory_space<hbm>> -> memref<1x10240x64xbf16, #tpu.memory_space<hbm>>
      %dma_wait3A_403 = tpu.memref_squeeze %dma_wait3A_402 : memref<1x10240x64xbf16, #tpu.memory_space<hbm>> -> memref<10240x64xbf16, #tpu.memory_space<hbm>>
      %dma_wait3A_404 = arith.constant 0 : i32
      %dma_wait3A_405 = arith.constant 0 : i32
      %dma_wait3A_406 = tpu.memref_slice %dma_wait3A_403[%dma_wait3A_404, %dma_wait3A_405] : memref<10240x64xbf16, #tpu.memory_space<hbm>> -> memref<10240x64xbf16, #tpu.memory_space<hbm>>
      tpu.wait_indirect_dma semaphore(%arg13 : memref<!tpu.dma_semaphore, #tpu.memory_space<semaphore_mem>>) src(%dma_wait3A_406 : memref<10240x64xbf16, #tpu.memory_space<hbm>>) dst(%dma_wait3A_396 : memref<128x64xbf16, #tpu.memory_space<vmem>>)
      %mul3A_407 = arith.constant 4 : i32
      %mul3A_408 = arith.muli %add3A_135, %mul3A_407 : i32
      %add3A_409 = arith.constant 3 : i32
      %add3A_410 = arith.addi %mul3A_408, %add3A_409 : i32
      %dma_wait3A_411 = arith.constant 3 : i32
      %dma_wait3A_412 = arith.constant 0 : i32
      %dma_wait3A_413 = arith.constant 0 : i32
      %dma_wait3A_414 = tpu.memref_slice %arg10[%dma_wait3A_411, %dma_wait3A_412, %dma_wait3A_413] : memref<4x128x64xbf16, #tpu.memory_space<vmem>> -> memref<1x128x64xbf16, #tpu.memory_space<vmem>>
      %dma_wait3A_415 = tpu.memref_squeeze %dma_wait3A_414 : memref<1x128x64xbf16, #tpu.memory_space<vmem>> -> memref<128x64xbf16, #tpu.memory_space<vmem>>
      %dma_wait3A_416 = arith.constant 0 : i32
      %dma_wait3A_417 = tpu.memref_slice %arg7[%add3A_410, %dma_wait3A_416] : memref<80x128xi32, #tpu.memory_space<vmem>> -> memref<1x128xi32, #tpu.memory_space<vmem>>
      %dma_wait3A_418 = tpu.memref_squeeze %dma_wait3A_417 : memref<1x128xi32, #tpu.memory_space<vmem>> -> memref<128xi32, #tpu.memory_space<vmem>>
      %dma_wait3A_419 = arith.constant 0 : i32
      %dma_wait3A_420 = arith.constant 0 : i32
      %dma_wait3A_421 = tpu.memref_slice %arg2[%arg0, %dma_wait3A_419, %dma_wait3A_420] : memref<2x10240x64xbf16, #tpu.memory_space<hbm>> -> memref<1x10240x64xbf16, #tpu.memory_space<hbm>>
      %dma_wait3A_422 = tpu.memref_squeeze %dma_wait3A_421 : memref<1x10240x64xbf16, #tpu.memory_space<hbm>> -> memref<10240x64xbf16, #tpu.memory_space<hbm>>
      %dma_wait3A_423 = arith.constant 0 : i32
      %dma_wait3A_424 = arith.constant 0 : i32
      %dma_wait3A_425 = tpu.memref_slice %dma_wait3A_422[%dma_wait3A_423, %dma_wait3A_424] : memref<10240x64xbf16, #tpu.memory_space<hbm>> -> memref<10240x64xbf16, #tpu.memory_space<hbm>>
      tpu.wait_indirect_dma semaphore(%arg13 : memref<!tpu.dma_semaphore, #tpu.memory_space<semaphore_mem>>) src(%dma_wait3A_425 : memref<10240x64xbf16, #tpu.memory_space<hbm>>) dst(%dma_wait3A_415 : memref<128x64xbf16, #tpu.memory_space<vmem>>)
      %mul3A_426 = arith.constant 4 : i32
      %mul3A_427 = arith.muli %add3A_135, %mul3A_426 : i32
      %add3A_428 = arith.constant 0 : i32
      %add3A_429 = arith.addi %mul3A_427, %add3A_428 : i32
      %dma_start3A_430 = arith.constant 0 : i32
      %dma_start3A_431 = arith.constant 0 : i32
      %dma_start3A_432 = arith.constant 0 : i32
      %dma_start3A_433 = tpu.memref_slice %arg10[%dma_start3A_430, %dma_start3A_431, %dma_start3A_432] : memref<4x128x64xbf16, #tpu.memory_space<vmem>> -> memref<1x128x64xbf16, #tpu.memory_space<vmem>>
      %dma_start3A_434 = tpu.memref_squeeze %dma_start3A_433 : memref<1x128x64xbf16, #tpu.memory_space<vmem>> -> memref<128x64xbf16, #tpu.memory_space<vmem>>
      %dma_start3A_435 = arith.constant 0 : i32
      %dma_start3A_436 = tpu.memref_slice %arg8[%add3A_429, %dma_start3A_435] : memref<80x128xi32, #tpu.memory_space<vmem>> -> memref<1x128xi32, #tpu.memory_space<vmem>>
      %dma_start3A_437 = tpu.memref_squeeze %dma_start3A_436 : memref<1x128xi32, #tpu.memory_space<vmem>> -> memref<128xi32, #tpu.memory_space<vmem>>
      %dma_start3A_438 = arith.constant 0 : i32
      %dma_start3A_439 = arith.constant 0 : i32
      %dma_start3A_440 = tpu.memref_slice %arg16[%dma_start3A_438, %dma_start3A_439] : memref<20480x64xbf16, #tpu.memory_space<vmem_shared>> -> memref<20480x64xbf16, #tpu.memory_space<vmem_shared>>
      tpu.enqueue_indirect_dma source(%dma_start3A_434 : memref<128x64xbf16, #tpu.memory_space<vmem>>) target(%dma_start3A_440 : memref<20480x64xbf16, #tpu.memory_space<vmem_shared>>) offsets(%dma_start3A_437 : memref<128xi32, #tpu.memory_space<vmem>>) semaphore(%arg15 : memref<!tpu.dma_semaphore, #tpu.memory_space<semaphore_mem>>) {add = true}
      %mul3A_441 = arith.constant 4 : i32
      %mul3A_442 = arith.muli %add3A_135, %mul3A_441 : i32
      %add3A_443 = arith.constant 1 : i32
      %add3A_444 = arith.addi %mul3A_442, %add3A_443 : i32
      %dma_start3A_445 = arith.constant 1 : i32
      %dma_start3A_446 = arith.constant 0 : i32
      %dma_start3A_447 = arith.constant 0 : i32
      %dma_start3A_448 = tpu.memref_slice %arg10[%dma_start3A_445, %dma_start3A_446, %dma_start3A_447] : memref<4x128x64xbf16, #tpu.memory_space<vmem>> -> memref<1x128x64xbf16, #tpu.memory_space<vmem>>
      %dma_start3A_449 = tpu.memref_squeeze %dma_start3A_448 : memref<1x128x64xbf16, #tpu.memory_space<vmem>> -> memref<128x64xbf16, #tpu.memory_space<vmem>>
      %dma_start3A_450 = arith.constant 0 : i32
      %dma_start3A_451 = tpu.memref_slice %arg8[%add3A_444, %dma_start3A_450] : memref<80x128xi32, #tpu.memory_space<vmem>> -> memref<1x128xi32, #tpu.memory_space<vmem>>
      %dma_start3A_452 = tpu.memref_squeeze %dma_start3A_451 : memref<1x128xi32, #tpu.memory_space<vmem>> -> memref<128xi32, #tpu.memory_space<vmem>>
      %dma_start3A_453 = arith.constant 0 : i32
      %dma_start3A_454 = arith.constant 0 : i32
      %dma_start3A_455 = tpu.memref_slice %arg16[%dma_start3A_453, %dma_start3A_454] : memref<20480x64xbf16, #tpu.memory_space<vmem_shared>> -> memref<20480x64xbf16, #tpu.memory_space<vmem_shared>>
      tpu.enqueue_indirect_dma source(%dma_start3A_449 : memref<128x64xbf16, #tpu.memory_space<vmem>>) target(%dma_start3A_455 : memref<20480x64xbf16, #tpu.memory_space<vmem_shared>>) offsets(%dma_start3A_452 : memref<128xi32, #tpu.memory_space<vmem>>) semaphore(%arg15 : memref<!tpu.dma_semaphore, #tpu.memory_space<semaphore_mem>>) {add = true}
      %mul3A_456 = arith.constant 4 : i32
      %mul3A_457 = arith.muli %add3A_135, %mul3A_456 : i32
      %add3A_458 = arith.constant 2 : i32
      %add3A_459 = arith.addi %mul3A_457, %add3A_458 : i32
      %dma_start3A_460 = arith.constant 2 : i32
      %dma_start3A_461 = arith.constant 0 : i32
      %dma_start3A_462 = arith.constant 0 : i32
      %dma_start3A_463 = tpu.memref_slice %arg10[%dma_start3A_460, %dma_start3A_461, %dma_start3A_462] : memref<4x128x64xbf16, #tpu.memory_space<vmem>> -> memref<1x128x64xbf16, #tpu.memory_space<vmem>>
      %dma_start3A_464 = tpu.memref_squeeze %dma_start3A_463 : memref<1x128x64xbf16, #tpu.memory_space<vmem>> -> memref<128x64xbf16, #tpu.memory_space<vmem>>
      %dma_start3A_465 = arith.constant 0 : i32
      %dma_start3A_466 = tpu.memref_slice %arg8[%add3A_459, %dma_start3A_465] : memref<80x128xi32, #tpu.memory_space<vmem>> -> memref<1x128xi32, #tpu.memory_space<vmem>>
      %dma_start3A_467 = tpu.memref_squeeze %dma_start3A_466 : memref<1x128xi32, #tpu.memory_space<vmem>> -> memref<128xi32, #tpu.memory_space<vmem>>
      %dma_start3A_468 = arith.constant 0 : i32
      %dma_start3A_469 = arith.constant 0 : i32
      %dma_start3A_470 = tpu.memref_slice %arg16[%dma_start3A_468, %dma_start3A_469] : memref<20480x64xbf16, #tpu.memory_space<vmem_shared>> -> memref<20480x64xbf16, #tpu.memory_space<vmem_shared>>
      tpu.enqueue_indirect_dma source(%dma_start3A_464 : memref<128x64xbf16, #tpu.memory_space<vmem>>) target(%dma_start3A_470 : memref<20480x64xbf16, #tpu.memory_space<vmem_shared>>) offsets(%dma_start3A_467 : memref<128xi32, #tpu.memory_space<vmem>>) semaphore(%arg15 : memref<!tpu.dma_semaphore, #tpu.memory_space<semaphore_mem>>) {add = true}
      %mul3A_471 = arith.constant 4 : i32
      %mul3A_472 = arith.muli %add3A_135, %mul3A_471 : i32
      %add3A_473 = arith.constant 3 : i32
      %add3A_474 = arith.addi %mul3A_472, %add3A_473 : i32
      %dma_start3A_475 = arith.constant 3 : i32
      %dma_start3A_476 = arith.constant 0 : i32
      %dma_start3A_477 = arith.constant 0 : i32
      %dma_start3A_478 = tpu.memref_slice %arg10[%dma_start3A_475, %dma_start3A_476, %dma_start3A_477] : memref<4x128x64xbf16, #tpu.memory_space<vmem>> -> memref<1x128x64xbf16, #tpu.memory_space<vmem>>
      %dma_start3A_479 = tpu.memref_squeeze %dma_start3A_478 : memref<1x128x64xbf16, #tpu.memory_space<vmem>> -> memref<128x64xbf16, #tpu.memory_space<vmem>>
      %dma_start3A_480 = arith.constant 0 : i32
      %dma_start3A_481 = tpu.memref_slice %arg8[%add3A_474, %dma_start3A_480] : memref<80x128xi32, #tpu.memory_space<vmem>> -> memref<1x128xi32, #tpu.memory_space<vmem>>
      %dma_start3A_482 = tpu.memref_squeeze %dma_start3A_481 : memref<1x128xi32, #tpu.memory_space<vmem>> -> memref<128xi32, #tpu.memory_space<vmem>>
      %dma_start3A_483 = arith.constant 0 : i32
      %dma_start3A_484 = arith.constant 0 : i32
      %dma_start3A_485 = tpu.memref_slice %arg16[%dma_start3A_483, %dma_start3A_484] : memref<20480x64xbf16, #tpu.memory_space<vmem_shared>> -> memref<20480x64xbf16, #tpu.memory_space<vmem_shared>>
      tpu.enqueue_indirect_dma source(%dma_start3A_479 : memref<128x64xbf16, #tpu.memory_space<vmem>>) target(%dma_start3A_485 : memref<20480x64xbf16, #tpu.memory_space<vmem_shared>>) offsets(%dma_start3A_482 : memref<128xi32, #tpu.memory_space<vmem>>) semaphore(%arg15 : memref<!tpu.dma_semaphore, #tpu.memory_space<semaphore_mem>>) {add = true}
      %mul3A_486 = arith.constant 4 : i32
      %mul3A_487 = arith.muli %mul3A_132, %mul3A_486 : i32
      %add3A_488 = arith.constant 0 : i32
      %add3A_489 = arith.addi %mul3A_487, %add3A_488 : i32
      %dma_wait3A_490 = arith.constant 0 : i32
      %dma_wait3A_491 = arith.constant 0 : i32
      %dma_wait3A_492 = arith.constant 0 : i32
      %dma_wait3A_493 = tpu.memref_slice %arg9[%dma_wait3A_490, %dma_wait3A_491, %dma_wait3A_492] : memref<4x128x64xbf16, #tpu.memory_space<vmem>> -> memref<1x128x64xbf16, #tpu.memory_space<vmem>>
      %dma_wait3A_494 = tpu.memref_squeeze %dma_wait3A_493 : memref<1x128x64xbf16, #tpu.memory_space<vmem>> -> memref<128x64xbf16, #tpu.memory_space<vmem>>
      %dma_wait3A_495 = arith.constant 0 : i32
      %dma_wait3A_496 = tpu.memref_slice %arg8[%add3A_489, %dma_wait3A_495] : memref<80x128xi32, #tpu.memory_space<vmem>> -> memref<1x128xi32, #tpu.memory_space<vmem>>
      %dma_wait3A_497 = tpu.memref_squeeze %dma_wait3A_496 : memref<1x128xi32, #tpu.memory_space<vmem>> -> memref<128xi32, #tpu.memory_space<vmem>>
      %dma_wait3A_498 = arith.constant 0 : i32
      %dma_wait3A_499 = arith.constant 0 : i32
      %dma_wait3A_500 = tpu.memref_slice %arg16[%dma_wait3A_498, %dma_wait3A_499] : memref<20480x64xbf16, #tpu.memory_space<vmem_shared>> -> memref<20480x64xbf16, #tpu.memory_space<vmem_shared>>
      tpu.wait_indirect_dma semaphore(%arg14 : memref<!tpu.dma_semaphore, #tpu.memory_space<semaphore_mem>>) src(%dma_wait3A_494 : memref<128x64xbf16, #tpu.memory_space<vmem>>) dst(%dma_wait3A_500 : memref<20480x64xbf16, #tpu.memory_space<vmem_shared>>)
      %mul3A_501 = arith.constant 4 : i32
      %mul3A_502 = arith.muli %mul3A_132, %mul3A_501 : i32
      %add3A_503 = arith.constant 1 : i32
      %add3A_504 = arith.addi %mul3A_502, %add3A_503 : i32
      %dma_wait3A_505 = arith.constant 1 : i32
      %dma_wait3A_506 = arith.constant 0 : i32
      %dma_wait3A_507 = arith.constant 0 : i32
      %dma_wait3A_508 = tpu.memref_slice %arg9[%dma_wait3A_505, %dma_wait3A_506, %dma_wait3A_507] : memref<4x128x64xbf16, #tpu.memory_space<vmem>> -> memref<1x128x64xbf16, #tpu.memory_space<vmem>>
      %dma_wait3A_509 = tpu.memref_squeeze %dma_wait3A_508 : memref<1x128x64xbf16, #tpu.memory_space<vmem>> -> memref<128x64xbf16, #tpu.memory_space<vmem>>
      %dma_wait3A_510 = arith.constant 0 : i32
      %dma_wait3A_511 = tpu.memref_slice %arg8[%add3A_504, %dma_wait3A_510] : memref<80x128xi32, #tpu.memory_space<vmem>> -> memref<1x128xi32, #tpu.memory_space<vmem>>
      %dma_wait3A_512 = tpu.memref_squeeze %dma_wait3A_511 : memref<1x128xi32, #tpu.memory_space<vmem>> -> memref<128xi32, #tpu.memory_space<vmem>>
      %dma_wait3A_513 = arith.constant 0 : i32
      %dma_wait3A_514 = arith.constant 0 : i32
      %dma_wait3A_515 = tpu.memref_slice %arg16[%dma_wait3A_513, %dma_wait3A_514] : memref<20480x64xbf16, #tpu.memory_space<vmem_shared>> -> memref<20480x64xbf16, #tpu.memory_space<vmem_shared>>
      tpu.wait_indirect_dma semaphore(%arg14 : memref<!tpu.dma_semaphore, #tpu.memory_space<semaphore_mem>>) src(%dma_wait3A_509 : memref<128x64xbf16, #tpu.memory_space<vmem>>) dst(%dma_wait3A_515 : memref<20480x64xbf16, #tpu.memory_space<vmem_shared>>)
      %mul3A_516 = arith.constant 4 : i32
      %mul3A_517 = arith.muli %mul3A_132, %mul3A_516 : i32
      %add3A_518 = arith.constant 2 : i32
      %add3A_519 = arith.addi %mul3A_517, %add3A_518 : i32
      %dma_wait3A_520 = arith.constant 2 : i32
      %dma_wait3A_521 = arith.constant 0 : i32
      %dma_wait3A_522 = arith.constant 0 : i32
      %dma_wait3A_523 = tpu.memref_slice %arg9[%dma_wait3A_520, %dma_wait3A_521, %dma_wait3A_522] : memref<4x128x64xbf16, #tpu.memory_space<vmem>> -> memref<1x128x64xbf16, #tpu.memory_space<vmem>>
      %dma_wait3A_524 = tpu.memref_squeeze %dma_wait3A_523 : memref<1x128x64xbf16, #tpu.memory_space<vmem>> -> memref<128x64xbf16, #tpu.memory_space<vmem>>
      %dma_wait3A_525 = arith.constant 0 : i32
      %dma_wait3A_526 = tpu.memref_slice %arg8[%add3A_519, %dma_wait3A_525] : memref<80x128xi32, #tpu.memory_space<vmem>> -> memref<1x128xi32, #tpu.memory_space<vmem>>
      %dma_wait3A_527 = tpu.memref_squeeze %dma_wait3A_526 : memref<1x128xi32, #tpu.memory_space<vmem>> -> memref<128xi32, #tpu.memory_space<vmem>>
      %dma_wait3A_528 = arith.constant 0 : i32
      %dma_wait3A_529 = arith.constant 0 : i32
      %dma_wait3A_530 = tpu.memref_slice %arg16[%dma_wait3A_528, %dma_wait3A_529] : memref<20480x64xbf16, #tpu.memory_space<vmem_shared>> -> memref<20480x64xbf16, #tpu.memory_space<vmem_shared>>
      tpu.wait_indirect_dma semaphore(%arg14 : memref<!tpu.dma_semaphore, #tpu.memory_space<semaphore_mem>>) src(%dma_wait3A_524 : memref<128x64xbf16, #tpu.memory_space<vmem>>) dst(%dma_wait3A_530 : memref<20480x64xbf16, #tpu.memory_space<vmem_shared>>)
      %mul3A_531 = arith.constant 4 : i32
      %mul3A_532 = arith.muli %mul3A_132, %mul3A_531 : i32
      %add3A_533 = arith.constant 3 : i32
      %add3A_534 = arith.addi %mul3A_532, %add3A_533 : i32
      %dma_wait3A_535 = arith.constant 3 : i32
      %dma_wait3A_536 = arith.constant 0 : i32
      %dma_wait3A_537 = arith.constant 0 : i32
      %dma_wait3A_538 = tpu.memref_slice %arg9[%dma_wait3A_535, %dma_wait3A_536, %dma_wait3A_537] : memref<4x128x64xbf16, #tpu.memory_space<vmem>> -> memref<1x128x64xbf16, #tpu.memory_space<vmem>>
      %dma_wait3A_539 = tpu.memref_squeeze %dma_wait3A_538 : memref<1x128x64xbf16, #tpu.memory_space<vmem>> -> memref<128x64xbf16, #tpu.memory_space<vmem>>
      %dma_wait3A_540 = arith.constant 0 : i32
      %dma_wait3A_541 = tpu.memref_slice %arg8[%add3A_534, %dma_wait3A_540] : memref<80x128xi32, #tpu.memory_space<vmem>> -> memref<1x128xi32, #tpu.memory_space<vmem>>
      %dma_wait3A_542 = tpu.memref_squeeze %dma_wait3A_541 : memref<1x128xi32, #tpu.memory_space<vmem>> -> memref<128xi32, #tpu.memory_space<vmem>>
      %dma_wait3A_543 = arith.constant 0 : i32
      %dma_wait3A_544 = arith.constant 0 : i32
      %dma_wait3A_545 = tpu.memref_slice %arg16[%dma_wait3A_543, %dma_wait3A_544] : memref<20480x64xbf16, #tpu.memory_space<vmem_shared>> -> memref<20480x64xbf16, #tpu.memory_space<vmem_shared>>
      tpu.wait_indirect_dma semaphore(%arg14 : memref<!tpu.dma_semaphore, #tpu.memory_space<semaphore_mem>>) src(%dma_wait3A_539 : memref<128x64xbf16, #tpu.memory_space<vmem>>) dst(%dma_wait3A_545 : memref<20480x64xbf16, #tpu.memory_space<vmem_shared>>)
      %lt3A = arith.constant 9 : i32
      %lt3A_546 = arith.cmpi slt, %scan3A_129, %lt3A : i32
      %convert_element_type3A_547 = arith.extui %lt3A_546 : i1 to i32
      %cond3A_548 = arith.constant 0 : i32
      %cond3A_549 = arith.cmpi ne, %convert_element_type3A_547, %cond3A_548 : i32
      scf.if %cond3A_549 {
        %add3A_551 = arith.constant 2 : i32
        %add3A_552 = arith.addi %mul3A_132, %add3A_551 : i32
        %mul3A_553 = arith.constant 4 : i32
        %mul3A_554 = arith.muli %add3A_552, %mul3A_553 : i32
        %add3A_555 = arith.constant 0 : i32
        %add3A_556 = arith.addi %mul3A_554, %add3A_555 : i32
        %dma_start3A_557 = arith.constant 0 : i32
        %dma_start3A_558 = arith.constant 0 : i32
        %dma_start3A_559 = arith.constant 0 : i32
        %dma_start3A_560 = tpu.memref_slice %arg9[%dma_start3A_557, %dma_start3A_558, %dma_start3A_559] : memref<4x128x64xbf16, #tpu.memory_space<vmem>> -> memref<1x128x64xbf16, #tpu.memory_space<vmem>>
        %dma_start3A_561 = tpu.memref_squeeze %dma_start3A_560 : memref<1x128x64xbf16, #tpu.memory_space<vmem>> -> memref<128x64xbf16, #tpu.memory_space<vmem>>
        %dma_start3A_562 = arith.constant 0 : i32
        %dma_start3A_563 = tpu.memref_slice %arg7[%add3A_556, %dma_start3A_562] : memref<80x128xi32, #tpu.memory_space<vmem>> -> memref<1x128xi32, #tpu.memory_space<vmem>>
        %dma_start3A_564 = tpu.memref_squeeze %dma_start3A_563 : memref<1x128xi32, #tpu.memory_space<vmem>> -> memref<128xi32, #tpu.memory_space<vmem>>
        %dma_start3A_565 = arith.constant 0 : i32
        %dma_start3A_566 = arith.constant 0 : i32
        %dma_start3A_567 = tpu.memref_slice %arg2[%arg0, %dma_start3A_565, %dma_start3A_566] : memref<2x10240x64xbf16, #tpu.memory_space<hbm>> -> memref<1x10240x64xbf16, #tpu.memory_space<hbm>>
        %dma_start3A_568 = tpu.memref_squeeze %dma_start3A_567 : memref<1x10240x64xbf16, #tpu.memory_space<hbm>> -> memref<10240x64xbf16, #tpu.memory_space<hbm>>
        %dma_start3A_569 = arith.constant 0 : i32
        %dma_start3A_570 = arith.constant 0 : i32
        %dma_start3A_571 = tpu.memref_slice %dma_start3A_568[%dma_start3A_569, %dma_start3A_570] : memref<10240x64xbf16, #tpu.memory_space<hbm>> -> memref<10240x64xbf16, #tpu.memory_space<hbm>>
        tpu.enqueue_indirect_dma source(%dma_start3A_571 : memref<10240x64xbf16, #tpu.memory_space<hbm>>) target(%dma_start3A_561 : memref<128x64xbf16, #tpu.memory_space<vmem>>) offsets(%dma_start3A_564 : memref<128xi32, #tpu.memory_space<vmem>>) semaphore(%arg12 : memref<!tpu.dma_semaphore, #tpu.memory_space<semaphore_mem>>)
        %mul3A_572 = arith.constant 4 : i32
        %mul3A_573 = arith.muli %add3A_552, %mul3A_572 : i32
        %add3A_574 = arith.constant 1 : i32
        %add3A_575 = arith.addi %mul3A_573, %add3A_574 : i32
        %dma_start3A_576 = arith.constant 1 : i32
        %dma_start3A_577 = arith.constant 0 : i32
        %dma_start3A_578 = arith.constant 0 : i32
        %dma_start3A_579 = tpu.memref_slice %arg9[%dma_start3A_576, %dma_start3A_577, %dma_start3A_578] : memref<4x128x64xbf16, #tpu.memory_space<vmem>> -> memref<1x128x64xbf16, #tpu.memory_space<vmem>>
        %dma_start3A_580 = tpu.memref_squeeze %dma_start3A_579 : memref<1x128x64xbf16, #tpu.memory_space<vmem>> -> memref<128x64xbf16, #tpu.memory_space<vmem>>
        %dma_start3A_581 = arith.constant 0 : i32
        %dma_start3A_582 = tpu.memref_slice %arg7[%add3A_575, %dma_start3A_581] : memref<80x128xi32, #tpu.memory_space<vmem>> -> memref<1x128xi32, #tpu.memory_space<vmem>>
        %dma_start3A_583 = tpu.memref_squeeze %dma_start3A_582 : memref<1x128xi32, #tpu.memory_space<vmem>> -> memref<128xi32, #tpu.memory_space<vmem>>
        %dma_start3A_584 = arith.constant 0 : i32
        %dma_start3A_585 = arith.constant 0 : i32
        %dma_start3A_586 = tpu.memref_slice %arg2[%arg0, %dma_start3A_584, %dma_start3A_585] : memref<2x10240x64xbf16, #tpu.memory_space<hbm>> -> memref<1x10240x64xbf16, #tpu.memory_space<hbm>>
        %dma_start3A_587 = tpu.memref_squeeze %dma_start3A_586 : memref<1x10240x64xbf16, #tpu.memory_space<hbm>> -> memref<10240x64xbf16, #tpu.memory_space<hbm>>
        %dma_start3A_588 = arith.constant 0 : i32
        %dma_start3A_589 = arith.constant 0 : i32
        %dma_start3A_590 = tpu.memref_slice %dma_start3A_587[%dma_start3A_588, %dma_start3A_589] : memref<10240x64xbf16, #tpu.memory_space<hbm>> -> memref<10240x64xbf16, #tpu.memory_space<hbm>>
        tpu.enqueue_indirect_dma source(%dma_start3A_590 : memref<10240x64xbf16, #tpu.memory_space<hbm>>) target(%dma_start3A_580 : memref<128x64xbf16, #tpu.memory_space<vmem>>) offsets(%dma_start3A_583 : memref<128xi32, #tpu.memory_space<vmem>>) semaphore(%arg12 : memref<!tpu.dma_semaphore, #tpu.memory_space<semaphore_mem>>)
        %mul3A_591 = arith.constant 4 : i32
        %mul3A_592 = arith.muli %add3A_552, %mul3A_591 : i32
        %add3A_593 = arith.constant 2 : i32
        %add3A_594 = arith.addi %mul3A_592, %add3A_593 : i32
        %dma_start3A_595 = arith.constant 2 : i32
        %dma_start3A_596 = arith.constant 0 : i32
        %dma_start3A_597 = arith.constant 0 : i32
        %dma_start3A_598 = tpu.memref_slice %arg9[%dma_start3A_595, %dma_start3A_596, %dma_start3A_597] : memref<4x128x64xbf16, #tpu.memory_space<vmem>> -> memref<1x128x64xbf16, #tpu.memory_space<vmem>>
        %dma_start3A_599 = tpu.memref_squeeze %dma_start3A_598 : memref<1x128x64xbf16, #tpu.memory_space<vmem>> -> memref<128x64xbf16, #tpu.memory_space<vmem>>
        %dma_start3A_600 = arith.constant 0 : i32
        %dma_start3A_601 = tpu.memref_slice %arg7[%add3A_594, %dma_start3A_600] : memref<80x128xi32, #tpu.memory_space<vmem>> -> memref<1x128xi32, #tpu.memory_space<vmem>>
        %dma_start3A_602 = tpu.memref_squeeze %dma_start3A_601 : memref<1x128xi32, #tpu.memory_space<vmem>> -> memref<128xi32, #tpu.memory_space<vmem>>
        %dma_start3A_603 = arith.constant 0 : i32
        %dma_start3A_604 = arith.constant 0 : i32
        %dma_start3A_605 = tpu.memref_slice %arg2[%arg0, %dma_start3A_603, %dma_start3A_604] : memref<2x10240x64xbf16, #tpu.memory_space<hbm>> -> memref<1x10240x64xbf16, #tpu.memory_space<hbm>>
        %dma_start3A_606 = tpu.memref_squeeze %dma_start3A_605 : memref<1x10240x64xbf16, #tpu.memory_space<hbm>> -> memref<10240x64xbf16, #tpu.memory_space<hbm>>
        %dma_start3A_607 = arith.constant 0 : i32
        %dma_start3A_608 = arith.constant 0 : i32
        %dma_start3A_609 = tpu.memref_slice %dma_start3A_606[%dma_start3A_607, %dma_start3A_608] : memref<10240x64xbf16, #tpu.memory_space<hbm>> -> memref<10240x64xbf16, #tpu.memory_space<hbm>>
        tpu.enqueue_indirect_dma source(%dma_start3A_609 : memref<10240x64xbf16, #tpu.memory_space<hbm>>) target(%dma_start3A_599 : memref<128x64xbf16, #tpu.memory_space<vmem>>) offsets(%dma_start3A_602 : memref<128xi32, #tpu.memory_space<vmem>>) semaphore(%arg12 : memref<!tpu.dma_semaphore, #tpu.memory_space<semaphore_mem>>)
        %mul3A_610 = arith.constant 4 : i32
        %mul3A_611 = arith.muli %add3A_552, %mul3A_610 : i32
        %add3A_612 = arith.constant 3 : i32
        %add3A_613 = arith.addi %mul3A_611, %add3A_612 : i32
        %dma_start3A_614 = arith.constant 3 : i32
        %dma_start3A_615 = arith.constant 0 : i32
        %dma_start3A_616 = arith.constant 0 : i32
        %dma_start3A_617 = tpu.memref_slice %arg9[%dma_start3A_614, %dma_start3A_615, %dma_start3A_616] : memref<4x128x64xbf16, #tpu.memory_space<vmem>> -> memref<1x128x64xbf16, #tpu.memory_space<vmem>>
        %dma_start3A_618 = tpu.memref_squeeze %dma_start3A_617 : memref<1x128x64xbf16, #tpu.memory_space<vmem>> -> memref<128x64xbf16, #tpu.memory_space<vmem>>
        %dma_start3A_619 = arith.constant 0 : i32
        %dma_start3A_620 = tpu.memref_slice %arg7[%add3A_613, %dma_start3A_619] : memref<80x128xi32, #tpu.memory_space<vmem>> -> memref<1x128xi32, #tpu.memory_space<vmem>>
        %dma_start3A_621 = tpu.memref_squeeze %dma_start3A_620 : memref<1x128xi32, #tpu.memory_space<vmem>> -> memref<128xi32, #tpu.memory_space<vmem>>
        %dma_start3A_622 = arith.constant 0 : i32
        %dma_start3A_623 = arith.constant 0 : i32
        %dma_start3A_624 = tpu.memref_slice %arg2[%arg0, %dma_start3A_622, %dma_start3A_623] : memref<2x10240x64xbf16, #tpu.memory_space<hbm>> -> memref<1x10240x64xbf16, #tpu.memory_space<hbm>>
        %dma_start3A_625 = tpu.memref_squeeze %dma_start3A_624 : memref<1x10240x64xbf16, #tpu.memory_space<hbm>> -> memref<10240x64xbf16, #tpu.memory_space<hbm>>
        %dma_start3A_626 = arith.constant 0 : i32
        %dma_start3A_627 = arith.constant 0 : i32
        %dma_start3A_628 = tpu.memref_slice %dma_start3A_625[%dma_start3A_626, %dma_start3A_627] : memref<10240x64xbf16, #tpu.memory_space<hbm>> -> memref<10240x64xbf16, #tpu.memory_space<hbm>>
        tpu.enqueue_indirect_dma source(%dma_start3A_628 : memref<10240x64xbf16, #tpu.memory_space<hbm>>) target(%dma_start3A_618 : memref<128x64xbf16, #tpu.memory_space<vmem>>) offsets(%dma_start3A_621 : memref<128xi32, #tpu.memory_space<vmem>>) semaphore(%arg12 : memref<!tpu.dma_semaphore, #tpu.memory_space<semaphore_mem>>)
      } else {
      }
      %scan3A_550 = arith.constant 0 : i32
      scf.yield %scan3A_550 : i32
    }
    %scan3A_78 = arith.constant 10 : i32
    %dma_wait3A = arith.constant 0 : i32
    %dma_wait3A_79 = arith.constant 76 : i32
    %dma_wait3A_80 = arith.constant 0 : i32
    %dma_wait3A_81 = arith.constant 0 : i32
    %dma_wait3A_82 = tpu.memref_slice %arg10[%dma_wait3A, %dma_wait3A_80, %dma_wait3A_81] : memref<4x128x64xbf16, #tpu.memory_space<vmem>> -> memref<1x128x64xbf16, #tpu.memory_space<vmem>>
    %dma_wait3A_83 = tpu.memref_squeeze %dma_wait3A_82 : memref<1x128x64xbf16, #tpu.memory_space<vmem>> -> memref<128x64xbf16, #tpu.memory_space<vmem>>
    %dma_wait3A_84 = arith.constant 0 : i32
    %dma_wait3A_85 = tpu.memref_slice %arg8[%dma_wait3A_79, %dma_wait3A_84] : memref<80x128xi32, #tpu.memory_space<vmem>> -> memref<1x128xi32, #tpu.memory_space<vmem>>
    %dma_wait3A_86 = tpu.memref_squeeze %dma_wait3A_85 : memref<1x128xi32, #tpu.memory_space<vmem>> -> memref<128xi32, #tpu.memory_space<vmem>>
    %dma_wait3A_87 = arith.constant 0 : i32
    %dma_wait3A_88 = arith.constant 0 : i32
    %dma_wait3A_89 = tpu.memref_slice %arg16[%dma_wait3A_87, %dma_wait3A_88] : memref<20480x64xbf16, #tpu.memory_space<vmem_shared>> -> memref<20480x64xbf16, #tpu.memory_space<vmem_shared>>
    tpu.wait_indirect_dma semaphore(%arg15 : memref<!tpu.dma_semaphore, #tpu.memory_space<semaphore_mem>>) src(%dma_wait3A_83 : memref<128x64xbf16, #tpu.memory_space<vmem>>) dst(%dma_wait3A_89 : memref<20480x64xbf16, #tpu.memory_space<vmem_shared>>)
    %dma_wait3A_90 = arith.constant 1 : i32
    %dma_wait3A_91 = arith.constant 77 : i32
    %dma_wait3A_92 = arith.constant 0 : i32
    %dma_wait3A_93 = arith.constant 0 : i32
    %dma_wait3A_94 = tpu.memref_slice %arg10[%dma_wait3A_90, %dma_wait3A_92, %dma_wait3A_93] : memref<4x128x64xbf16, #tpu.memory_space<vmem>> -> memref<1x128x64xbf16, #tpu.memory_space<vmem>>
    %dma_wait3A_95 = tpu.memref_squeeze %dma_wait3A_94 : memref<1x128x64xbf16, #tpu.memory_space<vmem>> -> memref<128x64xbf16, #tpu.memory_space<vmem>>
    %dma_wait3A_96 = arith.constant 0 : i32
    %dma_wait3A_97 = tpu.memref_slice %arg8[%dma_wait3A_91, %dma_wait3A_96] : memref<80x128xi32, #tpu.memory_space<vmem>> -> memref<1x128xi32, #tpu.memory_space<vmem>>
    %dma_wait3A_98 = tpu.memref_squeeze %dma_wait3A_97 : memref<1x128xi32, #tpu.memory_space<vmem>> -> memref<128xi32, #tpu.memory_space<vmem>>
    %dma_wait3A_99 = arith.constant 0 : i32
    %dma_wait3A_100 = arith.constant 0 : i32
    %dma_wait3A_101 = tpu.memref_slice %arg16[%dma_wait3A_99, %dma_wait3A_100] : memref<20480x64xbf16, #tpu.memory_space<vmem_shared>> -> memref<20480x64xbf16, #tpu.memory_space<vmem_shared>>
    tpu.wait_indirect_dma semaphore(%arg15 : memref<!tpu.dma_semaphore, #tpu.memory_space<semaphore_mem>>) src(%dma_wait3A_95 : memref<128x64xbf16, #tpu.memory_space<vmem>>) dst(%dma_wait3A_101 : memref<20480x64xbf16, #tpu.memory_space<vmem_shared>>)
    %dma_wait3A_102 = arith.constant 2 : i32
    %dma_wait3A_103 = arith.constant 78 : i32
    %dma_wait3A_104 = arith.constant 0 : i32
    %dma_wait3A_105 = arith.constant 0 : i32
    %dma_wait3A_106 = tpu.memref_slice %arg10[%dma_wait3A_102, %dma_wait3A_104, %dma_wait3A_105] : memref<4x128x64xbf16, #tpu.memory_space<vmem>> -> memref<1x128x64xbf16, #tpu.memory_space<vmem>>
    %dma_wait3A_107 = tpu.memref_squeeze %dma_wait3A_106 : memref<1x128x64xbf16, #tpu.memory_space<vmem>> -> memref<128x64xbf16, #tpu.memory_space<vmem>>
    %dma_wait3A_108 = arith.constant 0 : i32
    %dma_wait3A_109 = tpu.memref_slice %arg8[%dma_wait3A_103, %dma_wait3A_108] : memref<80x128xi32, #tpu.memory_space<vmem>> -> memref<1x128xi32, #tpu.memory_space<vmem>>
    %dma_wait3A_110 = tpu.memref_squeeze %dma_wait3A_109 : memref<1x128xi32, #tpu.memory_space<vmem>> -> memref<128xi32, #tpu.memory_space<vmem>>
    %dma_wait3A_111 = arith.constant 0 : i32
    %dma_wait3A_112 = arith.constant 0 : i32
    %dma_wait3A_113 = tpu.memref_slice %arg16[%dma_wait3A_111, %dma_wait3A_112] : memref<20480x64xbf16, #tpu.memory_space<vmem_shared>> -> memref<20480x64xbf16, #tpu.memory_space<vmem_shared>>
    tpu.wait_indirect_dma semaphore(%arg15 : memref<!tpu.dma_semaphore, #tpu.memory_space<semaphore_mem>>) src(%dma_wait3A_107 : memref<128x64xbf16, #tpu.memory_space<vmem>>) dst(%dma_wait3A_113 : memref<20480x64xbf16, #tpu.memory_space<vmem_shared>>)
    %dma_wait3A_114 = arith.constant 3 : i32
    %dma_wait3A_115 = arith.constant 79 : i32
    %dma_wait3A_116 = arith.constant 0 : i32
    %dma_wait3A_117 = arith.constant 0 : i32
    %dma_wait3A_118 = tpu.memref_slice %arg10[%dma_wait3A_114, %dma_wait3A_116, %dma_wait3A_117] : memref<4x128x64xbf16, #tpu.memory_space<vmem>> -> memref<1x128x64xbf16, #tpu.memory_space<vmem>>
    %dma_wait3A_119 = tpu.memref_squeeze %dma_wait3A_118 : memref<1x128x64xbf16, #tpu.memory_space<vmem>> -> memref<128x64xbf16, #tpu.memory_space<vmem>>
    %dma_wait3A_120 = arith.constant 0 : i32
    %dma_wait3A_121 = tpu.memref_slice %arg8[%dma_wait3A_115, %dma_wait3A_120] : memref<80x128xi32, #tpu.memory_space<vmem>> -> memref<1x128xi32, #tpu.memory_space<vmem>>
    %dma_wait3A_122 = tpu.memref_squeeze %dma_wait3A_121 : memref<1x128xi32, #tpu.memory_space<vmem>> -> memref<128xi32, #tpu.memory_space<vmem>>
    %dma_wait3A_123 = arith.constant 0 : i32
    %dma_wait3A_124 = arith.constant 0 : i32
    %dma_wait3A_125 = tpu.memref_slice %arg16[%dma_wait3A_123, %dma_wait3A_124] : memref<20480x64xbf16, #tpu.memory_space<vmem_shared>> -> memref<20480x64xbf16, #tpu.memory_space<vmem_shared>>
    tpu.wait_indirect_dma semaphore(%arg15 : memref<!tpu.dma_semaphore, #tpu.memory_space<semaphore_mem>>) src(%dma_wait3A_119 : memref<128x64xbf16, #tpu.memory_space<vmem>>) dst(%dma_wait3A_125 : memref<20480x64xbf16, #tpu.memory_space<vmem_shared>>)
    %barrier3A_126 = arith.constant 0 : index
    tpu.barrier barrier_id(%barrier3A_126)
    %mul3A_127 = arith.constant 1280 : i32
    %mul3A_128 = arith.muli %arg1, %mul3A_127 : i32
    "tpu.region"() ({
      %run_scoped3A = tpu.sem_alloc : memref<!tpu.dma_semaphore, #tpu.memory_space<semaphore_mem>>
      %dma_start3A_129 = arith.constant 0 : i32
      %dma_start3A_130 = tpu.memref_slice %arg6[%arg0, %mul3A_128, %dma_start3A_129] : memref<2x20480x64xbf16, #tpu.memory_space<hbm>> -> memref<1x1280x64xbf16, #tpu.memory_space<hbm>>
      %dma_start3A_131 = tpu.memref_squeeze %dma_start3A_130 : memref<1x1280x64xbf16, #tpu.memory_space<hbm>> -> memref<1280x64xbf16, #tpu.memory_space<hbm>>
      %dma_start3A_132 = arith.constant 0 : i32
      %dma_start3A_133 = tpu.memref_slice %arg16[%mul3A_128, %dma_start3A_132] : memref<20480x64xbf16, #tpu.memory_space<vmem_shared>> -> memref<1280x64xbf16, #tpu.memory_space<vmem_shared>>
      tpu.enqueue_dma source(%dma_start3A_133 : memref<1280x64xbf16, #tpu.memory_space<vmem_shared>>) target(%dma_start3A_131 : memref<1280x64xbf16, #tpu.memory_space<hbm>>) target_semaphore(%run_scoped3A : memref<!tpu.dma_semaphore, #tpu.memory_space<semaphore_mem>>)
      %dma_wait3A_134 = arith.constant 0 : i32
      %dma_wait3A_135 = tpu.memref_slice %arg6[%arg0, %mul3A_128, %dma_wait3A_134] : memref<2x20480x64xbf16, #tpu.memory_space<hbm>> -> memref<1x1280x64xbf16, #tpu.memory_space<hbm>>
      %dma_wait3A_136 = tpu.memref_squeeze %dma_wait3A_135 : memref<1x1280x64xbf16, #tpu.memory_space<hbm>> -> memref<1280x64xbf16, #tpu.memory_space<hbm>>
      %dma_wait3A_137 = arith.constant 0 : i32
      %dma_wait3A_138 = tpu.memref_slice %arg16[%mul3A_128, %dma_wait3A_137] : memref<20480x64xbf16, #tpu.memory_space<vmem_shared>> -> memref<1280x64xbf16, #tpu.memory_space<vmem_shared>>
      tpu.wait_dma2 semaphore(%run_scoped3A : memref<!tpu.dma_semaphore, #tpu.memory_space<semaphore_mem>>) src(%dma_wait3A_138 : memref<1280x64xbf16, #tpu.memory_space<vmem_shared>>) dst(%dma_wait3A_136 : memref<1280x64xbf16, #tpu.memory_space<hbm>>)
      tpu.yield
    }) : () -> ()
    return
  }
}

#map = affine_map<(d0, d1) -> (0, 0)>
#map1 = affine_map<(d0, d1) -> (0, 0, 0)>
module attributes {stable_mosaic.version = 14 : i64} {
  func.func @sc_degrees(%arg0: i32, %arg1: i32, %arg2: memref<1280x128xi32, #tpu.memory_space<hbm>>, %arg3: memref<1280x128xi32, #tpu.memory_space<hbm>>, %arg4: memref<128x16xf32, #tpu.memory_space<hbm>>, %arg5: memref<128x16xf32, #tpu.memory_space<hbm>>, %arg6: memref<64x16xf32, #tpu.memory_space<hbm>>, %arg7: memref<2x10240x16xf32, #tpu.memory_space<hbm>>, %arg8: memref<40x128xi32, #tpu.memory_space<vmem>>, %arg9: memref<40x128xi32, #tpu.memory_space<vmem>>, %arg10: memref<128x16xf32, #tpu.memory_space<vmem>>, %arg11: memref<128x16xf32, #tpu.memory_space<vmem>>, %arg12: memref<64x16xf32, #tpu.memory_space<vmem>>, %arg13: memref<10240x16xf32, #tpu.memory_space<vmem_shared>>) attributes {dimension_semantics = [#tpu.dimension_semantics<core_parallel>, #tpu.dimension_semantics<subcore_parallel>], iteration_bounds = array<i64: 2, 16>, scalar_prefetch = 0 : i64, scratch_operands = 6 : i64, tpu.core_type = #tpu.core_type<sc_vector_subcore>, window_params = [{transform_indices = #map}, {transform_indices = #map}, {transform_indices = #map}, {transform_indices = #map}, {transform_indices = #map}, {transform_indices = #map1}]} {
    %mul3A = arith.constant 16 : i32
    %mul3A_0 = arith.muli %arg0, %mul3A : i32
    %add3A = arith.addi %mul3A_0, %arg1 : i32
    "tpu.region"() ({
      %run_scoped3A = tpu.sem_alloc : memref<!tpu.dma_semaphore, #tpu.memory_space<semaphore_mem>>
      tpu.enqueue_dma source(%arg4 : memref<128x16xf32, #tpu.memory_space<hbm>>) target(%arg10 : memref<128x16xf32, #tpu.memory_space<vmem>>) target_semaphore(%run_scoped3A : memref<!tpu.dma_semaphore, #tpu.memory_space<semaphore_mem>>)
      tpu.wait_dma2 semaphore(%run_scoped3A : memref<!tpu.dma_semaphore, #tpu.memory_space<semaphore_mem>>) src(%arg4 : memref<128x16xf32, #tpu.memory_space<hbm>>) dst(%arg10 : memref<128x16xf32, #tpu.memory_space<vmem>>)
      tpu.yield
    }) : () -> ()
    "tpu.region"() ({
      %run_scoped3A = tpu.sem_alloc : memref<!tpu.dma_semaphore, #tpu.memory_space<semaphore_mem>>
      tpu.enqueue_dma source(%arg5 : memref<128x16xf32, #tpu.memory_space<hbm>>) target(%arg11 : memref<128x16xf32, #tpu.memory_space<vmem>>) target_semaphore(%run_scoped3A : memref<!tpu.dma_semaphore, #tpu.memory_space<semaphore_mem>>)
      tpu.wait_dma2 semaphore(%run_scoped3A : memref<!tpu.dma_semaphore, #tpu.memory_space<semaphore_mem>>) src(%arg5 : memref<128x16xf32, #tpu.memory_space<hbm>>) dst(%arg11 : memref<128x16xf32, #tpu.memory_space<vmem>>)
      tpu.yield
    }) : () -> ()
    "tpu.region"() ({
      %run_scoped3A = tpu.sem_alloc : memref<!tpu.dma_semaphore, #tpu.memory_space<semaphore_mem>>
      tpu.enqueue_dma source(%arg6 : memref<64x16xf32, #tpu.memory_space<hbm>>) target(%arg12 : memref<64x16xf32, #tpu.memory_space<vmem>>) target_semaphore(%run_scoped3A : memref<!tpu.dma_semaphore, #tpu.memory_space<semaphore_mem>>)
      tpu.wait_dma2 semaphore(%run_scoped3A : memref<!tpu.dma_semaphore, #tpu.memory_space<semaphore_mem>>) src(%arg6 : memref<64x16xf32, #tpu.memory_space<hbm>>) dst(%arg12 : memref<64x16xf32, #tpu.memory_space<vmem>>)
      tpu.yield
    }) : () -> ()
    %scan3A = arith.constant 0 : i32
    %scan3A_1 = arith.constant 0 : i32
    %scan3A_2 = arith.constant 10 : i32
    %scan3A_3 = arith.addi %scan3A_1, %scan3A_2 : i32
    %scan3A_4 = arith.constant 1 : i32
    %scan3A_5 = scf.for %scan3A_21 = %scan3A_1 to %scan3A_3 step %scan3A_4 iter_args(%scan3A_22 = %scan3A) -> (i32)  : i32 {
      %mul3A_23 = arith.constant 640 : i32
      %mul3A_24 = arith.muli %arg1, %mul3A_23 : i32
      %mul3A_25 = arith.constant 64 : i32
      %mul3A_26 = arith.muli %scan3A_21, %mul3A_25 : i32
      %add3A_27 = arith.addi %mul3A_24, %mul3A_26 : i32
      "tpu.region"() ({
        %run_scoped3A = tpu.sem_alloc : memref<!tpu.dma_semaphore, #tpu.memory_space<semaphore_mem>>
        %dma_start3A = arith.constant 0 : i32
        %dma_start3A_29 = tpu.memref_slice %arg13[%add3A_27, %dma_start3A] : memref<10240x16xf32, #tpu.memory_space<vmem_shared>> -> memref<64x16xf32, #tpu.memory_space<vmem_shared>>
        %dma_start3A_30 = arith.constant 0 : i32
        %dma_start3A_31 = tpu.memref_slice %arg13[%add3A_27, %dma_start3A_30] : memref<10240x16xf32, #tpu.memory_space<vmem_shared>> -> memref<64x16xf32, #tpu.memory_space<vmem_shared>>
        tpu.enqueue_dma source(%arg12 : memref<64x16xf32, #tpu.memory_space<vmem>>) target(%dma_start3A_31 : memref<64x16xf32, #tpu.memory_space<vmem_shared>>) target_semaphore(%run_scoped3A : memref<!tpu.dma_semaphore, #tpu.memory_space<semaphore_mem>>)
        %dma_wait3A = arith.constant 0 : i32
        %dma_wait3A_32 = tpu.memref_slice %arg13[%add3A_27, %dma_wait3A] : memref<10240x16xf32, #tpu.memory_space<vmem_shared>> -> memref<64x16xf32, #tpu.memory_space<vmem_shared>>
        %dma_wait3A_33 = arith.constant 0 : i32
        %dma_wait3A_34 = tpu.memref_slice %arg13[%add3A_27, %dma_wait3A_33] : memref<10240x16xf32, #tpu.memory_space<vmem_shared>> -> memref<64x16xf32, #tpu.memory_space<vmem_shared>>
        tpu.wait_dma2 semaphore(%run_scoped3A : memref<!tpu.dma_semaphore, #tpu.memory_space<semaphore_mem>>) src(%arg12 : memref<64x16xf32, #tpu.memory_space<vmem>>) dst(%dma_wait3A_34 : memref<64x16xf32, #tpu.memory_space<vmem_shared>>)
        tpu.yield
      }) : () -> ()
      %scan3A_28 = arith.constant 0 : i32
      scf.yield %scan3A_28 : i32
    }
    %scan3A_6 = arith.constant 10 : i32
    %mul3A_7 = arith.constant 40 : i32
    %mul3A_8 = arith.muli %add3A, %mul3A_7 : i32
    "tpu.region"() ({
      %run_scoped3A = tpu.sem_alloc : memref<!tpu.dma_semaphore, #tpu.memory_space<semaphore_mem>>
      %dma_start3A = arith.constant 0 : i32
      %dma_start3A_21 = tpu.memref_slice %arg2[%mul3A_8, %dma_start3A] : memref<1280x128xi32, #tpu.memory_space<hbm>> -> memref<40x128xi32, #tpu.memory_space<hbm>>
      %dma_start3A_22 = arith.constant 0 : i32
      %dma_start3A_23 = tpu.memref_slice %arg2[%mul3A_8, %dma_start3A_22] : memref<1280x128xi32, #tpu.memory_space<hbm>> -> memref<40x128xi32, #tpu.memory_space<hbm>>
      tpu.enqueue_dma source(%dma_start3A_23 : memref<40x128xi32, #tpu.memory_space<hbm>>) target(%arg8 : memref<40x128xi32, #tpu.memory_space<vmem>>) target_semaphore(%run_scoped3A : memref<!tpu.dma_semaphore, #tpu.memory_space<semaphore_mem>>)
      %dma_wait3A = arith.constant 0 : i32
      %dma_wait3A_24 = tpu.memref_slice %arg2[%mul3A_8, %dma_wait3A] : memref<1280x128xi32, #tpu.memory_space<hbm>> -> memref<40x128xi32, #tpu.memory_space<hbm>>
      %dma_wait3A_25 = arith.constant 0 : i32
      %dma_wait3A_26 = tpu.memref_slice %arg2[%mul3A_8, %dma_wait3A_25] : memref<1280x128xi32, #tpu.memory_space<hbm>> -> memref<40x128xi32, #tpu.memory_space<hbm>>
      tpu.wait_dma2 semaphore(%run_scoped3A : memref<!tpu.dma_semaphore, #tpu.memory_space<semaphore_mem>>) src(%dma_wait3A_26 : memref<40x128xi32, #tpu.memory_space<hbm>>) dst(%arg8 : memref<40x128xi32, #tpu.memory_space<vmem>>)
      tpu.yield
    }) : () -> ()
    %mul3A_9 = arith.constant 40 : i32
    %mul3A_10 = arith.muli %add3A, %mul3A_9 : i32
    "tpu.region"() ({
      %run_scoped3A = tpu.sem_alloc : memref<!tpu.dma_semaphore, #tpu.memory_space<semaphore_mem>>
      %dma_start3A = arith.constant 0 : i32
      %dma_start3A_21 = tpu.memref_slice %arg3[%mul3A_10, %dma_start3A] : memref<1280x128xi32, #tpu.memory_space<hbm>> -> memref<40x128xi32, #tpu.memory_space<hbm>>
      %dma_start3A_22 = arith.constant 0 : i32
      %dma_start3A_23 = tpu.memref_slice %arg3[%mul3A_10, %dma_start3A_22] : memref<1280x128xi32, #tpu.memory_space<hbm>> -> memref<40x128xi32, #tpu.memory_space<hbm>>
      tpu.enqueue_dma source(%dma_start3A_23 : memref<40x128xi32, #tpu.memory_space<hbm>>) target(%arg9 : memref<40x128xi32, #tpu.memory_space<vmem>>) target_semaphore(%run_scoped3A : memref<!tpu.dma_semaphore, #tpu.memory_space<semaphore_mem>>)
      %dma_wait3A = arith.constant 0 : i32
      %dma_wait3A_24 = tpu.memref_slice %arg3[%mul3A_10, %dma_wait3A] : memref<1280x128xi32, #tpu.memory_space<hbm>> -> memref<40x128xi32, #tpu.memory_space<hbm>>
      %dma_wait3A_25 = arith.constant 0 : i32
      %dma_wait3A_26 = tpu.memref_slice %arg3[%mul3A_10, %dma_wait3A_25] : memref<1280x128xi32, #tpu.memory_space<hbm>> -> memref<40x128xi32, #tpu.memory_space<hbm>>
      tpu.wait_dma2 semaphore(%run_scoped3A : memref<!tpu.dma_semaphore, #tpu.memory_space<semaphore_mem>>) src(%dma_wait3A_26 : memref<40x128xi32, #tpu.memory_space<hbm>>) dst(%arg9 : memref<40x128xi32, #tpu.memory_space<vmem>>)
      tpu.yield
    }) : () -> ()
    %barrier3A = arith.constant 0 : index
    tpu.barrier barrier_id(%barrier3A)
    %scan3A_11 = arith.constant 0 : i32
    %scan3A_12 = arith.constant 0 : i32
    %scan3A_13 = arith.constant 40 : i32
    %scan3A_14 = arith.addi %scan3A_12, %scan3A_13 : i32
    %scan3A_15 = arith.constant 1 : i32
    %scan3A_16 = scf.for %scan3A_21 = %scan3A_12 to %scan3A_14 step %scan3A_15 iter_args(%scan3A_22 = %scan3A_11) -> (i32)  : i32 {
      "tpu.region"() ({
        %run_scoped3A = tpu.sem_alloc : memref<!tpu.dma_semaphore, #tpu.memory_space<semaphore_mem>>
        %dma_start3A = arith.constant 0 : i32
        %dma_start3A_24 = tpu.memref_slice %arg8[%scan3A_21, %dma_start3A] : memref<40x128xi32, #tpu.memory_space<vmem>> -> memref<1x128xi32, #tpu.memory_space<vmem>>
        %dma_start3A_25 = tpu.memref_squeeze %dma_start3A_24 : memref<1x128xi32, #tpu.memory_space<vmem>> -> memref<128xi32, #tpu.memory_space<vmem>>
        %dma_start3A_26 = arith.constant 0 : i32
        %dma_start3A_27 = arith.constant 0 : i32
        %dma_start3A_28 = tpu.memref_slice %arg13[%dma_start3A_26, %dma_start3A_27] : memref<10240x16xf32, #tpu.memory_space<vmem_shared>> -> memref<10240x16xf32, #tpu.memory_space<vmem_shared>>
        tpu.enqueue_indirect_dma source(%arg10 : memref<128x16xf32, #tpu.memory_space<vmem>>) target(%dma_start3A_28 : memref<10240x16xf32, #tpu.memory_space<vmem_shared>>) offsets(%dma_start3A_25 : memref<128xi32, #tpu.memory_space<vmem>>) semaphore(%run_scoped3A : memref<!tpu.dma_semaphore, #tpu.memory_space<semaphore_mem>>) {add = true}
        %dma_wait3A = arith.constant 0 : i32
        %dma_wait3A_29 = tpu.memref_slice %arg8[%scan3A_21, %dma_wait3A] : memref<40x128xi32, #tpu.memory_space<vmem>> -> memref<1x128xi32, #tpu.memory_space<vmem>>
        %dma_wait3A_30 = tpu.memref_squeeze %dma_wait3A_29 : memref<1x128xi32, #tpu.memory_space<vmem>> -> memref<128xi32, #tpu.memory_space<vmem>>
        %dma_wait3A_31 = arith.constant 0 : i32
        %dma_wait3A_32 = arith.constant 0 : i32
        %dma_wait3A_33 = tpu.memref_slice %arg13[%dma_wait3A_31, %dma_wait3A_32] : memref<10240x16xf32, #tpu.memory_space<vmem_shared>> -> memref<10240x16xf32, #tpu.memory_space<vmem_shared>>
        tpu.wait_indirect_dma semaphore(%run_scoped3A : memref<!tpu.dma_semaphore, #tpu.memory_space<semaphore_mem>>) src(%arg10 : memref<128x16xf32, #tpu.memory_space<vmem>>) dst(%dma_wait3A_33 : memref<10240x16xf32, #tpu.memory_space<vmem_shared>>)
        tpu.yield
      }) : () -> ()
      "tpu.region"() ({
        %run_scoped3A = tpu.sem_alloc : memref<!tpu.dma_semaphore, #tpu.memory_space<semaphore_mem>>
        %dma_start3A = arith.constant 0 : i32
        %dma_start3A_24 = tpu.memref_slice %arg9[%scan3A_21, %dma_start3A] : memref<40x128xi32, #tpu.memory_space<vmem>> -> memref<1x128xi32, #tpu.memory_space<vmem>>
        %dma_start3A_25 = tpu.memref_squeeze %dma_start3A_24 : memref<1x128xi32, #tpu.memory_space<vmem>> -> memref<128xi32, #tpu.memory_space<vmem>>
        %dma_start3A_26 = arith.constant 0 : i32
        %dma_start3A_27 = arith.constant 0 : i32
        %dma_start3A_28 = tpu.memref_slice %arg13[%dma_start3A_26, %dma_start3A_27] : memref<10240x16xf32, #tpu.memory_space<vmem_shared>> -> memref<10240x16xf32, #tpu.memory_space<vmem_shared>>
        tpu.enqueue_indirect_dma source(%arg11 : memref<128x16xf32, #tpu.memory_space<vmem>>) target(%dma_start3A_28 : memref<10240x16xf32, #tpu.memory_space<vmem_shared>>) offsets(%dma_start3A_25 : memref<128xi32, #tpu.memory_space<vmem>>) semaphore(%run_scoped3A : memref<!tpu.dma_semaphore, #tpu.memory_space<semaphore_mem>>) {add = true}
        %dma_wait3A = arith.constant 0 : i32
        %dma_wait3A_29 = tpu.memref_slice %arg9[%scan3A_21, %dma_wait3A] : memref<40x128xi32, #tpu.memory_space<vmem>> -> memref<1x128xi32, #tpu.memory_space<vmem>>
        %dma_wait3A_30 = tpu.memref_squeeze %dma_wait3A_29 : memref<1x128xi32, #tpu.memory_space<vmem>> -> memref<128xi32, #tpu.memory_space<vmem>>
        %dma_wait3A_31 = arith.constant 0 : i32
        %dma_wait3A_32 = arith.constant 0 : i32
        %dma_wait3A_33 = tpu.memref_slice %arg13[%dma_wait3A_31, %dma_wait3A_32] : memref<10240x16xf32, #tpu.memory_space<vmem_shared>> -> memref<10240x16xf32, #tpu.memory_space<vmem_shared>>
        tpu.wait_indirect_dma semaphore(%run_scoped3A : memref<!tpu.dma_semaphore, #tpu.memory_space<semaphore_mem>>) src(%arg11 : memref<128x16xf32, #tpu.memory_space<vmem>>) dst(%dma_wait3A_33 : memref<10240x16xf32, #tpu.memory_space<vmem_shared>>)
        tpu.yield
      }) : () -> ()
      %scan3A_23 = arith.constant 0 : i32
      scf.yield %scan3A_23 : i32
    }
    %scan3A_17 = arith.constant 40 : i32
    %barrier3A_18 = arith.constant 0 : index
    tpu.barrier barrier_id(%barrier3A_18)
    %mul3A_19 = arith.constant 640 : i32
    %mul3A_20 = arith.muli %arg1, %mul3A_19 : i32
    "tpu.region"() ({
      %run_scoped3A = tpu.sem_alloc : memref<!tpu.dma_semaphore, #tpu.memory_space<semaphore_mem>>
      %dma_start3A = arith.constant 0 : i32
      %dma_start3A_21 = tpu.memref_slice %arg7[%arg0, %mul3A_20, %dma_start3A] : memref<2x10240x16xf32, #tpu.memory_space<hbm>> -> memref<1x640x16xf32, #tpu.memory_space<hbm>>
      %dma_start3A_22 = tpu.memref_squeeze %dma_start3A_21 : memref<1x640x16xf32, #tpu.memory_space<hbm>> -> memref<640x16xf32, #tpu.memory_space<hbm>>
      %dma_start3A_23 = arith.constant 0 : i32
      %dma_start3A_24 = tpu.memref_slice %arg13[%mul3A_20, %dma_start3A_23] : memref<10240x16xf32, #tpu.memory_space<vmem_shared>> -> memref<640x16xf32, #tpu.memory_space<vmem_shared>>
      tpu.enqueue_dma source(%dma_start3A_24 : memref<640x16xf32, #tpu.memory_space<vmem_shared>>) target(%dma_start3A_22 : memref<640x16xf32, #tpu.memory_space<hbm>>) target_semaphore(%run_scoped3A : memref<!tpu.dma_semaphore, #tpu.memory_space<semaphore_mem>>)
      %dma_wait3A = arith.constant 0 : i32
      %dma_wait3A_25 = tpu.memref_slice %arg7[%arg0, %mul3A_20, %dma_wait3A] : memref<2x10240x16xf32, #tpu.memory_space<hbm>> -> memref<1x640x16xf32, #tpu.memory_space<hbm>>
      %dma_wait3A_26 = tpu.memref_squeeze %dma_wait3A_25 : memref<1x640x16xf32, #tpu.memory_space<hbm>> -> memref<640x16xf32, #tpu.memory_space<hbm>>
      %dma_wait3A_27 = arith.constant 0 : i32
      %dma_wait3A_28 = tpu.memref_slice %arg13[%mul3A_20, %dma_wait3A_27] : memref<10240x16xf32, #tpu.memory_space<vmem_shared>> -> memref<640x16xf32, #tpu.memory_space<vmem_shared>>
      tpu.wait_dma2 semaphore(%run_scoped3A : memref<!tpu.dma_semaphore, #tpu.memory_space<semaphore_mem>>) src(%dma_wait3A_28 : memref<640x16xf32, #tpu.memory_space<vmem_shared>>) dst(%dma_wait3A_26 : memref<640x16xf32, #tpu.memory_space<hbm>>)
      tpu.yield
    }) : () -> ()
    return
  }
}

#map = affine_map<(d0, d1) -> (0, 0)>
#map1 = affine_map<(d0, d1) -> (0, 0, 0)>
module attributes {stable_mosaic.version = 14 : i64} {
  func.func @sc_prop_16(%arg0: i32, %arg1: i32, %arg2: memref<10240x16xf32, #tpu.memory_space<hbm>>, %arg3: memref<1280x128xi32, #tpu.memory_space<hbm>>, %arg4: memref<1280x128xi32, #tpu.memory_space<hbm>>, %arg5: memref<64x16xf32, #tpu.memory_space<hbm>>, %arg6: memref<2x10240x16xf32, #tpu.memory_space<hbm>>, %arg7: memref<40x128xi32, #tpu.memory_space<vmem>>, %arg8: memref<40x128xi32, #tpu.memory_space<vmem>>, %arg9: memref<2x128x16xf32, #tpu.memory_space<vmem>>, %arg10: memref<64x16xf32, #tpu.memory_space<vmem>>, %arg11: memref<!tpu.dma_semaphore, #tpu.memory_space<semaphore_mem>>, %arg12: memref<10240x16xf32, #tpu.memory_space<vmem_shared>>) attributes {dimension_semantics = [#tpu.dimension_semantics<core_parallel>, #tpu.dimension_semantics<subcore_parallel>], iteration_bounds = array<i64: 2, 16>, scalar_prefetch = 0 : i64, scratch_operands = 6 : i64, tpu.core_type = #tpu.core_type<sc_vector_subcore>, window_params = [{transform_indices = #map}, {transform_indices = #map}, {transform_indices = #map}, {transform_indices = #map}, {transform_indices = #map1}]} {
    %mul3A = arith.constant 16 : i32
    %mul3A_0 = arith.muli %arg0, %mul3A : i32
    %add3A = arith.addi %mul3A_0, %arg1 : i32
    "tpu.region"() ({
      %run_scoped3A = tpu.sem_alloc : memref<!tpu.dma_semaphore, #tpu.memory_space<semaphore_mem>>
      tpu.enqueue_dma source(%arg5 : memref<64x16xf32, #tpu.memory_space<hbm>>) target(%arg10 : memref<64x16xf32, #tpu.memory_space<vmem>>) target_semaphore(%run_scoped3A : memref<!tpu.dma_semaphore, #tpu.memory_space<semaphore_mem>>)
      tpu.wait_dma2 semaphore(%run_scoped3A : memref<!tpu.dma_semaphore, #tpu.memory_space<semaphore_mem>>) src(%arg5 : memref<64x16xf32, #tpu.memory_space<hbm>>) dst(%arg10 : memref<64x16xf32, #tpu.memory_space<vmem>>)
      tpu.yield
    }) : () -> ()
    %scan3A = arith.constant 0 : i32
    %scan3A_1 = arith.constant 0 : i32
    %scan3A_2 = arith.constant 10 : i32
    %scan3A_3 = arith.addi %scan3A_1, %scan3A_2 : i32
    %scan3A_4 = arith.constant 1 : i32
    %scan3A_5 = scf.for %scan3A_21 = %scan3A_1 to %scan3A_3 step %scan3A_4 iter_args(%scan3A_22 = %scan3A) -> (i32)  : i32 {
      %mul3A_23 = arith.constant 640 : i32
      %mul3A_24 = arith.muli %arg1, %mul3A_23 : i32
      %mul3A_25 = arith.constant 64 : i32
      %mul3A_26 = arith.muli %scan3A_21, %mul3A_25 : i32
      %add3A_27 = arith.addi %mul3A_24, %mul3A_26 : i32
      "tpu.region"() ({
        %run_scoped3A = tpu.sem_alloc : memref<!tpu.dma_semaphore, #tpu.memory_space<semaphore_mem>>
        %dma_start3A = arith.constant 0 : i32
        %dma_start3A_29 = tpu.memref_slice %arg12[%add3A_27, %dma_start3A] : memref<10240x16xf32, #tpu.memory_space<vmem_shared>> -> memref<64x16xf32, #tpu.memory_space<vmem_shared>>
        %dma_start3A_30 = arith.constant 0 : i32
        %dma_start3A_31 = tpu.memref_slice %arg12[%add3A_27, %dma_start3A_30] : memref<10240x16xf32, #tpu.memory_space<vmem_shared>> -> memref<64x16xf32, #tpu.memory_space<vmem_shared>>
        tpu.enqueue_dma source(%arg10 : memref<64x16xf32, #tpu.memory_space<vmem>>) target(%dma_start3A_31 : memref<64x16xf32, #tpu.memory_space<vmem_shared>>) target_semaphore(%run_scoped3A : memref<!tpu.dma_semaphore, #tpu.memory_space<semaphore_mem>>)
        %dma_wait3A = arith.constant 0 : i32
        %dma_wait3A_32 = tpu.memref_slice %arg12[%add3A_27, %dma_wait3A] : memref<10240x16xf32, #tpu.memory_space<vmem_shared>> -> memref<64x16xf32, #tpu.memory_space<vmem_shared>>
        %dma_wait3A_33 = arith.constant 0 : i32
        %dma_wait3A_34 = tpu.memref_slice %arg12[%add3A_27, %dma_wait3A_33] : memref<10240x16xf32, #tpu.memory_space<vmem_shared>> -> memref<64x16xf32, #tpu.memory_space<vmem_shared>>
        tpu.wait_dma2 semaphore(%run_scoped3A : memref<!tpu.dma_semaphore, #tpu.memory_space<semaphore_mem>>) src(%arg10 : memref<64x16xf32, #tpu.memory_space<vmem>>) dst(%dma_wait3A_34 : memref<64x16xf32, #tpu.memory_space<vmem_shared>>)
        tpu.yield
      }) : () -> ()
      %scan3A_28 = arith.constant 0 : i32
      scf.yield %scan3A_28 : i32
    }
    %scan3A_6 = arith.constant 10 : i32
    %mul3A_7 = arith.constant 40 : i32
    %mul3A_8 = arith.muli %add3A, %mul3A_7 : i32
    "tpu.region"() ({
      %run_scoped3A = tpu.sem_alloc : memref<!tpu.dma_semaphore, #tpu.memory_space<semaphore_mem>>
      %dma_start3A = arith.constant 0 : i32
      %dma_start3A_21 = tpu.memref_slice %arg3[%mul3A_8, %dma_start3A] : memref<1280x128xi32, #tpu.memory_space<hbm>> -> memref<40x128xi32, #tpu.memory_space<hbm>>
      %dma_start3A_22 = arith.constant 0 : i32
      %dma_start3A_23 = tpu.memref_slice %arg3[%mul3A_8, %dma_start3A_22] : memref<1280x128xi32, #tpu.memory_space<hbm>> -> memref<40x128xi32, #tpu.memory_space<hbm>>
      tpu.enqueue_dma source(%dma_start3A_23 : memref<40x128xi32, #tpu.memory_space<hbm>>) target(%arg7 : memref<40x128xi32, #tpu.memory_space<vmem>>) target_semaphore(%run_scoped3A : memref<!tpu.dma_semaphore, #tpu.memory_space<semaphore_mem>>)
      %dma_wait3A = arith.constant 0 : i32
      %dma_wait3A_24 = tpu.memref_slice %arg3[%mul3A_8, %dma_wait3A] : memref<1280x128xi32, #tpu.memory_space<hbm>> -> memref<40x128xi32, #tpu.memory_space<hbm>>
      %dma_wait3A_25 = arith.constant 0 : i32
      %dma_wait3A_26 = tpu.memref_slice %arg3[%mul3A_8, %dma_wait3A_25] : memref<1280x128xi32, #tpu.memory_space<hbm>> -> memref<40x128xi32, #tpu.memory_space<hbm>>
      tpu.wait_dma2 semaphore(%run_scoped3A : memref<!tpu.dma_semaphore, #tpu.memory_space<semaphore_mem>>) src(%dma_wait3A_26 : memref<40x128xi32, #tpu.memory_space<hbm>>) dst(%arg7 : memref<40x128xi32, #tpu.memory_space<vmem>>)
      tpu.yield
    }) : () -> ()
    %mul3A_9 = arith.constant 40 : i32
    %mul3A_10 = arith.muli %add3A, %mul3A_9 : i32
    "tpu.region"() ({
      %run_scoped3A = tpu.sem_alloc : memref<!tpu.dma_semaphore, #tpu.memory_space<semaphore_mem>>
      %dma_start3A = arith.constant 0 : i32
      %dma_start3A_21 = tpu.memref_slice %arg4[%mul3A_10, %dma_start3A] : memref<1280x128xi32, #tpu.memory_space<hbm>> -> memref<40x128xi32, #tpu.memory_space<hbm>>
      %dma_start3A_22 = arith.constant 0 : i32
      %dma_start3A_23 = tpu.memref_slice %arg4[%mul3A_10, %dma_start3A_22] : memref<1280x128xi32, #tpu.memory_space<hbm>> -> memref<40x128xi32, #tpu.memory_space<hbm>>
      tpu.enqueue_dma source(%dma_start3A_23 : memref<40x128xi32, #tpu.memory_space<hbm>>) target(%arg8 : memref<40x128xi32, #tpu.memory_space<vmem>>) target_semaphore(%run_scoped3A : memref<!tpu.dma_semaphore, #tpu.memory_space<semaphore_mem>>)
      %dma_wait3A = arith.constant 0 : i32
      %dma_wait3A_24 = tpu.memref_slice %arg4[%mul3A_10, %dma_wait3A] : memref<1280x128xi32, #tpu.memory_space<hbm>> -> memref<40x128xi32, #tpu.memory_space<hbm>>
      %dma_wait3A_25 = arith.constant 0 : i32
      %dma_wait3A_26 = tpu.memref_slice %arg4[%mul3A_10, %dma_wait3A_25] : memref<1280x128xi32, #tpu.memory_space<hbm>> -> memref<40x128xi32, #tpu.memory_space<hbm>>
      tpu.wait_dma2 semaphore(%run_scoped3A : memref<!tpu.dma_semaphore, #tpu.memory_space<semaphore_mem>>) src(%dma_wait3A_26 : memref<40x128xi32, #tpu.memory_space<hbm>>) dst(%arg8 : memref<40x128xi32, #tpu.memory_space<vmem>>)
      tpu.yield
    }) : () -> ()
    %barrier3A = arith.constant 0 : index
    tpu.barrier barrier_id(%barrier3A)
    %scan3A_11 = arith.constant 0 : i32
    %scan3A_12 = arith.constant 0 : i32
    %scan3A_13 = arith.constant 20 : i32
    %scan3A_14 = arith.addi %scan3A_12, %scan3A_13 : i32
    %scan3A_15 = arith.constant 1 : i32
    %scan3A_16 = scf.for %scan3A_21 = %scan3A_12 to %scan3A_14 step %scan3A_15 iter_args(%scan3A_22 = %scan3A_11) -> (i32)  : i32 {
      %mul3A_23 = arith.constant 2 : i32
      %mul3A_24 = arith.muli %scan3A_21, %mul3A_23 : i32
      %add3A_25 = arith.constant 0 : i32
      %add3A_26 = arith.addi %mul3A_24, %add3A_25 : i32
      %dma_start3A = arith.constant 0 : i32
      %dma_start3A_27 = arith.constant 0 : i32
      %dma_start3A_28 = arith.constant 0 : i32
      %dma_start3A_29 = tpu.memref_slice %arg9[%dma_start3A, %dma_start3A_27, %dma_start3A_28] : memref<2x128x16xf32, #tpu.memory_space<vmem>> -> memref<1x128x16xf32, #tpu.memory_space<vmem>>
      %dma_start3A_30 = tpu.memref_squeeze %dma_start3A_29 : memref<1x128x16xf32, #tpu.memory_space<vmem>> -> memref<128x16xf32, #tpu.memory_space<vmem>>
      %dma_start3A_31 = arith.constant 0 : i32
      %dma_start3A_32 = tpu.memref_slice %arg7[%add3A_26, %dma_start3A_31] : memref<40x128xi32, #tpu.memory_space<vmem>> -> memref<1x128xi32, #tpu.memory_space<vmem>>
      %dma_start3A_33 = tpu.memref_squeeze %dma_start3A_32 : memref<1x128xi32, #tpu.memory_space<vmem>> -> memref<128xi32, #tpu.memory_space<vmem>>
      %dma_start3A_34 = arith.constant 0 : i32
      %dma_start3A_35 = arith.constant 0 : i32
      %dma_start3A_36 = tpu.memref_slice %arg2[%dma_start3A_34, %dma_start3A_35] : memref<10240x16xf32, #tpu.memory_space<hbm>> -> memref<10240x16xf32, #tpu.memory_space<hbm>>
      tpu.enqueue_indirect_dma source(%dma_start3A_36 : memref<10240x16xf32, #tpu.memory_space<hbm>>) target(%dma_start3A_30 : memref<128x16xf32, #tpu.memory_space<vmem>>) offsets(%dma_start3A_33 : memref<128xi32, #tpu.memory_space<vmem>>) semaphore(%arg11 : memref<!tpu.dma_semaphore, #tpu.memory_space<semaphore_mem>>)
      %mul3A_37 = arith.constant 2 : i32
      %mul3A_38 = arith.muli %scan3A_21, %mul3A_37 : i32
      %add3A_39 = arith.constant 1 : i32
      %add3A_40 = arith.addi %mul3A_38, %add3A_39 : i32
      %dma_start3A_41 = arith.constant 1 : i32
      %dma_start3A_42 = arith.constant 0 : i32
      %dma_start3A_43 = arith.constant 0 : i32
      %dma_start3A_44 = tpu.memref_slice %arg9[%dma_start3A_41, %dma_start3A_42, %dma_start3A_43] : memref<2x128x16xf32, #tpu.memory_space<vmem>> -> memref<1x128x16xf32, #tpu.memory_space<vmem>>
      %dma_start3A_45 = tpu.memref_squeeze %dma_start3A_44 : memref<1x128x16xf32, #tpu.memory_space<vmem>> -> memref<128x16xf32, #tpu.memory_space<vmem>>
      %dma_start3A_46 = arith.constant 0 : i32
      %dma_start3A_47 = tpu.memref_slice %arg7[%add3A_40, %dma_start3A_46] : memref<40x128xi32, #tpu.memory_space<vmem>> -> memref<1x128xi32, #tpu.memory_space<vmem>>
      %dma_start3A_48 = tpu.memref_squeeze %dma_start3A_47 : memref<1x128xi32, #tpu.memory_space<vmem>> -> memref<128xi32, #tpu.memory_space<vmem>>
      %dma_start3A_49 = arith.constant 0 : i32
      %dma_start3A_50 = arith.constant 0 : i32
      %dma_start3A_51 = tpu.memref_slice %arg2[%dma_start3A_49, %dma_start3A_50] : memref<10240x16xf32, #tpu.memory_space<hbm>> -> memref<10240x16xf32, #tpu.memory_space<hbm>>
      tpu.enqueue_indirect_dma source(%dma_start3A_51 : memref<10240x16xf32, #tpu.memory_space<hbm>>) target(%dma_start3A_45 : memref<128x16xf32, #tpu.memory_space<vmem>>) offsets(%dma_start3A_48 : memref<128xi32, #tpu.memory_space<vmem>>) semaphore(%arg11 : memref<!tpu.dma_semaphore, #tpu.memory_space<semaphore_mem>>)
      %mul3A_52 = arith.constant 2 : i32
      %mul3A_53 = arith.muli %scan3A_21, %mul3A_52 : i32
      %add3A_54 = arith.constant 0 : i32
      %add3A_55 = arith.addi %mul3A_53, %add3A_54 : i32
      %dma_wait3A = arith.constant 0 : i32
      %dma_wait3A_56 = arith.constant 0 : i32
      %dma_wait3A_57 = arith.constant 0 : i32
      %dma_wait3A_58 = tpu.memref_slice %arg9[%dma_wait3A, %dma_wait3A_56, %dma_wait3A_57] : memref<2x128x16xf32, #tpu.memory_space<vmem>> -> memref<1x128x16xf32, #tpu.memory_space<vmem>>
      %dma_wait3A_59 = tpu.memref_squeeze %dma_wait3A_58 : memref<1x128x16xf32, #tpu.memory_space<vmem>> -> memref<128x16xf32, #tpu.memory_space<vmem>>
      %dma_wait3A_60 = arith.constant 0 : i32
      %dma_wait3A_61 = tpu.memref_slice %arg7[%add3A_55, %dma_wait3A_60] : memref<40x128xi32, #tpu.memory_space<vmem>> -> memref<1x128xi32, #tpu.memory_space<vmem>>
      %dma_wait3A_62 = tpu.memref_squeeze %dma_wait3A_61 : memref<1x128xi32, #tpu.memory_space<vmem>> -> memref<128xi32, #tpu.memory_space<vmem>>
      %dma_wait3A_63 = arith.constant 0 : i32
      %dma_wait3A_64 = arith.constant 0 : i32
      %dma_wait3A_65 = tpu.memref_slice %arg2[%dma_wait3A_63, %dma_wait3A_64] : memref<10240x16xf32, #tpu.memory_space<hbm>> -> memref<10240x16xf32, #tpu.memory_space<hbm>>
      tpu.wait_indirect_dma semaphore(%arg11 : memref<!tpu.dma_semaphore, #tpu.memory_space<semaphore_mem>>) src(%dma_wait3A_65 : memref<10240x16xf32, #tpu.memory_space<hbm>>) dst(%dma_wait3A_59 : memref<128x16xf32, #tpu.memory_space<vmem>>)
      %mul3A_66 = arith.constant 2 : i32
      %mul3A_67 = arith.muli %scan3A_21, %mul3A_66 : i32
      %add3A_68 = arith.constant 0 : i32
      %add3A_69 = arith.addi %mul3A_67, %add3A_68 : i32
      %run_scoped3A = arith.constant 0 : i32
      "tpu.region"() ({
        %run_scoped3A_91 = tpu.sem_alloc : memref<!tpu.dma_semaphore, #tpu.memory_space<semaphore_mem>>
        %dma_start3A_92 = arith.constant 0 : i32
        %dma_start3A_93 = arith.constant 0 : i32
        %dma_start3A_94 = tpu.memref_slice %arg9[%run_scoped3A, %dma_start3A_92, %dma_start3A_93] : memref<2x128x16xf32, #tpu.memory_space<vmem>> -> memref<1x128x16xf32, #tpu.memory_space<vmem>>
        %dma_start3A_95 = tpu.memref_squeeze %dma_start3A_94 : memref<1x128x16xf32, #tpu.memory_space<vmem>> -> memref<128x16xf32, #tpu.memory_space<vmem>>
        %dma_start3A_96 = arith.constant 0 : i32
        %dma_start3A_97 = tpu.memref_slice %arg8[%add3A_69, %dma_start3A_96] : memref<40x128xi32, #tpu.memory_space<vmem>> -> memref<1x128xi32, #tpu.memory_space<vmem>>
        %dma_start3A_98 = tpu.memref_squeeze %dma_start3A_97 : memref<1x128xi32, #tpu.memory_space<vmem>> -> memref<128xi32, #tpu.memory_space<vmem>>
        %dma_start3A_99 = arith.constant 0 : i32
        %dma_start3A_100 = arith.constant 0 : i32
        %dma_start3A_101 = tpu.memref_slice %arg12[%dma_start3A_99, %dma_start3A_100] : memref<10240x16xf32, #tpu.memory_space<vmem_shared>> -> memref<10240x16xf32, #tpu.memory_space<vmem_shared>>
        tpu.enqueue_indirect_dma source(%dma_start3A_95 : memref<128x16xf32, #tpu.memory_space<vmem>>) target(%dma_start3A_101 : memref<10240x16xf32, #tpu.memory_space<vmem_shared>>) offsets(%dma_start3A_98 : memref<128xi32, #tpu.memory_space<vmem>>) semaphore(%run_scoped3A_91 : memref<!tpu.dma_semaphore, #tpu.memory_space<semaphore_mem>>) {add = true}
        %dma_wait3A_102 = arith.constant 0 : i32
        %dma_wait3A_103 = arith.constant 0 : i32
        %dma_wait3A_104 = tpu.memref_slice %arg9[%run_scoped3A, %dma_wait3A_102, %dma_wait3A_103] : memref<2x128x16xf32, #tpu.memory_space<vmem>> -> memref<1x128x16xf32, #tpu.memory_space<vmem>>
        %dma_wait3A_105 = tpu.memref_squeeze %dma_wait3A_104 : memref<1x128x16xf32, #tpu.memory_space<vmem>> -> memref<128x16xf32, #tpu.memory_space<vmem>>
        %dma_wait3A_106 = arith.constant 0 : i32
        %dma_wait3A_107 = tpu.memref_slice %arg8[%add3A_69, %dma_wait3A_106] : memref<40x128xi32, #tpu.memory_space<vmem>> -> memref<1x128xi32, #tpu.memory_space<vmem>>
        %dma_wait3A_108 = tpu.memref_squeeze %dma_wait3A_107 : memref<1x128xi32, #tpu.memory_space<vmem>> -> memref<128xi32, #tpu.memory_space<vmem>>
        %dma_wait3A_109 = arith.constant 0 : i32
        %dma_wait3A_110 = arith.constant 0 : i32
        %dma_wait3A_111 = tpu.memref_slice %arg12[%dma_wait3A_109, %dma_wait3A_110] : memref<10240x16xf32, #tpu.memory_space<vmem_shared>> -> memref<10240x16xf32, #tpu.memory_space<vmem_shared>>
        tpu.wait_indirect_dma semaphore(%run_scoped3A_91 : memref<!tpu.dma_semaphore, #tpu.memory_space<semaphore_mem>>) src(%dma_wait3A_105 : memref<128x16xf32, #tpu.memory_space<vmem>>) dst(%dma_wait3A_111 : memref<10240x16xf32, #tpu.memory_space<vmem_shared>>)
        tpu.yield
      }) : () -> ()
      %mul3A_70 = arith.constant 2 : i32
      %mul3A_71 = arith.muli %scan3A_21, %mul3A_70 : i32
      %add3A_72 = arith.constant 1 : i32
      %add3A_73 = arith.addi %mul3A_71, %add3A_72 : i32
      %dma_wait3A_74 = arith.constant 1 : i32
      %dma_wait3A_75 = arith.constant 0 : i32
      %dma_wait3A_76 = arith.constant 0 : i32
      %dma_wait3A_77 = tpu.memref_slice %arg9[%dma_wait3A_74, %dma_wait3A_75, %dma_wait3A_76] : memref<2x128x16xf32, #tpu.memory_space<vmem>> -> memref<1x128x16xf32, #tpu.memory_space<vmem>>
      %dma_wait3A_78 = tpu.memref_squeeze %dma_wait3A_77 : memref<1x128x16xf32, #tpu.memory_space<vmem>> -> memref<128x16xf32, #tpu.memory_space<vmem>>
      %dma_wait3A_79 = arith.constant 0 : i32
      %dma_wait3A_80 = tpu.memref_slice %arg7[%add3A_73, %dma_wait3A_79] : memref<40x128xi32, #tpu.memory_space<vmem>> -> memref<1x128xi32, #tpu.memory_space<vmem>>
      %dma_wait3A_81 = tpu.memref_squeeze %dma_wait3A_80 : memref<1x128xi32, #tpu.memory_space<vmem>> -> memref<128xi32, #tpu.memory_space<vmem>>
      %dma_wait3A_82 = arith.constant 0 : i32
      %dma_wait3A_83 = arith.constant 0 : i32
      %dma_wait3A_84 = tpu.memref_slice %arg2[%dma_wait3A_82, %dma_wait3A_83] : memref<10240x16xf32, #tpu.memory_space<hbm>> -> memref<10240x16xf32, #tpu.memory_space<hbm>>
      tpu.wait_indirect_dma semaphore(%arg11 : memref<!tpu.dma_semaphore, #tpu.memory_space<semaphore_mem>>) src(%dma_wait3A_84 : memref<10240x16xf32, #tpu.memory_space<hbm>>) dst(%dma_wait3A_78 : memref<128x16xf32, #tpu.memory_space<vmem>>)
      %mul3A_85 = arith.constant 2 : i32
      %mul3A_86 = arith.muli %scan3A_21, %mul3A_85 : i32
      %add3A_87 = arith.constant 1 : i32
      %add3A_88 = arith.addi %mul3A_86, %add3A_87 : i32
      %run_scoped3A_89 = arith.constant 1 : i32
      "tpu.region"() ({
        %run_scoped3A_91 = tpu.sem_alloc : memref<!tpu.dma_semaphore, #tpu.memory_space<semaphore_mem>>
        %dma_start3A_92 = arith.constant 0 : i32
        %dma_start3A_93 = arith.constant 0 : i32
        %dma_start3A_94 = tpu.memref_slice %arg9[%run_scoped3A_89, %dma_start3A_92, %dma_start3A_93] : memref<2x128x16xf32, #tpu.memory_space<vmem>> -> memref<1x128x16xf32, #tpu.memory_space<vmem>>
        %dma_start3A_95 = tpu.memref_squeeze %dma_start3A_94 : memref<1x128x16xf32, #tpu.memory_space<vmem>> -> memref<128x16xf32, #tpu.memory_space<vmem>>
        %dma_start3A_96 = arith.constant 0 : i32
        %dma_start3A_97 = tpu.memref_slice %arg8[%add3A_88, %dma_start3A_96] : memref<40x128xi32, #tpu.memory_space<vmem>> -> memref<1x128xi32, #tpu.memory_space<vmem>>
        %dma_start3A_98 = tpu.memref_squeeze %dma_start3A_97 : memref<1x128xi32, #tpu.memory_space<vmem>> -> memref<128xi32, #tpu.memory_space<vmem>>
        %dma_start3A_99 = arith.constant 0 : i32
        %dma_start3A_100 = arith.constant 0 : i32
        %dma_start3A_101 = tpu.memref_slice %arg12[%dma_start3A_99, %dma_start3A_100] : memref<10240x16xf32, #tpu.memory_space<vmem_shared>> -> memref<10240x16xf32, #tpu.memory_space<vmem_shared>>
        tpu.enqueue_indirect_dma source(%dma_start3A_95 : memref<128x16xf32, #tpu.memory_space<vmem>>) target(%dma_start3A_101 : memref<10240x16xf32, #tpu.memory_space<vmem_shared>>) offsets(%dma_start3A_98 : memref<128xi32, #tpu.memory_space<vmem>>) semaphore(%run_scoped3A_91 : memref<!tpu.dma_semaphore, #tpu.memory_space<semaphore_mem>>) {add = true}
        %dma_wait3A_102 = arith.constant 0 : i32
        %dma_wait3A_103 = arith.constant 0 : i32
        %dma_wait3A_104 = tpu.memref_slice %arg9[%run_scoped3A_89, %dma_wait3A_102, %dma_wait3A_103] : memref<2x128x16xf32, #tpu.memory_space<vmem>> -> memref<1x128x16xf32, #tpu.memory_space<vmem>>
        %dma_wait3A_105 = tpu.memref_squeeze %dma_wait3A_104 : memref<1x128x16xf32, #tpu.memory_space<vmem>> -> memref<128x16xf32, #tpu.memory_space<vmem>>
        %dma_wait3A_106 = arith.constant 0 : i32
        %dma_wait3A_107 = tpu.memref_slice %arg8[%add3A_88, %dma_wait3A_106] : memref<40x128xi32, #tpu.memory_space<vmem>> -> memref<1x128xi32, #tpu.memory_space<vmem>>
        %dma_wait3A_108 = tpu.memref_squeeze %dma_wait3A_107 : memref<1x128xi32, #tpu.memory_space<vmem>> -> memref<128xi32, #tpu.memory_space<vmem>>
        %dma_wait3A_109 = arith.constant 0 : i32
        %dma_wait3A_110 = arith.constant 0 : i32
        %dma_wait3A_111 = tpu.memref_slice %arg12[%dma_wait3A_109, %dma_wait3A_110] : memref<10240x16xf32, #tpu.memory_space<vmem_shared>> -> memref<10240x16xf32, #tpu.memory_space<vmem_shared>>
        tpu.wait_indirect_dma semaphore(%run_scoped3A_91 : memref<!tpu.dma_semaphore, #tpu.memory_space<semaphore_mem>>) src(%dma_wait3A_105 : memref<128x16xf32, #tpu.memory_space<vmem>>) dst(%dma_wait3A_111 : memref<10240x16xf32, #tpu.memory_space<vmem_shared>>)
        tpu.yield
      }) : () -> ()
      %scan3A_90 = arith.constant 0 : i32
      scf.yield %scan3A_90 : i32
    }
    %scan3A_17 = arith.constant 20 : i32
    %barrier3A_18 = arith.constant 0 : index
    tpu.barrier barrier_id(%barrier3A_18)
    %mul3A_19 = arith.constant 640 : i32
    %mul3A_20 = arith.muli %arg1, %mul3A_19 : i32
    "tpu.region"() ({
      %run_scoped3A = tpu.sem_alloc : memref<!tpu.dma_semaphore, #tpu.memory_space<semaphore_mem>>
      %dma_start3A = arith.constant 0 : i32
      %dma_start3A_21 = tpu.memref_slice %arg6[%arg0, %mul3A_20, %dma_start3A] : memref<2x10240x16xf32, #tpu.memory_space<hbm>> -> memref<1x640x16xf32, #tpu.memory_space<hbm>>
      %dma_start3A_22 = tpu.memref_squeeze %dma_start3A_21 : memref<1x640x16xf32, #tpu.memory_space<hbm>> -> memref<640x16xf32, #tpu.memory_space<hbm>>
      %dma_start3A_23 = arith.constant 0 : i32
      %dma_start3A_24 = tpu.memref_slice %arg12[%mul3A_20, %dma_start3A_23] : memref<10240x16xf32, #tpu.memory_space<vmem_shared>> -> memref<640x16xf32, #tpu.memory_space<vmem_shared>>
      tpu.enqueue_dma source(%dma_start3A_24 : memref<640x16xf32, #tpu.memory_space<vmem_shared>>) target(%dma_start3A_22 : memref<640x16xf32, #tpu.memory_space<hbm>>) target_semaphore(%run_scoped3A : memref<!tpu.dma_semaphore, #tpu.memory_space<semaphore_mem>>)
      %dma_wait3A = arith.constant 0 : i32
      %dma_wait3A_25 = tpu.memref_slice %arg6[%arg0, %mul3A_20, %dma_wait3A] : memref<2x10240x16xf32, #tpu.memory_space<hbm>> -> memref<1x640x16xf32, #tpu.memory_space<hbm>>
      %dma_wait3A_26 = tpu.memref_squeeze %dma_wait3A_25 : memref<1x640x16xf32, #tpu.memory_space<hbm>> -> memref<640x16xf32, #tpu.memory_space<hbm>>
      %dma_wait3A_27 = arith.constant 0 : i32
      %dma_wait3A_28 = tpu.memref_slice %arg12[%mul3A_20, %dma_wait3A_27] : memref<10240x16xf32, #tpu.memory_space<vmem_shared>> -> memref<640x16xf32, #tpu.memory_space<vmem_shared>>
      tpu.wait_dma2 semaphore(%run_scoped3A : memref<!tpu.dma_semaphore, #tpu.memory_space<semaphore_mem>>) src(%dma_wait3A_28 : memref<640x16xf32, #tpu.memory_space<vmem_shared>>) dst(%dma_wait3A_26 : memref<640x16xf32, #tpu.memory_space<hbm>>)
      tpu.yield
    }) : () -> ()
    return
  }
}

module attributes {stable_mosaic.version = 14 : i64} {
  func.func @_mm1_body(%arg0: i32, %arg1: memref<512x256xf32, #tpu.memory_space<vmem>>, %arg2: memref<256x128xf32, #tpu.memory_space<vmem>>, %arg3: memref<512x128xf32, #tpu.memory_space<vmem>>) attributes {dimension_semantics = [#tpu.dimension_semantics<arbitrary>], iteration_bounds = array<i64: 20>, scalar_prefetch = 0 : i64, scratch_operands = 0 : i64, tpu.core_type = #tpu.core_type<tc>, window_params = [{transform_indices = @transform_0, window_bounds = array<i64: 512, 256>}, {pipeline_mode = #tpu.pipeline_mode<synchronous>, transform_indices = @transform_1, window_bounds = array<i64: 256, 128>}, {transform_indices = @transform_2, window_bounds = array<i64: 512, 128>}]} {
    %get3A = arith.constant 0 : index
    %get3A_0 = arith.constant 0 : index
    %get3A_1 = vector.load %arg1[%get3A, %get3A_0] : memref<512x256xf32, #tpu.memory_space<vmem>>, vector<512x256xf32>
    %get3A_2 = arith.constant 0 : index
    %get3A_3 = arith.constant 0 : index
    %get3A_4 = vector.load %arg2[%get3A_2, %get3A_3] : memref<256x128xf32, #tpu.memory_space<vmem>>, vector<256x128xf32>
    %dot_general3A = arith.constant dense<0.000000e+00> : vector<512x128xf32>
    %dot_general3A_5 = tpu.matmul %get3A_1, %get3A_4, %dot_general3A {dimension_numbers = #tpu.dot_dimension_numbers<[1], [0], [0], [1], [0, 0, 1, 1], [], []>, transpose_lhs_hint = false} : vector<512x256xf32>, vector<256x128xf32>, vector<512x128xf32> -> vector<512x128xf32>
    %swap3A = arith.constant 0 : index
    %swap3A_6 = arith.constant 0 : index
    %swap3A_7 = vector.load %arg3[%swap3A, %swap3A_6] : memref<512x128xf32, #tpu.memory_space<vmem>>, vector<512x128xf32>
    tpu.vector_store %arg3[%swap3A, %swap3A_6], %dot_general3A_5 {strides = array<i32>} : memref<512x128xf32, #tpu.memory_space<vmem>>, vector<512x128xf32>,
    return
  }
  func.func @transform_0(%arg0: i32) -> (i32, i32) {
    %c0_i32 = arith.constant 0 : i32
    %c0_i32_0 = arith.constant 0 : i32
    return %arg0, %c0_i32 : i32, i32
  }
  func.func @transform_1(%arg0: i32) -> (i32, i32) {
    %c0_i32 = arith.constant 0 : i32
    %c0_i32_0 = arith.constant 0 : i32
    %c0_i32_1 = arith.constant 0 : i32
    return %c0_i32, %c0_i32_0 : i32, i32
  }
  func.func @transform_2(%arg0: i32) -> (i32, i32) {
    %c0_i32 = arith.constant 0 : i32
    %c0_i32_0 = arith.constant 0 : i32
    return %arg0, %c0_i32 : i32, i32
  }
}

module attributes {stable_mosaic.version = 14 : i64} {
  func.func @_scale1_body(%arg0: i32, %arg1: memref<512x128xf32, #tpu.memory_space<vmem>>, %arg2: memref<512x16xf32, #tpu.memory_space<vmem>>, %arg3: memref<512x16xf32, #tpu.memory_space<vmem>>, %arg4: memref<512x16xf32, #tpu.memory_space<vmem>>, %arg5: memref<512x16xf32, #tpu.memory_space<vmem>>, %arg6: memref<2x512x64xbf16, #tpu.memory_space<vmem>>) attributes {dimension_semantics = [#tpu.dimension_semantics<arbitrary>], iteration_bounds = array<i64: 20>, scalar_prefetch = 0 : i64, scratch_operands = 0 : i64, tpu.core_type = #tpu.core_type<tc>, window_params = [{transform_indices = @transform_0, window_bounds = array<i64: 512, 128>}, {transform_indices = @transform_1, window_bounds = array<i64: 512, 16>}, {transform_indices = @transform_2, window_bounds = array<i64: 512, 16>}, {transform_indices = @transform_3, window_bounds = array<i64: 512, 16>}, {transform_indices = @transform_4, window_bounds = array<i64: 512, 16>}, {transform_indices = @transform_5, window_bounds = array<i64: 2, 512, 64>}]} {
    %get3A = arith.constant 0 : index
    %get3A_0 = arith.constant 0 : index
    %get3A_1 = vector.load %arg2[%get3A, %get3A_0] : memref<512x16xf32, #tpu.memory_space<vmem>>, vector<512x16xf32>
    %get3A_2 = arith.constant 0 : index
    %get3A_3 = arith.constant 0 : index
    %get3A_4 = vector.load %arg3[%get3A_2, %get3A_3] : memref<512x16xf32, #tpu.memory_space<vmem>>, vector<512x16xf32>
    %add3A = arith.addf %get3A_1, %get3A_4 : vector<512x16xf32>
    %slice3A = vector.extract_strided_slice %add3A {offsets = [0, 0], sizes = [512, 1], strides = [1, 1]} : vector<512x16xf32> to vector<512x1xf32>
    %max3A = arith.constant 1.000000e+00 : f32
    %max3A_5 = vector.broadcast %max3A : f32 to vector<512x1xf32>
    %max3A_6 = arith.maximumf %slice3A, %max3A_5 : vector<512x1xf32>
    %rsqrt3A = math.rsqrt %max3A_6 : vector<512x1xf32>
    %slice3A_7 = vector.extract_strided_slice %add3A {offsets = [0, 8], sizes = [512, 1], strides = [1, 1]} : vector<512x16xf32> to vector<512x1xf32>
    %max3A_8 = arith.constant 1.000000e+00 : f32
    %max3A_9 = vector.broadcast %max3A_8 : f32 to vector<512x1xf32>
    %max3A_10 = arith.maximumf %slice3A_7, %max3A_9 : vector<512x1xf32>
    %rsqrt3A_11 = math.rsqrt %max3A_10 : vector<512x1xf32>
    %broadcast_in_dim3A = arith.constant 1.000000e+00 : f32
    %broadcast_in_dim3A_12 = vector.broadcast %broadcast_in_dim3A : f32 to vector<1x16xf32>
    %mul3A = vector.broadcast %rsqrt3A : vector<512x1xf32> to vector<512x16xf32>
    %mul3A_13 = vector.broadcast %broadcast_in_dim3A_12 : vector<1x16xf32> to vector<512x16xf32>
    %mul3A_14 = arith.mulf %mul3A, %mul3A_13 : vector<512x16xf32>
    %swap3A = arith.constant 0 : index
    %swap3A_15 = arith.constant 0 : index
    %swap3A_16 = vector.load %arg4[%swap3A, %swap3A_15] : memref<512x16xf32, #tpu.memory_space<vmem>>, vector<512x16xf32>
    tpu.vector_store %arg4[%swap3A, %swap3A_15], %mul3A_14 {strides = array<i32>} : memref<512x16xf32, #tpu.memory_space<vmem>>, vector<512x16xf32>,
    %broadcast_in_dim3A_17 = arith.constant 1.000000e+00 : f32
    %broadcast_in_dim3A_18 = vector.broadcast %broadcast_in_dim3A_17 : f32 to vector<1x16xf32>
    %mul3A_19 = vector.broadcast %rsqrt3A_11 : vector<512x1xf32> to vector<512x16xf32>
    %mul3A_20 = vector.broadcast %broadcast_in_dim3A_18 : vector<1x16xf32> to vector<512x16xf32>
    %mul3A_21 = arith.mulf %mul3A_19, %mul3A_20 : vector<512x16xf32>
    %swap3A_22 = arith.constant 0 : index
    %swap3A_23 = arith.constant 0 : index
    %swap3A_24 = vector.load %arg5[%swap3A_22, %swap3A_23] : memref<512x16xf32, #tpu.memory_space<vmem>>, vector<512x16xf32>
    tpu.vector_store %arg5[%swap3A_22, %swap3A_23], %mul3A_21 {strides = array<i32>} : memref<512x16xf32, #tpu.memory_space<vmem>>, vector<512x16xf32>,
    %get3A_25 = arith.constant 0 : index
    %get3A_26 = arith.constant 0 : index
    %get3A_27 = vector.load %arg1[%get3A_25, %get3A_26] : memref<512x128xf32, #tpu.memory_space<vmem>>, vector<512x128xf32>
    %mul3A_28 = vector.broadcast %rsqrt3A : vector<512x1xf32> to vector<512x128xf32>
    %mul3A_29 = arith.mulf %get3A_27, %mul3A_28 : vector<512x128xf32>
    %convert_element_type3A = arith.truncf %mul3A_29 : vector<512x128xf32> to vector<512x128xbf16>
    %slice3A_30 = vector.extract_strided_slice %convert_element_type3A {offsets = [0, 0], sizes = [512, 64], strides = [1, 1]} : vector<512x128xbf16> to vector<512x64xbf16>
    %swap3A_31 = arith.constant 0 : index
    %swap3A_32 = arith.constant 0 : index
    %swap3A_33 = arith.constant 0 : index
    %swap3A_34 = vector.load %arg6[%swap3A_31, %swap3A_32, %swap3A_33] : memref<2x512x64xbf16, #tpu.memory_space<vmem>>, vector<1x512x64xbf16>
    %swap3A_35 = vector.shape_cast %swap3A_34 : vector<1x512x64xbf16> to vector<512x64xbf16>
    %swap3A_36 = vector.shape_cast %slice3A_30 : vector<512x64xbf16> to vector<1x512x64xbf16>
    tpu.vector_store %arg6[%swap3A_31, %swap3A_32, %swap3A_33], %swap3A_36 {strides = array<i32>} : memref<2x512x64xbf16, #tpu.memory_space<vmem>>, vector<1x512x64xbf16>,
    %slice3A_37 = vector.extract_strided_slice %convert_element_type3A {offsets = [0, 64], sizes = [512, 64], strides = [1, 1]} : vector<512x128xbf16> to vector<512x64xbf16>
    %swap3A_38 = arith.constant 1 : index
    %swap3A_39 = arith.constant 0 : index
    %swap3A_40 = arith.constant 0 : index
    %swap3A_41 = vector.load %arg6[%swap3A_38, %swap3A_39, %swap3A_40] : memref<2x512x64xbf16, #tpu.memory_space<vmem>>, vector<1x512x64xbf16>
    %swap3A_42 = vector.shape_cast %swap3A_41 : vector<1x512x64xbf16> to vector<512x64xbf16>
    %swap3A_43 = vector.shape_cast %slice3A_37 : vector<512x64xbf16> to vector<1x512x64xbf16>
    tpu.vector_store %arg6[%swap3A_38, %swap3A_39, %swap3A_40], %swap3A_43 {strides = array<i32>} : memref<2x512x64xbf16, #tpu.memory_space<vmem>>, vector<1x512x64xbf16>,
    return
  }
  func.func @transform_0(%arg0: i32) -> (i32, i32) {
    %c0_i32 = arith.constant 0 : i32
    %c0_i32_0 = arith.constant 0 : i32
    return %arg0, %c0_i32 : i32, i32
  }
  func.func @transform_1(%arg0: i32) -> (i32, i32) {
    %c0_i32 = arith.constant 0 : i32
    %c0_i32_0 = arith.constant 0 : i32
    return %arg0, %c0_i32 : i32, i32
  }
  func.func @transform_2(%arg0: i32) -> (i32, i32) {
    %c0_i32 = arith.constant 0 : i32
    %c0_i32_0 = arith.constant 0 : i32
    return %arg0, %c0_i32 : i32, i32
  }
  func.func @transform_3(%arg0: i32) -> (i32, i32) {
    %c0_i32 = arith.constant 0 : i32
    %c0_i32_0 = arith.constant 0 : i32
    return %arg0, %c0_i32 : i32, i32
  }
  func.func @transform_4(%arg0: i32) -> (i32, i32) {
    %c0_i32 = arith.constant 0 : i32
    %c0_i32_0 = arith.constant 0 : i32
    return %arg0, %c0_i32 : i32, i32
  }
  func.func @transform_5(%arg0: i32) -> (i32, i32, i32) {
    %c0_i32 = arith.constant 0 : i32
    %c0_i32_0 = arith.constant 0 : i32
    %c0_i32_1 = arith.constant 0 : i32
    return %c0_i32, %arg0, %c0_i32_0 : i32, i32, i32
  }
}

module attributes {stable_mosaic.version = 14 : i64} {
  func.func @_stage2_body(%arg0: i32, %arg1: memref<2x2x512x64xbf16, #tpu.memory_space<vmem>>, %arg2: memref<512x16xf32, #tpu.memory_space<vmem>>, %arg3: memref<512x16xf32, #tpu.memory_space<vmem>>, %arg4: memref<1x128xf32, #tpu.memory_space<vmem>>, %arg5: memref<128x128xf32, #tpu.memory_space<vmem>>, %arg6: memref<2x512x64xbf16, #tpu.memory_space<vmem>>) attributes {dimension_semantics = [#tpu.dimension_semantics<arbitrary>], iteration_bounds = array<i64: 20>, scalar_prefetch = 0 : i64, scratch_operands = 0 : i64, tpu.core_type = #tpu.core_type<tc>, window_params = [{transform_indices = @transform_0, window_bounds = array<i64: 2, 2, 512, 64>}, {transform_indices = @transform_1, window_bounds = array<i64: 512, 16>}, {transform_indices = @transform_2, window_bounds = array<i64: 512, 16>}, {pipeline_mode = #tpu.pipeline_mode<synchronous>, transform_indices = @transform_3, window_bounds = array<i64: 1, 128>}, {pipeline_mode = #tpu.pipeline_mode<synchronous>, transform_indices = @transform_4, window_bounds = array<i64: 128, 128>}, {transform_indices = @transform_5, window_bounds = array<i64: 2, 512, 64>}]} {
    %get3A = arith.constant 0 : index
    %get3A_0 = arith.constant 0 : index
    %get3A_1 = arith.constant 0 : index
    %get3A_2 = arith.constant 0 : index
    %get3A_3 = vector.load %arg1[%get3A, %get3A_0, %get3A_1, %get3A_2] : memref<2x2x512x64xbf16, #tpu.memory_space<vmem>>, vector<1x1x512x64xbf16>
    %get3A_4 = vector.shape_cast %get3A_3 : vector<1x1x512x64xbf16> to vector<512x64xbf16>
    %convert_element_type3A = arith.extf %get3A_4 : vector<512x64xbf16> to vector<512x64xf32>
    %get3A_5 = arith.constant 0 : index
    %get3A_6 = arith.constant 1 : index
    %get3A_7 = arith.constant 0 : index
    %get3A_8 = arith.constant 0 : index
    %get3A_9 = vector.load %arg1[%get3A_5, %get3A_6, %get3A_7, %get3A_8] : memref<2x2x512x64xbf16, #tpu.memory_space<vmem>>, vector<1x1x512x64xbf16>
    %get3A_10 = vector.shape_cast %get3A_9 : vector<1x1x512x64xbf16> to vector<512x64xbf16>
    %convert_element_type3A_11 = arith.extf %get3A_10 : vector<512x64xbf16> to vector<512x64xf32>
    %add3A = arith.addf %convert_element_type3A, %convert_element_type3A_11 : vector<512x64xf32>
    %get3A_12 = arith.constant 1 : index
    %get3A_13 = arith.constant 0 : index
    %get3A_14 = arith.constant 0 : index
    %get3A_15 = arith.constant 0 : index
    %get3A_16 = vector.load %arg1[%get3A_12, %get3A_13, %get3A_14, %get3A_15] : memref<2x2x512x64xbf16, #tpu.memory_space<vmem>>, vector<1x1x512x64xbf16>
    %get3A_17 = vector.shape_cast %get3A_16 : vector<1x1x512x64xbf16> to vector<512x64xbf16>
    %convert_element_type3A_18 = arith.extf %get3A_17 : vector<512x64xbf16> to vector<512x64xf32>
    %get3A_19 = arith.constant 1 : index
    %get3A_20 = arith.constant 1 : index
    %get3A_21 = arith.constant 0 : index
    %get3A_22 = arith.constant 0 : index
    %get3A_23 = vector.load %arg1[%get3A_19, %get3A_20, %get3A_21, %get3A_22] : memref<2x2x512x64xbf16, #tpu.memory_space<vmem>>, vector<1x1x512x64xbf16>
    %get3A_24 = vector.shape_cast %get3A_23 : vector<1x1x512x64xbf16> to vector<512x64xbf16>
    %convert_element_type3A_25 = arith.extf %get3A_24 : vector<512x64xbf16> to vector<512x64xf32>
    %add3A_26 = arith.addf %convert_element_type3A_18, %convert_element_type3A_25 : vector<512x64xf32>
    %concatenate3A = tpu.concatenate %add3A, %add3A_26 in 1 : vector<512x64xf32>, vector<512x64xf32> -> vector<512x128xf32>
    %get3A_27 = arith.constant 0 : index
    %get3A_28 = arith.constant 0 : index
    %get3A_29 = vector.load %arg2[%get3A_27, %get3A_28] : memref<512x16xf32, #tpu.memory_space<vmem>>, vector<512x1xf32>
    %mul3A = vector.broadcast %get3A_29 : vector<512x1xf32> to vector<512x128xf32>
    %mul3A_30 = arith.mulf %concatenate3A, %mul3A : vector<512x128xf32>
    %get3A_31 = arith.constant 0 : index
    %get3A_32 = arith.constant 0 : index
    %get3A_33 = vector.load %arg4[%get3A_31, %get3A_32] : memref<1x128xf32, #tpu.memory_space<vmem>>, vector<1x128xf32>
    %add3A_34 = vector.broadcast %get3A_33 : vector<1x128xf32> to vector<512x128xf32>
    %add3A_35 = arith.addf %mul3A_30, %add3A_34 : vector<512x128xf32>
    %get3A_36 = arith.constant 0 : index
    %get3A_37 = arith.constant 0 : index
    %get3A_38 = vector.load %arg5[%get3A_36, %get3A_37] : memref<128x128xf32, #tpu.memory_space<vmem>>, vector<128x128xf32>
    %dot_general3A = arith.constant dense<0.000000e+00> : vector<512x128xf32>
    %dot_general3A_39 = tpu.matmul %add3A_35, %get3A_38, %dot_general3A {dimension_numbers = #tpu.dot_dimension_numbers<[1], [0], [0], [1], [0, 0, 1, 1], [], []>, transpose_lhs_hint = false} : vector<512x128xf32>, vector<128x128xf32>, vector<512x128xf32> -> vector<512x128xf32>
    %get3A_40 = arith.constant 0 : index
    %get3A_41 = arith.constant 0 : index
    %get3A_42 = vector.load %arg3[%get3A_40, %get3A_41] : memref<512x16xf32, #tpu.memory_space<vmem>>, vector<512x1xf32>
    %mul3A_43 = vector.broadcast %get3A_42 : vector<512x1xf32> to vector<512x128xf32>
    %mul3A_44 = arith.mulf %dot_general3A_39, %mul3A_43 : vector<512x128xf32>
    %convert_element_type3A_45 = arith.truncf %mul3A_44 : vector<512x128xf32> to vector<512x128xbf16>
    %slice3A = vector.extract_strided_slice %convert_element_type3A_45 {offsets = [0, 0], sizes = [512, 64], strides = [1, 1]} : vector<512x128xbf16> to vector<512x64xbf16>
    %swap3A = arith.constant 0 : index
    %swap3A_46 = arith.constant 0 : index
    %swap3A_47 = arith.constant 0 : index
    %swap3A_48 = vector.load %arg6[%swap3A, %swap3A_46, %swap3A_47] : memref<2x512x64xbf16, #tpu.memory_space<vmem>>, vector<1x512x64xbf16>
    %swap3A_49 = vector.shape_cast %swap3A_48 : vector<1x512x64xbf16> to vector<512x64xbf16>
    %swap3A_50 = vector.shape_cast %slice3A : vector<512x64xbf16> to vector<1x512x64xbf16>
    tpu.vector_store %arg6[%swap3A, %swap3A_46, %swap3A_47], %swap3A_50 {strides = array<i32>} : memref<2x512x64xbf16, #tpu.memory_space<vmem>>, vector<1x512x64xbf16>,
    %slice3A_51 = vector.extract_strided_slice %convert_element_type3A_45 {offsets = [0, 64], sizes = [512, 64], strides = [1, 1]} : vector<512x128xbf16> to vector<512x64xbf16>
    %swap3A_52 = arith.constant 1 : index
    %swap3A_53 = arith.constant 0 : index
    %swap3A_54 = arith.constant 0 : index
    %swap3A_55 = vector.load %arg6[%swap3A_52, %swap3A_53, %swap3A_54] : memref<2x512x64xbf16, #tpu.memory_space<vmem>>, vector<1x512x64xbf16>
    %swap3A_56 = vector.shape_cast %swap3A_55 : vector<1x512x64xbf16> to vector<512x64xbf16>
    %swap3A_57 = vector.shape_cast %slice3A_51 : vector<512x64xbf16> to vector<1x512x64xbf16>
    tpu.vector_store %arg6[%swap3A_52, %swap3A_53, %swap3A_54], %swap3A_57 {strides = array<i32>} : memref<2x512x64xbf16, #tpu.memory_space<vmem>>, vector<1x512x64xbf16>,
    return
  }
  func.func @transform_0(%arg0: i32) -> (i32, i32, i32, i32) {
    %c0_i32 = arith.constant 0 : i32
    %c0_i32_0 = arith.constant 0 : i32
    %c0_i32_1 = arith.constant 0 : i32
    %c0_i32_2 = arith.constant 0 : i32
    return %c0_i32, %c0_i32_0, %arg0, %c0_i32_1 : i32, i32, i32, i32
  }
  func.func @transform_1(%arg0: i32) -> (i32, i32) {
    %c0_i32 = arith.constant 0 : i32
    %c0_i32_0 = arith.constant 0 : i32
    return %arg0, %c0_i32 : i32, i32
  }
  func.func @transform_2(%arg0: i32) -> (i32, i32) {
    %c0_i32 = arith.constant 0 : i32
    %c0_i32_0 = arith.constant 0 : i32
    return %arg0, %c0_i32 : i32, i32
  }
  func.func @transform_3(%arg0: i32) -> (i32, i32) {
    %c0_i32 = arith.constant 0 : i32
    %c0_i32_0 = arith.constant 0 : i32
    %c0_i32_1 = arith.constant 0 : i32
    return %c0_i32, %c0_i32_0 : i32, i32
  }
  func.func @transform_4(%arg0: i32) -> (i32, i32) {
    %c0_i32 = arith.constant 0 : i32
    %c0_i32_0 = arith.constant 0 : i32
    %c0_i32_1 = arith.constant 0 : i32
    return %c0_i32, %c0_i32_0 : i32, i32
  }
  func.func @transform_5(%arg0: i32) -> (i32, i32, i32) {
    %c0_i32 = arith.constant 0 : i32
    %c0_i32_0 = arith.constant 0 : i32
    %c0_i32_1 = arith.constant 0 : i32
    return %c0_i32, %arg0, %c0_i32_0 : i32, i32, i32
  }
}

module attributes {stable_mosaic.version = 14 : i64} {
  func.func @_stage3_body(%arg0: i32, %arg1: memref<2x2x512x64xbf16, #tpu.memory_space<vmem>>, %arg2: memref<512x16xf32, #tpu.memory_space<vmem>>, %arg3: memref<512x16xf32, #tpu.memory_space<vmem>>, %arg4: memref<1x128xf32, #tpu.memory_space<vmem>>, %arg5: memref<128x16xf32, #tpu.memory_space<vmem>>, %arg6: memref<512x16xf32, #tpu.memory_space<vmem>>) attributes {dimension_semantics = [#tpu.dimension_semantics<arbitrary>], iteration_bounds = array<i64: 20>, scalar_prefetch = 0 : i64, scratch_operands = 0 : i64, tpu.core_type = #tpu.core_type<tc>, window_params = [{transform_indices = @transform_0, window_bounds = array<i64: 2, 2, 512, 64>}, {transform_indices = @transform_1, window_bounds = array<i64: 512, 16>}, {transform_indices = @transform_2, window_bounds = array<i64: 512, 16>}, {pipeline_mode = #tpu.pipeline_mode<synchronous>, transform_indices = @transform_3, window_bounds = array<i64: 1, 128>}, {pipeline_mode = #tpu.pipeline_mode<synchronous>, transform_indices = @transform_4, window_bounds = array<i64: 128, 16>}, {transform_indices = @transform_5, window_bounds = array<i64: 512, 16>}]} {
    %get3A = arith.constant 0 : index
    %get3A_0 = arith.constant 0 : index
    %get3A_1 = arith.constant 0 : index
    %get3A_2 = arith.constant 0 : index
    %get3A_3 = vector.load %arg1[%get3A, %get3A_0, %get3A_1, %get3A_2] : memref<2x2x512x64xbf16, #tpu.memory_space<vmem>>, vector<1x1x512x64xbf16>
    %get3A_4 = vector.shape_cast %get3A_3 : vector<1x1x512x64xbf16> to vector<512x64xbf16>
    %convert_element_type3A = arith.extf %get3A_4 : vector<512x64xbf16> to vector<512x64xf32>
    %get3A_5 = arith.constant 0 : index
    %get3A_6 = arith.constant 1 : index
    %get3A_7 = arith.constant 0 : index
    %get3A_8 = arith.constant 0 : index
    %get3A_9 = vector.load %arg1[%get3A_5, %get3A_6, %get3A_7, %get3A_8] : memref<2x2x512x64xbf16, #tpu.memory_space<vmem>>, vector<1x1x512x64xbf16>
    %get3A_10 = vector.shape_cast %get3A_9 : vector<1x1x512x64xbf16> to vector<512x64xbf16>
    %convert_element_type3A_11 = arith.extf %get3A_10 : vector<512x64xbf16> to vector<512x64xf32>
    %add3A = arith.addf %convert_element_type3A, %convert_element_type3A_11 : vector<512x64xf32>
    %get3A_12 = arith.constant 1 : index
    %get3A_13 = arith.constant 0 : index
    %get3A_14 = arith.constant 0 : index
    %get3A_15 = arith.constant 0 : index
    %get3A_16 = vector.load %arg1[%get3A_12, %get3A_13, %get3A_14, %get3A_15] : memref<2x2x512x64xbf16, #tpu.memory_space<vmem>>, vector<1x1x512x64xbf16>
    %get3A_17 = vector.shape_cast %get3A_16 : vector<1x1x512x64xbf16> to vector<512x64xbf16>
    %convert_element_type3A_18 = arith.extf %get3A_17 : vector<512x64xbf16> to vector<512x64xf32>
    %get3A_19 = arith.constant 1 : index
    %get3A_20 = arith.constant 1 : index
    %get3A_21 = arith.constant 0 : index
    %get3A_22 = arith.constant 0 : index
    %get3A_23 = vector.load %arg1[%get3A_19, %get3A_20, %get3A_21, %get3A_22] : memref<2x2x512x64xbf16, #tpu.memory_space<vmem>>, vector<1x1x512x64xbf16>
    %get3A_24 = vector.shape_cast %get3A_23 : vector<1x1x512x64xbf16> to vector<512x64xbf16>
    %convert_element_type3A_25 = arith.extf %get3A_24 : vector<512x64xbf16> to vector<512x64xf32>
    %add3A_26 = arith.addf %convert_element_type3A_18, %convert_element_type3A_25 : vector<512x64xf32>
    %concatenate3A = tpu.concatenate %add3A, %add3A_26 in 1 : vector<512x64xf32>, vector<512x64xf32> -> vector<512x128xf32>
    %get3A_27 = arith.constant 0 : index
    %get3A_28 = arith.constant 0 : index
    %get3A_29 = vector.load %arg2[%get3A_27, %get3A_28] : memref<512x16xf32, #tpu.memory_space<vmem>>, vector<512x1xf32>
    %mul3A = vector.broadcast %get3A_29 : vector<512x1xf32> to vector<512x128xf32>
    %mul3A_30 = arith.mulf %concatenate3A, %mul3A : vector<512x128xf32>
    %get3A_31 = arith.constant 0 : index
    %get3A_32 = arith.constant 0 : index
    %get3A_33 = vector.load %arg4[%get3A_31, %get3A_32] : memref<1x128xf32, #tpu.memory_space<vmem>>, vector<1x128xf32>
    %add3A_34 = vector.broadcast %get3A_33 : vector<1x128xf32> to vector<512x128xf32>
    %add3A_35 = arith.addf %mul3A_30, %add3A_34 : vector<512x128xf32>
    %get3A_36 = arith.constant 0 : index
    %get3A_37 = arith.constant 0 : index
    %get3A_38 = vector.load %arg5[%get3A_36, %get3A_37] : memref<128x16xf32, #tpu.memory_space<vmem>>, vector<128x16xf32>
    %dot_general3A = arith.constant dense<0.000000e+00> : vector<512x16xf32>
    %dot_general3A_39 = tpu.matmul %add3A_35, %get3A_38, %dot_general3A {dimension_numbers = #tpu.dot_dimension_numbers<[1], [0], [0], [1], [0, 0, 1, 1], [], []>, transpose_lhs_hint = false} : vector<512x128xf32>, vector<128x16xf32>, vector<512x16xf32> -> vector<512x16xf32>
    %get3A_40 = arith.constant 0 : index
    %get3A_41 = arith.constant 0 : index
    %get3A_42 = vector.load %arg3[%get3A_40, %get3A_41] : memref<512x16xf32, #tpu.memory_space<vmem>>, vector<512x1xf32>
    %mul3A_43 = vector.broadcast %get3A_42 : vector<512x1xf32> to vector<512x16xf32>
    %mul3A_44 = arith.mulf %dot_general3A_39, %mul3A_43 : vector<512x16xf32>
    %swap3A = arith.constant 0 : index
    %swap3A_45 = arith.constant 0 : index
    %swap3A_46 = vector.load %arg6[%swap3A, %swap3A_45] : memref<512x16xf32, #tpu.memory_space<vmem>>, vector<512x16xf32>
    tpu.vector_store %arg6[%swap3A, %swap3A_45], %mul3A_44 {strides = array<i32>} : memref<512x16xf32, #tpu.memory_space<vmem>>, vector<512x16xf32>,
    return
  }
  func.func @transform_0(%arg0: i32) -> (i32, i32, i32, i32) {
    %c0_i32 = arith.constant 0 : i32
    %c0_i32_0 = arith.constant 0 : i32
    %c0_i32_1 = arith.constant 0 : i32
    %c0_i32_2 = arith.constant 0 : i32
    return %c0_i32, %c0_i32_0, %arg0, %c0_i32_1 : i32, i32, i32, i32
  }
  func.func @transform_1(%arg0: i32) -> (i32, i32) {
    %c0_i32 = arith.constant 0 : i32
    %c0_i32_0 = arith.constant 0 : i32
    return %arg0, %c0_i32 : i32, i32
  }
  func.func @transform_2(%arg0: i32) -> (i32, i32) {
    %c0_i32 = arith.constant 0 : i32
    %c0_i32_0 = arith.constant 0 : i32
    return %arg0, %c0_i32 : i32, i32
  }
  func.func @transform_3(%arg0: i32) -> (i32, i32) {
    %c0_i32 = arith.constant 0 : i32
    %c0_i32_0 = arith.constant 0 : i32
    %c0_i32_1 = arith.constant 0 : i32
    return %c0_i32, %c0_i32_0 : i32, i32
  }
  func.func @transform_4(%arg0: i32) -> (i32, i32) {
    %c0_i32 = arith.constant 0 : i32
    %c0_i32_0 = arith.constant 0 : i32
    %c0_i32_1 = arith.constant 0 : i32
    return %c0_i32, %c0_i32_0 : i32, i32
  }
  func.func @transform_5(%arg0: i32) -> (i32, i32) {
    %c0_i32 = arith.constant 0 : i32
    %c0_i32_0 = arith.constant 0 : i32
    return %arg0, %c0_i32 : i32, i32
  }
}

module attributes {stable_mosaic.version = 14 : i64} {
  func.func @_stage4_body(%arg0: i32, %arg1: memref<512x16xf32, #tpu.memory_space<vmem>>, %arg2: memref<512x16xf32, #tpu.memory_space<vmem>>, %arg3: memref<512x16xf32, #tpu.memory_space<vmem>>, %arg4: memref<1x16xf32, #tpu.memory_space<vmem>>, %arg5: memref<512x16xf32, #tpu.memory_space<vmem>>) attributes {dimension_semantics = [#tpu.dimension_semantics<arbitrary>], iteration_bounds = array<i64: 20>, scalar_prefetch = 0 : i64, scratch_operands = 0 : i64, tpu.core_type = #tpu.core_type<tc>, window_params = [{transform_indices = @transform_0, window_bounds = array<i64: 512, 16>}, {transform_indices = @transform_1, window_bounds = array<i64: 512, 16>}, {transform_indices = @transform_2, window_bounds = array<i64: 512, 16>}, {pipeline_mode = #tpu.pipeline_mode<synchronous>, transform_indices = @transform_3, window_bounds = array<i64: 1, 16>}, {transform_indices = @transform_4, window_bounds = array<i64: 512, 16>}]} {
    %get3A = arith.constant 0 : index
    %get3A_0 = arith.constant 0 : index
    %get3A_1 = vector.load %arg1[%get3A, %get3A_0] : memref<512x16xf32, #tpu.memory_space<vmem>>, vector<512x16xf32>
    %get3A_2 = arith.constant 0 : index
    %get3A_3 = arith.constant 0 : index
    %get3A_4 = vector.load %arg2[%get3A_2, %get3A_3] : memref<512x16xf32, #tpu.memory_space<vmem>>, vector<512x16xf32>
    %add3A = arith.addf %get3A_1, %get3A_4 : vector<512x16xf32>
    %get3A_5 = arith.constant 0 : index
    %get3A_6 = arith.constant 0 : index
    %get3A_7 = vector.load %arg3[%get3A_5, %get3A_6] : memref<512x16xf32, #tpu.memory_space<vmem>>, vector<512x1xf32>
    %mul3A = vector.broadcast %get3A_7 : vector<512x1xf32> to vector<512x16xf32>
    %mul3A_8 = arith.mulf %add3A, %mul3A : vector<512x16xf32>
    %get3A_9 = arith.constant 0 : index
    %get3A_10 = arith.constant 0 : index
    %get3A_11 = vector.load %arg4[%get3A_9, %get3A_10] : memref<1x16xf32, #tpu.memory_space<vmem>>, vector<1x16xf32>
    %add3A_12 = vector.broadcast %get3A_11 : vector<1x16xf32> to vector<512x16xf32>
    %add3A_13 = arith.addf %mul3A_8, %add3A_12 : vector<512x16xf32>
    %swap3A = arith.constant 0 : index
    %swap3A_14 = arith.constant 0 : index
    %swap3A_15 = vector.load %arg5[%swap3A, %swap3A_14] : memref<512x16xf32, #tpu.memory_space<vmem>>, vector<512x16xf32>
    tpu.vector_store %arg5[%swap3A, %swap3A_14], %add3A_13 {strides = array<i32>} : memref<512x16xf32, #tpu.memory_space<vmem>>, vector<512x16xf32>,
    return
  }
  func.func @transform_0(%arg0: i32) -> (i32, i32) {
    %c0_i32 = arith.constant 0 : i32
    %c0_i32_0 = arith.constant 0 : i32
    return %arg0, %c0_i32 : i32, i32
  }
  func.func @transform_1(%arg0: i32) -> (i32, i32) {
    %c0_i32 = arith.constant 0 : i32
    %c0_i32_0 = arith.constant 0 : i32
    return %arg0, %c0_i32 : i32, i32
  }
  func.func @transform_2(%arg0: i32) -> (i32, i32) {
    %c0_i32 = arith.constant 0 : i32
    %c0_i32_0 = arith.constant 0 : i32
    return %arg0, %c0_i32 : i32, i32
  }
  func.func @transform_3(%arg0: i32) -> (i32, i32) {
    %c0_i32 = arith.constant 0 : i32
    %c0_i32_0 = arith.constant 0 : i32
    %c0_i32_1 = arith.constant 0 : i32
    return %c0_i32, %c0_i32_0 : i32, i32
  }
  func.func @transform_4(%arg0: i32) -> (i32, i32) {
    %c0_i32 = arith.constant 0 : i32
    %c0_i32_0 = arith.constant 0 : i32
    return %arg0, %c0_i32 : i32, i32
  }
}

</mosaic_0001>

<sc_bundles>
// kernel: sc_degrees.3.cloned.1.call-start
scs
__scs_entry_jumppad:
0x0: {  	(pc) =	sbr.rel $0x88, $3  }
0x1: {  	(tag) =	ssettag $0x0;
	lr =	simm.s32 $0x1  }
0x2: {  	[smem:$0x3F99] =	sst lr;
	_ =	strace $0xD0000000  }
0x3: {  	_ = 	snop  }
0x4: {  	_ = 	snop  }
0x5: {  	_ = 	snop  }
0x6: {  	_ = 	snop  }
0x7: {  	_ = 	snop  }
__scs_overlays_trampoline_lowered:
0x8: {  	[smem:$0x3FA8] =	sst s0  }
0x9: {  	[smem:$0x3FA9] =	sst s1  }
0xa: {  	[smem:$0x3FAA] =	sst s2  }
0xb: {  	[smem:$0x3FAB] =	sst s3  }
0xc: {  	[smem:$0x3FAC] =	sst s4  }
0xd: {  	[smem:$0x3FAD] =	sst s5  }
0xe: {  	[smem:$0x3FAE] =	sst s6  }
0xf: {  	[smem:$0x3FAF] =	sst s7  }
0x10: {  	[smem:$0x3FB0] =	sst s8  }
0x11: {  	[smem:$0x3FB1] =	sst s9;
	s0 =	simm.s32 @!p0 $0x0  }
0x12: {  	s1 =	sld [smem:$0x3F97];
	s0 =	simm.s32 @p0 $0x1  }
0x13: {  	[smem:$0x3FB2] =	sst s0;
	s0 =	simm.s32 @!p1 $0x0  }
0x14: {  	s2 =	sld [smem:$0x3F96];
	s0 =	simm.s32 @p1 $0x1  }
0x15: {  	[smem:$0x3FB3] =	sst s0;
	s0 =	simm.s32 @!p2 $0x0  }
0x16: {  	s3 =	sld [smem:$0x3FDB];
	s0 =	simm.s32 @p2 $0x1  }
0x17: {  	s4 =	simm.s32 $0x1BF5;
	[smem:$0x3FB5] =	sst s0  }
0x18: {  	s0 =	sld [smem:$0x3F98];
	_ =	swait.ge [sflag:s4], $0x0  }
0x19: {  	s7 =	sld [smem:$0x3F99]  }
0x1a: {  	s8 =	sadd.s32 $0xFFFFE003, lr  }
0x1b: {  	s9 =	sadd.s32 $0xFFFFFEF7, lr;
	s5 =	simm.s32 $0xFFFFFFFF;
	p2 =	slt.u32 s8, $0xFFFFF086  }
0x1c: {  	p1 =	slt.u32 s9, $0xF7A;
	s5 =	simm.s32 @!p2 $0x0  }
0x1d: {  	s5 =	simm.s32 @p1 $0x1;
	p0 =	seq.s32 s7, s2  }
0x1e: {  	s7 =	smul.u32 @!p0 $0xF7A, s2;
	p2 =	seq.s32 @!p0 s5, $0x0  }
0x1f: {  	s9 =	smul.u32 $0xF7A, s1;
	s8 =	simm.s32 @!p0 $0x1BF5;
	p2 =	por !p2, p0  }
0x20: {  	[sflag:s8] =	ssyncset.s32 @!p0 $0xFFFFF086;
	s6 =	sadd.s32 @!p0 s3, s7;
	s7 =	simm.s32 @!p0 $0x108  }
0x21: {  	s3 =	sadd.s32 s3, s9;
	s6 =	sadd.s32 @!p0 $0x88, s6;
	s7 =	simm.s32 @p2 $0x1082  }
0x22: {  	[simem:s7], [sflag:s8] =	dma.local @!p0 [hbm:s6], $0xF7A  }
0x23: {  	s9 =	sor.u32 $0xD0000000, s2;
	s6 =	simm.s32 $0x108;
	_ =	swait.ge @!p0 [sflag:s8], $0x0  }
0x24: {  	s3 =	sadd.s32 $0x88, s3;
	s6 =	simm.s32 @!p1 $0x1082;
	[sflag:s4] =	ssyncset.s32 $0xFFFFF086  }
0x25: {  	[simem:s6], [sflag:s4] =	dma.local [hbm:s3], $0xF7A  }
0x26: {  	[smem:$0x3F99] =	sst s1;
	(tag) =	ssettag s2;
	_ =	strace s9  }
0x27: {  	s1 =	sld [smem:$0x3FA9]  }
0x28: {  	s2 =	sld [smem:$0x3FAA]  }
0x29: {  	s4 =	sld [smem:$0x3FAC]  }
0x2a: {  	p0 =	seq.s32 s5, $0x0;
	s5 =	sld [smem:$0x3FAD]  }
0x2b: {  	s6 =	sld [smem:$0x3FAE]  }
0x2c: {  	s7 =	sld [smem:$0x3FAF]  }
0x2d: {  	s3 =	simm.s32 $0x108;
	s8 =	sld [smem:$0x3FB0]  }
0x2e: {  	s3 =	simm.s32 @!p0 $0x1082;
	s9 =	sld [smem:$0x3FB1]  }
0x2f: {  	lr =	sadd.s32 s0, s3;
	s0 =	sld [smem:$0x3FA8]  }
0x30: {  	s3 =	sld [smem:$0x3FAB]  }
0x31: {  	[smem:$0x3FB4] =	sst s10  }
0x32: {  	s10 =	sld [smem:$0x3FB2];
	_ =	sdelay $0x3  }
0x33: {  	p0 =	seq.s32 s10, $0x1;
	s10 =	sld [smem:$0x3FB4];
	_ =	sdelay $0x3  }
0x34: {  	[smem:$0x3FB4] =	sst s10  }
0x35: {  	s10 =	sld [smem:$0x3FB3];
	_ =	sdelay $0x3  }
0x36: {  	p1 =	seq.s32 s10, $0x1;
	s10 =	sld [smem:$0x3FB4];
	_ =	sdelay $0x3  }
0x37: {  	[smem:$0x3FB4] =	sst s10  }
0x38: {  	s10 =	sld [smem:$0x3FB5]  }
0x39: {  	_ = 	snop;
	(pc) =	sbr.ind lr, $3  }
0x3a: {  	_ = 	snop  }
0x3b: {  	_ = 	snop  }
0x3c: {  	p2 =	seq.s32 s10, $0x1;
	s10 =	sld [smem:$0x3FB4]  }
0x3d: {  	_ =	shalt  }
0x3e: {  	_ =	shalt  }
0x3f: {  	_ =	shalt  }
0x40: {  	_ =	shalt  }
0x41: {  	_ =	shalt  }
0x42: {  	_ =	shalt  }
0x43: {  	_ =	shalt  }
0x44: {  	_ =	shalt  }
0x45: {  	_ =	shalt  }
0x46: {  	_ =	shalt  }
0x47: {  	_ =	shalt  }
0x48: {  	_ =	shalt  }
0x49: {  	_ =	shalt  }
0x4a: {  	_ =	shalt  }
0x4b: {  	_ =	shalt  }
0x4c: {  	_ =	shalt  }
0x4d: {  	_ =	shalt  }
0x4e: {  	_ =	shalt  }
0x4f: {  	_ =	shalt  }
0x50: {  	_ =	shalt  }
0x51: {  	_ =	shalt  }
0x52: {  	_ =	shalt  }
0x53: {  	_ =	shalt  }
0x54: {  	_ =	shalt  }
0x55: {  	_ =	shalt  }
0x56: {  	_ =	shalt  }
0x57: {  	_ =	shalt  }
0x58: {  	_ =	shalt  }
0x59: {  	_ =	shalt  }
0x5a: {  	_ =	shalt  }
0x5b: {  	_ =	shalt  }
0x5c: {  	_ =	shalt  }
0x5d: {  	_ =	shalt  }
0x5e: {  	_ =	shalt  }
0x5f: {  	_ =	shalt  }
0x60: {  	_ =	shalt  }
0x61: {  	_ =	shalt  }
0x62: {  	_ =	shalt  }
0x63: {  	_ =	shalt  }
0x64: {  	_ =	shalt  }
0x65: {  	_ =	shalt  }
0x66: {  	_ =	shalt  }
0x67: {  	_ =	shalt  }
0x68: {  	_ =	shalt  }
0x69: {  	_ =	shalt  }
0x6a: {  	_ =	shalt  }
0x6b: {  	_ =	shalt  }
0x6c: {  	_ =	shalt  }
0x6d: {  	_ =	shalt  }
0x6e: {  	_ =	shalt  }
0x6f: {  	_ =	shalt  }
0x70: {  	_ =	shalt  }
0x71: {  	_ =	shalt  }
0x72: {  	_ =	shalt  }
0x73: {  	_ =	shalt  }
0x74: {  	_ =	shalt  }
0x75: {  	_ =	shalt  }
0x76: {  	_ =	shalt  }
0x77: {  	_ =	shalt  }
0x78: {  	_ =	shalt  }
0x79: {  	_ =	shalt  }
0x7a: {  	_ =	shalt  }
0x7b: {  	_ =	shalt  }
0x7c: {  	_ =	shalt  }
0x7d: {  	_ =	shalt  }
0x7e: {  	_ =	shalt  }
0x7f: {  	_ =	shalt  }
0x80: {  	_ =	shalt  }
0x81: {  	_ =	shalt  }
0x82: {  	_ =	shalt  }
0x83: {  	_ =	shalt  }
0x84: {  	_ =	shalt  }
0x85: {  	_ =	shalt  }
0x86: {  	_ =	shalt  }
0x87: {  	_ =	shalt  }
.Lfunc_end0:
.L_simem_size_0:
called_computation_lowered:
.L_overlay_start_0:
0x88: {  	s2 =	sld [smem:$0x3FD9]  }
0x89: {  	s3 =	sld [smem:$0x3FFE];
	_ =	sdelay $0x1  }
0x8a: {  	s1 =	srdreg.scid  }
0x8b: {  	s0 =	sand.u32 $0x1, s1  }
0x8c: {  	s17 =	sshll.u32 s0, $0xA;
	s2 =	sadd.s32 s3, s2  }
0x8d: {  	s2 =	sadd.s32 s2, s17  }
0x8e: {  	[smem:$0x3FC0] =	sst s2  }
0x8f: {  	_ = 	snop  }
0x90: {  	s2 =	sld [smem:$0x3FD0];
	(tm) =	ssettm $0x1  }
0x91: {  	s18 =	sld [smem:$0x3FFB];
	_ =	sdelay $0x3  }
0x92: {  	_ =	strace s18  }
0x93: {  	s3 =	sld [smem:$0x3FFC];
	_ =	sdelay $0x3  }
0x94: {  	_ =	strace s3  }
0x95: {  	s3 =	sld [smem:$0x3FFD];
	_ =	sdelay $0x3  }
0x96: {  	_ =	strace s3  }
0x97: {  	_ =	strace $0x8FFFFFFF  }
0x98: {  	s19 =	sld [smem:$0x3FDB];
	_ =	sdelay $0x1  }
0x99: {  	s4 =	simm.s32 $_scs_section_size  }
0x9a: {  	s5 =	simm.s32 $_size__tile_overlayer_lowered;
	s6 =	simm.s32 $_tile_overlayer_lowered  }
0x9b: {  	s22 =	simm.s32 $0x1BFF;
	s21 =	sshll.u32 s6, $0x1;
	s3 =	sadd.s32 s4, s19  }
0x9c: {  	s7 =	simm.s32 $0x0;
	s20 =	sshll.u32 s5, $0x1;
	s5 =	sadd.s32 s21, s3  }
0x9d: {  	[timem:s7], [sflag:s22] =	dma.local [hbm:s5], s20  }
0x9e: {  	_ =	swait.ge [sflag:s22], s20  }
0x9f: {  	s4 =	ssub.s32 $0x0, s20;
	[sflag:s22] =	ssyncset.done $0x0  }
0xa0: {  	[sflag:s22] =	ssyncadd.s32 s4;
	_ =	sdelay $0x1  }
0xa1: {  	s23 =	simm.s32 $0x1B8B  }
0xa2: {  	_ =	swait.ge [sflag:s23], $0x1  }
0xa3: {  	[sflag:s23] =	ssyncset.done $0x0  }
0xa4: {  	s25 =	simm.s32 $0x1B8E;
	s24 =	sld [smem:$0x3FFE];
	[sflag:s23] =	ssyncadd.s32 $0xFFFFFFFF  }
0xa5: {  	s26 =	simm.s32 $execute0_lowered;
	[smem:$0x3FD2] =	sst s25  }
0xa6: {  	s5 =	sshll.u32 s26, $0x1;
	_ =	strace $0x80000046;
	[dreg:$0x1] =	wrdreg $0xFFFFFFFF  }
0xa7: {  	s28 =	simm.s32 $_size_execute0_lowered;
	s3 =	sadd.s32 s3, s5;
	[dreg:$0x0] =	wrdreg $0x0  }
0xa8: {  	s5 =	sshll.u32 s28, $0x1;
	[dreg:$0x2] =	wrdreg s3  }
0xa9: {  	[dreg:$0x3] =	wrdreg s5  }
0xaa: {  	[dreg:$0x4] =	wrdreg $0xC0  }
0xab: {  	_ =	task [dreg:s7], $0x5FFFF  }
0xac: {  	[dreg:$0x1] =	wrdreg $0xFFFFFFFF  }
0xad: {  	[dreg:$0x0] =	wrdreg $0x60  }
0xae: {  	[dreg:$0x2] =	wrdreg s24  }
0xaf: {  	[dreg:$0x3] =	wrdreg s2  }
0xb0: {  	[dreg:$0x4] =	wrdreg $0x3C000  }
0xb1: {  	[dreg:$0x5] =	wrdreg $0x9  }
0xb2: {  	_ =	task.clear_ibuf [dreg:s7], $0x6FFFF;
	_ =	strace $0x90000046  }
0xb3: {  	s29 =	simm.s32 $0x9;
	_ =	strace $0x80000048  }
0xb4: {  	_ =	swait.ge [sflag:s29], $0x1  }
0xb5: {  	[sflag:s29] =	ssyncadd.s32 $0xFFFFFFFF  }
0xb6: {  	_ =	strace $0x90000048  }
0xb7: {  	_ =	sfence  }
0xb8: {  	s30 =	sld [smem:$0x0];
	_ =	sdelay $0x2  }
0xb9: {  	s31 =	sshll.u32 s1, $0xD;
	s1 =	sshrl.u32 s1, $0x2  }
0xba: {  	s3 =	sand.u32 $0x4000, s31;
	s1 =	sadd.s32 s1, s30  }
0xbb: {  	s0 =	sor.u32 s3, s0;
	s1 =	sshll.u32 s1, $0x11  }
0xbc: {  	s0 =	sor.u32 s1, s0  }
0xbd: {  	s0 =	sadd.s32 $0x8F2B, s0  }
0xbe: {  	[sflag:s0] =	ssyncadd.remote.s32 $0x1  }
0xbf: {  	_ =	sfence.sel $0xFFFF  }
0xc0: {  	[dreg:$0x0] =	wrdreg $0xFFFFFFFF;
	(pc) =	sbr.abs _section_cstart, $3  }
0xc1: {  	[dreg:$0x1] =	wrdreg $0xFFFFFFFF  }
0xc2: {  	_ =	task.clear_ibuf [dreg:s7], $0x2FFFF;
	_ =	strace $0x9FFFFFFF  }
0xc3: {  	(tm) =	ssettm $0x7FFFFFFF  }
tec
execute0_lowered:
.L_overlay_start_1:
0x0: {  	(tag) =	ssettag $0x1  }
0x1: {  	s0 =	srdreg.scid;
	s8 =	rddreg [dreg:$0x0]  }
0x2: {  	s3 =	rddreg [dreg:$0x2];
	s4 =	simm.s32 $0x0;
	s21 =	simm.s32 $0x2800  }
0x3: {  	s22 =	simm.s32 $0x1;
	s23 =	simm.s32 $0x3000;
	s24 =	simm.s32 $0x3800  }
0x4: {  	s26 =	simm.s32 $0x1400;
	s28 =	simm.s32 $0x80;
	s7 =	sand.u32 $0x1, s0  }
0x5: {  	s29 =	simm.s32 $0x0;
	s0 =	stileid.u32;
	s6 =	smul.u32 $0x28000, s7  }
0x6: {  	[smem:$0x7FF] =	sst s4;
	s1 =	sshll.u32 s7, $0x4;
	s11 =	smul.u32 $0x2800, s0  }
0x7: {  	s12 =	smul.u32 $0xA000, s0;
	s7 =	ssub.s32 $0x2, s7;
	s1 =	sor.u32 s0, s1  }
0x8: {  	_ =	strace $0x80000047;
	s31 =	sshrl.u32 s7, $0x1;
	s5 =	smul.u32 $0x280, s1  }
0x9: {  	s10 =	sadd.s32 s11, s6;
	s6 =	sadd.s32 $0xB800, s8;
	s12 =	sshrl.u32 s12, $0x2  }
0xa: {  	s13 =	ssub.s32 s7, s31;
	s25 =	sadd.s32 s11, s3;
	s10 =	sshrl.u32 s10, $0x3  }
0xb: {  	s7 =	sadd.s32 s12, s3;
	s11 =	smax.u32 s13, $0x1;
	s25 =	sshrl.u32 s25, $0x3  }
0xc: {  	s9 =	sadd.s32 s5, s8;
	s5 =	sadd.s32 $0xB600, s8;
	s10 =	sadd.s32 s10, s8  }
0xd: {  	s12 =	sadd.s32 $0x400, s7;
	s13 =	sadd.s32 $0x800, s7;
	s14 =	sadd.s32 $0xC00, s7  }
0xe: {  	s15 =	sadd.s32 $0x1000, s7;
	s16 =	sadd.s32 $0x1400, s7;
	s17 =	sadd.s32 $0x1800, s7  }
0xf: {  	s18 =	sadd.s32 $0x1C00, s7;
	s19 =	sadd.s32 $0x2000, s7;
	s20 =	sadd.s32 $0x2400, s7  }
0x10: {  	s8 =	sadd.s32 $0x1600, s9;
	s9 =	sadd.s32 $0x6600, s9;
	s10 =	sadd.s32 $0xBA00, s10  }
.LBB2_1:
0x11: {  	s1 =	rddreg [dreg:$0x1]  }
0x12: {  	[tilespmem:s21], [sflag:$0x1] =	stream.linear.gather [hbm4b:s1+s4], $0x800, $0x38;
	[tilespmem:$0x6400] =	vst v63  }
0x13: {  	_ =	swait.ge [sflag:s22], $0x800  }
0x14: {  	[sflag:s22] =	ssyncset.done $0x0  }
0x15: {  	[sflag:s22] =	ssyncadd.s32 $0xFFFFF800  }
0x16: {  	[tilespmem:s23], [sflag:$0x1] =	stream.linear.gather [hbm4b:s5+s4], $0x800, $0x38;
	[tilespmem:$0x6400] =	vst v63  }
0x17: {  	_ =	swait.ge [sflag:s22], $0x800  }
0x18: {  	[sflag:s22] =	ssyncset.done $0x0  }
0x19: {  	[sflag:s22] =	ssyncadd.s32 $0xFFFFF800  }
0x1a: {  	[tilespmem:s24], [sflag:$0x1] =	stream.linear.gather [hbm4b:s6+s4], $0x400, $0x38;
	[tilespmem:$0x6400] =	vst v63  }
0x1b: {  	_ =	swait.ge [sflag:s22], $0x400  }
0x1c: {  	[sflag:s22] =	ssyncset.done $0x0  }
0x1d: {  	[sflag:s22] =	ssyncadd.s32 $0xFFFFFC00  }
0x1e: {  	[spmem:s7] =	stream.linear.scatter [tilespmem:s24], [sflag:$0x1], $0x400, $0x38;
	[tilespmem:$0x6400] =	vst v63  }
0x1f: {  	_ =	swait.ge [sflag:s22], $0x400  }
0x20: {  	[sflag:s22] =	ssyncset.done $0x0  }
0x21: {  	[sflag:s22] =	ssyncadd.s32 $0xFFFFFC00  }
0x22: {  	[spmem:s12] =	stream.linear.scatter [tilespmem:s24], [sflag:$0x1], $0x400, $0x38;
	[tilespmem:$0x6400] =	vst v63  }
0x23: {  	_ =	swait.ge [sflag:s22], $0x400  }
0x24: {  	[sflag:s22] =	ssyncset.done $0x0  }
0x25: {  	[sflag:s22] =	ssyncadd.s32 $0xFFFFFC00  }
0x26: {  	[spmem:s13] =	stream.linear.scatter [tilespmem:s24], [sflag:$0x1], $0x400, $0x38;
	[tilespmem:$0x6400] =	vst v63  }
0x27: {  	_ =	swait.ge [sflag:s22], $0x400  }
0x28: {  	[sflag:s22] =	ssyncset.done $0x0  }
0x29: {  	[sflag:s22] =	ssyncadd.s32 $0xFFFFFC00  }
0x2a: {  	[spmem:s14] =	stream.linear.scatter [tilespmem:s24], [sflag:$0x1], $0x400, $0x38;
	[tilespmem:$0x6400] =	vst v63  }
0x2b: {  	_ =	swait.ge [sflag:s22], $0x400  }
0x2c: {  	[sflag:s22] =	ssyncset.done $0x0  }
0x2d: {  	[sflag:s22] =	ssyncadd.s32 $0xFFFFFC00  }
0x2e: {  	[spmem:s15] =	stream.linear.scatter [tilespmem:s24], [sflag:$0x1], $0x400, $0x38;
	[tilespmem:$0x6400] =	vst v63  }
0x2f: {  	_ =	swait.ge [sflag:s22], $0x400  }
0x30: {  	[sflag:s22] =	ssyncset.done $0x0  }
0x31: {  	[sflag:s22] =	ssyncadd.s32 $0xFFFFFC00  }
0x32: {  	[spmem:s16] =	stream.linear.scatter [tilespmem:s24], [sflag:$0x1], $0x400, $0x38;
	[tilespmem:$0x6400] =	vst v63  }
0x33: {  	_ =	swait.ge [sflag:s22], $0x400  }
0x34: {  	[sflag:s22] =	ssyncset.done $0x0  }
0x35: {  	[sflag:s22] =	ssyncadd.s32 $0xFFFFFC00  }
0x36: {  	[spmem:s17] =	stream.linear.scatter [tilespmem:s24], [sflag:$0x1], $0x400, $0x38;
	[tilespmem:$0x6400] =	vst v63  }
0x37: {  	_ =	swait.ge [sflag:s22], $0x400  }
0x38: {  	[sflag:s22] =	ssyncset.done $0x0  }
0x39: {  	[sflag:s22] =	ssyncadd.s32 $0xFFFFFC00  }
0x3a: {  	[spmem:s18] =	stream.linear.scatter [tilespmem:s24], [sflag:$0x1], $0x400, $0x38;
	[tilespmem:$0x6400] =	vst v63  }
0x3b: {  	_ =	swait.ge [sflag:s22], $0x400  }
0x3c: {  	[sflag:s22] =	ssyncset.done $0x0  }
0x3d: {  	[sflag:s22] =	ssyncadd.s32 $0xFFFFFC00  }
0x3e: {  	[spmem:s19] =	stream.linear.scatter [tilespmem:s24], [sflag:$0x1], $0x400, $0x38;
	[tilespmem:$0x6400] =	vst v63  }
0x3f: {  	_ =	swait.ge [sflag:s22], $0x400  }
0x40: {  	[sflag:s22] =	ssyncset.done $0x0  }
0x41: {  	[sflag:s22] =	ssyncadd.s32 $0xFFFFFC00  }
0x42: {  	[spmem:s20] =	stream.linear.scatter [tilespmem:s24], [sflag:$0x1], $0x400, $0x38;
	[tilespmem:$0x6400] =	vst v63  }
0x43: {  	_ =	swait.ge [sflag:s22], $0x400  }
0x44: {  	[sflag:s22] =	ssyncset.done $0x0  }
0x45: {  	[sflag:s22] =	ssyncadd.s32 $0xFFFFFC00  }
0x46: {  	[tilespmem:s4], [sflag:$0x1] =	stream.linear.gather [hbm4b:s8+s4], $0x1400, $0x38;
	[tilespmem:$0x6400] =	vst v63  }
0x47: {  	_ =	swait.ge [sflag:s22], $0x1400  }
0x48: {  	[sflag:s22] =	ssyncset.done $0x0  }
0x49: {  	[sflag:s22] =	ssyncadd.s32 $0xFFFFEC00  }
0x4a: {  	[tilespmem:s26], [sflag:$0x1] =	stream.linear.gather [hbm4b:s9+s4], $0x1400, $0x38;
	[tilespmem:$0x6400] =	vst v63  }
0x4b: {  	_ =	swait.ge [sflag:s22], $0x1400  }
0x4c: {  	[sflag:s22] =	ssyncset.done $0x0  }
0x4d: {  	[sflag:s22] =	ssyncadd.s32 $0xFFFFEC00  }
0x4e: {  	s30 =	simm.s32 $0x0;
	[bflag:$0x0] =	sbarrier.arrive $0xFFFF  }
0x4f: {  	[spmem:s3] =	stream.indirect.scatter.add.f32 [tilespmem:s21], [sflag:$0x1], $0x10, s30, s28, $0xb8;
	[tilespmem:$0x6400] =	vst v63  }
0x50: {  	_ =	swait.ge [sflag:s22], $0x800  }
0x51: {  	[sflag:s22] =	ssyncset.done $0x0  }
0x52: {  	s30 =	simm.s32 $0x1400;
	[sflag:s22] =	ssyncadd.s32 $0xFFFFF800  }
0x53: {  	[spmem:s3] =	stream.indirect.scatter.add.f32 [tilespmem:s23], [sflag:$0x1], $0x10, s30, s28, $0xb8;
	[tilespmem:$0x6400] =	vst v63  }
0x54: {  	_ =	swait.ge [sflag:s22], $0x800  }
0x55: {  	s31 =	simm.s32 $0x400;
	s30 =	simm.s32 $0x200;
	[sflag:s22] =	ssyncset.done $0x0  }
.LBB2_2:
0x56: {  	s1 =	sshra.s32 s30, $0x2  }
0x57: {  	[sflag:s22] =	ssyncadd.s32 $0xFFFFF800;
	s30 =	smov.u32 s31;
	s2 =	sadd.s32 $0x200, s31  }
0x58: {  	[spmem:s3] =	stream.indirect.scatter.add.f32 [tilespmem:s21], [sflag:$0x1], $0x10, s1, s28, $0xb8;
	[tilespmem:$0x6400] =	vst v63  }
0x59: {  	p0 =	sne.s32 s31, $0x4E00;
	_ =	swait.ge [sflag:s22], $0x800  }
.Ltmp0:
0x5a: {  	[sflag:s22] =	ssyncset.done $0x0;
	(pc) =	sbr.rel @p0 .LBB2_2-.Ltmp0, $4  }
0x5b: {  	s1 =	sadd.s32 $0x1400, s1;
	[sflag:s22] =	ssyncadd.s32 $0xFFFFF800  }
0x5c: {  	[spmem:s3] =	stream.indirect.scatter.add.f32 [tilespmem:s23], [sflag:$0x1], $0x10, s1, s28, $0xb8;
	[tilespmem:$0x6400] =	vst v63  }
0x5d: {  	_ =	swait.ge [sflag:s22], $0x800  }
0x5e: {  	s31 =	smov.u32 s2;
	[sflag:s22] =	ssyncset.done $0x0  }
0x5f: {  	s1 =	sshra.s32 s30, $0x2;
	[sflag:s22] =	ssyncadd.s32 $0xFFFFF800  }
0x60: {  	[spmem:s3] =	stream.indirect.scatter.add.f32 [tilespmem:s21], [sflag:$0x1], $0x10, s1, s28, $0xb8;
	[tilespmem:$0x6400] =	vst v63  }
0x61: {  	_ =	swait.ge [sflag:s22], $0x800  }
0x62: {  	[sflag:s22] =	ssyncset.done $0x0  }
0x63: {  	s1 =	sadd.s32 $0x1400, s1;
	[sflag:s22] =	ssyncadd.s32 $0xFFFFF800  }
0x64: {  	[spmem:s3] =	stream.indirect.scatter.add.f32 [tilespmem:s23], [sflag:$0x1], $0x10, s1, s28, $0xb8;
	[tilespmem:$0x6400] =	vst v63  }
0x65: {  	_ =	swait.ge [sflag:s22], $0x800  }
0x66: {  	s29 =	sadd.s32 $0x1, s29;
	[sflag:s22] =	ssyncset.done $0x0  }
0x67: {  	s31 =	sshll.u32 s0, $0x6;
	p0 =	sne.s32 s29, s11;
	[sflag:s22] =	ssyncadd.s32 $0xFFFFF800  }
.Ltmp1:
0x68: {  	s1 =	sor.u32 $0x1C01, s31;
	[bflag:$0x0] =	sbarrier.arrive $0xFFFF;
	(pc) =	sbr.rel @p0 .LBB2_1-.Ltmp1, $4  }
0x69: {  	[hbm:s10], [sflag:s1] =	dma.local [spmem:s25], $0x500  }
0x6a: {  	_ =	swait.ge [sflag:s22], $0x500  }
0x6b: {  	[sflag:s22] =	ssyncset.done $0x0  }
0x6c: {  	[sflag:s22] =	ssyncadd.s32 $0xFFFFFB00  }
0x6d: {  	_ =	sfence.sel $0x180000  }
0x6e: {  	[bflag:$0x0] =	sbarrier.arrive $0xFFFF  }
0x6f: {  	_ =	strace $0x90000047  }
0x70: {  	[bflag:$0x2] =	sbarrier.arrive $0xFFFF  }
0x71: {  	p0 =	sne.s32 s0, $0x0;
	s0 =	rddreg [dreg:$0x3]  }
0x72: {  	s0 =	sadd.s32 @!p0 $0x100000, s0  }
0x73: {  	[sflag:s0] =	ssyncadd.tile.s32 @!p0 $0x1;
	_ =	shalt  }
.Lfunc_end2:
_tile_overlayer_lowered:
.L_overlay_start_2:
0x74: {  	(tag) =	ssettag $0x2  }
0x75: {  	s0 =	rddreg [dreg:$0x0];
	s2 =	stileid.u32  }
0x76: {  	s1 =	rddreg [dreg:$0x1];
	p0 =	sne.s32 s2, $0x0  }
0x77: {  	s3 =	rddreg [dreg:$0x2];
	[bflag:$0x3] =	sbarrier.arrive $0xFFFF;
	s2 =	simm.s32 @!p0 $0x1C01  }
0x78: {  	[timem:s3], [sflag:s2] =	dma.local @!p0 [hbm:s0], s1  }
0x79: {  	s0 =	simm.s32 @!p0 $0x1  }
0x7a: {  	_ =	swait.ge @!p0 [sflag:s0], s1  }
0x7b: {  	s1 =	ssub.s32 @!p0 $0x0, s1;
	[sflag:s0] =	ssyncset.done @!p0 $0x0  }
0x7c: {  	[sflag:s0] =	ssyncadd.s32 @!p0 s1  }
0x7d: {  	[bflag:$0x3] =	sbarrier.arrive $0xFFFF  }
0x7e: {  	_ =	shalt  }

// kernel: sc_prop_128.4.cloned.1.call-start
scs
__scs_entry_jumppad:
0x0: {  	(pc) =	sbr.rel $0x88, $3  }
0x1: {  	(tag) =	ssettag $0x0;
	lr =	simm.s32 $0x1  }
0x2: {  	[smem:$0x3F99] =	sst lr;
	_ =	strace $0xD0000000  }
0x3: {  	_ = 	snop  }
0x4: {  	_ = 	snop  }
0x5: {  	_ = 	snop  }
0x6: {  	_ = 	snop  }
0x7: {  	_ = 	snop  }
__scs_overlays_trampoline_lowered:
0x8: {  	[smem:$0x3FA8] =	sst s0  }
0x9: {  	[smem:$0x3FA9] =	sst s1  }
0xa: {  	[smem:$0x3FAA] =	sst s2  }
0xb: {  	[smem:$0x3FAB] =	sst s3  }
0xc: {  	[smem:$0x3FAC] =	sst s4  }
0xd: {  	[smem:$0x3FAD] =	sst s5  }
0xe: {  	[smem:$0x3FAE] =	sst s6  }
0xf: {  	[smem:$0x3FAF] =	sst s7  }
0x10: {  	[smem:$0x3FB0] =	sst s8  }
0x11: {  	[smem:$0x3FB1] =	sst s9;
	s0 =	simm.s32 @!p0 $0x0  }
0x12: {  	s1 =	sld [smem:$0x3F97];
	s0 =	simm.s32 @p0 $0x1  }
0x13: {  	[smem:$0x3FB2] =	sst s0;
	s0 =	simm.s32 @!p1 $0x0  }
0x14: {  	s2 =	sld [smem:$0x3F96];
	s0 =	simm.s32 @p1 $0x1  }
0x15: {  	[smem:$0x3FB3] =	sst s0;
	s0 =	simm.s32 @!p2 $0x0  }
0x16: {  	s3 =	sld [smem:$0x3FDB];
	s0 =	simm.s32 @p2 $0x1  }
0x17: {  	s4 =	simm.s32 $0x1BF5;
	[smem:$0x3FB5] =	sst s0  }
0x18: {  	s0 =	sld [smem:$0x3F98];
	_ =	swait.ge [sflag:s4], $0x0  }
0x19: {  	s7 =	sld [smem:$0x3F99]  }
0x1a: {  	s8 =	sadd.s32 $0xFFFFE003, lr  }
0x1b: {  	s9 =	sadd.s32 $0xFFFFFEF7, lr;
	s5 =	simm.s32 $0xFFFFFFFF;
	p2 =	slt.u32 s8, $0xFFFFF086  }
0x1c: {  	p1 =	slt.u32 s9, $0xF7A;
	s5 =	simm.s32 @!p2 $0x0  }
0x1d: {  	s5 =	simm.s32 @p1 $0x1;
	p0 =	seq.s32 s7, s2  }
0x1e: {  	s7 =	smul.u32 @!p0 $0xF7A, s2;
	p2 =	seq.s32 @!p0 s5, $0x0  }
0x1f: {  	s9 =	smul.u32 $0xF7A, s1;
	s8 =	simm.s32 @!p0 $0x1BF5;
	p2 =	por !p2, p0  }
0x20: {  	[sflag:s8] =	ssyncset.s32 @!p0 $0xFFFFF086;
	s6 =	sadd.s32 @!p0 s3, s7;
	s7 =	simm.s32 @!p0 $0x108  }
0x21: {  	s3 =	sadd.s32 s3, s9;
	s6 =	sadd.s32 @!p0 $0x88, s6;
	s7 =	simm.s32 @p2 $0x1082  }
0x22: {  	[simem:s7], [sflag:s8] =	dma.local @!p0 [hbm:s6], $0xF7A  }
0x23: {  	s9 =	sor.u32 $0xD0000000, s2;
	s6 =	simm.s32 $0x108;
	_ =	swait.ge @!p0 [sflag:s8], $0x0  }
0x24: {  	s3 =	sadd.s32 $0x88, s3;
	s6 =	simm.s32 @!p1 $0x1082;
	[sflag:s4] =	ssyncset.s32 $0xFFFFF086  }
0x25: {  	[simem:s6], [sflag:s4] =	dma.local [hbm:s3], $0xF7A  }
0x26: {  	[smem:$0x3F99] =	sst s1;
	(tag) =	ssettag s2;
	_ =	strace s9  }
0x27: {  	s1 =	sld [smem:$0x3FA9]  }
0x28: {  	s2 =	sld [smem:$0x3FAA]  }
0x29: {  	s4 =	sld [smem:$0x3FAC]  }
0x2a: {  	p0 =	seq.s32 s5, $0x0;
	s5 =	sld [smem:$0x3FAD]  }
0x2b: {  	s6 =	sld [smem:$0x3FAE]  }
0x2c: {  	s7 =	sld [smem:$0x3FAF]  }
0x2d: {  	s3 =	simm.s32 $0x108;
	s8 =	sld [smem:$0x3FB0]  }
0x2e: {  	s3 =	simm.s32 @!p0 $0x1082;
	s9 =	sld [smem:$0x3FB1]  }
0x2f: {  	lr =	sadd.s32 s0, s3;
	s0 =	sld [smem:$0x3FA8]  }
0x30: {  	s3 =	sld [smem:$0x3FAB]  }
0x31: {  	[smem:$0x3FB4] =	sst s10  }
0x32: {  	s10 =	sld [smem:$0x3FB2];
	_ =	sdelay $0x3  }
0x33: {  	p0 =	seq.s32 s10, $0x1;
	s10 =	sld [smem:$0x3FB4];
	_ =	sdelay $0x3  }
0x34: {  	[smem:$0x3FB4] =	sst s10  }
0x35: {  	s10 =	sld [smem:$0x3FB3];
	_ =	sdelay $0x3  }
0x36: {  	p1 =	seq.s32 s10, $0x1;
	s10 =	sld [smem:$0x3FB4];
	_ =	sdelay $0x3  }
0x37: {  	[smem:$0x3FB4] =	sst s10  }
0x38: {  	s10 =	sld [smem:$0x3FB5]  }
0x39: {  	_ = 	snop;
	(pc) =	sbr.ind lr, $3  }
0x3a: {  	_ = 	snop  }
0x3b: {  	_ = 	snop  }
0x3c: {  	p2 =	seq.s32 s10, $0x1;
	s10 =	sld [smem:$0x3FB4]  }
0x3d: {  	_ =	shalt  }
0x3e: {  	_ =	shalt  }
0x3f: {  	_ =	shalt  }
0x40: {  	_ =	shalt  }
0x41: {  	_ =	shalt  }
0x42: {  	_ =	shalt  }
0x43: {  	_ =	shalt  }
0x44: {  	_ =	shalt  }
0x45: {  	_ =	shalt  }
0x46: {  	_ =	shalt  }
0x47: {  	_ =	shalt  }
0x48: {  	_ =	shalt  }
0x49: {  	_ =	shalt  }
0x4a: {  	_ =	shalt  }
0x4b: {  	_ =	shalt  }
0x4c: {  	_ =	shalt  }
0x4d: {  	_ =	shalt  }
0x4e: {  	_ =	shalt  }
0x4f: {  	_ =	shalt  }
0x50: {  	_ =	shalt  }
0x51: {  	_ =	shalt  }
0x52: {  	_ =	shalt  }
0x53: {  	_ =	shalt  }
0x54: {  	_ =	shalt  }
0x55: {  	_ =	shalt  }
0x56: {  	_ =	shalt  }
0x57: {  	_ =	shalt  }
0x58: {  	_ =	shalt  }
0x59: {  	_ =	shalt  }
0x5a: {  	_ =	shalt  }
0x5b: {  	_ =	shalt  }
0x5c: {  	_ =	shalt  }
0x5d: {  	_ =	shalt  }
0x5e: {  	_ =	shalt  }
0x5f: {  	_ =	shalt  }
0x60: {  	_ =	shalt  }
0x61: {  	_ =	shalt  }
0x62: {  	_ =	shalt  }
0x63: {  	_ =	shalt  }
0x64: {  	_ =	shalt  }
0x65: {  	_ =	shalt  }
0x66: {  	_ =	shalt  }
0x67: {  	_ =	shalt  }
0x68: {  	_ =	shalt  }
0x69: {  	_ =	shalt  }
0x6a: {  	_ =	shalt  }
0x6b: {  	_ =	shalt  }
0x6c: {  	_ =	shalt  }
0x6d: {  	_ =	shalt  }
0x6e: {  	_ =	shalt  }
0x6f: {  	_ =	shalt  }
0x70: {  	_ =	shalt  }
0x71: {  	_ =	shalt  }
0x72: {  	_ =	shalt  }
0x73: {  	_ =	shalt  }
0x74: {  	_ =	shalt  }
0x75: {  	_ =	shalt  }
0x76: {  	_ =	shalt  }
0x77: {  	_ =	shalt  }
0x78: {  	_ =	shalt  }
0x79: {  	_ =	shalt  }
0x7a: {  	_ =	shalt  }
0x7b: {  	_ =	shalt  }
0x7c: {  	_ =	shalt  }
0x7d: {  	_ =	shalt  }
0x7e: {  	_ =	shalt  }
0x7f: {  	_ =	shalt  }
0x80: {  	_ =	shalt  }
0x81: {  	_ =	shalt  }
0x82: {  	_ =	shalt  }
0x83: {  	_ =	shalt  }
0x84: {  	_ =	shalt  }
0x85: {  	_ =	shalt  }
0x86: {  	_ =	shalt  }
0x87: {  	_ =	shalt  }
.Lfunc_end0:
.L_simem_size_0:
called_computation.1_lowered:
.L_overlay_start_0:
0x88: {  	s2 =	sld [smem:$0x3FD9]  }
0x89: {  	s3 =	sld [smem:$0x3FFE];
	_ =	sdelay $0x1  }
0x8a: {  	s1 =	srdreg.scid  }
0x8b: {  	s0 =	sand.u32 $0x1, s1  }
0x8c: {  	s16 =	sshll.u32 s0, $0xA;
	s2 =	sadd.s32 s3, s2  }
0x8d: {  	s2 =	sadd.s32 s2, s16  }
0x8e: {  	[smem:$0x3FC0] =	sst s2  }
0x8f: {  	_ = 	snop  }
0x90: {  	(tm) =	ssettm $0x1  }
0x91: {  	s17 =	sld [smem:$0x3FFB];
	_ =	sdelay $0x3  }
0x92: {  	_ =	strace s17  }
0x93: {  	s2 =	sld [smem:$0x3FFC];
	_ =	sdelay $0x3  }
0x94: {  	_ =	strace s2  }
0x95: {  	s2 =	sld [smem:$0x3FFD];
	_ =	sdelay $0x3  }
0x96: {  	_ =	strace s2  }
0x97: {  	_ =	strace $0x8FFFFFFF  }
0x98: {  	s18 =	sld [smem:$0x3FDB];
	_ =	sdelay $0x1  }
0x99: {  	s19 =	simm.s32 $_scs_section_size  }
0x9a: {  	s4 =	simm.s32 $_size__tile_overlayer_lowered;
	s5 =	simm.s32 $_tile_overlayer_lowered  }
0x9b: {  	s22 =	simm.s32 $0x1BFF;
	s21 =	sshll.u32 s5, $0x1;
	s2 =	sadd.s32 s19, s18  }
0x9c: {  	s6 =	simm.s32 $0x0;
	s20 =	sshll.u32 s4, $0x1;
	s4 =	sadd.s32 s21, s2  }
0x9d: {  	[timem:s6], [sflag:s22] =	dma.local [hbm:s4], s20  }
0x9e: {  	_ =	swait.ge [sflag:s22], s20  }
0x9f: {  	s3 =	ssub.s32 $0x0, s20;
	[sflag:s22] =	ssyncset.done $0x0  }
0xa0: {  	[sflag:s22] =	ssyncadd.s32 s3;
	_ =	sdelay $0x1  }
0xa1: {  	s23 =	simm.s32 $0x1B8B  }
0xa2: {  	_ =	swait.ge [sflag:s23], $0x1  }
0xa3: {  	[sflag:s23] =	ssyncset.done $0x0  }
0xa4: {  	s25 =	simm.s32 $0x1B8E;
	s24 =	sld [smem:$0x3FFE];
	[sflag:s23] =	ssyncadd.s32 $0xFFFFFFFF  }
0xa5: {  	s26 =	simm.s32 $execute0_lowered;
	[smem:$0x3FD2] =	sst s25  }
0xa6: {  	s4 =	sshll.u32 s26, $0x1;
	_ =	strace $0x80000049;
	[dreg:$0x1] =	wrdreg $0xFFFFFFFF  }
0xa7: {  	s28 =	simm.s32 $_size_execute0_lowered;
	s2 =	sadd.s32 s2, s4;
	[dreg:$0x0] =	wrdreg $0x0  }
0xa8: {  	s4 =	sshll.u32 s28, $0x1;
	[dreg:$0x2] =	wrdreg s2  }
0xa9: {  	[dreg:$0x3] =	wrdreg s4  }
0xaa: {  	[dreg:$0x4] =	wrdreg $0xC0  }
0xab: {  	_ =	task [dreg:s6], $0x5FFFF  }
0xac: {  	[dreg:$0x1] =	wrdreg $0xFFFFFFFF  }
0xad: {  	[dreg:$0x0] =	wrdreg $0x60  }
0xae: {  	[dreg:$0x2] =	wrdreg s24  }
0xaf: {  	[dreg:$0x3] =	wrdreg $0xD8000  }
0xb0: {  	[dreg:$0x4] =	wrdreg $0x9  }
0xb1: {  	_ =	task.clear_ibuf [dreg:s6], $0x5FFFF;
	_ =	strace $0x90000049  }
0xb2: {  	s29 =	simm.s32 $0x9;
	_ =	strace $0x8000004B  }
0xb3: {  	_ =	swait.ge [sflag:s29], $0x1  }
0xb4: {  	[sflag:s29] =	ssyncadd.s32 $0xFFFFFFFF  }
0xb5: {  	_ =	strace $0x9000004B  }
0xb6: {  	_ =	sfence  }
0xb7: {  	s30 =	sld [smem:$0x0];
	_ =	sdelay $0x2  }
0xb8: {  	s31 =	sshll.u32 s1, $0xD;
	s1 =	sshrl.u32 s1, $0x2  }
0xb9: {  	s3 =	sand.u32 $0x4000, s31;
	s1 =	sadd.s32 s1, s30  }
0xba: {  	s0 =	sor.u32 s3, s0;
	s1 =	sshll.u32 s1, $0x11  }
0xbb: {  	s0 =	sor.u32 s1, s0  }
0xbc: {  	s0 =	sadd.s32 $0x8F2B, s0  }
0xbd: {  	[sflag:s0] =	ssyncadd.remote.s32 $0x1  }
0xbe: {  	_ =	sfence.sel $0xFFFF  }
0xbf: {  	[dreg:$0x0] =	wrdreg $0xFFFFFFFF;
	(pc) =	sbr.abs _section_cstart, $3  }
0xc0: {  	[dreg:$0x1] =	wrdreg $0xFFFFFFFF  }
0xc1: {  	_ =	task.clear_ibuf [dreg:s6], $0x2FFFF;
	_ =	strace $0x9FFFFFFF  }
0xc2: {  	(tm) =	ssettm $0x7FFFFFFF  }
0xc3: {  	_ =	shalt  }
tec
execute0_lowered:
.L_overlay_start_1:
0x0: {  	(tag) =	ssettag $0x1  }
0x1: {  	s0 =	srdreg.scid;
	s9 =	stileid.u32  }
0x2: {  	s1 =	rddreg [dreg:$0x0];
	s5 =	smul.u32 $0x500, s9  }
0x3: {  	s2 =	rddreg [dreg:$0x1];
	s3 =	simm.s32 $0x0;
	s7 =	smul.u32 $0x14000, s9  }
0x4: {  	s0 =	sand.u32 $0x1, s0;
	[smem:$0x7FF] =	sst s3;
	s25 =	smul.u32 $0x28000, s9  }
0x5: {  	s26 =	sadd.s32 $0x15A00, s1;
	s9 =	simm.s32 $0x7000;
	s4 =	smul.u32 $0xA000, s0  }
0x6: {  	s6 =	smul.u32 $0x140000, s0;
	_ =	strace $0x8000004A;
	s0 =	ssub.s32 $0x2, s0  }
0x7: {  	[dreg:$0x3] =	wrdreg s26;
	s8 =	sadd.s32 s5, s1;
	s10 =	sshrl.u32 s0, $0x1  }
0x8: {  	s13 =	sshrl.u32 s7, $0x1;
	s4 =	sadd.s32 s4, s1;
	s24 =	sadd.s32 s7, s6  }
0x9: {  	s6 =	sshrl.u32 s25, $0x2;
	s0 =	ssub.s32 s0, s10;
	s11 =	sadd.s32 $0x1600, s8  }
0xa: {  	s12 =	sadd.s32 $0x15C00, s8;
	s14 =	sadd.s32 s13, s2;
	s7 =	simm.s32 $0x6000  }
0xb: {  	s10 =	simm.s32 $0x8000;
	s5 =	sshrl.u32 s24, $0x4;
	[dreg:$0x4] =	wrdreg s11  }
0xc: {  	[dreg:$0x5] =	wrdreg s12;
	s0 =	smax.u32 s0, $0x1;
	s1 =	sadd.s32 s5, s1  }
0xd: {  	s5 =	sadd.s32 s6, s2;
	[dreg:$0x7] =	wrdreg s0;
	s1 =	sadd.s32 $0x2EC00, s1  }
0xe: {  	s13 =	simm.s32 $0xA000;
	s15 =	sadd.s32 $0x800, s5;
	[dreg:$0x6] =	wrdreg s1  }
0xf: {  	s8 =	sadd.s32 $0x1AC00, s4;
	s16 =	sadd.s32 $0x1000, s5;
	[dreg:$0x8] =	wrdreg s15  }
0x10: {  	s4 =	simm.s32 $0x80;
	s17 =	sadd.s32 $0x1800, s5;
	[dreg:$0x9] =	wrdreg s16  }
0x11: {  	s11 =	simm.s32 $0x1;
	s18 =	sadd.s32 $0x2000, s5;
	[dreg:$0xa] =	wrdreg s17  }
0x12: {  	s12 =	simm.s32 $0x9000;
	s19 =	sadd.s32 $0x2800, s5;
	[dreg:$0xb] =	wrdreg s18  }
0x13: {  	s0 =	simm.s32 $0x5;
	s20 =	sadd.s32 $0x3000, s5;
	[dreg:$0xc] =	wrdreg s19  }
0x14: {  	s6 =	simm.s32 $0x5000;
	s21 =	sadd.s32 $0x3800, s5;
	[dreg:$0xd] =	wrdreg s20  }
0x15: {  	s22 =	sadd.s32 $0x4000, s5;
	s23 =	sadd.s32 $0x4800, s5;
	[dreg:$0xe] =	wrdreg s21  }
0x16: {  	s24 =	sadd.s32 $0x5000, s5;
	s25 =	sadd.s32 $0x5800, s5;
	[dreg:$0xf] =	wrdreg s22  }
0x17: {  	s26 =	sadd.s32 $0x6000, s5;
	s28 =	sadd.s32 $0x8000, s5;
	[dreg:$0x10] =	wrdreg s23  }
0x18: {  	s29 =	sadd.s32 $0x8800, s5;
	s30 =	sadd.s32 $0x9000, s5;
	[dreg:$0x11] =	wrdreg s24  }
.Ltmp0:
0x19: {  	s31 =	sadd.s32 $0x9800, s5;
	[dreg:$0x12] =	wrdreg s25;
	(pc) =	sbr.rel .LBB2_1-.Ltmp0, $4  }
0x1a: {  	[dreg:$0x13] =	wrdreg s26;
	s23 =	sadd.s32 $0x6800, s5;
	s24 =	sadd.s32 $0x7000, s5  }
0x1b: {  	s25 =	sshrl.u32 s14, $0x3;
	s26 =	sadd.s32 $0x7800, s5;
	s1 =	simm.s32 $0xD000  }
0x1c: {  	s14 =	simm.s32 $0xB000;
	s15 =	simm.s32 $0xC000;
	s16 =	simm.s32 $0x2  }
0x1d: {  	s17 =	simm.s32 $0x3;
	s18 =	simm.s32 $0x4;
	s19 =	simm.s32 $0x0  }
.LBB2_4:
0x1e: {  	_ =	swait.ge [sflag:s18], $0x1000  }
0x1f: {  	[sflag:s18] =	ssyncset.done $0x0  }
0x20: {  	[sflag:s18] =	ssyncadd.s32 $0xFFFFF000  }
0x21: {  	_ =	swait.ge [sflag:s18], $0x1000  }
0x22: {  	[sflag:s18] =	ssyncset.done $0x0  }
0x23: {  	[sflag:s18] =	ssyncadd.s32 $0xFFFFF000  }
0x24: {  	_ =	swait.ge [sflag:s18], $0x1000  }
0x25: {  	[sflag:s18] =	ssyncset.done $0x0  }
0x26: {  	[sflag:s18] =	ssyncadd.s32 $0xFFFFF000  }
0x27: {  	_ =	swait.ge [sflag:s18], $0x1000  }
0x28: {  	[sflag:s18] =	ssyncset.done $0x0  }
0x29: {  	s20 =	stileid.u32;
	[sflag:s18] =	ssyncadd.s32 $0xFFFFF000  }
0x2a: {  	s20 =	sshll.u32 s20, $0x6;
	[bflag:$0x0] =	sbarrier.arrive $0xFFFF  }
0x2b: {  	s20 =	sor.u32 $0x1C05, s20;
	s21 =	rddreg [dreg:$0x6]  }
0x2c: {  	[hbm:s21], [sflag:s20] =	dma.local [spmem:s25], $0x1400  }
0x2d: {  	_ =	swait.ge [sflag:s0], $0x1400  }
0x2e: {  	s19 =	sadd.s32 $0x1, s19;
	s22 =	rddreg [dreg:$0x7]  }
0x2f: {  	p0 =	sne.s32 s19, s22  }
.Ltmp1:
0x30: {  	_ = 	snop;
	(pc) =	sbr.rel @!p0 .LBB2_5-.Ltmp1, $3  }
0x31: {  	_ =	sdelay $0x1  }
0x32: {  	[sflag:s0] =	ssyncset.done $0x0  }
0x33: {  	[sflag:s0] =	ssyncadd.s32 $0xFFFFEC00  }
.LBB2_1:
0x34: {  	s20 =	rddreg [dreg:$0x3]  }
0x35: {  	[tilespmem:s1], [sflag:$0x5] =	stream.linear.gather [hbm4b:s20+s3], $0x800, $0x38;
	[tilespmem:$0x17800] =	vst v63  }
0x36: {  	_ =	swait.ge [sflag:s0], $0x800  }
0x37: {  	[sflag:s0] =	ssyncset.done $0x0  }
0x38: {  	[sflag:s0] =	ssyncadd.s32 $0xFFFFF800  }
0x39: {  	[spmem:s5] =	stream.linear.scatter [tilespmem:s1], [sflag:$0x5], $0x800, $0x38;
	[tilespmem:$0x17800] =	vst v63  }
0x3a: {  	_ =	swait.ge [sflag:s0], $0x800  }
0x3b: {  	[sflag:s0] =	ssyncset.done $0x0  }
0x3c: {  	s21 =	rddreg [dreg:$0x8];
	[sflag:s0] =	ssyncadd.s32 $0xFFFFF800  }
0x3d: {  	[spmem:s21] =	stream.linear.scatter [tilespmem:s1], [sflag:$0x5], $0x800, $0x38;
	[tilespmem:$0x17800] =	vst v63  }
0x3e: {  	_ =	swait.ge [sflag:s0], $0x800  }
0x3f: {  	[sflag:s0] =	ssyncset.done $0x0  }
0x40: {  	s22 =	rddreg [dreg:$0x9];
	[sflag:s0] =	ssyncadd.s32 $0xFFFFF800  }
0x41: {  	[spmem:s22] =	stream.linear.scatter [tilespmem:s1], [sflag:$0x5], $0x800, $0x38;
	[tilespmem:$0x17800] =	vst v63  }
0x42: {  	_ =	swait.ge [sflag:s0], $0x800  }
0x43: {  	[sflag:s0] =	ssyncset.done $0x0  }
0x44: {  	s21 =	rddreg [dreg:$0xa];
	[sflag:s0] =	ssyncadd.s32 $0xFFFFF800  }
0x45: {  	[spmem:s21] =	stream.linear.scatter [tilespmem:s1], [sflag:$0x5], $0x800, $0x38;
	[tilespmem:$0x17800] =	vst v63  }
0x46: {  	_ =	swait.ge [sflag:s0], $0x800  }
0x47: {  	[sflag:s0] =	ssyncset.done $0x0  }
0x48: {  	s22 =	rddreg [dreg:$0xb];
	[sflag:s0] =	ssyncadd.s32 $0xFFFFF800  }
0x49: {  	[spmem:s22] =	stream.linear.scatter [tilespmem:s1], [sflag:$0x5], $0x800, $0x38;
	[tilespmem:$0x17800] =	vst v63  }
0x4a: {  	_ =	swait.ge [sflag:s0], $0x800  }
0x4b: {  	[sflag:s0] =	ssyncset.done $0x0  }
0x4c: {  	s21 =	rddreg [dreg:$0xc];
	[sflag:s0] =	ssyncadd.s32 $0xFFFFF800  }
0x4d: {  	[spmem:s21] =	stream.linear.scatter [tilespmem:s1], [sflag:$0x5], $0x800, $0x38;
	[tilespmem:$0x17800] =	vst v63  }
0x4e: {  	_ =	swait.ge [sflag:s0], $0x800  }
0x4f: {  	[sflag:s0] =	ssyncset.done $0x0  }
0x50: {  	s22 =	rddreg [dreg:$0xd];
	[sflag:s0] =	ssyncadd.s32 $0xFFFFF800  }
0x51: {  	[spmem:s22] =	stream.linear.scatter [tilespmem:s1], [sflag:$0x5], $0x800, $0x38;
	[tilespmem:$0x17800] =	vst v63  }
0x52: {  	_ =	swait.ge [sflag:s0], $0x800  }
0x53: {  	[sflag:s0] =	ssyncset.done $0x0  }
0x54: {  	s21 =	rddreg [dreg:$0xe];
	[sflag:s0] =	ssyncadd.s32 $0xFFFFF800  }
0x55: {  	[spmem:s21] =	stream.linear.scatter [tilespmem:s1], [sflag:$0x5], $0x800, $0x38;
	[tilespmem:$0x17800] =	vst v63  }
0x56: {  	_ =	swait.ge [sflag:s0], $0x800  }
0x57: {  	[sflag:s0] =	ssyncset.done $0x0  }
0x58: {  	s22 =	rddreg [dreg:$0xf];
	[sflag:s0] =	ssyncadd.s32 $0xFFFFF800  }
0x59: {  	[spmem:s22] =	stream.linear.scatter [tilespmem:s1], [sflag:$0x5], $0x800, $0x38;
	[tilespmem:$0x17800] =	vst v63  }
0x5a: {  	_ =	swait.ge [sflag:s0], $0x800  }
0x5b: {  	[sflag:s0] =	ssyncset.done $0x0  }
0x5c: {  	s21 =	rddreg [dreg:$0x10];
	[sflag:s0] =	ssyncadd.s32 $0xFFFFF800  }
0x5d: {  	[spmem:s21] =	stream.linear.scatter [tilespmem:s1], [sflag:$0x5], $0x800, $0x38;
	[tilespmem:$0x17800] =	vst v63  }
0x5e: {  	_ =	swait.ge [sflag:s0], $0x800  }
0x5f: {  	[sflag:s0] =	ssyncset.done $0x0  }
0x60: {  	s22 =	rddreg [dreg:$0x11];
	[sflag:s0] =	ssyncadd.s32 $0xFFFFF800  }
0x61: {  	[spmem:s22] =	stream.linear.scatter [tilespmem:s1], [sflag:$0x5], $0x800, $0x38;
	[tilespmem:$0x17800] =	vst v63  }
0x62: {  	_ =	swait.ge [sflag:s0], $0x800  }
0x63: {  	[sflag:s0] =	ssyncset.done $0x0  }
0x64: {  	s21 =	rddreg [dreg:$0x12];
	[sflag:s0] =	ssyncadd.s32 $0xFFFFF800  }
0x65: {  	[spmem:s21] =	stream.linear.scatter [tilespmem:s1], [sflag:$0x5], $0x800, $0x38;
	[tilespmem:$0x17800] =	vst v63  }
0x66: {  	_ =	swait.ge [sflag:s0], $0x800  }
0x67: {  	[sflag:s0] =	ssyncset.done $0x0  }
0x68: {  	s22 =	rddreg [dreg:$0x13];
	[sflag:s0] =	ssyncadd.s32 $0xFFFFF800  }
0x69: {  	[spmem:s22] =	stream.linear.scatter [tilespmem:s1], [sflag:$0x5], $0x800, $0x38;
	[tilespmem:$0x17800] =	vst v63  }
0x6a: {  	_ =	swait.ge [sflag:s0], $0x800  }
0x6b: {  	[sflag:s0] =	ssyncset.done $0x0  }
0x6c: {  	[sflag:s0] =	ssyncadd.s32 $0xFFFFF800  }
0x6d: {  	[spmem:s23] =	stream.linear.scatter [tilespmem:s1], [sflag:$0x5], $0x800, $0x38;
	[tilespmem:$0x17800] =	vst v63  }
0x6e: {  	_ =	swait.ge [sflag:s0], $0x800  }
0x6f: {  	[sflag:s0] =	ssyncset.done $0x0  }
0x70: {  	[sflag:s0] =	ssyncadd.s32 $0xFFFFF800  }
0x71: {  	[spmem:s24] =	stream.linear.scatter [tilespmem:s1], [sflag:$0x5], $0x800, $0x38;
	[tilespmem:$0x17800] =	vst v63  }
0x72: {  	_ =	swait.ge [sflag:s0], $0x800  }
0x73: {  	[sflag:s0] =	ssyncset.done $0x0  }
0x74: {  	[sflag:s0] =	ssyncadd.s32 $0xFFFFF800  }
0x75: {  	[spmem:s26] =	stream.linear.scatter [tilespmem:s1], [sflag:$0x5], $0x800, $0x38;
	[tilespmem:$0x17800] =	vst v63  }
0x76: {  	_ =	swait.ge [sflag:s0], $0x800  }
0x77: {  	[sflag:s0] =	ssyncset.done $0x0  }
0x78: {  	[sflag:s0] =	ssyncadd.s32 $0xFFFFF800  }
0x79: {  	[spmem:s28] =	stream.linear.scatter [tilespmem:s1], [sflag:$0x5], $0x800, $0x38;
	[tilespmem:$0x17800] =	vst v63  }
0x7a: {  	_ =	swait.ge [sflag:s0], $0x800  }
0x7b: {  	[sflag:s0] =	ssyncset.done $0x0  }
0x7c: {  	[sflag:s0] =	ssyncadd.s32 $0xFFFFF800  }
0x7d: {  	[spmem:s29] =	stream.linear.scatter [tilespmem:s1], [sflag:$0x5], $0x800, $0x38;
	[tilespmem:$0x17800] =	vst v63  }
0x7e: {  	_ =	swait.ge [sflag:s0], $0x800  }
0x7f: {  	[sflag:s0] =	ssyncset.done $0x0  }
0x80: {  	[sflag:s0] =	ssyncadd.s32 $0xFFFFF800  }
0x81: {  	[spmem:s30] =	stream.linear.scatter [tilespmem:s1], [sflag:$0x5], $0x800, $0x38;
	[tilespmem:$0x17800] =	vst v63  }
0x82: {  	_ =	swait.ge [sflag:s0], $0x800  }
0x83: {  	[sflag:s0] =	ssyncset.done $0x0  }
0x84: {  	[sflag:s0] =	ssyncadd.s32 $0xFFFFF800  }
0x85: {  	[spmem:s31] =	stream.linear.scatter [tilespmem:s1], [sflag:$0x5], $0x800, $0x38;
	[tilespmem:$0x17800] =	vst v63  }
0x86: {  	_ =	swait.ge [sflag:s0], $0x800  }
0x87: {  	[sflag:s0] =	ssyncset.done $0x0  }
0x88: {  	s21 =	rddreg [dreg:$0x4];
	[sflag:s0] =	ssyncadd.s32 $0xFFFFF800  }
0x89: {  	[tilespmem:s3], [sflag:$0x5] =	stream.linear.gather [hbm4b:s21+s3], $0x2800, $0x38;
	[tilespmem:$0x17800] =	vst v63  }
0x8a: {  	_ =	swait.ge [sflag:s0], $0x2800  }
0x8b: {  	[sflag:s0] =	ssyncset.done $0x0  }
0x8c: {  	s21 =	simm.s32 $0x2800;
	s22 =	rddreg [dreg:$0x5];
	[sflag:s0] =	ssyncadd.s32 $0xFFFFD800  }
0x8d: {  	[tilespmem:s21], [sflag:$0x5] =	stream.linear.gather [hbm4b:s22+s3], $0x2800, $0x38;
	[tilespmem:$0x17800] =	vst v63  }
0x8e: {  	_ =	swait.ge [sflag:s0], $0x2800  }
0x8f: {  	[sflag:s0] =	ssyncset.done $0x0  }
0x90: {  	[sflag:s0] =	ssyncadd.s32 $0xFFFFD800  }
0x91: {  	[bflag:$0x0] =	sbarrier.arrive $0xFFFF  }
0x92: {  	[tilespmem:s6], [sflag:$0x1] =	stream.indirect.gather [hbm4b:s8+s4], $0x20, s3, s4, $0xb8;
	[tilespmem:$0x17800] =	vst v63  }
0x93: {  	_ = 	snop  }
0x94: {  	[tilespmem:s7], [sflag:$0x1] =	stream.indirect.gather [hbm4b:s8+s4], $0x20, s4, s4, $0xb8;
	[tilespmem:$0x17800] =	vst v63  }
0x95: {  	s21 =	simm.s32 $0x100  }
0x96: {  	[tilespmem:s9], [sflag:$0x1] =	stream.indirect.gather [hbm4b:s8+s4], $0x20, s21, s4, $0xb8;
	[tilespmem:$0x17800] =	vst v63  }
0x97: {  	s20 =	simm.s32 $0x0;
	s22 =	simm.s32 $0x180  }
0x98: {  	[tilespmem:s10], [sflag:$0x1] =	stream.indirect.gather [hbm4b:s8+s4], $0x20, s22, s4, $0xb8;
	[tilespmem:$0x17800] =	vst v63  }
.LBB2_2:
0x99: {  	_ =	swait.ge [sflag:s11], $0x1000  }
0x9a: {  	[sflag:s11] =	ssyncset.done $0x0  }
0x9b: {  	[sflag:s11] =	ssyncadd.s32 $0xFFFFF000  }
0x9c: {  	_ =	swait.ge [sflag:s11], $0x1000  }
0x9d: {  	[sflag:s11] =	ssyncset.done $0x0  }
0x9e: {  	[sflag:s11] =	ssyncadd.s32 $0xFFFFF000  }
0x9f: {  	_ =	swait.ge [sflag:s11], $0x1000  }
0xa0: {  	[sflag:s11] =	ssyncset.done $0x0  }
0xa1: {  	[sflag:s11] =	ssyncadd.s32 $0xFFFFF000  }
0xa2: {  	_ =	swait.ge [sflag:s11], $0x1000  }
0xa3: {  	s21 =	sshra.s32 s20, $0x2;
	[sflag:s11] =	ssyncset.done $0x0  }
0xa4: {  	s22 =	sadd.s32 $0x2800, s21;
	[sflag:s11] =	ssyncadd.s32 $0xFFFFF000  }
0xa5: {  	[spmem:s2] =	stream.indirect.scatter.add.bf16 [tilespmem:s6], [sflag:$0x3], $0x20, s22, s4, $0xb8;
	[tilespmem:$0x17800] =	vst v63  }
0xa6: {  	s22 =	sadd.s32 $0x2880, s21  }
0xa7: {  	[spmem:s2] =	stream.indirect.scatter.add.bf16 [tilespmem:s7], [sflag:$0x3], $0x20, s22, s4, $0xb8;
	[tilespmem:$0x17800] =	vst v63  }
0xa8: {  	s22 =	sadd.s32 $0x2900, s21  }
0xa9: {  	[spmem:s2] =	stream.indirect.scatter.add.bf16 [tilespmem:s9], [sflag:$0x3], $0x20, s22, s4, $0xb8;
	[tilespmem:$0x17800] =	vst v63  }
0xaa: {  	p0 =	seq.s32 s20, $0x0;
	s22 =	sadd.s32 $0x2980, s21  }
0xab: {  	[spmem:s2] =	stream.indirect.scatter.add.bf16 [tilespmem:s10], [sflag:$0x3], $0x20, s22, s4, $0xb8;
	[tilespmem:$0x17800] =	vst v63  }
0xac: {  	s22 =	simm.s32 @!p0 $0x4  }
0xad: {  	_ =	swait.ge @!p0 [sflag:s22], $0x1000  }
0xae: {  	[sflag:s22] =	ssyncset.done @!p0 $0x0  }
0xaf: {  	[sflag:s22] =	ssyncadd.s32 @!p0 $0xFFFFF000  }
0xb0: {  	_ =	swait.ge @!p0 [sflag:s22], $0x1000  }
0xb1: {  	[sflag:s22] =	ssyncset.done @!p0 $0x0  }
0xb2: {  	[sflag:s22] =	ssyncadd.s32 @!p0 $0xFFFFF000  }
0xb3: {  	_ =	swait.ge @!p0 [sflag:s22], $0x1000  }
0xb4: {  	[sflag:s22] =	ssyncset.done @!p0 $0x0  }
0xb5: {  	[sflag:s22] =	ssyncadd.s32 @!p0 $0xFFFFF000  }
0xb6: {  	_ =	swait.ge @!p0 [sflag:s22], $0x1000  }
0xb7: {  	[sflag:s22] =	ssyncset.done @!p0 $0x0  }
0xb8: {  	[sflag:s22] =	ssyncadd.s32 @!p0 $0xFFFFF000;
	s22 =	sadd.s32 $0x200, s21  }
0xb9: {  	[tilespmem:s12], [sflag:$0x2] =	stream.indirect.gather [hbm4b:s8+s4], $0x20, s22, s4, $0xb8;
	[tilespmem:$0x17800] =	vst v63  }
0xba: {  	s22 =	sadd.s32 $0x280, s21  }
0xbb: {  	[tilespmem:s13], [sflag:$0x2] =	stream.indirect.gather [hbm4b:s8+s4], $0x20, s22, s4, $0xb8;
	[tilespmem:$0x17800] =	vst v63  }
0xbc: {  	s22 =	sadd.s32 $0x300, s21  }
0xbd: {  	[tilespmem:s14], [sflag:$0x2] =	stream.indirect.gather [hbm4b:s8+s4], $0x20, s22, s4, $0xb8;
	[tilespmem:$0x17800] =	vst v63  }
0xbe: {  	s22 =	sadd.s32 $0x380, s21  }
0xbf: {  	[tilespmem:s15], [sflag:$0x2] =	stream.indirect.gather [hbm4b:s8+s4], $0x20, s22, s4, $0xb8;
	[tilespmem:$0x17800] =	vst v63  }
0xc0: {  	_ =	swait.ge [sflag:s16], $0x1000  }
0xc1: {  	[sflag:s16] =	ssyncset.done $0x0  }
0xc2: {  	[sflag:s16] =	ssyncadd.s32 $0xFFFFF000  }
0xc3: {  	_ =	swait.ge [sflag:s16], $0x1000  }
0xc4: {  	[sflag:s16] =	ssyncset.done $0x0  }
0xc5: {  	[sflag:s16] =	ssyncadd.s32 $0xFFFFF000  }
0xc6: {  	_ =	swait.ge [sflag:s16], $0x1000  }
0xc7: {  	[sflag:s16] =	ssyncset.done $0x0  }
0xc8: {  	[sflag:s16] =	ssyncadd.s32 $0xFFFFF000  }
0xc9: {  	_ =	swait.ge [sflag:s16], $0x1000  }
0xca: {  	[sflag:s16] =	ssyncset.done $0x0  }
0xcb: {  	s22 =	sadd.s32 $0x2A00, s21;
	[sflag:s16] =	ssyncadd.s32 $0xFFFFF000  }
0xcc: {  	[spmem:s2] =	stream.indirect.scatter.add.bf16 [tilespmem:s12], [sflag:$0x4], $0x20, s22, s4, $0xb8;
	[tilespmem:$0x17800] =	vst v63  }
0xcd: {  	s22 =	sadd.s32 $0x2A80, s21  }
0xce: {  	[spmem:s2] =	stream.indirect.scatter.add.bf16 [tilespmem:s13], [sflag:$0x4], $0x20, s22, s4, $0xb8;
	[tilespmem:$0x17800] =	vst v63  }
0xcf: {  	s22 =	sadd.s32 $0x2B00, s21  }
0xd0: {  	[spmem:s2] =	stream.indirect.scatter.add.bf16 [tilespmem:s14], [sflag:$0x4], $0x20, s22, s4, $0xb8;
	[tilespmem:$0x17800] =	vst v63  }
0xd1: {  	s22 =	sadd.s32 $0x2B80, s21  }
0xd2: {  	[spmem:s2] =	stream.indirect.scatter.add.bf16 [tilespmem:s15], [sflag:$0x4], $0x20, s22, s4, $0xb8;
	[tilespmem:$0x17800] =	vst v63  }
0xd3: {  	_ =	swait.ge [sflag:s17], $0x1000  }
0xd4: {  	[sflag:s17] =	ssyncset.done $0x0  }
0xd5: {  	[sflag:s17] =	ssyncadd.s32 $0xFFFFF000  }
0xd6: {  	_ =	swait.ge [sflag:s17], $0x1000  }
0xd7: {  	[sflag:s17] =	ssyncset.done $0x0  }
0xd8: {  	[sflag:s17] =	ssyncadd.s32 $0xFFFFF000  }
0xd9: {  	p0 =	seq.s32 s20, $0x9000;
	_ =	swait.ge [sflag:s17], $0x1000  }
.Ltmp2:
0xda: {  	[sflag:s17] =	ssyncset.done $0x0;
	(pc) =	sbr.rel @p0 .LBB2_4-.Ltmp2, $4  }
0xdb: {  	[sflag:s17] =	ssyncadd.s32 $0xFFFFF000  }
0xdc: {  	_ =	swait.ge [sflag:s17], $0x1000  }
0xdd: {  	[sflag:s17] =	ssyncset.done $0x0  }
0xde: {  	[sflag:s17] =	ssyncadd.s32 $0xFFFFF000  }
0xdf: {  	s22 =	sadd.s32 $0x400, s21  }
0xe0: {  	[tilespmem:s6], [sflag:$0x1] =	stream.indirect.gather [hbm4b:s8+s4], $0x20, s22, s4, $0xb8;
	[tilespmem:$0x17800] =	vst v63  }
0xe1: {  	s22 =	sadd.s32 $0x480, s21  }
0xe2: {  	[tilespmem:s7], [sflag:$0x1] =	stream.indirect.gather [hbm4b:s8+s4], $0x20, s22, s4, $0xb8;
	[tilespmem:$0x17800] =	vst v63  }
.Ltmp3:
0xe3: {  	_ = 	snop;
	(pc) =	sbr.rel .LBB2_2-.Ltmp3, $4  }
0xe4: {  	s22 =	sadd.s32 $0x500, s21  }
0xe5: {  	[tilespmem:s9], [sflag:$0x1] =	stream.indirect.gather [hbm4b:s8+s4], $0x20, s22, s4, $0xb8;
	[tilespmem:$0x17800] =	vst v63  }
0xe6: {  	s20 =	sadd.s32 $0x1000, s20;
	s22 =	sadd.s32 $0x580, s21  }
0xe7: {  	[tilespmem:s10], [sflag:$0x1] =	stream.indirect.gather [hbm4b:s8+s4], $0x20, s22, s4, $0xb8;
	[tilespmem:$0x17800] =	vst v63  }
.LBB2_5:
0xe8: {  	_ =	sfence.sel $0x180000  }
0xe9: {  	[bflag:$0x0] =	sbarrier.arrive $0xFFFF  }
0xea: {  	_ =	strace $0x9000004A  }
0xeb: {  	s0 =	stileid.u32;
	[bflag:$0x2] =	sbarrier.arrive $0xFFFF  }
0xec: {  	p0 =	sne.s32 s0, $0x0;
	s0 =	rddreg [dreg:$0x2]  }
0xed: {  	s0 =	sadd.s32 @!p0 $0x100000, s0  }
0xee: {  	[sflag:s0] =	ssyncadd.tile.s32 @!p0 $0x1;
	_ =	shalt  }
.Lfunc_end2:
_tile_overlayer_lowered:
.L_overlay_start_2:
0xef: {  	(tag) =	ssettag $0x2  }
0xf0: {  	s0 =	rddreg [dreg:$0x0];
	s2 =	stileid.u32  }
0xf1: {  	s1 =	rddreg [dreg:$0x1];
	p0 =	sne.s32 s2, $0x0  }
0xf2: {  	s3 =	rddreg [dreg:$0x2];
	[bflag:$0x3] =	sbarrier.arrive $0xFFFF;
	s2 =	simm.s32 @!p0 $0x1C05  }
0xf3: {  	[timem:s3], [sflag:s2] =	dma.local @!p0 [hbm:s0], s1  }
0xf4: {  	s0 =	simm.s32 @!p0 $0x5  }
0xf5: {  	_ =	swait.ge @!p0 [sflag:s0], s1  }
0xf6: {  	s1 =	ssub.s32 @!p0 $0x0, s1;
	[sflag:s0] =	ssyncset.done @!p0 $0x0  }
0xf7: {  	[sflag:s0] =	ssyncadd.s32 @!p0 s1  }
0xf8: {  	[bflag:$0x3] =	sbarrier.arrive $0xFFFF  }
0xf9: {  	_ =	shalt  }

// kernel: sc_prop_128.7.cloned.1.call-start
scs
__scs_entry_jumppad:
0x0: {  	(pc) =	sbr.rel $0x88, $3  }
0x1: {  	(tag) =	ssettag $0x0;
	lr =	simm.s32 $0x1  }
0x2: {  	[smem:$0x3F99] =	sst lr;
	_ =	strace $0xD0000000  }
0x3: {  	_ = 	snop  }
0x4: {  	_ = 	snop  }
0x5: {  	_ = 	snop  }
0x6: {  	_ = 	snop  }
0x7: {  	_ = 	snop  }
__scs_overlays_trampoline_lowered:
0x8: {  	[smem:$0x3FA8] =	sst s0  }
0x9: {  	[smem:$0x3FA9] =	sst s1  }
0xa: {  	[smem:$0x3FAA] =	sst s2  }
0xb: {  	[smem:$0x3FAB] =	sst s3  }
0xc: {  	[smem:$0x3FAC] =	sst s4  }
0xd: {  	[smem:$0x3FAD] =	sst s5  }
0xe: {  	[smem:$0x3FAE] =	sst s6  }
0xf: {  	[smem:$0x3FAF] =	sst s7  }
0x10: {  	[smem:$0x3FB0] =	sst s8  }
0x11: {  	[smem:$0x3FB1] =	sst s9;
	s0 =	simm.s32 @!p0 $0x0  }
0x12: {  	s1 =	sld [smem:$0x3F97];
	s0 =	simm.s32 @p0 $0x1  }
0x13: {  	[smem:$0x3FB2] =	sst s0;
	s0 =	simm.s32 @!p1 $0x0  }
0x14: {  	s2 =	sld [smem:$0x3F96];
	s0 =	simm.s32 @p1 $0x1  }
0x15: {  	[smem:$0x3FB3] =	sst s0;
	s0 =	simm.s32 @!p2 $0x0  }
0x16: {  	s3 =	sld [smem:$0x3FDB];
	s0 =	simm.s32 @p2 $0x1  }
0x17: {  	s4 =	simm.s32 $0x1BF5;
	[smem:$0x3FB5] =	sst s0  }
0x18: {  	s0 =	sld [smem:$0x3F98];
	_ =	swait.ge [sflag:s4], $0x0  }
0x19: {  	s7 =	sld [smem:$0x3F99]  }
0x1a: {  	s8 =	sadd.s32 $0xFFFFE003, lr  }
0x1b: {  	s9 =	sadd.s32 $0xFFFFFEF7, lr;
	s5 =	simm.s32 $0xFFFFFFFF;
	p2 =	slt.u32 s8, $0xFFFFF086  }
0x1c: {  	p1 =	slt.u32 s9, $0xF7A;
	s5 =	simm.s32 @!p2 $0x0  }
0x1d: {  	s5 =	simm.s32 @p1 $0x1;
	p0 =	seq.s32 s7, s2  }
0x1e: {  	s7 =	smul.u32 @!p0 $0xF7A, s2;
	p2 =	seq.s32 @!p0 s5, $0x0  }
0x1f: {  	s9 =	smul.u32 $0xF7A, s1;
	s8 =	simm.s32 @!p0 $0x1BF5;
	p2 =	por !p2, p0  }
0x20: {  	[sflag:s8] =	ssyncset.s32 @!p0 $0xFFFFF086;
	s6 =	sadd.s32 @!p0 s3, s7;
	s7 =	simm.s32 @!p0 $0x108  }
0x21: {  	s3 =	sadd.s32 s3, s9;
	s6 =	sadd.s32 @!p0 $0x88, s6;
	s7 =	simm.s32 @p2 $0x1082  }
0x22: {  	[simem:s7], [sflag:s8] =	dma.local @!p0 [hbm:s6], $0xF7A  }
0x23: {  	s9 =	sor.u32 $0xD0000000, s2;
	s6 =	simm.s32 $0x108;
	_ =	swait.ge @!p0 [sflag:s8], $0x0  }
0x24: {  	s3 =	sadd.s32 $0x88, s3;
	s6 =	simm.s32 @!p1 $0x1082;
	[sflag:s4] =	ssyncset.s32 $0xFFFFF086  }
0x25: {  	[simem:s6], [sflag:s4] =	dma.local [hbm:s3], $0xF7A  }
0x26: {  	[smem:$0x3F99] =	sst s1;
	(tag) =	ssettag s2;
	_ =	strace s9  }
0x27: {  	s1 =	sld [smem:$0x3FA9]  }
0x28: {  	s2 =	sld [smem:$0x3FAA]  }
0x29: {  	s4 =	sld [smem:$0x3FAC]  }
0x2a: {  	p0 =	seq.s32 s5, $0x0;
	s5 =	sld [smem:$0x3FAD]  }
0x2b: {  	s6 =	sld [smem:$0x3FAE]  }
0x2c: {  	s7 =	sld [smem:$0x3FAF]  }
0x2d: {  	s3 =	simm.s32 $0x108;
	s8 =	sld [smem:$0x3FB0]  }
0x2e: {  	s3 =	simm.s32 @!p0 $0x1082;
	s9 =	sld [smem:$0x3FB1]  }
0x2f: {  	lr =	sadd.s32 s0, s3;
	s0 =	sld [smem:$0x3FA8]  }
0x30: {  	s3 =	sld [smem:$0x3FAB]  }
0x31: {  	[smem:$0x3FB4] =	sst s10  }
0x32: {  	s10 =	sld [smem:$0x3FB2];
	_ =	sdelay $0x3  }
0x33: {  	p0 =	seq.s32 s10, $0x1;
	s10 =	sld [smem:$0x3FB4];
	_ =	sdelay $0x3  }
0x34: {  	[smem:$0x3FB4] =	sst s10  }
0x35: {  	s10 =	sld [smem:$0x3FB3];
	_ =	sdelay $0x3  }
0x36: {  	p1 =	seq.s32 s10, $0x1;
	s10 =	sld [smem:$0x3FB4];
	_ =	sdelay $0x3  }
0x37: {  	[smem:$0x3FB4] =	sst s10  }
0x38: {  	s10 =	sld [smem:$0x3FB5]  }
0x39: {  	_ = 	snop;
	(pc) =	sbr.ind lr, $3  }
0x3a: {  	_ = 	snop  }
0x3b: {  	_ = 	snop  }
0x3c: {  	p2 =	seq.s32 s10, $0x1;
	s10 =	sld [smem:$0x3FB4]  }
0x3d: {  	_ =	shalt  }
0x3e: {  	_ =	shalt  }
0x3f: {  	_ =	shalt  }
0x40: {  	_ =	shalt  }
0x41: {  	_ =	shalt  }
0x42: {  	_ =	shalt  }
0x43: {  	_ =	shalt  }
0x44: {  	_ =	shalt  }
0x45: {  	_ =	shalt  }
0x46: {  	_ =	shalt  }
0x47: {  	_ =	shalt  }
0x48: {  	_ =	shalt  }
0x49: {  	_ =	shalt  }
0x4a: {  	_ =	shalt  }
0x4b: {  	_ =	shalt  }
0x4c: {  	_ =	shalt  }
0x4d: {  	_ =	shalt  }
0x4e: {  	_ =	shalt  }
0x4f: {  	_ =	shalt  }
0x50: {  	_ =	shalt  }
0x51: {  	_ =	shalt  }
0x52: {  	_ =	shalt  }
0x53: {  	_ =	shalt  }
0x54: {  	_ =	shalt  }
0x55: {  	_ =	shalt  }
0x56: {  	_ =	shalt  }
0x57: {  	_ =	shalt  }
0x58: {  	_ =	shalt  }
0x59: {  	_ =	shalt  }
0x5a: {  	_ =	shalt  }
0x5b: {  	_ =	shalt  }
0x5c: {  	_ =	shalt  }
0x5d: {  	_ =	shalt  }
0x5e: {  	_ =	shalt  }
0x5f: {  	_ =	shalt  }
0x60: {  	_ =	shalt  }
0x61: {  	_ =	shalt  }
0x62: {  	_ =	shalt  }
0x63: {  	_ =	shalt  }
0x64: {  	_ =	shalt  }
0x65: {  	_ =	shalt  }
0x66: {  	_ =	shalt  }
0x67: {  	_ =	shalt  }
0x68: {  	_ =	shalt  }
0x69: {  	_ =	shalt  }
0x6a: {  	_ =	shalt  }
0x6b: {  	_ =	shalt  }
0x6c: {  	_ =	shalt  }
0x6d: {  	_ =	shalt  }
0x6e: {  	_ =	shalt  }
0x6f: {  	_ =	shalt  }
0x70: {  	_ =	shalt  }
0x71: {  	_ =	shalt  }
0x72: {  	_ =	shalt  }
0x73: {  	_ =	shalt  }
0x74: {  	_ =	shalt  }
0x75: {  	_ =	shalt  }
0x76: {  	_ =	shalt  }
0x77: {  	_ =	shalt  }
0x78: {  	_ =	shalt  }
0x79: {  	_ =	shalt  }
0x7a: {  	_ =	shalt  }
0x7b: {  	_ =	shalt  }
0x7c: {  	_ =	shalt  }
0x7d: {  	_ =	shalt  }
0x7e: {  	_ =	shalt  }
0x7f: {  	_ =	shalt  }
0x80: {  	_ =	shalt  }
0x81: {  	_ =	shalt  }
0x82: {  	_ =	shalt  }
0x83: {  	_ =	shalt  }
0x84: {  	_ =	shalt  }
0x85: {  	_ =	shalt  }
0x86: {  	_ =	shalt  }
0x87: {  	_ =	shalt  }
.Lfunc_end0:
.L_simem_size_0:
called_computation.2_lowered:
.L_overlay_start_0:
0x88: {  	s2 =	sld [smem:$0x3FD9]  }
0x89: {  	s3 =	sld [smem:$0x3FFE];
	_ =	sdelay $0x1  }
0x8a: {  	s1 =	srdreg.scid  }
0x8b: {  	s0 =	sand.u32 $0x1, s1  }
0x8c: {  	s16 =	sshll.u32 s0, $0xA;
	s2 =	sadd.s32 s3, s2  }
0x8d: {  	s2 =	sadd.s32 s2, s16  }
0x8e: {  	[smem:$0x3FC0] =	sst s2  }
0x8f: {  	_ = 	snop  }
0x90: {  	(tm) =	ssettm $0x1  }
0x91: {  	s17 =	sld [smem:$0x3FFB];
	_ =	sdelay $0x3  }
0x92: {  	_ =	strace s17  }
0x93: {  	s2 =	sld [smem:$0x3FFC];
	_ =	sdelay $0x3  }
0x94: {  	_ =	strace s2  }
0x95: {  	s2 =	sld [smem:$0x3FFD];
	_ =	sdelay $0x3  }
0x96: {  	_ =	strace s2  }
0x97: {  	_ =	strace $0x8FFFFFFF  }
0x98: {  	s18 =	sld [smem:$0x3FDB];
	_ =	sdelay $0x1  }
0x99: {  	s19 =	simm.s32 $_scs_section_size  }
0x9a: {  	s4 =	simm.s32 $_size__tile_overlayer_lowered;
	s5 =	simm.s32 $_tile_overlayer_lowered  }
0x9b: {  	s22 =	simm.s32 $0x1BFF;
	s21 =	sshll.u32 s5, $0x1;
	s2 =	sadd.s32 s19, s18  }
0x9c: {  	s6 =	simm.s32 $0x0;
	s20 =	sshll.u32 s4, $0x1;
	s4 =	sadd.s32 s21, s2  }
0x9d: {  	[timem:s6], [sflag:s22] =	dma.local [hbm:s4], s20  }
0x9e: {  	_ =	swait.ge [sflag:s22], s20  }
0x9f: {  	s3 =	ssub.s32 $0x0, s20;
	[sflag:s22] =	ssyncset.done $0x0  }
0xa0: {  	[sflag:s22] =	ssyncadd.s32 s3;
	_ =	sdelay $0x1  }
0xa1: {  	s23 =	simm.s32 $0x1B8B  }
0xa2: {  	_ =	swait.ge [sflag:s23], $0x1  }
0xa3: {  	[sflag:s23] =	ssyncset.done $0x0  }
0xa4: {  	s25 =	simm.s32 $0x1B8E;
	s24 =	sld [smem:$0x3FFE];
	[sflag:s23] =	ssyncadd.s32 $0xFFFFFFFF  }
0xa5: {  	s26 =	simm.s32 $execute0_lowered;
	[smem:$0x3FD2] =	sst s25  }
0xa6: {  	s4 =	sshll.u32 s26, $0x1;
	_ =	strace $0x8000004C;
	[dreg:$0x1] =	wrdreg $0xFFFFFFFF  }
0xa7: {  	s28 =	simm.s32 $_size_execute0_lowered;
	s2 =	sadd.s32 s2, s4;
	[dreg:$0x0] =	wrdreg $0x0  }
0xa8: {  	s4 =	sshll.u32 s28, $0x1;
	[dreg:$0x2] =	wrdreg s2  }
0xa9: {  	[dreg:$0x3] =	wrdreg s4  }
0xaa: {  	[dreg:$0x4] =	wrdreg $0xC0  }
0xab: {  	_ =	task [dreg:s6], $0x5FFFF  }
0xac: {  	[dreg:$0x1] =	wrdreg $0xFFFFFFFF  }
0xad: {  	[dreg:$0x0] =	wrdreg $0x60  }
0xae: {  	[dreg:$0x2] =	wrdreg s24  }
0xaf: {  	[dreg:$0x3] =	wrdreg $0xD8000  }
0xb0: {  	[dreg:$0x4] =	wrdreg $0x9  }
0xb1: {  	_ =	task.clear_ibuf [dreg:s6], $0x5FFFF;
	_ =	strace $0x9000004C  }
0xb2: {  	s29 =	simm.s32 $0x9;
	_ =	strace $0x8000004E  }
0xb3: {  	_ =	swait.ge [sflag:s29], $0x1  }
0xb4: {  	[sflag:s29] =	ssyncadd.s32 $0xFFFFFFFF  }
0xb5: {  	_ =	strace $0x9000004E  }
0xb6: {  	_ =	sfence  }
0xb7: {  	s30 =	sld [smem:$0x0];
	_ =	sdelay $0x2  }
0xb8: {  	s31 =	sshll.u32 s1, $0xD;
	s1 =	sshrl.u32 s1, $0x2  }
0xb9: {  	s3 =	sand.u32 $0x4000, s31;
	s1 =	sadd.s32 s1, s30  }
0xba: {  	s0 =	sor.u32 s3, s0;
	s1 =	sshll.u32 s1, $0x11  }
0xbb: {  	s0 =	sor.u32 s1, s0  }
0xbc: {  	s0 =	sadd.s32 $0x8F2B, s0  }
0xbd: {  	[sflag:s0] =	ssyncadd.remote.s32 $0x1  }
0xbe: {  	_ =	sfence.sel $0xFFFF  }
0xbf: {  	[dreg:$0x0] =	wrdreg $0xFFFFFFFF;
	(pc) =	sbr.abs _section_cstart, $3  }
0xc0: {  	[dreg:$0x1] =	wrdreg $0xFFFFFFFF  }
0xc1: {  	_ =	task.clear_ibuf [dreg:s6], $0x2FFFF;
	_ =	strace $0x9FFFFFFF  }
0xc2: {  	(tm) =	ssettm $0x7FFFFFFF  }
0xc3: {  	_ =	shalt  }
tec
execute0_lowered:
.L_overlay_start_1:
0x0: {  	(tag) =	ssettag $0x1  }
0x1: {  	s0 =	srdreg.scid;
	s9 =	stileid.u32  }
0x2: {  	s1 =	rddreg [dreg:$0x0];
	s5 =	smul.u32 $0x500, s9  }
0x3: {  	s2 =	rddreg [dreg:$0x1];
	s3 =	simm.s32 $0x0;
	s7 =	smul.u32 $0x14000, s9  }
0x4: {  	s0 =	sand.u32 $0x1, s0;
	[smem:$0x7FF] =	sst s3;
	s25 =	smul.u32 $0x28000, s9  }
0x5: {  	s26 =	sadd.s32 $0x15A00, s1;
	s9 =	simm.s32 $0x7000;
	s4 =	smul.u32 $0xA000, s0  }
0x6: {  	s6 =	smul.u32 $0x140000, s0;
	_ =	strace $0x8000004D;
	s0 =	ssub.s32 $0x2, s0  }
0x7: {  	[dreg:$0x3] =	wrdreg s26;
	s8 =	sadd.s32 s5, s1;
	s10 =	sshrl.u32 s0, $0x1  }
0x8: {  	s13 =	sshrl.u32 s7, $0x1;
	s4 =	sadd.s32 s4, s1;
	s24 =	sadd.s32 s7, s6  }
0x9: {  	s6 =	sshrl.u32 s25, $0x2;
	s0 =	ssub.s32 s0, s10;
	s11 =	sadd.s32 $0x1600, s8  }
0xa: {  	s12 =	sadd.s32 $0x15C00, s8;
	s14 =	sadd.s32 s13, s2;
	s7 =	simm.s32 $0x6000  }
0xb: {  	s10 =	simm.s32 $0x8000;
	s5 =	sshrl.u32 s24, $0x4;
	[dreg:$0x4] =	wrdreg s11  }
0xc: {  	[dreg:$0x5] =	wrdreg s12;
	s0 =	smax.u32 s0, $0x1;
	s1 =	sadd.s32 s5, s1  }
0xd: {  	s5 =	sadd.s32 s6, s2;
	[dreg:$0x7] =	wrdreg s0;
	s1 =	sadd.s32 $0x2EC00, s1  }
0xe: {  	s13 =	simm.s32 $0xA000;
	s15 =	sadd.s32 $0x800, s5;
	[dreg:$0x6] =	wrdreg s1  }
0xf: {  	s8 =	sadd.s32 $0x1AC00, s4;
	s16 =	sadd.s32 $0x1000, s5;
	[dreg:$0x8] =	wrdreg s15  }
0x10: {  	s4 =	simm.s32 $0x80;
	s17 =	sadd.s32 $0x1800, s5;
	[dreg:$0x9] =	wrdreg s16  }
0x11: {  	s11 =	simm.s32 $0x1;
	s18 =	sadd.s32 $0x2000, s5;
	[dreg:$0xa] =	wrdreg s17  }
0x12: {  	s12 =	simm.s32 $0x9000;
	s19 =	sadd.s32 $0x2800, s5;
	[dreg:$0xb] =	wrdreg s18  }
0x13: {  	s0 =	simm.s32 $0x5;
	s20 =	sadd.s32 $0x3000, s5;
	[dreg:$0xc] =	wrdreg s19  }
0x14: {  	s6 =	simm.s32 $0x5000;
	s21 =	sadd.s32 $0x3800, s5;
	[dreg:$0xd] =	wrdreg s20  }
0x15: {  	s22 =	sadd.s32 $0x4000, s5;
	s23 =	sadd.s32 $0x4800, s5;
	[dreg:$0xe] =	wrdreg s21  }
0x16: {  	s24 =	sadd.s32 $0x5000, s5;
	s25 =	sadd.s32 $0x5800, s5;
	[dreg:$0xf] =	wrdreg s22  }
0x17: {  	s26 =	sadd.s32 $0x6000, s5;
	s28 =	sadd.s32 $0x8000, s5;
	[dreg:$0x10] =	wrdreg s23  }
0x18: {  	s29 =	sadd.s32 $0x8800, s5;
	s30 =	sadd.s32 $0x9000, s5;
	[dreg:$0x11] =	wrdreg s24  }
.Ltmp0:
0x19: {  	s31 =	sadd.s32 $0x9800, s5;
	[dreg:$0x12] =	wrdreg s25;
	(pc) =	sbr.rel .LBB2_1-.Ltmp0, $4  }
0x1a: {  	[dreg:$0x13] =	wrdreg s26;
	s23 =	sadd.s32 $0x6800, s5;
	s24 =	sadd.s32 $0x7000, s5  }
0x1b: {  	s25 =	sshrl.u32 s14, $0x3;
	s26 =	sadd.s32 $0x7800, s5;
	s1 =	simm.s32 $0xD000  }
0x1c: {  	s14 =	simm.s32 $0xB000;
	s15 =	simm.s32 $0xC000;
	s16 =	simm.s32 $0x2  }
0x1d: {  	s17 =	simm.s32 $0x3;
	s18 =	simm.s32 $0x4;
	s19 =	simm.s32 $0x0  }
.LBB2_4:
0x1e: {  	_ =	swait.ge [sflag:s18], $0x1000  }
0x1f: {  	[sflag:s18] =	ssyncset.done $0x0  }
0x20: {  	[sflag:s18] =	ssyncadd.s32 $0xFFFFF000  }
0x21: {  	_ =	swait.ge [sflag:s18], $0x1000  }
0x22: {  	[sflag:s18] =	ssyncset.done $0x0  }
0x23: {  	[sflag:s18] =	ssyncadd.s32 $0xFFFFF000  }
0x24: {  	_ =	swait.ge [sflag:s18], $0x1000  }
0x25: {  	[sflag:s18] =	ssyncset.done $0x0  }
0x26: {  	[sflag:s18] =	ssyncadd.s32 $0xFFFFF000  }
0x27: {  	_ =	swait.ge [sflag:s18], $0x1000  }
0x28: {  	[sflag:s18] =	ssyncset.done $0x0  }
0x29: {  	s20 =	stileid.u32;
	[sflag:s18] =	ssyncadd.s32 $0xFFFFF000  }
0x2a: {  	s20 =	sshll.u32 s20, $0x6;
	[bflag:$0x0] =	sbarrier.arrive $0xFFFF  }
0x2b: {  	s20 =	sor.u32 $0x1C05, s20;
	s21 =	rddreg [dreg:$0x6]  }
0x2c: {  	[hbm:s21], [sflag:s20] =	dma.local [spmem:s25], $0x1400  }
0x2d: {  	_ =	swait.ge [sflag:s0], $0x1400  }
0x2e: {  	s19 =	sadd.s32 $0x1, s19;
	s22 =	rddreg [dreg:$0x7]  }
0x2f: {  	p0 =	sne.s32 s19, s22  }
.Ltmp1:
0x30: {  	_ = 	snop;
	(pc) =	sbr.rel @!p0 .LBB2_5-.Ltmp1, $3  }
0x31: {  	_ =	sdelay $0x1  }
0x32: {  	[sflag:s0] =	ssyncset.done $0x0  }
0x33: {  	[sflag:s0] =	ssyncadd.s32 $0xFFFFEC00  }
.LBB2_1:
0x34: {  	s20 =	rddreg [dreg:$0x3]  }
0x35: {  	[tilespmem:s1], [sflag:$0x5] =	stream.linear.gather [hbm4b:s20+s3], $0x800, $0x38;
	[tilespmem:$0x17800] =	vst v63  }
0x36: {  	_ =	swait.ge [sflag:s0], $0x800  }
0x37: {  	[sflag:s0] =	ssyncset.done $0x0  }
0x38: {  	[sflag:s0] =	ssyncadd.s32 $0xFFFFF800  }
0x39: {  	[spmem:s5] =	stream.linear.scatter [tilespmem:s1], [sflag:$0x5], $0x800, $0x38;
	[tilespmem:$0x17800] =	vst v63  }
0x3a: {  	_ =	swait.ge [sflag:s0], $0x800  }
0x3b: {  	[sflag:s0] =	ssyncset.done $0x0  }
0x3c: {  	s21 =	rddreg [dreg:$0x8];
	[sflag:s0] =	ssyncadd.s32 $0xFFFFF800  }
0x3d: {  	[spmem:s21] =	stream.linear.scatter [tilespmem:s1], [sflag:$0x5], $0x800, $0x38;
	[tilespmem:$0x17800] =	vst v63  }
0x3e: {  	_ =	swait.ge [sflag:s0], $0x800  }
0x3f: {  	[sflag:s0] =	ssyncset.done $0x0  }
0x40: {  	s22 =	rddreg [dreg:$0x9];
	[sflag:s0] =	ssyncadd.s32 $0xFFFFF800  }
0x41: {  	[spmem:s22] =	stream.linear.scatter [tilespmem:s1], [sflag:$0x5], $0x800, $0x38;
	[tilespmem:$0x17800] =	vst v63  }
0x42: {  	_ =	swait.ge [sflag:s0], $0x800  }
0x43: {  	[sflag:s0] =	ssyncset.done $0x0  }
0x44: {  	s21 =	rddreg [dreg:$0xa];
	[sflag:s0] =	ssyncadd.s32 $0xFFFFF800  }
0x45: {  	[spmem:s21] =	stream.linear.scatter [tilespmem:s1], [sflag:$0x5], $0x800, $0x38;
	[tilespmem:$0x17800] =	vst v63  }
0x46: {  	_ =	swait.ge [sflag:s0], $0x800  }
0x47: {  	[sflag:s0] =	ssyncset.done $0x0  }
0x48: {  	s22 =	rddreg [dreg:$0xb];
	[sflag:s0] =	ssyncadd.s32 $0xFFFFF800  }
0x49: {  	[spmem:s22] =	stream.linear.scatter [tilespmem:s1], [sflag:$0x5], $0x800, $0x38;
	[tilespmem:$0x17800] =	vst v63  }
0x4a: {  	_ =	swait.ge [sflag:s0], $0x800  }
0x4b: {  	[sflag:s0] =	ssyncset.done $0x0  }
0x4c: {  	s21 =	rddreg [dreg:$0xc];
	[sflag:s0] =	ssyncadd.s32 $0xFFFFF800  }
0x4d: {  	[spmem:s21] =	stream.linear.scatter [tilespmem:s1], [sflag:$0x5], $0x800, $0x38;
	[tilespmem:$0x17800] =	vst v63  }
0x4e: {  	_ =	swait.ge [sflag:s0], $0x800  }
0x4f: {  	[sflag:s0] =	ssyncset.done $0x0  }
0x50: {  	s22 =	rddreg [dreg:$0xd];
	[sflag:s0] =	ssyncadd.s32 $0xFFFFF800  }
0x51: {  	[spmem:s22] =	stream.linear.scatter [tilespmem:s1], [sflag:$0x5], $0x800, $0x38;
	[tilespmem:$0x17800] =	vst v63  }
0x52: {  	_ =	swait.ge [sflag:s0], $0x800  }
0x53: {  	[sflag:s0] =	ssyncset.done $0x0  }
0x54: {  	s21 =	rddreg [dreg:$0xe];
	[sflag:s0] =	ssyncadd.s32 $0xFFFFF800  }
0x55: {  	[spmem:s21] =	stream.linear.scatter [tilespmem:s1], [sflag:$0x5], $0x800, $0x38;
	[tilespmem:$0x17800] =	vst v63  }
0x56: {  	_ =	swait.ge [sflag:s0], $0x800  }
0x57: {  	[sflag:s0] =	ssyncset.done $0x0  }
0x58: {  	s22 =	rddreg [dreg:$0xf];
	[sflag:s0] =	ssyncadd.s32 $0xFFFFF800  }
0x59: {  	[spmem:s22] =	stream.linear.scatter [tilespmem:s1], [sflag:$0x5], $0x800, $0x38;
	[tilespmem:$0x17800] =	vst v63  }
0x5a: {  	_ =	swait.ge [sflag:s0], $0x800  }
0x5b: {  	[sflag:s0] =	ssyncset.done $0x0  }
0x5c: {  	s21 =	rddreg [dreg:$0x10];
	[sflag:s0] =	ssyncadd.s32 $0xFFFFF800  }
0x5d: {  	[spmem:s21] =	stream.linear.scatter [tilespmem:s1], [sflag:$0x5], $0x800, $0x38;
	[tilespmem:$0x17800] =	vst v63  }
0x5e: {  	_ =	swait.ge [sflag:s0], $0x800  }
0x5f: {  	[sflag:s0] =	ssyncset.done $0x0  }
0x60: {  	s22 =	rddreg [dreg:$0x11];
	[sflag:s0] =	ssyncadd.s32 $0xFFFFF800  }
0x61: {  	[spmem:s22] =	stream.linear.scatter [tilespmem:s1], [sflag:$0x5], $0x800, $0x38;
	[tilespmem:$0x17800] =	vst v63  }
0x62: {  	_ =	swait.ge [sflag:s0], $0x800  }
0x63: {  	[sflag:s0] =	ssyncset.done $0x0  }
0x64: {  	s21 =	rddreg [dreg:$0x12];
	[sflag:s0] =	ssyncadd.s32 $0xFFFFF800  }
0x65: {  	[spmem:s21] =	stream.linear.scatter [tilespmem:s1], [sflag:$0x5], $0x800, $0x38;
	[tilespmem:$0x17800] =	vst v63  }
0x66: {  	_ =	swait.ge [sflag:s0], $0x800  }
0x67: {  	[sflag:s0] =	ssyncset.done $0x0  }
0x68: {  	s22 =	rddreg [dreg:$0x13];
	[sflag:s0] =	ssyncadd.s32 $0xFFFFF800  }
0x69: {  	[spmem:s22] =	stream.linear.scatter [tilespmem:s1], [sflag:$0x5], $0x800, $0x38;
	[tilespmem:$0x17800] =	vst v63  }
0x6a: {  	_ =	swait.ge [sflag:s0], $0x800  }
0x6b: {  	[sflag:s0] =	ssyncset.done $0x0  }
0x6c: {  	[sflag:s0] =	ssyncadd.s32 $0xFFFFF800  }
0x6d: {  	[spmem:s23] =	stream.linear.scatter [tilespmem:s1], [sflag:$0x5], $0x800, $0x38;
	[tilespmem:$0x17800] =	vst v63  }
0x6e: {  	_ =	swait.ge [sflag:s0], $0x800  }
0x6f: {  	[sflag:s0] =	ssyncset.done $0x0  }
0x70: {  	[sflag:s0] =	ssyncadd.s32 $0xFFFFF800  }
0x71: {  	[spmem:s24] =	stream.linear.scatter [tilespmem:s1], [sflag:$0x5], $0x800, $0x38;
	[tilespmem:$0x17800] =	vst v63  }
0x72: {  	_ =	swait.ge [sflag:s0], $0x800  }
0x73: {  	[sflag:s0] =	ssyncset.done $0x0  }
0x74: {  	[sflag:s0] =	ssyncadd.s32 $0xFFFFF800  }
0x75: {  	[spmem:s26] =	stream.linear.scatter [tilespmem:s1], [sflag:$0x5], $0x800, $0x38;
	[tilespmem:$0x17800] =	vst v63  }
0x76: {  	_ =	swait.ge [sflag:s0], $0x800  }
0x77: {  	[sflag:s0] =	ssyncset.done $0x0  }
0x78: {  	[sflag:s0] =	ssyncadd.s32 $0xFFFFF800  }
0x79: {  	[spmem:s28] =	stream.linear.scatter [tilespmem:s1], [sflag:$0x5], $0x800, $0x38;
	[tilespmem:$0x17800] =	vst v63  }
0x7a: {  	_ =	swait.ge [sflag:s0], $0x800  }
0x7b: {  	[sflag:s0] =	ssyncset.done $0x0  }
0x7c: {  	[sflag:s0] =	ssyncadd.s32 $0xFFFFF800  }
0x7d: {  	[spmem:s29] =	stream.linear.scatter [tilespmem:s1], [sflag:$0x5], $0x800, $0x38;
	[tilespmem:$0x17800] =	vst v63  }
0x7e: {  	_ =	swait.ge [sflag:s0], $0x800  }
0x7f: {  	[sflag:s0] =	ssyncset.done $0x0  }
0x80: {  	[sflag:s0] =	ssyncadd.s32 $0xFFFFF800  }
0x81: {  	[spmem:s30] =	stream.linear.scatter [tilespmem:s1], [sflag:$0x5], $0x800, $0x38;
	[tilespmem:$0x17800] =	vst v63  }
0x82: {  	_ =	swait.ge [sflag:s0], $0x800  }
0x83: {  	[sflag:s0] =	ssyncset.done $0x0  }
0x84: {  	[sflag:s0] =	ssyncadd.s32 $0xFFFFF800  }
0x85: {  	[spmem:s31] =	stream.linear.scatter [tilespmem:s1], [sflag:$0x5], $0x800, $0x38;
	[tilespmem:$0x17800] =	vst v63  }
0x86: {  	_ =	swait.ge [sflag:s0], $0x800  }
0x87: {  	[sflag:s0] =	ssyncset.done $0x0  }
0x88: {  	s21 =	rddreg [dreg:$0x4];
	[sflag:s0] =	ssyncadd.s32 $0xFFFFF800  }
0x89: {  	[tilespmem:s3], [sflag:$0x5] =	stream.linear.gather [hbm4b:s21+s3], $0x2800, $0x38;
	[tilespmem:$0x17800] =	vst v63  }
0x8a: {  	_ =	swait.ge [sflag:s0], $0x2800  }
0x8b: {  	[sflag:s0] =	ssyncset.done $0x0  }
0x8c: {  	s21 =	simm.s32 $0x2800;
	s22 =	rddreg [dreg:$0x5];
	[sflag:s0] =	ssyncadd.s32 $0xFFFFD800  }
0x8d: {  	[tilespmem:s21], [sflag:$0x5] =	stream.linear.gather [hbm4b:s22+s3], $0x2800, $0x38;
	[tilespmem:$0x17800] =	vst v63  }
0x8e: {  	_ =	swait.ge [sflag:s0], $0x2800  }
0x8f: {  	[sflag:s0] =	ssyncset.done $0x0  }
0x90: {  	[sflag:s0] =	ssyncadd.s32 $0xFFFFD800  }
0x91: {  	[bflag:$0x0] =	sbarrier.arrive $0xFFFF  }
0x92: {  	[tilespmem:s6], [sflag:$0x1] =	stream.indirect.gather [hbm4b:s8+s4], $0x20, s3, s4, $0xb8;
	[tilespmem:$0x17800] =	vst v63  }
0x93: {  	_ = 	snop  }
0x94: {  	[tilespmem:s7], [sflag:$0x1] =	stream.indirect.gather [hbm4b:s8+s4], $0x20, s4, s4, $0xb8;
	[tilespmem:$0x17800] =	vst v63  }
0x95: {  	s21 =	simm.s32 $0x100  }
0x96: {  	[tilespmem:s9], [sflag:$0x1] =	stream.indirect.gather [hbm4b:s8+s4], $0x20, s21, s4, $0xb8;
	[tilespmem:$0x17800] =	vst v63  }
0x97: {  	s20 =	simm.s32 $0x0;
	s22 =	simm.s32 $0x180  }
0x98: {  	[tilespmem:s10], [sflag:$0x1] =	stream.indirect.gather [hbm4b:s8+s4], $0x20, s22, s4, $0xb8;
	[tilespmem:$0x17800] =	vst v63  }
.LBB2_2:
0x99: {  	_ =	swait.ge [sflag:s11], $0x1000  }
0x9a: {  	[sflag:s11] =	ssyncset.done $0x0  }
0x9b: {  	[sflag:s11] =	ssyncadd.s32 $0xFFFFF000  }
0x9c: {  	_ =	swait.ge [sflag:s11], $0x1000  }
0x9d: {  	[sflag:s11] =	ssyncset.done $0x0  }
0x9e: {  	[sflag:s11] =	ssyncadd.s32 $0xFFFFF000  }
0x9f: {  	_ =	swait.ge [sflag:s11], $0x1000  }
0xa0: {  	[sflag:s11] =	ssyncset.done $0x0  }
0xa1: {  	[sflag:s11] =	ssyncadd.s32 $0xFFFFF000  }
0xa2: {  	_ =	swait.ge [sflag:s11], $0x1000  }
0xa3: {  	s21 =	sshra.s32 s20, $0x2;
	[sflag:s11] =	ssyncset.done $0x0  }
0xa4: {  	s22 =	sadd.s32 $0x2800, s21;
	[sflag:s11] =	ssyncadd.s32 $0xFFFFF000  }
0xa5: {  	[spmem:s2] =	stream.indirect.scatter.add.bf16 [tilespmem:s6], [sflag:$0x3], $0x20, s22, s4, $0xb8;
	[tilespmem:$0x17800] =	vst v63  }
0xa6: {  	s22 =	sadd.s32 $0x2880, s21  }
0xa7: {  	[spmem:s2] =	stream.indirect.scatter.add.bf16 [tilespmem:s7], [sflag:$0x3], $0x20, s22, s4, $0xb8;
	[tilespmem:$0x17800] =	vst v63  }
0xa8: {  	s22 =	sadd.s32 $0x2900, s21  }
0xa9: {  	[spmem:s2] =	stream.indirect.scatter.add.bf16 [tilespmem:s9], [sflag:$0x3], $0x20, s22, s4, $0xb8;
	[tilespmem:$0x17800] =	vst v63  }
0xaa: {  	p0 =	seq.s32 s20, $0x0;
	s22 =	sadd.s32 $0x2980, s21  }
0xab: {  	[spmem:s2] =	stream.indirect.scatter.add.bf16 [tilespmem:s10], [sflag:$0x3], $0x20, s22, s4, $0xb8;
	[tilespmem:$0x17800] =	vst v63  }
0xac: {  	s22 =	simm.s32 @!p0 $0x4  }
0xad: {  	_ =	swait.ge @!p0 [sflag:s22], $0x1000  }
0xae: {  	[sflag:s22] =	ssyncset.done @!p0 $0x0  }
0xaf: {  	[sflag:s22] =	ssyncadd.s32 @!p0 $0xFFFFF000  }
0xb0: {  	_ =	swait.ge @!p0 [sflag:s22], $0x1000  }
0xb1: {  	[sflag:s22] =	ssyncset.done @!p0 $0x0  }
0xb2: {  	[sflag:s22] =	ssyncadd.s32 @!p0 $0xFFFFF000  }
0xb3: {  	_ =	swait.ge @!p0 [sflag:s22], $0x1000  }
0xb4: {  	[sflag:s22] =	ssyncset.done @!p0 $0x0  }
0xb5: {  	[sflag:s22] =	ssyncadd.s32 @!p0 $0xFFFFF000  }
0xb6: {  	_ =	swait.ge @!p0 [sflag:s22], $0x1000  }
0xb7: {  	[sflag:s22] =	ssyncset.done @!p0 $0x0  }
0xb8: {  	[sflag:s22] =	ssyncadd.s32 @!p0 $0xFFFFF000;
	s22 =	sadd.s32 $0x200, s21  }
0xb9: {  	[tilespmem:s12], [sflag:$0x2] =	stream.indirect.gather [hbm4b:s8+s4], $0x20, s22, s4, $0xb8;
	[tilespmem:$0x17800] =	vst v63  }
0xba: {  	s22 =	sadd.s32 $0x280, s21  }
0xbb: {  	[tilespmem:s13], [sflag:$0x2] =	stream.indirect.gather [hbm4b:s8+s4], $0x20, s22, s4, $0xb8;
	[tilespmem:$0x17800] =	vst v63  }
0xbc: {  	s22 =	sadd.s32 $0x300, s21  }
0xbd: {  	[tilespmem:s14], [sflag:$0x2] =	stream.indirect.gather [hbm4b:s8+s4], $0x20, s22, s4, $0xb8;
	[tilespmem:$0x17800] =	vst v63  }
0xbe: {  	s22 =	sadd.s32 $0x380, s21  }
0xbf: {  	[tilespmem:s15], [sflag:$0x2] =	stream.indirect.gather [hbm4b:s8+s4], $0x20, s22, s4, $0xb8;
	[tilespmem:$0x17800] =	vst v63  }
0xc0: {  	_ =	swait.ge [sflag:s16], $0x1000  }
0xc1: {  	[sflag:s16] =	ssyncset.done $0x0  }
0xc2: {  	[sflag:s16] =	ssyncadd.s32 $0xFFFFF000  }
0xc3: {  	_ =	swait.ge [sflag:s16], $0x1000  }
0xc4: {  	[sflag:s16] =	ssyncset.done $0x0  }
0xc5: {  	[sflag:s16] =	ssyncadd.s32 $0xFFFFF000  }
0xc6: {  	_ =	swait.ge [sflag:s16], $0x1000  }
0xc7: {  	[sflag:s16] =	ssyncset.done $0x0  }
0xc8: {  	[sflag:s16] =	ssyncadd.s32 $0xFFFFF000  }
0xc9: {  	_ =	swait.ge [sflag:s16], $0x1000  }
0xca: {  	[sflag:s16] =	ssyncset.done $0x0  }
0xcb: {  	s22 =	sadd.s32 $0x2A00, s21;
	[sflag:s16] =	ssyncadd.s32 $0xFFFFF000  }
0xcc: {  	[spmem:s2] =	stream.indirect.scatter.add.bf16 [tilespmem:s12], [sflag:$0x4], $0x20, s22, s4, $0xb8;
	[tilespmem:$0x17800] =	vst v63  }
0xcd: {  	s22 =	sadd.s32 $0x2A80, s21  }
0xce: {  	[spmem:s2] =	stream.indirect.scatter.add.bf16 [tilespmem:s13], [sflag:$0x4], $0x20, s22, s4, $0xb8;
	[tilespmem:$0x17800] =	vst v63  }
0xcf: {  	s22 =	sadd.s32 $0x2B00, s21  }
0xd0: {  	[spmem:s2] =	stream.indirect.scatter.add.bf16 [tilespmem:s14], [sflag:$0x4], $0x20, s22, s4, $0xb8;
	[tilespmem:$0x17800] =	vst v63  }
0xd1: {  	s22 =	sadd.s32 $0x2B80, s21  }
0xd2: {  	[spmem:s2] =	stream.indirect.scatter.add.bf16 [tilespmem:s15], [sflag:$0x4], $0x20, s22, s4, $0xb8;
	[tilespmem:$0x17800] =	vst v63  }
0xd3: {  	_ =	swait.ge [sflag:s17], $0x1000  }
0xd4: {  	[sflag:s17] =	ssyncset.done $0x0  }
0xd5: {  	[sflag:s17] =	ssyncadd.s32 $0xFFFFF000  }
0xd6: {  	_ =	swait.ge [sflag:s17], $0x1000  }
0xd7: {  	[sflag:s17] =	ssyncset.done $0x0  }
0xd8: {  	[sflag:s17] =	ssyncadd.s32 $0xFFFFF000  }
0xd9: {  	p0 =	seq.s32 s20, $0x9000;
	_ =	swait.ge [sflag:s17], $0x1000  }
.Ltmp2:
0xda: {  	[sflag:s17] =	ssyncset.done $0x0;
	(pc) =	sbr.rel @p0 .LBB2_4-.Ltmp2, $4  }
0xdb: {  	[sflag:s17] =	ssyncadd.s32 $0xFFFFF000  }
0xdc: {  	_ =	swait.ge [sflag:s17], $0x1000  }
0xdd: {  	[sflag:s17] =	ssyncset.done $0x0  }
0xde: {  	[sflag:s17] =	ssyncadd.s32 $0xFFFFF000  }
0xdf: {  	s22 =	sadd.s32 $0x400, s21  }
0xe0: {  	[tilespmem:s6], [sflag:$0x1] =	stream.indirect.gather [hbm4b:s8+s4], $0x20, s22, s4, $0xb8;
	[tilespmem:$0x17800] =	vst v63  }
0xe1: {  	s22 =	sadd.s32 $0x480, s21  }
0xe2: {  	[tilespmem:s7], [sflag:$0x1] =	stream.indirect.gather [hbm4b:s8+s4], $0x20, s22, s4, $0xb8;
	[tilespmem:$0x17800] =	vst v63  }
.Ltmp3:
0xe3: {  	_ = 	snop;
	(pc) =	sbr.rel .LBB2_2-.Ltmp3, $4  }
0xe4: {  	s22 =	sadd.s32 $0x500, s21  }
0xe5: {  	[tilespmem:s9], [sflag:$0x1] =	stream.indirect.gather [hbm4b:s8+s4], $0x20, s22, s4, $0xb8;
	[tilespmem:$0x17800] =	vst v63  }
0xe6: {  	s20 =	sadd.s32 $0x1000, s20;
	s22 =	sadd.s32 $0x580, s21  }
0xe7: {  	[tilespmem:s10], [sflag:$0x1] =	stream.indirect.gather [hbm4b:s8+s4], $0x20, s22, s4, $0xb8;
	[tilespmem:$0x17800] =	vst v63  }
.LBB2_5:
0xe8: {  	_ =	sfence.sel $0x180000  }
0xe9: {  	[bflag:$0x0] =	sbarrier.arrive $0xFFFF  }
0xea: {  	_ =	strace $0x9000004D  }
0xeb: {  	s0 =	stileid.u32;
	[bflag:$0x2] =	sbarrier.arrive $0xFFFF  }
0xec: {  	p0 =	sne.s32 s0, $0x0;
	s0 =	rddreg [dreg:$0x2]  }
0xed: {  	s0 =	sadd.s32 @!p0 $0x100000, s0  }
0xee: {  	[sflag:s0] =	ssyncadd.tile.s32 @!p0 $0x1;
	_ =	shalt  }
.Lfunc_end2:
_tile_overlayer_lowered:
.L_overlay_start_2:
0xef: {  	(tag) =	ssettag $0x2  }
0xf0: {  	s0 =	rddreg [dreg:$0x0];
	s2 =	stileid.u32  }
0xf1: {  	s1 =	rddreg [dreg:$0x1];
	p0 =	sne.s32 s2, $0x0  }
0xf2: {  	s3 =	rddreg [dreg:$0x2];
	[bflag:$0x3] =	sbarrier.arrive $0xFFFF;
	s2 =	simm.s32 @!p0 $0x1C05  }
0xf3: {  	[timem:s3], [sflag:s2] =	dma.local @!p0 [hbm:s0], s1  }
0xf4: {  	s0 =	simm.s32 @!p0 $0x5  }
0xf5: {  	_ =	swait.ge @!p0 [sflag:s0], s1  }
0xf6: {  	s1 =	ssub.s32 @!p0 $0x0, s1;
	[sflag:s0] =	ssyncset.done @!p0 $0x0  }
0xf7: {  	[sflag:s0] =	ssyncadd.s32 @!p0 s1  }
0xf8: {  	[bflag:$0x3] =	sbarrier.arrive $0xFFFF  }
0xf9: {  	_ =	shalt  }

// kernel: sc_prop_16.3.cloned.1.call-start
scs
__scs_entry_jumppad:
0x0: {  	(pc) =	sbr.rel $0x88, $3  }
0x1: {  	(tag) =	ssettag $0x0;
	lr =	simm.s32 $0x1  }
0x2: {  	[smem:$0x3F99] =	sst lr;
	_ =	strace $0xD0000000  }
0x3: {  	_ = 	snop  }
0x4: {  	_ = 	snop  }
0x5: {  	_ = 	snop  }
0x6: {  	_ = 	snop  }
0x7: {  	_ = 	snop  }
__scs_overlays_trampoline_lowered:
0x8: {  	[smem:$0x3FA8] =	sst s0  }
0x9: {  	[smem:$0x3FA9] =	sst s1  }
0xa: {  	[smem:$0x3FAA] =	sst s2  }
0xb: {  	[smem:$0x3FAB] =	sst s3  }
0xc: {  	[smem:$0x3FAC] =	sst s4  }
0xd: {  	[smem:$0x3FAD] =	sst s5  }
0xe: {  	[smem:$0x3FAE] =	sst s6  }
0xf: {  	[smem:$0x3FAF] =	sst s7  }
0x10: {  	[smem:$0x3FB0] =	sst s8  }
0x11: {  	[smem:$0x3FB1] =	sst s9;
	s0 =	simm.s32 @!p0 $0x0  }
0x12: {  	s1 =	sld [smem:$0x3F97];
	s0 =	simm.s32 @p0 $0x1  }
0x13: {  	[smem:$0x3FB2] =	sst s0;
	s0 =	simm.s32 @!p1 $0x0  }
0x14: {  	s2 =	sld [smem:$0x3F96];
	s0 =	simm.s32 @p1 $0x1  }
0x15: {  	[smem:$0x3FB3] =	sst s0;
	s0 =	simm.s32 @!p2 $0x0  }
0x16: {  	s3 =	sld [smem:$0x3FDB];
	s0 =	simm.s32 @p2 $0x1  }
0x17: {  	s4 =	simm.s32 $0x1BF5;
	[smem:$0x3FB5] =	sst s0  }
0x18: {  	s0 =	sld [smem:$0x3F98];
	_ =	swait.ge [sflag:s4], $0x0  }
0x19: {  	s7 =	sld [smem:$0x3F99]  }
0x1a: {  	s8 =	sadd.s32 $0xFFFFE003, lr  }
0x1b: {  	s9 =	sadd.s32 $0xFFFFFEF7, lr;
	s5 =	simm.s32 $0xFFFFFFFF;
	p2 =	slt.u32 s8, $0xFFFFF086  }
0x1c: {  	p1 =	slt.u32 s9, $0xF7A;
	s5 =	simm.s32 @!p2 $0x0  }
0x1d: {  	s5 =	simm.s32 @p1 $0x1;
	p0 =	seq.s32 s7, s2  }
0x1e: {  	s7 =	smul.u32 @!p0 $0xF7A, s2;
	p2 =	seq.s32 @!p0 s5, $0x0  }
0x1f: {  	s9 =	smul.u32 $0xF7A, s1;
	s8 =	simm.s32 @!p0 $0x1BF5;
	p2 =	por !p2, p0  }
0x20: {  	[sflag:s8] =	ssyncset.s32 @!p0 $0xFFFFF086;
	s6 =	sadd.s32 @!p0 s3, s7;
	s7 =	simm.s32 @!p0 $0x108  }
0x21: {  	s3 =	sadd.s32 s3, s9;
	s6 =	sadd.s32 @!p0 $0x88, s6;
	s7 =	simm.s32 @p2 $0x1082  }
0x22: {  	[simem:s7], [sflag:s8] =	dma.local @!p0 [hbm:s6], $0xF7A  }
0x23: {  	s9 =	sor.u32 $0xD0000000, s2;
	s6 =	simm.s32 $0x108;
	_ =	swait.ge @!p0 [sflag:s8], $0x0  }
0x24: {  	s3 =	sadd.s32 $0x88, s3;
	s6 =	simm.s32 @!p1 $0x1082;
	[sflag:s4] =	ssyncset.s32 $0xFFFFF086  }
0x25: {  	[simem:s6], [sflag:s4] =	dma.local [hbm:s3], $0xF7A  }
0x26: {  	[smem:$0x3F99] =	sst s1;
	(tag) =	ssettag s2;
	_ =	strace s9  }
0x27: {  	s1 =	sld [smem:$0x3FA9]  }
0x28: {  	s2 =	sld [smem:$0x3FAA]  }
0x29: {  	s4 =	sld [smem:$0x3FAC]  }
0x2a: {  	p0 =	seq.s32 s5, $0x0;
	s5 =	sld [smem:$0x3FAD]  }
0x2b: {  	s6 =	sld [smem:$0x3FAE]  }
0x2c: {  	s7 =	sld [smem:$0x3FAF]  }
0x2d: {  	s3 =	simm.s32 $0x108;
	s8 =	sld [smem:$0x3FB0]  }
0x2e: {  	s3 =	simm.s32 @!p0 $0x1082;
	s9 =	sld [smem:$0x3FB1]  }
0x2f: {  	lr =	sadd.s32 s0, s3;
	s0 =	sld [smem:$0x3FA8]  }
0x30: {  	s3 =	sld [smem:$0x3FAB]  }
0x31: {  	[smem:$0x3FB4] =	sst s10  }
0x32: {  	s10 =	sld [smem:$0x3FB2];
	_ =	sdelay $0x3  }
0x33: {  	p0 =	seq.s32 s10, $0x1;
	s10 =	sld [smem:$0x3FB4];
	_ =	sdelay $0x3  }
0x34: {  	[smem:$0x3FB4] =	sst s10  }
0x35: {  	s10 =	sld [smem:$0x3FB3];
	_ =	sdelay $0x3  }
0x36: {  	p1 =	seq.s32 s10, $0x1;
	s10 =	sld [smem:$0x3FB4];
	_ =	sdelay $0x3  }
0x37: {  	[smem:$0x3FB4] =	sst s10  }
0x38: {  	s10 =	sld [smem:$0x3FB5]  }
0x39: {  	_ = 	snop;
	(pc) =	sbr.ind lr, $3  }
0x3a: {  	_ = 	snop  }
0x3b: {  	_ = 	snop  }
0x3c: {  	p2 =	seq.s32 s10, $0x1;
	s10 =	sld [smem:$0x3FB4]  }
0x3d: {  	_ =	shalt  }
0x3e: {  	_ =	shalt  }
0x3f: {  	_ =	shalt  }
0x40: {  	_ =	shalt  }
0x41: {  	_ =	shalt  }
0x42: {  	_ =	shalt  }
0x43: {  	_ =	shalt  }
0x44: {  	_ =	shalt  }
0x45: {  	_ =	shalt  }
0x46: {  	_ =	shalt  }
0x47: {  	_ =	shalt  }
0x48: {  	_ =	shalt  }
0x49: {  	_ =	shalt  }
0x4a: {  	_ =	shalt  }
0x4b: {  	_ =	shalt  }
0x4c: {  	_ =	shalt  }
0x4d: {  	_ =	shalt  }
0x4e: {  	_ =	shalt  }
0x4f: {  	_ =	shalt  }
0x50: {  	_ =	shalt  }
0x51: {  	_ =	shalt  }
0x52: {  	_ =	shalt  }
0x53: {  	_ =	shalt  }
0x54: {  	_ =	shalt  }
0x55: {  	_ =	shalt  }
0x56: {  	_ =	shalt  }
0x57: {  	_ =	shalt  }
0x58: {  	_ =	shalt  }
0x59: {  	_ =	shalt  }
0x5a: {  	_ =	shalt  }
0x5b: {  	_ =	shalt  }
0x5c: {  	_ =	shalt  }
0x5d: {  	_ =	shalt  }
0x5e: {  	_ =	shalt  }
0x5f: {  	_ =	shalt  }
0x60: {  	_ =	shalt  }
0x61: {  	_ =	shalt  }
0x62: {  	_ =	shalt  }
0x63: {  	_ =	shalt  }
0x64: {  	_ =	shalt  }
0x65: {  	_ =	shalt  }
0x66: {  	_ =	shalt  }
0x67: {  	_ =	shalt  }
0x68: {  	_ =	shalt  }
0x69: {  	_ =	shalt  }
0x6a: {  	_ =	shalt  }
0x6b: {  	_ =	shalt  }
0x6c: {  	_ =	shalt  }
0x6d: {  	_ =	shalt  }
0x6e: {  	_ =	shalt  }
0x6f: {  	_ =	shalt  }
0x70: {  	_ =	shalt  }
0x71: {  	_ =	shalt  }
0x72: {  	_ =	shalt  }
0x73: {  	_ =	shalt  }
0x74: {  	_ =	shalt  }
0x75: {  	_ =	shalt  }
0x76: {  	_ =	shalt  }
0x77: {  	_ =	shalt  }
0x78: {  	_ =	shalt  }
0x79: {  	_ =	shalt  }
0x7a: {  	_ =	shalt  }
0x7b: {  	_ =	shalt  }
0x7c: {  	_ =	shalt  }
0x7d: {  	_ =	shalt  }
0x7e: {  	_ =	shalt  }
0x7f: {  	_ =	shalt  }
0x80: {  	_ =	shalt  }
0x81: {  	_ =	shalt  }
0x82: {  	_ =	shalt  }
0x83: {  	_ =	shalt  }
0x84: {  	_ =	shalt  }
0x85: {  	_ =	shalt  }
0x86: {  	_ =	shalt  }
0x87: {  	_ =	shalt  }
.Lfunc_end0:
.L_simem_size_0:
called_computation.3_lowered:
.L_overlay_start_0:
0x88: {  	s2 =	sld [smem:$0x3FD9]  }
0x89: {  	s3 =	sld [smem:$0x3FFE];
	_ =	sdelay $0x1  }
0x8a: {  	s1 =	srdreg.scid  }
0x8b: {  	s0 =	sand.u32 $0x1, s1  }
0x8c: {  	s16 =	sshll.u32 s0, $0xA;
	s2 =	sadd.s32 s3, s2  }
0x8d: {  	s2 =	sadd.s32 s2, s16  }
0x8e: {  	[smem:$0x3FC0] =	sst s2  }
0x8f: {  	_ = 	snop  }
0x90: {  	(tm) =	ssettm $0x1  }
0x91: {  	s17 =	sld [smem:$0x3FFB];
	_ =	sdelay $0x3  }
0x92: {  	_ =	strace s17  }
0x93: {  	s2 =	sld [smem:$0x3FFC];
	_ =	sdelay $0x3  }
0x94: {  	_ =	strace s2  }
0x95: {  	s2 =	sld [smem:$0x3FFD];
	_ =	sdelay $0x3  }
0x96: {  	_ =	strace s2  }
0x97: {  	_ =	strace $0x8FFFFFFF  }
0x98: {  	s18 =	sld [smem:$0x3FDB];
	_ =	sdelay $0x1  }
0x99: {  	s19 =	simm.s32 $_scs_section_size  }
0x9a: {  	s4 =	simm.s32 $_size__tile_overlayer_lowered;
	s5 =	simm.s32 $_tile_overlayer_lowered  }
0x9b: {  	s22 =	simm.s32 $0x1BFF;
	s21 =	sshll.u32 s5, $0x1;
	s2 =	sadd.s32 s19, s18  }
0x9c: {  	s6 =	simm.s32 $0x0;
	s20 =	sshll.u32 s4, $0x1;
	s4 =	sadd.s32 s21, s2  }
0x9d: {  	[timem:s6], [sflag:s22] =	dma.local [hbm:s4], s20  }
0x9e: {  	_ =	swait.ge [sflag:s22], s20  }
0x9f: {  	s3 =	ssub.s32 $0x0, s20;
	[sflag:s22] =	ssyncset.done $0x0  }
0xa0: {  	[sflag:s22] =	ssyncadd.s32 s3;
	_ =	sdelay $0x1  }
0xa1: {  	s23 =	simm.s32 $0x1B8B  }
0xa2: {  	_ =	swait.ge [sflag:s23], $0x1  }
0xa3: {  	[sflag:s23] =	ssyncset.done $0x0  }
0xa4: {  	s25 =	simm.s32 $0x1B8E;
	s24 =	sld [smem:$0x3FFE];
	[sflag:s23] =	ssyncadd.s32 $0xFFFFFFFF  }
0xa5: {  	s26 =	simm.s32 $execute0_lowered;
	[smem:$0x3FD2] =	sst s25  }
0xa6: {  	s4 =	sshll.u32 s26, $0x1;
	_ =	strace $0x8000004F;
	[dreg:$0x1] =	wrdreg $0xFFFFFFFF  }
0xa7: {  	s28 =	simm.s32 $_size_execute0_lowered;
	s2 =	sadd.s32 s2, s4;
	[dreg:$0x0] =	wrdreg $0x0  }
0xa8: {  	s4 =	sshll.u32 s28, $0x1;
	[dreg:$0x2] =	wrdreg s2  }
0xa9: {  	[dreg:$0x3] =	wrdreg s4  }
0xaa: {  	[dreg:$0x4] =	wrdreg $0xC0  }
0xab: {  	_ =	task [dreg:s6], $0x5FFFF  }
0xac: {  	[dreg:$0x1] =	wrdreg $0xFFFFFFFF  }
0xad: {  	[dreg:$0x0] =	wrdreg $0x60  }
0xae: {  	[dreg:$0x2] =	wrdreg s24  }
0xaf: {  	[dreg:$0x3] =	wrdreg $0x3C000  }
0xb0: {  	[dreg:$0x4] =	wrdreg $0x9  }
0xb1: {  	_ =	task.clear_ibuf [dreg:s6], $0x5FFFF;
	_ =	strace $0x9000004F  }
0xb2: {  	s29 =	simm.s32 $0x9;
	_ =	strace $0x80000051  }
0xb3: {  	_ =	swait.ge [sflag:s29], $0x1  }
0xb4: {  	[sflag:s29] =	ssyncadd.s32 $0xFFFFFFFF  }
0xb5: {  	_ =	strace $0x90000051  }
0xb6: {  	_ =	sfence  }
0xb7: {  	s30 =	sld [smem:$0x0];
	_ =	sdelay $0x2  }
0xb8: {  	s31 =	sshll.u32 s1, $0xD;
	s1 =	sshrl.u32 s1, $0x2  }
0xb9: {  	s3 =	sand.u32 $0x4000, s31;
	s1 =	sadd.s32 s1, s30  }
0xba: {  	s0 =	sor.u32 s3, s0;
	s1 =	sshll.u32 s1, $0x11  }
0xbb: {  	s0 =	sor.u32 s1, s0  }
0xbc: {  	s0 =	sadd.s32 $0x8F2B, s0  }
0xbd: {  	[sflag:s0] =	ssyncadd.remote.s32 $0x1  }
0xbe: {  	_ =	sfence.sel $0xFFFF  }
0xbf: {  	[dreg:$0x0] =	wrdreg $0xFFFFFFFF;
	(pc) =	sbr.abs _section_cstart, $3  }
0xc0: {  	[dreg:$0x1] =	wrdreg $0xFFFFFFFF  }
0xc1: {  	_ =	task.clear_ibuf [dreg:s6], $0x2FFFF;
	_ =	strace $0x9FFFFFFF  }
0xc2: {  	(tm) =	ssettm $0x7FFFFFFF  }
0xc3: {  	_ =	shalt  }
tec
execute0_lowered:
.L_overlay_start_1:
0x0: {  	(tag) =	ssettag $0x1  }
0x1: {  	s0 =	srdreg.scid  }
0x2: {  	s25 =	stileid.u32;
	s6 =	rddreg [dreg:$0x0]  }
0x3: {  	s2 =	rddreg [dreg:$0x1];
	s3 =	simm.s32 $0x0;
	s20 =	simm.s32 $0x3800  }
0x4: {  	s21 =	simm.s32 $0x2;
	s22 =	simm.s32 $0x1400;
	s23 =	simm.s32 $0x80  }
0x5: {  	s24 =	simm.s32 $0x2800;
	s28 =	simm.s32 $0x1;
	s29 =	simm.s32 $0x0  }
0x6: {  	s5 =	sand.u32 $0x1, s0;
	[smem:$0x7FF] =	sst s3;
	s10 =	smul.u32 $0x2800, s25  }
0x7: {  	s4 =	sadd.s32 $0xBA00, s6;
	s11 =	smul.u32 $0xA000, s25;
	s1 =	sshll.u32 s5, $0x4  }
0x8: {  	s8 =	smul.u32 $0x28000, s5;
	_ =	strace $0x80000050;
	s30 =	ssub.s32 $0x2, s5  }
0x9: {  	s5 =	sadd.s32 $0xB800, s6;
	s1 =	sor.u32 s25, s1;
	s12 =	sshrl.u32 s30, $0x1  }
0xa: {  	s31 =	sshrl.u32 s11, $0x2;
	s25 =	sadd.s32 s10, s2;
	s7 =	smul.u32 $0x280, s1  }
0xb: {  	s26 =	sadd.s32 s10, s8;
	s12 =	ssub.s32 s30, s12;
	s25 =	sshrl.u32 s25, $0x3  }
0xc: {  	s10 =	smax.u32 s12, $0x1;
	s9 =	sadd.s32 s7, s6;
	s7 =	sshrl.u32 s26, $0x3  }
0xd: {  	s26 =	simm.s32 $0x3000;
	s13 =	sadd.s32 s7, s6;
	s6 =	sadd.s32 s31, s2  }
0xe: {  	s7 =	sadd.s32 $0x1600, s9;
	s8 =	sadd.s32 $0x6600, s9;
	s9 =	sadd.s32 $0x10A00, s13  }
0xf: {  	s11 =	sadd.s32 $0x400, s6;
	s12 =	sadd.s32 $0x800, s6;
	s13 =	sadd.s32 $0xC00, s6  }
0x10: {  	s14 =	sadd.s32 $0x1000, s6;
	s15 =	sadd.s32 $0x1400, s6;
	s16 =	sadd.s32 $0x1800, s6  }
0x11: {  	s17 =	sadd.s32 $0x1C00, s6;
	s18 =	sadd.s32 $0x2000, s6;
	s19 =	sadd.s32 $0x2400, s6  }
.LBB2_1:
0x12: {  	[tilespmem:s20], [sflag:$0x2] =	stream.linear.gather [hbm4b:s5+s3], $0x400, $0x38;
	[tilespmem:$0x6400] =	vst v63  }
0x13: {  	_ =	swait.ge [sflag:s21], $0x400  }
0x14: {  	[sflag:s21] =	ssyncset.done $0x0  }
0x15: {  	[sflag:s21] =	ssyncadd.s32 $0xFFFFFC00  }
0x16: {  	[spmem:s6] =	stream.linear.scatter [tilespmem:s20], [sflag:$0x2], $0x400, $0x38;
	[tilespmem:$0x6400] =	vst v63  }
0x17: {  	_ =	swait.ge [sflag:s21], $0x400  }
0x18: {  	[sflag:s21] =	ssyncset.done $0x0  }
0x19: {  	[sflag:s21] =	ssyncadd.s32 $0xFFFFFC00  }
0x1a: {  	[spmem:s11] =	stream.linear.scatter [tilespmem:s20], [sflag:$0x2], $0x400, $0x38;
	[tilespmem:$0x6400] =	vst v63  }
0x1b: {  	_ =	swait.ge [sflag:s21], $0x400  }
0x1c: {  	[sflag:s21] =	ssyncset.done $0x0  }
0x1d: {  	[sflag:s21] =	ssyncadd.s32 $0xFFFFFC00  }
0x1e: {  	[spmem:s12] =	stream.linear.scatter [tilespmem:s20], [sflag:$0x2], $0x400, $0x38;
	[tilespmem:$0x6400] =	vst v63  }
0x1f: {  	_ =	swait.ge [sflag:s21], $0x400  }
0x20: {  	[sflag:s21] =	ssyncset.done $0x0  }
0x21: {  	[sflag:s21] =	ssyncadd.s32 $0xFFFFFC00  }
0x22: {  	[spmem:s13] =	stream.linear.scatter [tilespmem:s20], [sflag:$0x2], $0x400, $0x38;
	[tilespmem:$0x6400] =	vst v63  }
0x23: {  	_ =	swait.ge [sflag:s21], $0x400  }
0x24: {  	[sflag:s21] =	ssyncset.done $0x0  }
0x25: {  	[sflag:s21] =	ssyncadd.s32 $0xFFFFFC00  }
0x26: {  	[spmem:s14] =	stream.linear.scatter [tilespmem:s20], [sflag:$0x2], $0x400, $0x38;
	[tilespmem:$0x6400] =	vst v63  }
0x27: {  	_ =	swait.ge [sflag:s21], $0x400  }
0x28: {  	[sflag:s21] =	ssyncset.done $0x0  }
0x29: {  	[sflag:s21] =	ssyncadd.s32 $0xFFFFFC00  }
0x2a: {  	[spmem:s15] =	stream.linear.scatter [tilespmem:s20], [sflag:$0x2], $0x400, $0x38;
	[tilespmem:$0x6400] =	vst v63  }
0x2b: {  	_ =	swait.ge [sflag:s21], $0x400  }
0x2c: {  	[sflag:s21] =	ssyncset.done $0x0  }
0x2d: {  	[sflag:s21] =	ssyncadd.s32 $0xFFFFFC00  }
0x2e: {  	[spmem:s16] =	stream.linear.scatter [tilespmem:s20], [sflag:$0x2], $0x400, $0x38;
	[tilespmem:$0x6400] =	vst v63  }
0x2f: {  	_ =	swait.ge [sflag:s21], $0x400  }
0x30: {  	[sflag:s21] =	ssyncset.done $0x0  }
0x31: {  	[sflag:s21] =	ssyncadd.s32 $0xFFFFFC00  }
0x32: {  	[spmem:s17] =	stream.linear.scatter [tilespmem:s20], [sflag:$0x2], $0x400, $0x38;
	[tilespmem:$0x6400] =	vst v63  }
0x33: {  	_ =	swait.ge [sflag:s21], $0x400  }
0x34: {  	[sflag:s21] =	ssyncset.done $0x0  }
0x35: {  	[sflag:s21] =	ssyncadd.s32 $0xFFFFFC00  }
0x36: {  	[spmem:s18] =	stream.linear.scatter [tilespmem:s20], [sflag:$0x2], $0x400, $0x38;
	[tilespmem:$0x6400] =	vst v63  }
0x37: {  	_ =	swait.ge [sflag:s21], $0x400  }
0x38: {  	[sflag:s21] =	ssyncset.done $0x0  }
0x39: {  	[sflag:s21] =	ssyncadd.s32 $0xFFFFFC00  }
0x3a: {  	[spmem:s19] =	stream.linear.scatter [tilespmem:s20], [sflag:$0x2], $0x400, $0x38;
	[tilespmem:$0x6400] =	vst v63  }
0x3b: {  	_ =	swait.ge [sflag:s21], $0x400  }
0x3c: {  	[sflag:s21] =	ssyncset.done $0x0  }
0x3d: {  	[sflag:s21] =	ssyncadd.s32 $0xFFFFFC00  }
0x3e: {  	[tilespmem:s3], [sflag:$0x2] =	stream.linear.gather [hbm4b:s7+s3], $0x1400, $0x38;
	[tilespmem:$0x6400] =	vst v63  }
0x3f: {  	_ =	swait.ge [sflag:s21], $0x1400  }
0x40: {  	[sflag:s21] =	ssyncset.done $0x0  }
0x41: {  	[sflag:s21] =	ssyncadd.s32 $0xFFFFEC00  }
0x42: {  	[tilespmem:s22], [sflag:$0x2] =	stream.linear.gather [hbm4b:s8+s3], $0x1400, $0x38;
	[tilespmem:$0x6400] =	vst v63  }
0x43: {  	_ =	swait.ge [sflag:s21], $0x1400  }
0x44: {  	[sflag:s21] =	ssyncset.done $0x0  }
0x45: {  	[sflag:s21] =	ssyncadd.s32 $0xFFFFEC00  }
0x46: {  	s30 =	simm.s32 $0x0;
	[bflag:$0x0] =	sbarrier.arrive $0xFFFF  }
0x47: {  	[tilespmem:s24], [sflag:$0x1] =	stream.indirect.gather [hbm4b:s4+s23], $0x10, s30, s23, $0xb8;
	[tilespmem:$0x6400] =	vst v63  }
0x48: {  	s30 =	simm.s32 $0x80  }
0x49: {  	[tilespmem:s26], [sflag:$0x1] =	stream.indirect.gather [hbm4b:s4+s23], $0x10, s30, s23, $0xb8;
	[tilespmem:$0x6400] =	vst v63  }
0x4a: {  	_ =	swait.ge [sflag:s28], $0x800  }
0x4b: {  	[sflag:s28] =	ssyncset.done $0x0  }
0x4c: {  	s30 =	simm.s32 $0x1400;
	[sflag:s28] =	ssyncadd.s32 $0xFFFFF800  }
0x4d: {  	[spmem:s2] =	stream.indirect.scatter.add.f32 [tilespmem:s24], [sflag:$0x2], $0x10, s30, s23, $0xb8;
	[tilespmem:$0x6400] =	vst v63  }
0x4e: {  	_ =	swait.ge [sflag:s21], $0x800  }
0x4f: {  	[sflag:s21] =	ssyncset.done $0x0  }
0x50: {  	[sflag:s21] =	ssyncadd.s32 $0xFFFFF800  }
0x51: {  	_ =	swait.ge [sflag:s28], $0x800  }
0x52: {  	[sflag:s28] =	ssyncset.done $0x0  }
0x53: {  	s30 =	simm.s32 $0x1480;
	[sflag:s28] =	ssyncadd.s32 $0xFFFFF800  }
0x54: {  	[spmem:s2] =	stream.indirect.scatter.add.f32 [tilespmem:s26], [sflag:$0x2], $0x10, s30, s23, $0xb8;
	[tilespmem:$0x6400] =	vst v63  }
0x55: {  	_ =	swait.ge [sflag:s21], $0x800  }
0x56: {  	s31 =	simm.s32 $0x800;
	s30 =	simm.s32 $0x400;
	[sflag:s21] =	ssyncset.done $0x0  }
.LBB2_2:
0x57: {  	s1 =	sshra.s32 s30, $0x2  }
0x58: {  	[sflag:s21] =	ssyncadd.s32 $0xFFFFF800;
	s30 =	smov.u32 s31;
	s0 =	sadd.s32 $0x400, s31  }
0x59: {  	[tilespmem:s24], [sflag:$0x1] =	stream.indirect.gather [hbm4b:s4+s23], $0x10, s1, s23, $0xb8;
	[tilespmem:$0x6400] =	vst v63  }
0x5a: {  	p0 =	sne.s32 s31, $0x4C00;
	s31 =	sadd.s32 $0x80, s1  }
0x5b: {  	[tilespmem:s26], [sflag:$0x1] =	stream.indirect.gather [hbm4b:s4+s23], $0x10, s31, s23, $0xb8;
	[tilespmem:$0x6400] =	vst v63  }
0x5c: {  	_ =	swait.ge [sflag:s28], $0x800  }
0x5d: {  	[sflag:s28] =	ssyncset.done $0x0  }
0x5e: {  	s31 =	sadd.s32 $0x1400, s1;
	[sflag:s28] =	ssyncadd.s32 $0xFFFFF800  }
0x5f: {  	[spmem:s2] =	stream.indirect.scatter.add.f32 [tilespmem:s24], [sflag:$0x2], $0x10, s31, s23, $0xb8;
	[tilespmem:$0x6400] =	vst v63  }
0x60: {  	_ =	swait.ge [sflag:s21], $0x800  }
0x61: {  	[sflag:s21] =	ssyncset.done $0x0  }
0x62: {  	[sflag:s21] =	ssyncadd.s32 $0xFFFFF800  }
0x63: {  	_ =	swait.ge [sflag:s28], $0x800  }
.Ltmp0:
0x64: {  	[sflag:s28] =	ssyncset.done $0x0;
	(pc) =	sbr.rel @p0 .LBB2_2-.Ltmp0, $4  }
0x65: {  	s1 =	sadd.s32 $0x1480, s1;
	[sflag:s28] =	ssyncadd.s32 $0xFFFFF800  }
0x66: {  	[spmem:s2] =	stream.indirect.scatter.add.f32 [tilespmem:s26], [sflag:$0x2], $0x10, s1, s23, $0xb8;
	[tilespmem:$0x6400] =	vst v63  }
0x67: {  	_ =	swait.ge [sflag:s21], $0x800  }
0x68: {  	s31 =	smov.u32 s0;
	[sflag:s21] =	ssyncset.done $0x0  }
0x69: {  	s0 =	sshra.s32 s30, $0x2;
	[sflag:s21] =	ssyncadd.s32 $0xFFFFF800  }
0x6a: {  	[tilespmem:s24], [sflag:$0x1] =	stream.indirect.gather [hbm4b:s4+s23], $0x10, s0, s23, $0xb8;
	[tilespmem:$0x6400] =	vst v63  }
0x6b: {  	s1 =	sadd.s32 $0x80, s0  }
0x6c: {  	[tilespmem:s26], [sflag:$0x1] =	stream.indirect.gather [hbm4b:s4+s23], $0x10, s1, s23, $0xb8;
	[tilespmem:$0x6400] =	vst v63  }
0x6d: {  	_ =	swait.ge [sflag:s28], $0x800  }
0x6e: {  	[sflag:s28] =	ssyncset.done $0x0  }
0x6f: {  	s30 =	sadd.s32 $0x1400, s0;
	[sflag:s28] =	ssyncadd.s32 $0xFFFFF800  }
0x70: {  	[spmem:s2] =	stream.indirect.scatter.add.f32 [tilespmem:s24], [sflag:$0x2], $0x10, s30, s23, $0xb8;
	[tilespmem:$0x6400] =	vst v63  }
0x71: {  	_ =	swait.ge [sflag:s21], $0x800  }
0x72: {  	[sflag:s21] =	ssyncset.done $0x0  }
0x73: {  	[sflag:s21] =	ssyncadd.s32 $0xFFFFF800  }
0x74: {  	_ =	swait.ge [sflag:s28], $0x800  }
0x75: {  	[sflag:s28] =	ssyncset.done $0x0  }
0x76: {  	s0 =	sadd.s32 $0x1480, s0;
	[sflag:s28] =	ssyncadd.s32 $0xFFFFF800  }
0x77: {  	[spmem:s2] =	stream.indirect.scatter.add.f32 [tilespmem:s26], [sflag:$0x2], $0x10, s0, s23, $0xb8;
	[tilespmem:$0x6400] =	vst v63  }
0x78: {  	_ =	swait.ge [sflag:s21], $0x800  }
0x79: {  	s31 =	stileid.u32;
	s29 =	sadd.s32 $0x1, s29;
	[sflag:s21] =	ssyncset.done $0x0  }
0x7a: {  	p0 =	sne.s32 s29, s10;
	s0 =	sshll.u32 s31, $0x6;
	[sflag:s21] =	ssyncadd.s32 $0xFFFFF800  }
.Ltmp1:
0x7b: {  	s0 =	sor.u32 $0x1C02, s0;
	[bflag:$0x0] =	sbarrier.arrive $0xFFFF;
	(pc) =	sbr.rel @p0 .LBB2_1-.Ltmp1, $4  }
0x7c: {  	[hbm:s9], [sflag:s0] =	dma.local [spmem:s25], $0x500  }
0x7d: {  	_ =	swait.ge [sflag:s21], $0x500  }
0x7e: {  	[sflag:s21] =	ssyncset.done $0x0  }
0x7f: {  	[sflag:s21] =	ssyncadd.s32 $0xFFFFFB00  }
0x80: {  	_ =	sfence.sel $0x180000  }
0x81: {  	[bflag:$0x0] =	sbarrier.arrive $0xFFFF  }
0x82: {  	_ =	strace $0x90000050  }
0x83: {  	s0 =	stileid.u32;
	[bflag:$0x2] =	sbarrier.arrive $0xFFFF  }
0x84: {  	p0 =	sne.s32 s0, $0x0;
	s0 =	rddreg [dreg:$0x2]  }
0x85: {  	s0 =	sadd.s32 @!p0 $0x100000, s0  }
0x86: {  	[sflag:s0] =	ssyncadd.tile.s32 @!p0 $0x1;
	_ =	shalt  }
.Lfunc_end2:
_tile_overlayer_lowered:
.L_overlay_start_2:
0x87: {  	(tag) =	ssettag $0x2  }
0x88: {  	s0 =	rddreg [dreg:$0x0];
	s2 =	stileid.u32  }
0x89: {  	s1 =	rddreg [dreg:$0x1];
	p0 =	sne.s32 s2, $0x0  }
0x8a: {  	s3 =	rddreg [dreg:$0x2];
	[bflag:$0x3] =	sbarrier.arrive $0xFFFF;
	s2 =	simm.s32 @!p0 $0x1C02  }
0x8b: {  	[timem:s3], [sflag:s2] =	dma.local @!p0 [hbm:s0], s1  }
0x8c: {  	s0 =	simm.s32 @!p0 $0x2  }
0x8d: {  	_ =	swait.ge @!p0 [sflag:s0], s1  }
0x8e: {  	s1 =	ssub.s32 @!p0 $0x0, s1;
	[sflag:s0] =	ssyncset.done @!p0 $0x0  }
0x8f: {  	[sflag:s0] =	ssyncadd.s32 @!p0 s1  }
0x90: {  	[bflag:$0x3] =	sbarrier.arrive $0xFFFF  }
0x91: {  	_ =	shalt  }

</sc_bundles>
